<compile_context>
chip_gen: v7x
topology: tpu7x:2x2x1
jax: 0.10.2.dev20260603
libtpu: 0.0.44.dev20260713+nightly
codegen_flags: <defaults>
</compile_context>

<pallas_src>
import functools

import jax
import jax.numpy as jnp
from jax import lax
from jax.experimental import pallas as pl
from jax.experimental.pallas import tpu as pltpu
from jax.experimental.pallas import tpu_sc as plsc

_NW = 32
_B = 128
_L = 16
_H = 128
_QMAX = 32000.0
_RB = 64

_SC_PARAMS = pltpu.CompilerParams(use_tc_tiling_on_sc=False)


def _tc_tables(nf, Wn1, bn1, Wn2, bn2, We1a, We1b, be1):
    n = nf.shape[0]
    d = nf.shape[1]
    bn = 512
    assert n % bn == 0

    def body(nf_ref, wn1_ref, bn1_ref, wn2_ref, bn2_ref, we1a_ref, we1b_ref,
             be1_ref, ns_ref, t1_ref, t2_ref, am_ref):
        i = pl.program_id(0)
        x = nf_ref[...]
        h = jnp.maximum(
            jnp.dot(x, wn1_ref[...], preferred_element_type=jnp.float32)
            + bn1_ref[...], 0.0)
        ns_ref[...] = (jnp.sum(h * wn2_ref[...], axis=1, keepdims=True)
                       + bn2_ref[...])
        t1 = (jnp.dot(x, we1a_ref[...], preferred_element_type=jnp.float32)
              + be1_ref[...])
        t2 = jnp.dot(x, we1b_ref[...], preferred_element_type=jnp.float32)
        t1_ref[...] = t1
        t2_ref[...] = t2
        bm = jnp.maximum(jnp.max(jnp.abs(t1)), jnp.max(jnp.abs(t2)))

        @pl.when(i == 0)
        def _():
            am_ref[...] = jnp.full((1, _H), 1e-30, jnp.float32)

        am_ref[...] = jnp.maximum(am_ref[...], bm)

    return pl.pallas_call(
        body,
        grid=(n // bn,),
        in_specs=[
            pl.BlockSpec((bn, d), lambda i: (i, 0)),
            pl.BlockSpec((d, _H), lambda i: (0, 0)),
            pl.BlockSpec((1, _H), lambda i: (0, 0)),
            pl.BlockSpec((1, _H), lambda i: (0, 0)),
            pl.BlockSpec((1, 1), lambda i: (0, 0)),
            pl.BlockSpec((d, _H), lambda i: (0, 0)),
            pl.BlockSpec((d, _H), lambda i: (0, 0)),
            pl.BlockSpec((1, _H), lambda i: (0, 0)),
        ],
        out_specs=[
            pl.BlockSpec((bn, 1), lambda i: (i, 0)),
            pl.BlockSpec((bn, _H), lambda i: (i, 0)),
            pl.BlockSpec((bn, _H), lambda i: (i, 0)),
            pl.BlockSpec((1, _H), lambda i: (0, 0)),
        ],
        out_shape=[
            jax.ShapeDtypeStruct((n, 1), jnp.float32),
            jax.ShapeDtypeStruct((n, _H), jnp.float32),
            jax.ShapeDtypeStruct((n, _H), jnp.float32),
            jax.ShapeDtypeStruct((1, _H), jnp.float32),
        ],
    )(nf, Wn1, bn1, Wn2, bn2, We1a, We1b, be1)


def _sc_pack(t1, t2, amax):
    n = t1.shape[0]
    rows_w = n // _NW
    assert rows_w % _RB == 0
    mesh = plsc.VectorSubcoreMesh(core_axis_name="c", subcore_axis_name="s")

    @functools.partial(
        pl.kernel,
        mesh=mesh,
        compiler_params=_SC_PARAMS,
        out_type=[
            jax.ShapeDtypeStruct((n, _H // 2), jnp.int32),
            jax.ShapeDtypeStruct((n, _H // 2), jnp.int32),
        ],
        scratch_types=[
            pltpu.VMEM((_RB, _H), jnp.float32),
            pltpu.VMEM((_RB, _H), jnp.float32),
            pltpu.VMEM((_RB, _H // 2), jnp.int32),
            pltpu.VMEM((_RB, _H // 2), jnp.int32),
            pltpu.VMEM((_H,), jnp.float32),
        ],
    )
    def k(t1_hbm, t2_hbm, am_hbm, p1_hbm, p2_hbm, t1v, t2v, p1v, p2v, amv):
        wid = lax.axis_index("s") * 2 + lax.axis_index("c")
        pltpu.sync_copy(am_hbm.at[0], amv)
        inv = _QMAX / amv[pl.ds(0, _L)]

        def chunk_body(c, carry):
            r0 = wid * rows_w + c * _RB
            pltpu.sync_copy(t1_hbm.at[pl.ds(r0, _RB)], t1v)
            pltpu.sync_copy(t2_hbm.at[pl.ds(r0, _RB)], t2v)

            @plsc.parallel_loop(0, _RB, 1, unroll=2)
            def row_body(r):
                for tv, pv in ((t1v, p1v), (t2v, p2v)):
                    for j in range(_H // (2 * _L)):
                        lo = tv[r, pl.ds(_L * j, _L)] * inv
                        hi = tv[r, pl.ds(_H // 2 + _L * j, _L)] * inv
                        qlo = (lo + jnp.where(lo >= 0, 0.5, -0.5)
                               ).astype(jnp.int32)
                        qhi = (hi + jnp.where(hi >= 0, 0.5, -0.5)
                               ).astype(jnp.int32)
                        pv[r, pl.ds(_L * j, _L)] = (
                            (qlo & 0xFFFF) | (qhi << 16))

            pltpu.sync_copy(p1v, p1_hbm.at[pl.ds(r0, _RB)])
            pltpu.sync_copy(p2v, p2_hbm.at[pl.ds(r0, _RB)])
            return carry

        lax.fori_loop(0, rows_w // _RB, chunk_body, 0)

    return k(t1, t2, amax)


def _sc_edge_partials(p1, p2, esrc, edst, w2, amax):
    epad = esrc.shape[0]
    nc = epad // (_NW * _B)
    assert nc % 2 == 0
    mesh = plsc.VectorSubcoreMesh(core_axis_name="c", subcore_axis_name="s")

    @functools.partial(
        pl.kernel,
        mesh=mesh,
        compiler_params=_SC_PARAMS,
        out_type=jax.ShapeDtypeStruct((epad * _L,), jnp.float32),
        scratch_types=[
            pltpu.VMEM((2, _B), jnp.int32),
            pltpu.VMEM((2, _B), jnp.int32),
            pltpu.VMEM((2, _B, _H // 2), jnp.int32),
            pltpu.VMEM((2, _B, _H // 2), jnp.int32),
            pltpu.VMEM((2, _B * _L), jnp.float32),
            pltpu.VMEM((_H,), jnp.float32),
            pltpu.VMEM((_H,), jnp.float32),
            pltpu.SemaphoreType.DMA,
            pltpu.SemaphoreType.DMA,
            pltpu.SemaphoreType.DMA,
            pltpu.SemaphoreType.DMA,
            pltpu.SemaphoreType.DMA,
            pltpu.SemaphoreType.DMA,
        ],
    )
    def k(p1_hbm, p2_hbm, esrc_hbm, edst_hbm, w2_hbm, am_hbm, out_hbm,
          sidx2, didx2, srows2, drows2, outv2, w2v, amv,
          sg0, sg1, si0, si1, so0, so1):
        sem_g, sem_i, sem_o = [sg0, sg1], [si0, si1], [so0, so1]
        wid = lax.axis_index("s") * 2 + lax.axis_index("c")
        pltpu.sync_copy(w2_hbm, w2v)
        pltpu.sync_copy(am_hbm.at[0], amv)
        step = amv[pl.ds(0, _L)] * (1.0 / _QMAX)
        w2c = [w2v[pl.ds(_L * j, _L)] * step for j in range(_H // _L)]
        nwc = _H // (2 * _L)

        def base_of(c):
            return (c * _NW + wid) * _B

        def issue_idx(c, b):
            base = base_of(c)
            pltpu.async_copy(esrc_hbm.at[pl.ds(base, _B)], sidx2.at[b],
                             sem_i[b])
            pltpu.async_copy(edst_hbm.at[pl.ds(base, _B)], didx2.at[b],
                             sem_i[b])

        def wait_idx(b):
            pltpu.make_async_copy(esrc_hbm.at[pl.ds(0, _B)], sidx2.at[b],
                                  sem_i[b]).wait()
            pltpu.make_async_copy(esrc_hbm.at[pl.ds(0, _B)], didx2.at[b],
                                  sem_i[b]).wait()

        def issue_gather(b):
            pltpu.async_copy(p1_hbm.at[sidx2.at[b]], srows2.at[b], sem_g[b])
            pltpu.async_copy(p2_hbm.at[didx2.at[b]], drows2.at[b], sem_g[b])

        def wait_gather(b):
            pltpu.make_async_copy(p1_hbm.at[sidx2.at[b]], srows2.at[b],
                                  sem_g[b]).wait()
            pltpu.make_async_copy(p2_hbm.at[didx2.at[b]], drows2.at[b],
                                  sem_g[b]).wait()

        def issue_out(c, b):
            pltpu.async_copy(outv2.at[b],
                             out_hbm.at[pl.ds(base_of(c) * _L, _B * _L)],
                             sem_o[b])

        def wait_out(b):
            pltpu.make_async_copy(outv2.at[b],
                                  out_hbm.at[pl.ds(0, _B * _L)],
                                  sem_o[b]).wait()

        def compute(b):
            srows, drows, outv = srows2.at[b], drows2.at[b], outv2.at[b]

            @plsc.parallel_loop(0, _B, 1, unroll=4)
            def edge_body(e):
                parts = []
                for j in range(nwc):
                    sl = pl.ds(_L * j, _L)
                    sw = srows[e, sl]
                    dw = drows[e, sl]
                    u_lo = ((sw << 16) >> 16) + ((dw << 16) >> 16)
                    u_hi = (sw >> 16) + (dw >> 16)
                    f_lo = jnp.maximum(u_lo, 0).astype(jnp.float32)
                    f_hi = jnp.maximum(u_hi, 0).astype(jnp.float32)
                    parts.append(f_lo * w2c[j])
                    parts.append(f_hi * w2c[j + nwc])
                while len(parts) > 1:
                    parts = [a + b_ for a, b_ in
                             zip(parts[::2], parts[1::2])]
                outv[pl.ds(e * _L, _L)] = parts[0]

        issue_idx(0, 0)
        wait_idx(0)
        issue_gather(0)
        issue_idx(1, 1)

        def pair_body(kk, carry):
            for b in (0, 1):
                c = 2 * kk + b
                wait_idx(b ^ 1)
                wait_gather(b)
                issue_gather(b ^ 1)
                issue_idx(jnp.minimum(c + 2, nc - 1), b)
                @pl.when(c >= 2)
                def _():
                    wait_out(b)
                compute(b)
                issue_out(c, b)
            return carry

        lax.fori_loop(0, nc // 2, pair_body, 0)
        wait_gather(0)
        wait_idx(1)
        wait_out(0)
        wait_out(1)

    return k(p1, p2, esrc, edst, w2, amax)


def _tc_finalize(partials, seg, b2):
    r = partials.shape[0]
    br = 512
    assert r % br == 0

    def body(p_ref, s_ref, b2_ref, o_ref):
        o_ref[...] = (jnp.dot(p_ref[...], s_ref[...],
                              preferred_element_type=jnp.float32)
                      + b2_ref[...])

    return pl.pallas_call(
        body,
        grid=(r // br,),
        in_specs=[
            pl.BlockSpec((br, 128), lambda i: (i, 0)),
            pl.BlockSpec((128, 8), lambda i: (0, 0)),
            pl.BlockSpec((1, 1), lambda i: (0, 0)),
        ],
        out_specs=pl.BlockSpec((br, 8), lambda i: (i, 0)),
        out_shape=jax.ShapeDtypeStruct((r, 8), jnp.float32),
    )(partials, seg, b2)


def kernel(node_feats, node_xy, node_adj_ids, edge_ids, Wn1, bn1, Wn2, bn2,
           We1, be1, We2, be2):
    n = node_feats.shape[0]
    d = node_feats.shape[1]
    e = edge_ids.shape[1]

    npad = -(-n // (_NW * _RB)) * (_NW * _RB)
    nf = jnp.pad(node_feats, ((0, npad - n), (0, 0)))

    node_scores, t1, t2, amax = _tc_tables(
        nf, Wn1, bn1.reshape(1, -1), Wn2.reshape(1, -1),
        bn2.reshape(1, 1), We1[:d], We1[d:], be1.reshape(1, -1))

    p1, p2 = _sc_pack(t1, t2, amax)

    epad = -(-e // (2 * _NW * _B)) * (2 * _NW * _B)
    esrc = jnp.pad(edge_ids[0], (0, epad - e))
    edst = jnp.pad(edge_ids[1], (0, epad - e))

    partials = _sc_edge_partials(p1, p2, esrc, edst, We2.reshape(-1), amax)
    seg = (jnp.arange(128)[:, None] // _L
           == jnp.arange(8)[None, :]).astype(jnp.float32)
    sums = _tc_finalize(partials.reshape(epad * _L // 128, 128), seg,
                        be2.reshape(1, 1))
    edge_scores = sums.reshape(epad, 1)[:e]
    return (node_scores[:n], edge_scores)

# --- scband reference (transcript-rebuilt; emitter-appended) ---
"""Pipeline reference for scband-graph-to-graph-16922171146849 (READ-ONLY COPY).

The authoritative reference and input builder live on the scoring server;
editing this copy changes nothing except your own understanding.
"""

import jax, jax.numpy as jnp
import numpy as np

N = 10000
D = 128
E = 320000
DEG = 32
H = 128


def setup_inputs(seed: int = 0) -> dict:
    key = jax.random.key(seed)
    ks = jax.random.split(key, 12)
    node_feats = jax.random.normal(ks[0], (N, D), dtype=jnp.float32)
    node_xy = jax.random.uniform(ks[1], (N, 2), dtype=jnp.float32)
    node_adj_ids = jax.random.randint(ks[2], (N, DEG), 0, N, dtype=jnp.int32)
    edge_ids = jax.random.randint(ks[3], (2, E), 0, N, dtype=jnp.int32)
    # node_score MLP params: D -> H -> 1
    Wn1 = jax.random.normal(ks[4], (D, H), dtype=jnp.float32) * 0.05
    bn1 = jnp.zeros((H,), dtype=jnp.float32)
    Wn2 = jax.random.normal(ks[5], (H, 1), dtype=jnp.float32) * 0.05
    bn2 = jnp.zeros((1,), dtype=jnp.float32)
    # edge_score MLP params: 2*D -> H -> 1 (concat of src/dst node feats)
    We1 = jax.random.normal(ks[6], (2 * D, H), dtype=jnp.float32) * 0.05
    be1 = jnp.zeros((H,), dtype=jnp.float32)
    We2 = jax.random.normal(ks[7], (H, 1), dtype=jnp.float32) * 0.05
    be2 = jnp.zeros((1,), dtype=jnp.float32)
    return {
        "node_feats": node_feats,
        "node_xy": node_xy,
        "node_adj_ids": node_adj_ids,
        "edge_ids": edge_ids,
        "Wn1": Wn1, "bn1": bn1, "Wn2": Wn2, "bn2": bn2,
        "We1": We1, "be1": be1, "We2": We2, "be2": be2,
    }


def reference(node_feats, node_xy, node_adj_ids, edge_ids, Wn1, bn1, Wn2, bn2, We1, be1, We2, be2):
    # node_score: per-node MLP -> [num_nodes, 1]
    h = jax.nn.relu(node_feats @ Wn1 + bn1)
    node_scores = h @ Wn2 + bn2
    # edge_score: gather endpoint features per directed edge, concat, MLP -> [num_edges, 1]
    src = jnp.take(node_feats, edge_ids[0], axis=0)
    dst = jnp.take(node_feats, edge_ids[1], axis=0)
    ef = jnp.concatenate([src, dst], axis=1)
    he = jax.nn.relu(ef @ We1 + be1)
    edge_scores = he @ We2 + be2
    # node_xy and node_adj_ids are carried through the signature but unused by the
    # score math (matches the torch forward where node_xy is unused and node_adj_ids
    # is an auxiliary kwarg).
    return (node_scores, edge_scores)

if __name__ == "__main__":
    import jax
    _d = setup_inputs()
    print(jax.jit(kernel)(*tuple(_d.values())))

</pallas_src>

<mosaic_0001>
#map = affine_map<(d0, d1) -> (0, 0)>
module attributes {stable_mosaic.version = 14 : i64} {
  func.func @k(%arg0: i32, %arg1: i32, %arg2: memref<10240x128xf32, #tpu.memory_space<hbm>>, %arg3: memref<10240x128xf32, #tpu.memory_space<hbm>>, %arg4: memref<1x128xf32, #tpu.memory_space<hbm>>, %arg5: memref<10240x64xi32, #tpu.memory_space<hbm>>, %arg6: memref<10240x64xi32, #tpu.memory_space<hbm>>, %arg7: memref<64x128xf32, #tpu.memory_space<vmem>>, %arg8: memref<64x128xf32, #tpu.memory_space<vmem>>, %arg9: memref<64x64xi32, #tpu.memory_space<vmem>>, %arg10: memref<64x64xi32, #tpu.memory_space<vmem>>, %arg11: memref<128xf32, #tpu.memory_space<vmem>>) attributes {dimension_semantics = [#tpu.dimension_semantics<core_parallel>, #tpu.dimension_semantics<subcore_parallel>], iteration_bounds = array<i64: 2, 16>, scalar_prefetch = 0 : i64, scratch_operands = 5 : i64, tpu.core_type = #tpu.core_type<sc_vector_subcore>, window_params = [{transform_indices = #map}, {transform_indices = #map}, {transform_indices = #map}, {transform_indices = #map}, {transform_indices = #map}]} {
    %mul3A = arith.constant 2 : i32
    %mul3A_0 = arith.muli %arg1, %mul3A : i32
    %add3A = arith.addi %mul3A_0, %arg0 : i32
    %run_scoped3A = arith.constant 0 : i32
    "tpu.region"() ({
      %run_scoped3A_10 = tpu.sem_alloc : memref<!tpu.dma_semaphore, #tpu.memory_space<semaphore_mem>>
      %dma_start3A = arith.constant 0 : i32
      %dma_start3A_11 = tpu.memref_slice %arg4[%run_scoped3A, %dma_start3A] : memref<1x128xf32, #tpu.memory_space<hbm>> -> memref<1x128xf32, #tpu.memory_space<hbm>>
      %dma_start3A_12 = tpu.memref_squeeze %dma_start3A_11 : memref<1x128xf32, #tpu.memory_space<hbm>> -> memref<128xf32, #tpu.memory_space<hbm>>
      %dma_start3A_13 = arith.constant 0 : i32
      %dma_start3A_14 = tpu.memref_slice %arg4[%run_scoped3A, %dma_start3A_13] : memref<1x128xf32, #tpu.memory_space<hbm>> -> memref<1x128xf32, #tpu.memory_space<hbm>>
      %dma_start3A_15 = tpu.memref_squeeze %dma_start3A_14 : memref<1x128xf32, #tpu.memory_space<hbm>> -> memref<128xf32, #tpu.memory_space<hbm>>
      tpu.enqueue_dma source(%dma_start3A_15 : memref<128xf32, #tpu.memory_space<hbm>>) target(%arg11 : memref<128xf32, #tpu.memory_space<vmem>>) target_semaphore(%run_scoped3A_10 : memref<!tpu.dma_semaphore, #tpu.memory_space<semaphore_mem>>)
      %dma_wait3A = arith.constant 0 : i32
      %dma_wait3A_16 = tpu.memref_slice %arg4[%run_scoped3A, %dma_wait3A] : memref<1x128xf32, #tpu.memory_space<hbm>> -> memref<1x128xf32, #tpu.memory_space<hbm>>
      %dma_wait3A_17 = tpu.memref_squeeze %dma_wait3A_16 : memref<1x128xf32, #tpu.memory_space<hbm>> -> memref<128xf32, #tpu.memory_space<hbm>>
      %dma_wait3A_18 = arith.constant 0 : i32
      %dma_wait3A_19 = tpu.memref_slice %arg4[%run_scoped3A, %dma_wait3A_18] : memref<1x128xf32, #tpu.memory_space<hbm>> -> memref<1x128xf32, #tpu.memory_space<hbm>>
      %dma_wait3A_20 = tpu.memref_squeeze %dma_wait3A_19 : memref<1x128xf32, #tpu.memory_space<hbm>> -> memref<128xf32, #tpu.memory_space<hbm>>
      tpu.wait_dma2 semaphore(%run_scoped3A_10 : memref<!tpu.dma_semaphore, #tpu.memory_space<semaphore_mem>>) src(%dma_wait3A_20 : memref<128xf32, #tpu.memory_space<hbm>>) dst(%arg11 : memref<128xf32, #tpu.memory_space<vmem>>)
      tpu.yield
    }) : () -> ()
    %get3A = arith.constant 0 : index
    %get3A_1 = tpu.vector_load %arg11[%get3A] {strides = array<i32>} : memref<128xf32, #tpu.memory_space<vmem>>, vector<16xf32>,
    %get3A_2 = vector.shape_cast %get3A_1 : vector<16xf32> to vector<16xf32>
    %div3A = arith.constant 3.200000e+04 : f32
    %div3A_3 = vector.broadcast %div3A : f32 to vector<16xf32>
    %div3A_4 = arith.divf %div3A_3, %get3A_2 : vector<16xf32>
    %scan3A = arith.constant 0 : i32
    %scan3A_5 = arith.constant 0 : i32
    %scan3A_6 = arith.constant 5 : i32
    %scan3A_7 = arith.addi %scan3A_5, %scan3A_6 : i32
    %scan3A_8 = arith.constant 1 : i32
    scf.for %scan3A_10 = %scan3A_5 to %scan3A_7 step %scan3A_8  : i32 {
      %mul3A_11 = arith.constant 320 : i32
      %mul3A_12 = arith.muli %add3A, %mul3A_11 : i32
      %mul3A_13 = arith.constant 64 : i32
      %mul3A_14 = arith.muli %scan3A_10, %mul3A_13 : i32
      %add3A_15 = arith.addi %mul3A_12, %mul3A_14 : i32
      "tpu.region"() ({
        %run_scoped3A_18 = tpu.sem_alloc : memref<!tpu.dma_semaphore, #tpu.memory_space<semaphore_mem>>
        %dma_start3A = arith.constant 0 : i32
        %dma_start3A_19 = tpu.memref_slice %arg2[%add3A_15, %dma_start3A] : memref<10240x128xf32, #tpu.memory_space<hbm>> -> memref<64x128xf32, #tpu.memory_space<hbm>>
        %dma_start3A_20 = arith.constant 0 : i32
        %dma_start3A_21 = tpu.memref_slice %arg2[%add3A_15, %dma_start3A_20] : memref<10240x128xf32, #tpu.memory_space<hbm>> -> memref<64x128xf32, #tpu.memory_space<hbm>>
        tpu.enqueue_dma source(%dma_start3A_21 : memref<64x128xf32, #tpu.memory_space<hbm>>) target(%arg7 : memref<64x128xf32, #tpu.memory_space<vmem>>) target_semaphore(%run_scoped3A_18 : memref<!tpu.dma_semaphore, #tpu.memory_space<semaphore_mem>>)
        %dma_wait3A = arith.constant 0 : i32
        %dma_wait3A_22 = tpu.memref_slice %arg2[%add3A_15, %dma_wait3A] : memref<10240x128xf32, #tpu.memory_space<hbm>> -> memref<64x128xf32, #tpu.memory_space<hbm>>
        %dma_wait3A_23 = arith.constant 0 : i32
        %dma_wait3A_24 = tpu.memref_slice %arg2[%add3A_15, %dma_wait3A_23] : memref<10240x128xf32, #tpu.memory_space<hbm>> -> memref<64x128xf32, #tpu.memory_space<hbm>>
        tpu.wait_dma2 semaphore(%run_scoped3A_18 : memref<!tpu.dma_semaphore, #tpu.memory_space<semaphore_mem>>) src(%dma_wait3A_24 : memref<64x128xf32, #tpu.memory_space<hbm>>) dst(%arg7 : memref<64x128xf32, #tpu.memory_space<vmem>>)
        tpu.yield
      }) : () -> ()
      "tpu.region"() ({
        %run_scoped3A_18 = tpu.sem_alloc : memref<!tpu.dma_semaphore, #tpu.memory_space<semaphore_mem>>
        %dma_start3A = arith.constant 0 : i32
        %dma_start3A_19 = tpu.memref_slice %arg3[%add3A_15, %dma_start3A] : memref<10240x128xf32, #tpu.memory_space<hbm>> -> memref<64x128xf32, #tpu.memory_space<hbm>>
        %dma_start3A_20 = arith.constant 0 : i32
        %dma_start3A_21 = tpu.memref_slice %arg3[%add3A_15, %dma_start3A_20] : memref<10240x128xf32, #tpu.memory_space<hbm>> -> memref<64x128xf32, #tpu.memory_space<hbm>>
        tpu.enqueue_dma source(%dma_start3A_21 : memref<64x128xf32, #tpu.memory_space<hbm>>) target(%arg8 : memref<64x128xf32, #tpu.memory_space<vmem>>) target_semaphore(%run_scoped3A_18 : memref<!tpu.dma_semaphore, #tpu.memory_space<semaphore_mem>>)
        %dma_wait3A = arith.constant 0 : i32
        %dma_wait3A_22 = tpu.memref_slice %arg3[%add3A_15, %dma_wait3A] : memref<10240x128xf32, #tpu.memory_space<hbm>> -> memref<64x128xf32, #tpu.memory_space<hbm>>
        %dma_wait3A_23 = arith.constant 0 : i32
        %dma_wait3A_24 = tpu.memref_slice %arg3[%add3A_15, %dma_wait3A_23] : memref<10240x128xf32, #tpu.memory_space<hbm>> -> memref<64x128xf32, #tpu.memory_space<hbm>>
        tpu.wait_dma2 semaphore(%run_scoped3A_18 : memref<!tpu.dma_semaphore, #tpu.memory_space<semaphore_mem>>) src(%dma_wait3A_24 : memref<64x128xf32, #tpu.memory_space<hbm>>) dst(%arg8 : memref<64x128xf32, #tpu.memory_space<vmem>>)
        tpu.yield
      }) : () -> ()
      %parallel_loop3A = arith.constant 0 : i32
      %parallel_loop3A_16 = arith.constant 64 : i32
      %parallel_loop3A_17 = arith.constant 1 : i32
      scf.for %parallel_loop3A_18 = %parallel_loop3A to %parallel_loop3A_16 step %parallel_loop3A_17  : i32 {
        %parallel_loop3A_19 = arith.index_cast %parallel_loop3A_18 : i32 to index
        %parallel_loop3A_20 = arith.constant 0 : index
        %parallel_loop3A_21 = tpu.vector_load %arg7[%parallel_loop3A_19, %parallel_loop3A_20] {strides = array<i32>} : memref<64x128xf32, #tpu.memory_space<vmem>>, vector<1x16xf32>,
        %parallel_loop3A_22 = vector.shape_cast %parallel_loop3A_21 : vector<1x16xf32> to vector<16xf32>
        %parallel_loop3A_23 = arith.mulf %parallel_loop3A_22, %div3A_4 : vector<16xf32>
        %parallel_loop3A_24 = arith.index_cast %parallel_loop3A_18 : i32 to index
        %parallel_loop3A_25 = arith.constant 64 : index
        %parallel_loop3A_26 = tpu.vector_load %arg7[%parallel_loop3A_24, %parallel_loop3A_25] {strides = array<i32>} : memref<64x128xf32, #tpu.memory_space<vmem>>, vector<1x16xf32>,
        %parallel_loop3A_27 = vector.shape_cast %parallel_loop3A_26 : vector<1x16xf32> to vector<16xf32>
        %parallel_loop3A_28 = arith.mulf %parallel_loop3A_27, %div3A_4 : vector<16xf32>
        %parallel_loop3A_29 = arith.constant 0.000000e+00 : f32
        %parallel_loop3A_30 = vector.broadcast %parallel_loop3A_29 : f32 to vector<16xf32>
        %parallel_loop3A_31 = arith.cmpf oge, %parallel_loop3A_23, %parallel_loop3A_30 : vector<16xf32>
        %parallel_loop3A_32 = arith.constant 5.000000e-01 : f32
        %parallel_loop3A_33 = arith.constant -5.000000e-01 : f32
        %parallel_loop3A_34 = vector.broadcast %parallel_loop3A_32 : f32 to vector<16xf32>
        %parallel_loop3A_35 = vector.broadcast %parallel_loop3A_33 : f32 to vector<16xf32>
        %parallel_loop3A_36 = arith.select %parallel_loop3A_31, %parallel_loop3A_34, %parallel_loop3A_35 : vector<16xi1>, vector<16xf32>
        %parallel_loop3A_37 = arith.addf %parallel_loop3A_23, %parallel_loop3A_36 : vector<16xf32>
        %parallel_loop3A_38 = arith.fptosi %parallel_loop3A_37 : vector<16xf32> to vector<16xi32>
        %parallel_loop3A_39 = arith.constant 0.000000e+00 : f32
        %parallel_loop3A_40 = vector.broadcast %parallel_loop3A_39 : f32 to vector<16xf32>
        %parallel_loop3A_41 = arith.cmpf oge, %parallel_loop3A_28, %parallel_loop3A_40 : vector<16xf32>
        %parallel_loop3A_42 = arith.constant 5.000000e-01 : f32
        %parallel_loop3A_43 = arith.constant -5.000000e-01 : f32
        %parallel_loop3A_44 = vector.broadcast %parallel_loop3A_42 : f32 to vector<16xf32>
        %parallel_loop3A_45 = vector.broadcast %parallel_loop3A_43 : f32 to vector<16xf32>
        %parallel_loop3A_46 = arith.select %parallel_loop3A_41, %parallel_loop3A_44, %parallel_loop3A_45 : vector<16xi1>, vector<16xf32>
        %parallel_loop3A_47 = arith.addf %parallel_loop3A_28, %parallel_loop3A_46 : vector<16xf32>
        %parallel_loop3A_48 = arith.fptosi %parallel_loop3A_47 : vector<16xf32> to vector<16xi32>
        %parallel_loop3A_49 = arith.constant 65535 : i32
        %parallel_loop3A_50 = vector.broadcast %parallel_loop3A_49 : i32 to vector<16xi32>
        %parallel_loop3A_51 = arith.andi %parallel_loop3A_38, %parallel_loop3A_50 : vector<16xi32>
        %parallel_loop3A_52 = arith.constant 16 : i32
        %parallel_loop3A_53 = vector.broadcast %parallel_loop3A_52 : i32 to vector<16xi32>
        %parallel_loop3A_54 = arith.shli %parallel_loop3A_48, %parallel_loop3A_53 : vector<16xi32>
        %parallel_loop3A_55 = arith.ori %parallel_loop3A_51, %parallel_loop3A_54 : vector<16xi32>
        %parallel_loop3A_56 = arith.index_cast %parallel_loop3A_18 : i32 to index
        %parallel_loop3A_57 = arith.constant 0 : index
        %parallel_loop3A_58 = tpu.vector_load %arg9[%parallel_loop3A_56, %parallel_loop3A_57] {strides = array<i32>} : memref<64x64xi32, #tpu.memory_space<vmem>>, vector<1x16xi32>,
        %parallel_loop3A_59 = vector.shape_cast %parallel_loop3A_58 : vector<1x16xi32> to vector<16xi32>
        %parallel_loop3A_60 = vector.shape_cast %parallel_loop3A_55 : vector<16xi32> to vector<1x16xi32>
        tpu.vector_store %arg9[%parallel_loop3A_56, %parallel_loop3A_57], %parallel_loop3A_60 {strides = array<i32>} : memref<64x64xi32, #tpu.memory_space<vmem>>, vector<1x16xi32>,
        %parallel_loop3A_61 = arith.index_cast %parallel_loop3A_18 : i32 to index
        %parallel_loop3A_62 = arith.constant 16 : index
        %parallel_loop3A_63 = tpu.vector_load %arg7[%parallel_loop3A_61, %parallel_loop3A_62] {strides = array<i32>} : memref<64x128xf32, #tpu.memory_space<vmem>>, vector<1x16xf32>,
        %parallel_loop3A_64 = vector.shape_cast %parallel_loop3A_63 : vector<1x16xf32> to vector<16xf32>
        %parallel_loop3A_65 = arith.mulf %parallel_loop3A_64, %div3A_4 : vector<16xf32>
        %parallel_loop3A_66 = arith.index_cast %parallel_loop3A_18 : i32 to index
        %parallel_loop3A_67 = arith.constant 80 : index
        %parallel_loop3A_68 = tpu.vector_load %arg7[%parallel_loop3A_66, %parallel_loop3A_67] {strides = array<i32>} : memref<64x128xf32, #tpu.memory_space<vmem>>, vector<1x16xf32>,
        %parallel_loop3A_69 = vector.shape_cast %parallel_loop3A_68 : vector<1x16xf32> to vector<16xf32>
        %parallel_loop3A_70 = arith.mulf %parallel_loop3A_69, %div3A_4 : vector<16xf32>
        %parallel_loop3A_71 = arith.constant 0.000000e+00 : f32
        %parallel_loop3A_72 = vector.broadcast %parallel_loop3A_71 : f32 to vector<16xf32>
        %parallel_loop3A_73 = arith.cmpf oge, %parallel_loop3A_65, %parallel_loop3A_72 : vector<16xf32>
        %parallel_loop3A_74 = arith.constant 5.000000e-01 : f32
        %parallel_loop3A_75 = arith.constant -5.000000e-01 : f32
        %parallel_loop3A_76 = vector.broadcast %parallel_loop3A_74 : f32 to vector<16xf32>
        %parallel_loop3A_77 = vector.broadcast %parallel_loop3A_75 : f32 to vector<16xf32>
        %parallel_loop3A_78 = arith.select %parallel_loop3A_73, %parallel_loop3A_76, %parallel_loop3A_77 : vector<16xi1>, vector<16xf32>
        %parallel_loop3A_79 = arith.addf %parallel_loop3A_65, %parallel_loop3A_78 : vector<16xf32>
        %parallel_loop3A_80 = arith.fptosi %parallel_loop3A_79 : vector<16xf32> to vector<16xi32>
        %parallel_loop3A_81 = arith.constant 0.000000e+00 : f32
        %parallel_loop3A_82 = vector.broadcast %parallel_loop3A_81 : f32 to vector<16xf32>
        %parallel_loop3A_83 = arith.cmpf oge, %parallel_loop3A_70, %parallel_loop3A_82 : vector<16xf32>
        %parallel_loop3A_84 = arith.constant 5.000000e-01 : f32
        %parallel_loop3A_85 = arith.constant -5.000000e-01 : f32
        %parallel_loop3A_86 = vector.broadcast %parallel_loop3A_84 : f32 to vector<16xf32>
        %parallel_loop3A_87 = vector.broadcast %parallel_loop3A_85 : f32 to vector<16xf32>
        %parallel_loop3A_88 = arith.select %parallel_loop3A_83, %parallel_loop3A_86, %parallel_loop3A_87 : vector<16xi1>, vector<16xf32>
        %parallel_loop3A_89 = arith.addf %parallel_loop3A_70, %parallel_loop3A_88 : vector<16xf32>
        %parallel_loop3A_90 = arith.fptosi %parallel_loop3A_89 : vector<16xf32> to vector<16xi32>
        %parallel_loop3A_91 = arith.constant 65535 : i32
        %parallel_loop3A_92 = vector.broadcast %parallel_loop3A_91 : i32 to vector<16xi32>
        %parallel_loop3A_93 = arith.andi %parallel_loop3A_80, %parallel_loop3A_92 : vector<16xi32>
        %parallel_loop3A_94 = arith.constant 16 : i32
        %parallel_loop3A_95 = vector.broadcast %parallel_loop3A_94 : i32 to vector<16xi32>
        %parallel_loop3A_96 = arith.shli %parallel_loop3A_90, %parallel_loop3A_95 : vector<16xi32>
        %parallel_loop3A_97 = arith.ori %parallel_loop3A_93, %parallel_loop3A_96 : vector<16xi32>
        %parallel_loop3A_98 = arith.index_cast %parallel_loop3A_18 : i32 to index
        %parallel_loop3A_99 = arith.constant 16 : index
        %parallel_loop3A_100 = tpu.vector_load %arg9[%parallel_loop3A_98, %parallel_loop3A_99] {strides = array<i32>} : memref<64x64xi32, #tpu.memory_space<vmem>>, vector<1x16xi32>,
        %parallel_loop3A_101 = vector.shape_cast %parallel_loop3A_100 : vector<1x16xi32> to vector<16xi32>
        %parallel_loop3A_102 = vector.shape_cast %parallel_loop3A_97 : vector<16xi32> to vector<1x16xi32>
        tpu.vector_store %arg9[%parallel_loop3A_98, %parallel_loop3A_99], %parallel_loop3A_102 {strides = array<i32>} : memref<64x64xi32, #tpu.memory_space<vmem>>, vector<1x16xi32>,
        %parallel_loop3A_103 = arith.index_cast %parallel_loop3A_18 : i32 to index
        %parallel_loop3A_104 = arith.constant 32 : index
        %parallel_loop3A_105 = tpu.vector_load %arg7[%parallel_loop3A_103, %parallel_loop3A_104] {strides = array<i32>} : memref<64x128xf32, #tpu.memory_space<vmem>>, vector<1x16xf32>,
        %parallel_loop3A_106 = vector.shape_cast %parallel_loop3A_105 : vector<1x16xf32> to vector<16xf32>
        %parallel_loop3A_107 = arith.mulf %parallel_loop3A_106, %div3A_4 : vector<16xf32>
        %parallel_loop3A_108 = arith.index_cast %parallel_loop3A_18 : i32 to index
        %parallel_loop3A_109 = arith.constant 96 : index
        %parallel_loop3A_110 = tpu.vector_load %arg7[%parallel_loop3A_108, %parallel_loop3A_109] {strides = array<i32>} : memref<64x128xf32, #tpu.memory_space<vmem>>, vector<1x16xf32>,
        %parallel_loop3A_111 = vector.shape_cast %parallel_loop3A_110 : vector<1x16xf32> to vector<16xf32>
        %parallel_loop3A_112 = arith.mulf %parallel_loop3A_111, %div3A_4 : vector<16xf32>
        %parallel_loop3A_113 = arith.constant 0.000000e+00 : f32
        %parallel_loop3A_114 = vector.broadcast %parallel_loop3A_113 : f32 to vector<16xf32>
        %parallel_loop3A_115 = arith.cmpf oge, %parallel_loop3A_107, %parallel_loop3A_114 : vector<16xf32>
        %parallel_loop3A_116 = arith.constant 5.000000e-01 : f32
        %parallel_loop3A_117 = arith.constant -5.000000e-01 : f32
        %parallel_loop3A_118 = vector.broadcast %parallel_loop3A_116 : f32 to vector<16xf32>
        %parallel_loop3A_119 = vector.broadcast %parallel_loop3A_117 : f32 to vector<16xf32>
        %parallel_loop3A_120 = arith.select %parallel_loop3A_115, %parallel_loop3A_118, %parallel_loop3A_119 : vector<16xi1>, vector<16xf32>
        %parallel_loop3A_121 = arith.addf %parallel_loop3A_107, %parallel_loop3A_120 : vector<16xf32>
        %parallel_loop3A_122 = arith.fptosi %parallel_loop3A_121 : vector<16xf32> to vector<16xi32>
        %parallel_loop3A_123 = arith.constant 0.000000e+00 : f32
        %parallel_loop3A_124 = vector.broadcast %parallel_loop3A_123 : f32 to vector<16xf32>
        %parallel_loop3A_125 = arith.cmpf oge, %parallel_loop3A_112, %parallel_loop3A_124 : vector<16xf32>
        %parallel_loop3A_126 = arith.constant 5.000000e-01 : f32
        %parallel_loop3A_127 = arith.constant -5.000000e-01 : f32
        %parallel_loop3A_128 = vector.broadcast %parallel_loop3A_126 : f32 to vector<16xf32>
        %parallel_loop3A_129 = vector.broadcast %parallel_loop3A_127 : f32 to vector<16xf32>
        %parallel_loop3A_130 = arith.select %parallel_loop3A_125, %parallel_loop3A_128, %parallel_loop3A_129 : vector<16xi1>, vector<16xf32>
        %parallel_loop3A_131 = arith.addf %parallel_loop3A_112, %parallel_loop3A_130 : vector<16xf32>
        %parallel_loop3A_132 = arith.fptosi %parallel_loop3A_131 : vector<16xf32> to vector<16xi32>
        %parallel_loop3A_133 = arith.constant 65535 : i32
        %parallel_loop3A_134 = vector.broadcast %parallel_loop3A_133 : i32 to vector<16xi32>
        %parallel_loop3A_135 = arith.andi %parallel_loop3A_122, %parallel_loop3A_134 : vector<16xi32>
        %parallel_loop3A_136 = arith.constant 16 : i32
        %parallel_loop3A_137 = vector.broadcast %parallel_loop3A_136 : i32 to vector<16xi32>
        %parallel_loop3A_138 = arith.shli %parallel_loop3A_132, %parallel_loop3A_137 : vector<16xi32>
        %parallel_loop3A_139 = arith.ori %parallel_loop3A_135, %parallel_loop3A_138 : vector<16xi32>
        %parallel_loop3A_140 = arith.index_cast %parallel_loop3A_18 : i32 to index
        %parallel_loop3A_141 = arith.constant 32 : index
        %parallel_loop3A_142 = tpu.vector_load %arg9[%parallel_loop3A_140, %parallel_loop3A_141] {strides = array<i32>} : memref<64x64xi32, #tpu.memory_space<vmem>>, vector<1x16xi32>,
        %parallel_loop3A_143 = vector.shape_cast %parallel_loop3A_142 : vector<1x16xi32> to vector<16xi32>
        %parallel_loop3A_144 = vector.shape_cast %parallel_loop3A_139 : vector<16xi32> to vector<1x16xi32>
        tpu.vector_store %arg9[%parallel_loop3A_140, %parallel_loop3A_141], %parallel_loop3A_144 {strides = array<i32>} : memref<64x64xi32, #tpu.memory_space<vmem>>, vector<1x16xi32>,
        %parallel_loop3A_145 = arith.index_cast %parallel_loop3A_18 : i32 to index
        %parallel_loop3A_146 = arith.constant 48 : index
        %parallel_loop3A_147 = tpu.vector_load %arg7[%parallel_loop3A_145, %parallel_loop3A_146] {strides = array<i32>} : memref<64x128xf32, #tpu.memory_space<vmem>>, vector<1x16xf32>,
        %parallel_loop3A_148 = vector.shape_cast %parallel_loop3A_147 : vector<1x16xf32> to vector<16xf32>
        %parallel_loop3A_149 = arith.mulf %parallel_loop3A_148, %div3A_4 : vector<16xf32>
        %parallel_loop3A_150 = arith.index_cast %parallel_loop3A_18 : i32 to index
        %parallel_loop3A_151 = arith.constant 112 : index
        %parallel_loop3A_152 = tpu.vector_load %arg7[%parallel_loop3A_150, %parallel_loop3A_151] {strides = array<i32>} : memref<64x128xf32, #tpu.memory_space<vmem>>, vector<1x16xf32>,
        %parallel_loop3A_153 = vector.shape_cast %parallel_loop3A_152 : vector<1x16xf32> to vector<16xf32>
        %parallel_loop3A_154 = arith.mulf %parallel_loop3A_153, %div3A_4 : vector<16xf32>
        %parallel_loop3A_155 = arith.constant 0.000000e+00 : f32
        %parallel_loop3A_156 = vector.broadcast %parallel_loop3A_155 : f32 to vector<16xf32>
        %parallel_loop3A_157 = arith.cmpf oge, %parallel_loop3A_149, %parallel_loop3A_156 : vector<16xf32>
        %parallel_loop3A_158 = arith.constant 5.000000e-01 : f32
        %parallel_loop3A_159 = arith.constant -5.000000e-01 : f32
        %parallel_loop3A_160 = vector.broadcast %parallel_loop3A_158 : f32 to vector<16xf32>
        %parallel_loop3A_161 = vector.broadcast %parallel_loop3A_159 : f32 to vector<16xf32>
        %parallel_loop3A_162 = arith.select %parallel_loop3A_157, %parallel_loop3A_160, %parallel_loop3A_161 : vector<16xi1>, vector<16xf32>
        %parallel_loop3A_163 = arith.addf %parallel_loop3A_149, %parallel_loop3A_162 : vector<16xf32>
        %parallel_loop3A_164 = arith.fptosi %parallel_loop3A_163 : vector<16xf32> to vector<16xi32>
        %parallel_loop3A_165 = arith.constant 0.000000e+00 : f32
        %parallel_loop3A_166 = vector.broadcast %parallel_loop3A_165 : f32 to vector<16xf32>
        %parallel_loop3A_167 = arith.cmpf oge, %parallel_loop3A_154, %parallel_loop3A_166 : vector<16xf32>
        %parallel_loop3A_168 = arith.constant 5.000000e-01 : f32
        %parallel_loop3A_169 = arith.constant -5.000000e-01 : f32
        %parallel_loop3A_170 = vector.broadcast %parallel_loop3A_168 : f32 to vector<16xf32>
        %parallel_loop3A_171 = vector.broadcast %parallel_loop3A_169 : f32 to vector<16xf32>
        %parallel_loop3A_172 = arith.select %parallel_loop3A_167, %parallel_loop3A_170, %parallel_loop3A_171 : vector<16xi1>, vector<16xf32>
        %parallel_loop3A_173 = arith.addf %parallel_loop3A_154, %parallel_loop3A_172 : vector<16xf32>
        %parallel_loop3A_174 = arith.fptosi %parallel_loop3A_173 : vector<16xf32> to vector<16xi32>
        %parallel_loop3A_175 = arith.constant 65535 : i32
        %parallel_loop3A_176 = vector.broadcast %parallel_loop3A_175 : i32 to vector<16xi32>
        %parallel_loop3A_177 = arith.andi %parallel_loop3A_164, %parallel_loop3A_176 : vector<16xi32>
        %parallel_loop3A_178 = arith.constant 16 : i32
        %parallel_loop3A_179 = vector.broadcast %parallel_loop3A_178 : i32 to vector<16xi32>
        %parallel_loop3A_180 = arith.shli %parallel_loop3A_174, %parallel_loop3A_179 : vector<16xi32>
        %parallel_loop3A_181 = arith.ori %parallel_loop3A_177, %parallel_loop3A_180 : vector<16xi32>
        %parallel_loop3A_182 = arith.index_cast %parallel_loop3A_18 : i32 to index
        %parallel_loop3A_183 = arith.constant 48 : index
        %parallel_loop3A_184 = tpu.vector_load %arg9[%parallel_loop3A_182, %parallel_loop3A_183] {strides = array<i32>} : memref<64x64xi32, #tpu.memory_space<vmem>>, vector<1x16xi32>,
        %parallel_loop3A_185 = vector.shape_cast %parallel_loop3A_184 : vector<1x16xi32> to vector<16xi32>
        %parallel_loop3A_186 = vector.shape_cast %parallel_loop3A_181 : vector<16xi32> to vector<1x16xi32>
        tpu.vector_store %arg9[%parallel_loop3A_182, %parallel_loop3A_183], %parallel_loop3A_186 {strides = array<i32>} : memref<64x64xi32, #tpu.memory_space<vmem>>, vector<1x16xi32>,
        %parallel_loop3A_187 = arith.index_cast %parallel_loop3A_18 : i32 to index
        %parallel_loop3A_188 = arith.constant 0 : index
        %parallel_loop3A_189 = tpu.vector_load %arg8[%parallel_loop3A_187, %parallel_loop3A_188] {strides = array<i32>} : memref<64x128xf32, #tpu.memory_space<vmem>>, vector<1x16xf32>,
        %parallel_loop3A_190 = vector.shape_cast %parallel_loop3A_189 : vector<1x16xf32> to vector<16xf32>
        %parallel_loop3A_191 = arith.mulf %parallel_loop3A_190, %div3A_4 : vector<16xf32>
        %parallel_loop3A_192 = arith.index_cast %parallel_loop3A_18 : i32 to index
        %parallel_loop3A_193 = arith.constant 64 : index
        %parallel_loop3A_194 = tpu.vector_load %arg8[%parallel_loop3A_192, %parallel_loop3A_193] {strides = array<i32>} : memref<64x128xf32, #tpu.memory_space<vmem>>, vector<1x16xf32>,
        %parallel_loop3A_195 = vector.shape_cast %parallel_loop3A_194 : vector<1x16xf32> to vector<16xf32>
        %parallel_loop3A_196 = arith.mulf %parallel_loop3A_195, %div3A_4 : vector<16xf32>
        %parallel_loop3A_197 = arith.constant 0.000000e+00 : f32
        %parallel_loop3A_198 = vector.broadcast %parallel_loop3A_197 : f32 to vector<16xf32>
        %parallel_loop3A_199 = arith.cmpf oge, %parallel_loop3A_191, %parallel_loop3A_198 : vector<16xf32>
        %parallel_loop3A_200 = arith.constant 5.000000e-01 : f32
        %parallel_loop3A_201 = arith.constant -5.000000e-01 : f32
        %parallel_loop3A_202 = vector.broadcast %parallel_loop3A_200 : f32 to vector<16xf32>
        %parallel_loop3A_203 = vector.broadcast %parallel_loop3A_201 : f32 to vector<16xf32>
        %parallel_loop3A_204 = arith.select %parallel_loop3A_199, %parallel_loop3A_202, %parallel_loop3A_203 : vector<16xi1>, vector<16xf32>
        %parallel_loop3A_205 = arith.addf %parallel_loop3A_191, %parallel_loop3A_204 : vector<16xf32>
        %parallel_loop3A_206 = arith.fptosi %parallel_loop3A_205 : vector<16xf32> to vector<16xi32>
        %parallel_loop3A_207 = arith.constant 0.000000e+00 : f32
        %parallel_loop3A_208 = vector.broadcast %parallel_loop3A_207 : f32 to vector<16xf32>
        %parallel_loop3A_209 = arith.cmpf oge, %parallel_loop3A_196, %parallel_loop3A_208 : vector<16xf32>
        %parallel_loop3A_210 = arith.constant 5.000000e-01 : f32
        %parallel_loop3A_211 = arith.constant -5.000000e-01 : f32
        %parallel_loop3A_212 = vector.broadcast %parallel_loop3A_210 : f32 to vector<16xf32>
        %parallel_loop3A_213 = vector.broadcast %parallel_loop3A_211 : f32 to vector<16xf32>
        %parallel_loop3A_214 = arith.select %parallel_loop3A_209, %parallel_loop3A_212, %parallel_loop3A_213 : vector<16xi1>, vector<16xf32>
        %parallel_loop3A_215 = arith.addf %parallel_loop3A_196, %parallel_loop3A_214 : vector<16xf32>
        %parallel_loop3A_216 = arith.fptosi %parallel_loop3A_215 : vector<16xf32> to vector<16xi32>
        %parallel_loop3A_217 = arith.constant 65535 : i32
        %parallel_loop3A_218 = vector.broadcast %parallel_loop3A_217 : i32 to vector<16xi32>
        %parallel_loop3A_219 = arith.andi %parallel_loop3A_206, %parallel_loop3A_218 : vector<16xi32>
        %parallel_loop3A_220 = arith.constant 16 : i32
        %parallel_loop3A_221 = vector.broadcast %parallel_loop3A_220 : i32 to vector<16xi32>
        %parallel_loop3A_222 = arith.shli %parallel_loop3A_216, %parallel_loop3A_221 : vector<16xi32>
        %parallel_loop3A_223 = arith.ori %parallel_loop3A_219, %parallel_loop3A_222 : vector<16xi32>
        %parallel_loop3A_224 = arith.index_cast %parallel_loop3A_18 : i32 to index
        %parallel_loop3A_225 = arith.constant 0 : index
        %parallel_loop3A_226 = tpu.vector_load %arg10[%parallel_loop3A_224, %parallel_loop3A_225] {strides = array<i32>} : memref<64x64xi32, #tpu.memory_space<vmem>>, vector<1x16xi32>,
        %parallel_loop3A_227 = vector.shape_cast %parallel_loop3A_226 : vector<1x16xi32> to vector<16xi32>
        %parallel_loop3A_228 = vector.shape_cast %parallel_loop3A_223 : vector<16xi32> to vector<1x16xi32>
        tpu.vector_store %arg10[%parallel_loop3A_224, %parallel_loop3A_225], %parallel_loop3A_228 {strides = array<i32>} : memref<64x64xi32, #tpu.memory_space<vmem>>, vector<1x16xi32>,
        %parallel_loop3A_229 = arith.index_cast %parallel_loop3A_18 : i32 to index
        %parallel_loop3A_230 = arith.constant 16 : index
        %parallel_loop3A_231 = tpu.vector_load %arg8[%parallel_loop3A_229, %parallel_loop3A_230] {strides = array<i32>} : memref<64x128xf32, #tpu.memory_space<vmem>>, vector<1x16xf32>,
        %parallel_loop3A_232 = vector.shape_cast %parallel_loop3A_231 : vector<1x16xf32> to vector<16xf32>
        %parallel_loop3A_233 = arith.mulf %parallel_loop3A_232, %div3A_4 : vector<16xf32>
        %parallel_loop3A_234 = arith.index_cast %parallel_loop3A_18 : i32 to index
        %parallel_loop3A_235 = arith.constant 80 : index
        %parallel_loop3A_236 = tpu.vector_load %arg8[%parallel_loop3A_234, %parallel_loop3A_235] {strides = array<i32>} : memref<64x128xf32, #tpu.memory_space<vmem>>, vector<1x16xf32>,
        %parallel_loop3A_237 = vector.shape_cast %parallel_loop3A_236 : vector<1x16xf32> to vector<16xf32>
        %parallel_loop3A_238 = arith.mulf %parallel_loop3A_237, %div3A_4 : vector<16xf32>
        %parallel_loop3A_239 = arith.constant 0.000000e+00 : f32
        %parallel_loop3A_240 = vector.broadcast %parallel_loop3A_239 : f32 to vector<16xf32>
        %parallel_loop3A_241 = arith.cmpf oge, %parallel_loop3A_233, %parallel_loop3A_240 : vector<16xf32>
        %parallel_loop3A_242 = arith.constant 5.000000e-01 : f32
        %parallel_loop3A_243 = arith.constant -5.000000e-01 : f32
        %parallel_loop3A_244 = vector.broadcast %parallel_loop3A_242 : f32 to vector<16xf32>
        %parallel_loop3A_245 = vector.broadcast %parallel_loop3A_243 : f32 to vector<16xf32>
        %parallel_loop3A_246 = arith.select %parallel_loop3A_241, %parallel_loop3A_244, %parallel_loop3A_245 : vector<16xi1>, vector<16xf32>
        %parallel_loop3A_247 = arith.addf %parallel_loop3A_233, %parallel_loop3A_246 : vector<16xf32>
        %parallel_loop3A_248 = arith.fptosi %parallel_loop3A_247 : vector<16xf32> to vector<16xi32>
        %parallel_loop3A_249 = arith.constant 0.000000e+00 : f32
        %parallel_loop3A_250 = vector.broadcast %parallel_loop3A_249 : f32 to vector<16xf32>
        %parallel_loop3A_251 = arith.cmpf oge, %parallel_loop3A_238, %parallel_loop3A_250 : vector<16xf32>
        %parallel_loop3A_252 = arith.constant 5.000000e-01 : f32
        %parallel_loop3A_253 = arith.constant -5.000000e-01 : f32
        %parallel_loop3A_254 = vector.broadcast %parallel_loop3A_252 : f32 to vector<16xf32>
        %parallel_loop3A_255 = vector.broadcast %parallel_loop3A_253 : f32 to vector<16xf32>
        %parallel_loop3A_256 = arith.select %parallel_loop3A_251, %parallel_loop3A_254, %parallel_loop3A_255 : vector<16xi1>, vector<16xf32>
        %parallel_loop3A_257 = arith.addf %parallel_loop3A_238, %parallel_loop3A_256 : vector<16xf32>
        %parallel_loop3A_258 = arith.fptosi %parallel_loop3A_257 : vector<16xf32> to vector<16xi32>
        %parallel_loop3A_259 = arith.constant 65535 : i32
        %parallel_loop3A_260 = vector.broadcast %parallel_loop3A_259 : i32 to vector<16xi32>
        %parallel_loop3A_261 = arith.andi %parallel_loop3A_248, %parallel_loop3A_260 : vector<16xi32>
        %parallel_loop3A_262 = arith.constant 16 : i32
        %parallel_loop3A_263 = vector.broadcast %parallel_loop3A_262 : i32 to vector<16xi32>
        %parallel_loop3A_264 = arith.shli %parallel_loop3A_258, %parallel_loop3A_263 : vector<16xi32>
        %parallel_loop3A_265 = arith.ori %parallel_loop3A_261, %parallel_loop3A_264 : vector<16xi32>
        %parallel_loop3A_266 = arith.index_cast %parallel_loop3A_18 : i32 to index
        %parallel_loop3A_267 = arith.constant 16 : index
        %parallel_loop3A_268 = tpu.vector_load %arg10[%parallel_loop3A_266, %parallel_loop3A_267] {strides = array<i32>} : memref<64x64xi32, #tpu.memory_space<vmem>>, vector<1x16xi32>,
        %parallel_loop3A_269 = vector.shape_cast %parallel_loop3A_268 : vector<1x16xi32> to vector<16xi32>
        %parallel_loop3A_270 = vector.shape_cast %parallel_loop3A_265 : vector<16xi32> to vector<1x16xi32>
        tpu.vector_store %arg10[%parallel_loop3A_266, %parallel_loop3A_267], %parallel_loop3A_270 {strides = array<i32>} : memref<64x64xi32, #tpu.memory_space<vmem>>, vector<1x16xi32>,
        %parallel_loop3A_271 = arith.index_cast %parallel_loop3A_18 : i32 to index
        %parallel_loop3A_272 = arith.constant 32 : index
        %parallel_loop3A_273 = tpu.vector_load %arg8[%parallel_loop3A_271, %parallel_loop3A_272] {strides = array<i32>} : memref<64x128xf32, #tpu.memory_space<vmem>>, vector<1x16xf32>,
        %parallel_loop3A_274 = vector.shape_cast %parallel_loop3A_273 : vector<1x16xf32> to vector<16xf32>
        %parallel_loop3A_275 = arith.mulf %parallel_loop3A_274, %div3A_4 : vector<16xf32>
        %parallel_loop3A_276 = arith.index_cast %parallel_loop3A_18 : i32 to index
        %parallel_loop3A_277 = arith.constant 96 : index
        %parallel_loop3A_278 = tpu.vector_load %arg8[%parallel_loop3A_276, %parallel_loop3A_277] {strides = array<i32>} : memref<64x128xf32, #tpu.memory_space<vmem>>, vector<1x16xf32>,
        %parallel_loop3A_279 = vector.shape_cast %parallel_loop3A_278 : vector<1x16xf32> to vector<16xf32>
        %parallel_loop3A_280 = arith.mulf %parallel_loop3A_279, %div3A_4 : vector<16xf32>
        %parallel_loop3A_281 = arith.constant 0.000000e+00 : f32
        %parallel_loop3A_282 = vector.broadcast %parallel_loop3A_281 : f32 to vector<16xf32>
        %parallel_loop3A_283 = arith.cmpf oge, %parallel_loop3A_275, %parallel_loop3A_282 : vector<16xf32>
        %parallel_loop3A_284 = arith.constant 5.000000e-01 : f32
        %parallel_loop3A_285 = arith.constant -5.000000e-01 : f32
        %parallel_loop3A_286 = vector.broadcast %parallel_loop3A_284 : f32 to vector<16xf32>
        %parallel_loop3A_287 = vector.broadcast %parallel_loop3A_285 : f32 to vector<16xf32>
        %parallel_loop3A_288 = arith.select %parallel_loop3A_283, %parallel_loop3A_286, %parallel_loop3A_287 : vector<16xi1>, vector<16xf32>
        %parallel_loop3A_289 = arith.addf %parallel_loop3A_275, %parallel_loop3A_288 : vector<16xf32>
        %parallel_loop3A_290 = arith.fptosi %parallel_loop3A_289 : vector<16xf32> to vector<16xi32>
        %parallel_loop3A_291 = arith.constant 0.000000e+00 : f32
        %parallel_loop3A_292 = vector.broadcast %parallel_loop3A_291 : f32 to vector<16xf32>
        %parallel_loop3A_293 = arith.cmpf oge, %parallel_loop3A_280, %parallel_loop3A_292 : vector<16xf32>
        %parallel_loop3A_294 = arith.constant 5.000000e-01 : f32
        %parallel_loop3A_295 = arith.constant -5.000000e-01 : f32
        %parallel_loop3A_296 = vector.broadcast %parallel_loop3A_294 : f32 to vector<16xf32>
        %parallel_loop3A_297 = vector.broadcast %parallel_loop3A_295 : f32 to vector<16xf32>
        %parallel_loop3A_298 = arith.select %parallel_loop3A_293, %parallel_loop3A_296, %parallel_loop3A_297 : vector<16xi1>, vector<16xf32>
        %parallel_loop3A_299 = arith.addf %parallel_loop3A_280, %parallel_loop3A_298 : vector<16xf32>
        %parallel_loop3A_300 = arith.fptosi %parallel_loop3A_299 : vector<16xf32> to vector<16xi32>
        %parallel_loop3A_301 = arith.constant 65535 : i32
        %parallel_loop3A_302 = vector.broadcast %parallel_loop3A_301 : i32 to vector<16xi32>
        %parallel_loop3A_303 = arith.andi %parallel_loop3A_290, %parallel_loop3A_302 : vector<16xi32>
        %parallel_loop3A_304 = arith.constant 16 : i32
        %parallel_loop3A_305 = vector.broadcast %parallel_loop3A_304 : i32 to vector<16xi32>
        %parallel_loop3A_306 = arith.shli %parallel_loop3A_300, %parallel_loop3A_305 : vector<16xi32>
        %parallel_loop3A_307 = arith.ori %parallel_loop3A_303, %parallel_loop3A_306 : vector<16xi32>
        %parallel_loop3A_308 = arith.index_cast %parallel_loop3A_18 : i32 to index
        %parallel_loop3A_309 = arith.constant 32 : index
        %parallel_loop3A_310 = tpu.vector_load %arg10[%parallel_loop3A_308, %parallel_loop3A_309] {strides = array<i32>} : memref<64x64xi32, #tpu.memory_space<vmem>>, vector<1x16xi32>,
        %parallel_loop3A_311 = vector.shape_cast %parallel_loop3A_310 : vector<1x16xi32> to vector<16xi32>
        %parallel_loop3A_312 = vector.shape_cast %parallel_loop3A_307 : vector<16xi32> to vector<1x16xi32>
        tpu.vector_store %arg10[%parallel_loop3A_308, %parallel_loop3A_309], %parallel_loop3A_312 {strides = array<i32>} : memref<64x64xi32, #tpu.memory_space<vmem>>, vector<1x16xi32>,
        %parallel_loop3A_313 = arith.index_cast %parallel_loop3A_18 : i32 to index
        %parallel_loop3A_314 = arith.constant 48 : index
        %parallel_loop3A_315 = tpu.vector_load %arg8[%parallel_loop3A_313, %parallel_loop3A_314] {strides = array<i32>} : memref<64x128xf32, #tpu.memory_space<vmem>>, vector<1x16xf32>,
        %parallel_loop3A_316 = vector.shape_cast %parallel_loop3A_315 : vector<1x16xf32> to vector<16xf32>
        %parallel_loop3A_317 = arith.mulf %parallel_loop3A_316, %div3A_4 : vector<16xf32>
        %parallel_loop3A_318 = arith.index_cast %parallel_loop3A_18 : i32 to index
        %parallel_loop3A_319 = arith.constant 112 : index
        %parallel_loop3A_320 = tpu.vector_load %arg8[%parallel_loop3A_318, %parallel_loop3A_319] {strides = array<i32>} : memref<64x128xf32, #tpu.memory_space<vmem>>, vector<1x16xf32>,
        %parallel_loop3A_321 = vector.shape_cast %parallel_loop3A_320 : vector<1x16xf32> to vector<16xf32>
        %parallel_loop3A_322 = arith.mulf %parallel_loop3A_321, %div3A_4 : vector<16xf32>
        %parallel_loop3A_323 = arith.constant 0.000000e+00 : f32
        %parallel_loop3A_324 = vector.broadcast %parallel_loop3A_323 : f32 to vector<16xf32>
        %parallel_loop3A_325 = arith.cmpf oge, %parallel_loop3A_317, %parallel_loop3A_324 : vector<16xf32>
        %parallel_loop3A_326 = arith.constant 5.000000e-01 : f32
        %parallel_loop3A_327 = arith.constant -5.000000e-01 : f32
        %parallel_loop3A_328 = vector.broadcast %parallel_loop3A_326 : f32 to vector<16xf32>
        %parallel_loop3A_329 = vector.broadcast %parallel_loop3A_327 : f32 to vector<16xf32>
        %parallel_loop3A_330 = arith.select %parallel_loop3A_325, %parallel_loop3A_328, %parallel_loop3A_329 : vector<16xi1>, vector<16xf32>
        %parallel_loop3A_331 = arith.addf %parallel_loop3A_317, %parallel_loop3A_330 : vector<16xf32>
        %parallel_loop3A_332 = arith.fptosi %parallel_loop3A_331 : vector<16xf32> to vector<16xi32>
        %parallel_loop3A_333 = arith.constant 0.000000e+00 : f32
        %parallel_loop3A_334 = vector.broadcast %parallel_loop3A_333 : f32 to vector<16xf32>
        %parallel_loop3A_335 = arith.cmpf oge, %parallel_loop3A_322, %parallel_loop3A_334 : vector<16xf32>
        %parallel_loop3A_336 = arith.constant 5.000000e-01 : f32
        %parallel_loop3A_337 = arith.constant -5.000000e-01 : f32
        %parallel_loop3A_338 = vector.broadcast %parallel_loop3A_336 : f32 to vector<16xf32>
        %parallel_loop3A_339 = vector.broadcast %parallel_loop3A_337 : f32 to vector<16xf32>
        %parallel_loop3A_340 = arith.select %parallel_loop3A_335, %parallel_loop3A_338, %parallel_loop3A_339 : vector<16xi1>, vector<16xf32>
        %parallel_loop3A_341 = arith.addf %parallel_loop3A_322, %parallel_loop3A_340 : vector<16xf32>
        %parallel_loop3A_342 = arith.fptosi %parallel_loop3A_341 : vector<16xf32> to vector<16xi32>
        %parallel_loop3A_343 = arith.constant 65535 : i32
        %parallel_loop3A_344 = vector.broadcast %parallel_loop3A_343 : i32 to vector<16xi32>
        %parallel_loop3A_345 = arith.andi %parallel_loop3A_332, %parallel_loop3A_344 : vector<16xi32>
        %parallel_loop3A_346 = arith.constant 16 : i32
        %parallel_loop3A_347 = vector.broadcast %parallel_loop3A_346 : i32 to vector<16xi32>
        %parallel_loop3A_348 = arith.shli %parallel_loop3A_342, %parallel_loop3A_347 : vector<16xi32>
        %parallel_loop3A_349 = arith.ori %parallel_loop3A_345, %parallel_loop3A_348 : vector<16xi32>
        %parallel_loop3A_350 = arith.index_cast %parallel_loop3A_18 : i32 to index
        %parallel_loop3A_351 = arith.constant 48 : index
        %parallel_loop3A_352 = tpu.vector_load %arg10[%parallel_loop3A_350, %parallel_loop3A_351] {strides = array<i32>} : memref<64x64xi32, #tpu.memory_space<vmem>>, vector<1x16xi32>,
        %parallel_loop3A_353 = vector.shape_cast %parallel_loop3A_352 : vector<1x16xi32> to vector<16xi32>
        %parallel_loop3A_354 = vector.shape_cast %parallel_loop3A_349 : vector<16xi32> to vector<1x16xi32>
        tpu.vector_store %arg10[%parallel_loop3A_350, %parallel_loop3A_351], %parallel_loop3A_354 {strides = array<i32>} : memref<64x64xi32, #tpu.memory_space<vmem>>, vector<1x16xi32>,
      } {sc.loop_unroll_factor = 2 : i64, sc.parallel_access}
      "tpu.region"() ({
        %run_scoped3A_18 = tpu.sem_alloc : memref<!tpu.dma_semaphore, #tpu.memory_space<semaphore_mem>>
        %dma_start3A = arith.constant 0 : i32
        %dma_start3A_19 = tpu.memref_slice %arg5[%add3A_15, %dma_start3A] : memref<10240x64xi32, #tpu.memory_space<hbm>> -> memref<64x64xi32, #tpu.memory_space<hbm>>
        %dma_start3A_20 = arith.constant 0 : i32
        %dma_start3A_21 = tpu.memref_slice %arg5[%add3A_15, %dma_start3A_20] : memref<10240x64xi32, #tpu.memory_space<hbm>> -> memref<64x64xi32, #tpu.memory_space<hbm>>
        tpu.enqueue_dma source(%arg9 : memref<64x64xi32, #tpu.memory_space<vmem>>) target(%dma_start3A_21 : memref<64x64xi32, #tpu.memory_space<hbm>>) target_semaphore(%run_scoped3A_18 : memref<!tpu.dma_semaphore, #tpu.memory_space<semaphore_mem>>)
        %dma_wait3A = arith.constant 0 : i32
        %dma_wait3A_22 = tpu.memref_slice %arg5[%add3A_15, %dma_wait3A] : memref<10240x64xi32, #tpu.memory_space<hbm>> -> memref<64x64xi32, #tpu.memory_space<hbm>>
        %dma_wait3A_23 = arith.constant 0 : i32
        %dma_wait3A_24 = tpu.memref_slice %arg5[%add3A_15, %dma_wait3A_23] : memref<10240x64xi32, #tpu.memory_space<hbm>> -> memref<64x64xi32, #tpu.memory_space<hbm>>
        tpu.wait_dma2 semaphore(%run_scoped3A_18 : memref<!tpu.dma_semaphore, #tpu.memory_space<semaphore_mem>>) src(%arg9 : memref<64x64xi32, #tpu.memory_space<vmem>>) dst(%dma_wait3A_24 : memref<64x64xi32, #tpu.memory_space<hbm>>)
        tpu.yield
      }) : () -> ()
      "tpu.region"() ({
        %run_scoped3A_18 = tpu.sem_alloc : memref<!tpu.dma_semaphore, #tpu.memory_space<semaphore_mem>>
        %dma_start3A = arith.constant 0 : i32
        %dma_start3A_19 = tpu.memref_slice %arg6[%add3A_15, %dma_start3A] : memref<10240x64xi32, #tpu.memory_space<hbm>> -> memref<64x64xi32, #tpu.memory_space<hbm>>
        %dma_start3A_20 = arith.constant 0 : i32
        %dma_start3A_21 = tpu.memref_slice %arg6[%add3A_15, %dma_start3A_20] : memref<10240x64xi32, #tpu.memory_space<hbm>> -> memref<64x64xi32, #tpu.memory_space<hbm>>
        tpu.enqueue_dma source(%arg10 : memref<64x64xi32, #tpu.memory_space<vmem>>) target(%dma_start3A_21 : memref<64x64xi32, #tpu.memory_space<hbm>>) target_semaphore(%run_scoped3A_18 : memref<!tpu.dma_semaphore, #tpu.memory_space<semaphore_mem>>)
        %dma_wait3A = arith.constant 0 : i32
        %dma_wait3A_22 = tpu.memref_slice %arg6[%add3A_15, %dma_wait3A] : memref<10240x64xi32, #tpu.memory_space<hbm>> -> memref<64x64xi32, #tpu.memory_space<hbm>>
        %dma_wait3A_23 = arith.constant 0 : i32
        %dma_wait3A_24 = tpu.memref_slice %arg6[%add3A_15, %dma_wait3A_23] : memref<10240x64xi32, #tpu.memory_space<hbm>> -> memref<64x64xi32, #tpu.memory_space<hbm>>
        tpu.wait_dma2 semaphore(%run_scoped3A_18 : memref<!tpu.dma_semaphore, #tpu.memory_space<semaphore_mem>>) src(%arg10 : memref<64x64xi32, #tpu.memory_space<vmem>>) dst(%dma_wait3A_24 : memref<64x64xi32, #tpu.memory_space<hbm>>)
        tpu.yield
      }) : () -> ()
    }
    %scan3A_9 = arith.constant 5 : i32
    return
  }
}

#map = affine_map<(d0, d1) -> (0, 0)>
#map1 = affine_map<(d0, d1) -> (0)>
module attributes {stable_mosaic.version = 14 : i64} {
  func.func @k(%arg0: i32, %arg1: i32, %arg2: memref<10240x64xi32, #tpu.memory_space<hbm>>, %arg3: memref<10240x64xi32, #tpu.memory_space<hbm>>, %arg4: memref<327680xi32, #tpu.memory_space<hbm>>, %arg5: memref<327680xi32, #tpu.memory_space<hbm>>, %arg6: memref<128xf32, #tpu.memory_space<hbm>>, %arg7: memref<1x128xf32, #tpu.memory_space<hbm>>, %arg8: memref<5242880xf32, #tpu.memory_space<hbm>>, %arg9: memref<2x128xi32, #tpu.memory_space<vmem>>, %arg10: memref<2x128xi32, #tpu.memory_space<vmem>>, %arg11: memref<2x128x64xi32, #tpu.memory_space<vmem>>, %arg12: memref<2x128x64xi32, #tpu.memory_space<vmem>>, %arg13: memref<2x2048xf32, #tpu.memory_space<vmem>>, %arg14: memref<128xf32, #tpu.memory_space<vmem>>, %arg15: memref<128xf32, #tpu.memory_space<vmem>>, %arg16: memref<!tpu.dma_semaphore, #tpu.memory_space<semaphore_mem>>, %arg17: memref<!tpu.dma_semaphore, #tpu.memory_space<semaphore_mem>>, %arg18: memref<!tpu.dma_semaphore, #tpu.memory_space<semaphore_mem>>, %arg19: memref<!tpu.dma_semaphore, #tpu.memory_space<semaphore_mem>>, %arg20: memref<!tpu.dma_semaphore, #tpu.memory_space<semaphore_mem>>, %arg21: memref<!tpu.dma_semaphore, #tpu.memory_space<semaphore_mem>>) attributes {dimension_semantics = [#tpu.dimension_semantics<core_parallel>, #tpu.dimension_semantics<subcore_parallel>], iteration_bounds = array<i64: 2, 16>, scalar_prefetch = 0 : i64, scratch_operands = 13 : i64, tpu.core_type = #tpu.core_type<sc_vector_subcore>, window_params = [{transform_indices = #map}, {transform_indices = #map}, {transform_indices = #map1}, {transform_indices = #map1}, {transform_indices = #map1}, {transform_indices = #map}, {transform_indices = #map1}]} {
    %mul3A = arith.constant 2 : i32
    %mul3A_0 = arith.muli %arg1, %mul3A : i32
    %add3A = arith.addi %mul3A_0, %arg0 : i32
    "tpu.region"() ({
      %run_scoped3A_199 = tpu.sem_alloc : memref<!tpu.dma_semaphore, #tpu.memory_space<semaphore_mem>>
      tpu.enqueue_dma source(%arg6 : memref<128xf32, #tpu.memory_space<hbm>>) target(%arg14 : memref<128xf32, #tpu.memory_space<vmem>>) target_semaphore(%run_scoped3A_199 : memref<!tpu.dma_semaphore, #tpu.memory_space<semaphore_mem>>)
      tpu.wait_dma2 semaphore(%run_scoped3A_199 : memref<!tpu.dma_semaphore, #tpu.memory_space<semaphore_mem>>) src(%arg6 : memref<128xf32, #tpu.memory_space<hbm>>) dst(%arg14 : memref<128xf32, #tpu.memory_space<vmem>>)
      tpu.yield
    }) : () -> ()
    %run_scoped3A = arith.constant 0 : i32
    "tpu.region"() ({
      %run_scoped3A_199 = tpu.sem_alloc : memref<!tpu.dma_semaphore, #tpu.memory_space<semaphore_mem>>
      %dma_start3A_200 = arith.constant 0 : i32
      %dma_start3A_201 = tpu.memref_slice %arg7[%run_scoped3A, %dma_start3A_200] : memref<1x128xf32, #tpu.memory_space<hbm>> -> memref<1x128xf32, #tpu.memory_space<hbm>>
      %dma_start3A_202 = tpu.memref_squeeze %dma_start3A_201 : memref<1x128xf32, #tpu.memory_space<hbm>> -> memref<128xf32, #tpu.memory_space<hbm>>
      %dma_start3A_203 = arith.constant 0 : i32
      %dma_start3A_204 = tpu.memref_slice %arg7[%run_scoped3A, %dma_start3A_203] : memref<1x128xf32, #tpu.memory_space<hbm>> -> memref<1x128xf32, #tpu.memory_space<hbm>>
      %dma_start3A_205 = tpu.memref_squeeze %dma_start3A_204 : memref<1x128xf32, #tpu.memory_space<hbm>> -> memref<128xf32, #tpu.memory_space<hbm>>
      tpu.enqueue_dma source(%dma_start3A_205 : memref<128xf32, #tpu.memory_space<hbm>>) target(%arg15 : memref<128xf32, #tpu.memory_space<vmem>>) target_semaphore(%run_scoped3A_199 : memref<!tpu.dma_semaphore, #tpu.memory_space<semaphore_mem>>)
      %dma_wait3A_206 = arith.constant 0 : i32
      %dma_wait3A_207 = tpu.memref_slice %arg7[%run_scoped3A, %dma_wait3A_206] : memref<1x128xf32, #tpu.memory_space<hbm>> -> memref<1x128xf32, #tpu.memory_space<hbm>>
      %dma_wait3A_208 = tpu.memref_squeeze %dma_wait3A_207 : memref<1x128xf32, #tpu.memory_space<hbm>> -> memref<128xf32, #tpu.memory_space<hbm>>
      %dma_wait3A_209 = arith.constant 0 : i32
      %dma_wait3A_210 = tpu.memref_slice %arg7[%run_scoped3A, %dma_wait3A_209] : memref<1x128xf32, #tpu.memory_space<hbm>> -> memref<1x128xf32, #tpu.memory_space<hbm>>
      %dma_wait3A_211 = tpu.memref_squeeze %dma_wait3A_210 : memref<1x128xf32, #tpu.memory_space<hbm>> -> memref<128xf32, #tpu.memory_space<hbm>>
      tpu.wait_dma2 semaphore(%run_scoped3A_199 : memref<!tpu.dma_semaphore, #tpu.memory_space<semaphore_mem>>) src(%dma_wait3A_211 : memref<128xf32, #tpu.memory_space<hbm>>) dst(%arg15 : memref<128xf32, #tpu.memory_space<vmem>>)
      tpu.yield
    }) : () -> ()
    %get3A = arith.constant 0 : index
    %get3A_1 = tpu.vector_load %arg15[%get3A] {strides = array<i32>} : memref<128xf32, #tpu.memory_space<vmem>>, vector<16xf32>,
    %get3A_2 = vector.shape_cast %get3A_1 : vector<16xf32> to vector<16xf32>
    %mul3A_3 = arith.constant 3.125000e-05 : f32
    %mul3A_4 = vector.broadcast %mul3A_3 : f32 to vector<16xf32>
    %mul3A_5 = arith.mulf %get3A_2, %mul3A_4 : vector<16xf32>
    %get3A_6 = arith.constant 0 : index
    %get3A_7 = tpu.vector_load %arg14[%get3A_6] {strides = array<i32>} : memref<128xf32, #tpu.memory_space<vmem>>, vector<16xf32>,
    %get3A_8 = vector.shape_cast %get3A_7 : vector<16xf32> to vector<16xf32>
    %mul3A_9 = arith.mulf %get3A_8, %mul3A_5 : vector<16xf32>
    %get3A_10 = arith.constant 16 : index
    %get3A_11 = tpu.vector_load %arg14[%get3A_10] {strides = array<i32>} : memref<128xf32, #tpu.memory_space<vmem>>, vector<16xf32>,
    %get3A_12 = vector.shape_cast %get3A_11 : vector<16xf32> to vector<16xf32>
    %mul3A_13 = arith.mulf %get3A_12, %mul3A_5 : vector<16xf32>
    %get3A_14 = arith.constant 32 : index
    %get3A_15 = tpu.vector_load %arg14[%get3A_14] {strides = array<i32>} : memref<128xf32, #tpu.memory_space<vmem>>, vector<16xf32>,
    %get3A_16 = vector.shape_cast %get3A_15 : vector<16xf32> to vector<16xf32>
    %mul3A_17 = arith.mulf %get3A_16, %mul3A_5 : vector<16xf32>
    %get3A_18 = arith.constant 48 : index
    %get3A_19 = tpu.vector_load %arg14[%get3A_18] {strides = array<i32>} : memref<128xf32, #tpu.memory_space<vmem>>, vector<16xf32>,
    %get3A_20 = vector.shape_cast %get3A_19 : vector<16xf32> to vector<16xf32>
    %mul3A_21 = arith.mulf %get3A_20, %mul3A_5 : vector<16xf32>
    %get3A_22 = arith.constant 64 : index
    %get3A_23 = tpu.vector_load %arg14[%get3A_22] {strides = array<i32>} : memref<128xf32, #tpu.memory_space<vmem>>, vector<16xf32>,
    %get3A_24 = vector.shape_cast %get3A_23 : vector<16xf32> to vector<16xf32>
    %mul3A_25 = arith.mulf %get3A_24, %mul3A_5 : vector<16xf32>
    %get3A_26 = arith.constant 80 : index
    %get3A_27 = tpu.vector_load %arg14[%get3A_26] {strides = array<i32>} : memref<128xf32, #tpu.memory_space<vmem>>, vector<16xf32>,
    %get3A_28 = vector.shape_cast %get3A_27 : vector<16xf32> to vector<16xf32>
    %mul3A_29 = arith.mulf %get3A_28, %mul3A_5 : vector<16xf32>
    %get3A_30 = arith.constant 96 : index
    %get3A_31 = tpu.vector_load %arg14[%get3A_30] {strides = array<i32>} : memref<128xf32, #tpu.memory_space<vmem>>, vector<16xf32>,
    %get3A_32 = vector.shape_cast %get3A_31 : vector<16xf32> to vector<16xf32>
    %mul3A_33 = arith.mulf %get3A_32, %mul3A_5 : vector<16xf32>
    %get3A_34 = arith.constant 112 : index
    %get3A_35 = tpu.vector_load %arg14[%get3A_34] {strides = array<i32>} : memref<128xf32, #tpu.memory_space<vmem>>, vector<16xf32>,
    %get3A_36 = vector.shape_cast %get3A_35 : vector<16xf32> to vector<16xf32>
    %mul3A_37 = arith.mulf %get3A_36, %mul3A_5 : vector<16xf32>
    %add3A_38 = arith.constant 0 : i32
    %add3A_39 = arith.addi %add3A_38, %add3A : i32
    %mul3A_40 = arith.constant 128 : i32
    %mul3A_41 = arith.muli %add3A_39, %mul3A_40 : i32
    %dma_start3A = arith.constant 0 : i32
    %dma_start3A_42 = arith.constant 0 : i32
    %dma_start3A_43 = tpu.memref_slice %arg9[%dma_start3A, %dma_start3A_42] : memref<2x128xi32, #tpu.memory_space<vmem>> -> memref<1x128xi32, #tpu.memory_space<vmem>>
    %dma_start3A_44 = tpu.memref_squeeze %dma_start3A_43 : memref<1x128xi32, #tpu.memory_space<vmem>> -> memref<128xi32, #tpu.memory_space<vmem>>
    %dma_start3A_45 = tpu.memref_slice %arg4[%mul3A_41] : memref<327680xi32, #tpu.memory_space<hbm>> -> memref<128xi32, #tpu.memory_space<hbm>>
    %dma_start3A_46 = arith.constant 0 : i32
    %dma_start3A_47 = tpu.memref_slice %arg9[%dma_start3A, %dma_start3A_46] : memref<2x128xi32, #tpu.memory_space<vmem>> -> memref<1x128xi32, #tpu.memory_space<vmem>>
    %dma_start3A_48 = tpu.memref_squeeze %dma_start3A_47 : memref<1x128xi32, #tpu.memory_space<vmem>> -> memref<128xi32, #tpu.memory_space<vmem>>
    %dma_start3A_49 = tpu.memref_slice %arg4[%mul3A_41] : memref<327680xi32, #tpu.memory_space<hbm>> -> memref<128xi32, #tpu.memory_space<hbm>>
    tpu.enqueue_dma source(%dma_start3A_49 : memref<128xi32, #tpu.memory_space<hbm>>) target(%dma_start3A_48 : memref<128xi32, #tpu.memory_space<vmem>>) target_semaphore(%arg18 : memref<!tpu.dma_semaphore, #tpu.memory_space<semaphore_mem>>)
    %dma_start3A_50 = arith.constant 0 : i32
    %dma_start3A_51 = arith.constant 0 : i32
    %dma_start3A_52 = tpu.memref_slice %arg10[%dma_start3A_50, %dma_start3A_51] : memref<2x128xi32, #tpu.memory_space<vmem>> -> memref<1x128xi32, #tpu.memory_space<vmem>>
    %dma_start3A_53 = tpu.memref_squeeze %dma_start3A_52 : memref<1x128xi32, #tpu.memory_space<vmem>> -> memref<128xi32, #tpu.memory_space<vmem>>
    %dma_start3A_54 = tpu.memref_slice %arg5[%mul3A_41] : memref<327680xi32, #tpu.memory_space<hbm>> -> memref<128xi32, #tpu.memory_space<hbm>>
    %dma_start3A_55 = arith.constant 0 : i32
    %dma_start3A_56 = tpu.memref_slice %arg10[%dma_start3A_50, %dma_start3A_55] : memref<2x128xi32, #tpu.memory_space<vmem>> -> memref<1x128xi32, #tpu.memory_space<vmem>>
    %dma_start3A_57 = tpu.memref_squeeze %dma_start3A_56 : memref<1x128xi32, #tpu.memory_space<vmem>> -> memref<128xi32, #tpu.memory_space<vmem>>
    %dma_start3A_58 = tpu.memref_slice %arg5[%mul3A_41] : memref<327680xi32, #tpu.memory_space<hbm>> -> memref<128xi32, #tpu.memory_space<hbm>>
    tpu.enqueue_dma source(%dma_start3A_58 : memref<128xi32, #tpu.memory_space<hbm>>) target(%dma_start3A_57 : memref<128xi32, #tpu.memory_space<vmem>>) target_semaphore(%arg18 : memref<!tpu.dma_semaphore, #tpu.memory_space<semaphore_mem>>)
    %dma_wait3A = arith.constant 0 : i32
    %dma_wait3A_59 = arith.constant 0 : i32
    %dma_wait3A_60 = tpu.memref_slice %arg9[%dma_wait3A, %dma_wait3A_59] : memref<2x128xi32, #tpu.memory_space<vmem>> -> memref<1x128xi32, #tpu.memory_space<vmem>>
    %dma_wait3A_61 = tpu.memref_squeeze %dma_wait3A_60 : memref<1x128xi32, #tpu.memory_space<vmem>> -> memref<128xi32, #tpu.memory_space<vmem>>
    %dma_wait3A_62 = arith.constant 0 : i32
    %dma_wait3A_63 = tpu.memref_slice %arg4[%dma_wait3A_62] : memref<327680xi32, #tpu.memory_space<hbm>> -> memref<128xi32, #tpu.memory_space<hbm>>
    %dma_wait3A_64 = arith.constant 0 : i32
    %dma_wait3A_65 = tpu.memref_slice %arg9[%dma_wait3A, %dma_wait3A_64] : memref<2x128xi32, #tpu.memory_space<vmem>> -> memref<1x128xi32, #tpu.memory_space<vmem>>
    %dma_wait3A_66 = tpu.memref_squeeze %dma_wait3A_65 : memref<1x128xi32, #tpu.memory_space<vmem>> -> memref<128xi32, #tpu.memory_space<vmem>>
    %dma_wait3A_67 = arith.constant 0 : i32
    %dma_wait3A_68 = tpu.memref_slice %arg4[%dma_wait3A_67] : memref<327680xi32, #tpu.memory_space<hbm>> -> memref<128xi32, #tpu.memory_space<hbm>>
    tpu.wait_dma2 semaphore(%arg18 : memref<!tpu.dma_semaphore, #tpu.memory_space<semaphore_mem>>) src(%dma_wait3A_68 : memref<128xi32, #tpu.memory_space<hbm>>) dst(%dma_wait3A_66 : memref<128xi32, #tpu.memory_space<vmem>>)
    %dma_wait3A_69 = arith.constant 0 : i32
    %dma_wait3A_70 = arith.constant 0 : i32
    %dma_wait3A_71 = tpu.memref_slice %arg10[%dma_wait3A_69, %dma_wait3A_70] : memref<2x128xi32, #tpu.memory_space<vmem>> -> memref<1x128xi32, #tpu.memory_space<vmem>>
    %dma_wait3A_72 = tpu.memref_squeeze %dma_wait3A_71 : memref<1x128xi32, #tpu.memory_space<vmem>> -> memref<128xi32, #tpu.memory_space<vmem>>
    %dma_wait3A_73 = arith.constant 0 : i32
    %dma_wait3A_74 = tpu.memref_slice %arg4[%dma_wait3A_73] : memref<327680xi32, #tpu.memory_space<hbm>> -> memref<128xi32, #tpu.memory_space<hbm>>
    %dma_wait3A_75 = arith.constant 0 : i32
    %dma_wait3A_76 = tpu.memref_slice %arg10[%dma_wait3A_69, %dma_wait3A_75] : memref<2x128xi32, #tpu.memory_space<vmem>> -> memref<1x128xi32, #tpu.memory_space<vmem>>
    %dma_wait3A_77 = tpu.memref_squeeze %dma_wait3A_76 : memref<1x128xi32, #tpu.memory_space<vmem>> -> memref<128xi32, #tpu.memory_space<vmem>>
    %dma_wait3A_78 = arith.constant 0 : i32
    %dma_wait3A_79 = tpu.memref_slice %arg4[%dma_wait3A_78] : memref<327680xi32, #tpu.memory_space<hbm>> -> memref<128xi32, #tpu.memory_space<hbm>>
    tpu.wait_dma2 semaphore(%arg18 : memref<!tpu.dma_semaphore, #tpu.memory_space<semaphore_mem>>) src(%dma_wait3A_79 : memref<128xi32, #tpu.memory_space<hbm>>) dst(%dma_wait3A_77 : memref<128xi32, #tpu.memory_space<vmem>>)
    %dma_start3A_80 = arith.constant 0 : i32
    %dma_start3A_81 = arith.constant 0 : i32
    %dma_start3A_82 = arith.constant 0 : i32
    %dma_start3A_83 = arith.constant 0 : i32
    %dma_start3A_84 = tpu.memref_slice %arg11[%dma_start3A_81, %dma_start3A_82, %dma_start3A_83] : memref<2x128x64xi32, #tpu.memory_space<vmem>> -> memref<1x128x64xi32, #tpu.memory_space<vmem>>
    %dma_start3A_85 = tpu.memref_squeeze %dma_start3A_84 : memref<1x128x64xi32, #tpu.memory_space<vmem>> -> memref<128x64xi32, #tpu.memory_space<vmem>>
    %dma_start3A_86 = arith.constant 0 : i32
    %dma_start3A_87 = tpu.memref_slice %arg9[%dma_start3A_80, %dma_start3A_86] : memref<2x128xi32, #tpu.memory_space<vmem>> -> memref<1x128xi32, #tpu.memory_space<vmem>>
    %dma_start3A_88 = tpu.memref_squeeze %dma_start3A_87 : memref<1x128xi32, #tpu.memory_space<vmem>> -> memref<128xi32, #tpu.memory_space<vmem>>
    %dma_start3A_89 = arith.constant 0 : i32
    %dma_start3A_90 = arith.constant 0 : i32
    %dma_start3A_91 = tpu.memref_slice %arg2[%dma_start3A_89, %dma_start3A_90] : memref<10240x64xi32, #tpu.memory_space<hbm>> -> memref<10240x64xi32, #tpu.memory_space<hbm>>
    tpu.enqueue_indirect_dma source(%dma_start3A_91 : memref<10240x64xi32, #tpu.memory_space<hbm>>) target(%dma_start3A_85 : memref<128x64xi32, #tpu.memory_space<vmem>>) offsets(%dma_start3A_88 : memref<128xi32, #tpu.memory_space<vmem>>) semaphore(%arg16 : memref<!tpu.dma_semaphore, #tpu.memory_space<semaphore_mem>>)
    %dma_start3A_92 = arith.constant 0 : i32
    %dma_start3A_93 = arith.constant 0 : i32
    %dma_start3A_94 = arith.constant 0 : i32
    %dma_start3A_95 = arith.constant 0 : i32
    %dma_start3A_96 = tpu.memref_slice %arg12[%dma_start3A_93, %dma_start3A_94, %dma_start3A_95] : memref<2x128x64xi32, #tpu.memory_space<vmem>> -> memref<1x128x64xi32, #tpu.memory_space<vmem>>
    %dma_start3A_97 = tpu.memref_squeeze %dma_start3A_96 : memref<1x128x64xi32, #tpu.memory_space<vmem>> -> memref<128x64xi32, #tpu.memory_space<vmem>>
    %dma_start3A_98 = arith.constant 0 : i32
    %dma_start3A_99 = tpu.memref_slice %arg10[%dma_start3A_92, %dma_start3A_98] : memref<2x128xi32, #tpu.memory_space<vmem>> -> memref<1x128xi32, #tpu.memory_space<vmem>>
    %dma_start3A_100 = tpu.memref_squeeze %dma_start3A_99 : memref<1x128xi32, #tpu.memory_space<vmem>> -> memref<128xi32, #tpu.memory_space<vmem>>
    %dma_start3A_101 = arith.constant 0 : i32
    %dma_start3A_102 = arith.constant 0 : i32
    %dma_start3A_103 = tpu.memref_slice %arg3[%dma_start3A_101, %dma_start3A_102] : memref<10240x64xi32, #tpu.memory_space<hbm>> -> memref<10240x64xi32, #tpu.memory_space<hbm>>
    tpu.enqueue_indirect_dma source(%dma_start3A_103 : memref<10240x64xi32, #tpu.memory_space<hbm>>) target(%dma_start3A_97 : memref<128x64xi32, #tpu.memory_space<vmem>>) offsets(%dma_start3A_100 : memref<128xi32, #tpu.memory_space<vmem>>) semaphore(%arg16 : memref<!tpu.dma_semaphore, #tpu.memory_space<semaphore_mem>>)
    %add3A_104 = arith.constant 32 : i32
    %add3A_105 = arith.addi %add3A_104, %add3A : i32
    %mul3A_106 = arith.constant 128 : i32
    %mul3A_107 = arith.muli %add3A_105, %mul3A_106 : i32
    %dma_start3A_108 = arith.constant 1 : i32
    %dma_start3A_109 = arith.constant 0 : i32
    %dma_start3A_110 = tpu.memref_slice %arg9[%dma_start3A_108, %dma_start3A_109] : memref<2x128xi32, #tpu.memory_space<vmem>> -> memref<1x128xi32, #tpu.memory_space<vmem>>
    %dma_start3A_111 = tpu.memref_squeeze %dma_start3A_110 : memref<1x128xi32, #tpu.memory_space<vmem>> -> memref<128xi32, #tpu.memory_space<vmem>>
    %dma_start3A_112 = tpu.memref_slice %arg4[%mul3A_107] : memref<327680xi32, #tpu.memory_space<hbm>> -> memref<128xi32, #tpu.memory_space<hbm>>
    %dma_start3A_113 = arith.constant 0 : i32
    %dma_start3A_114 = tpu.memref_slice %arg9[%dma_start3A_108, %dma_start3A_113] : memref<2x128xi32, #tpu.memory_space<vmem>> -> memref<1x128xi32, #tpu.memory_space<vmem>>
    %dma_start3A_115 = tpu.memref_squeeze %dma_start3A_114 : memref<1x128xi32, #tpu.memory_space<vmem>> -> memref<128xi32, #tpu.memory_space<vmem>>
    %dma_start3A_116 = tpu.memref_slice %arg4[%mul3A_107] : memref<327680xi32, #tpu.memory_space<hbm>> -> memref<128xi32, #tpu.memory_space<hbm>>
    tpu.enqueue_dma source(%dma_start3A_116 : memref<128xi32, #tpu.memory_space<hbm>>) target(%dma_start3A_115 : memref<128xi32, #tpu.memory_space<vmem>>) target_semaphore(%arg19 : memref<!tpu.dma_semaphore, #tpu.memory_space<semaphore_mem>>)
    %dma_start3A_117 = arith.constant 1 : i32
    %dma_start3A_118 = arith.constant 0 : i32
    %dma_start3A_119 = tpu.memref_slice %arg10[%dma_start3A_117, %dma_start3A_118] : memref<2x128xi32, #tpu.memory_space<vmem>> -> memref<1x128xi32, #tpu.memory_space<vmem>>
    %dma_start3A_120 = tpu.memref_squeeze %dma_start3A_119 : memref<1x128xi32, #tpu.memory_space<vmem>> -> memref<128xi32, #tpu.memory_space<vmem>>
    %dma_start3A_121 = tpu.memref_slice %arg5[%mul3A_107] : memref<327680xi32, #tpu.memory_space<hbm>> -> memref<128xi32, #tpu.memory_space<hbm>>
    %dma_start3A_122 = arith.constant 0 : i32
    %dma_start3A_123 = tpu.memref_slice %arg10[%dma_start3A_117, %dma_start3A_122] : memref<2x128xi32, #tpu.memory_space<vmem>> -> memref<1x128xi32, #tpu.memory_space<vmem>>
    %dma_start3A_124 = tpu.memref_squeeze %dma_start3A_123 : memref<1x128xi32, #tpu.memory_space<vmem>> -> memref<128xi32, #tpu.memory_space<vmem>>
    %dma_start3A_125 = tpu.memref_slice %arg5[%mul3A_107] : memref<327680xi32, #tpu.memory_space<hbm>> -> memref<128xi32, #tpu.memory_space<hbm>>
    tpu.enqueue_dma source(%dma_start3A_125 : memref<128xi32, #tpu.memory_space<hbm>>) target(%dma_start3A_124 : memref<128xi32, #tpu.memory_space<vmem>>) target_semaphore(%arg19 : memref<!tpu.dma_semaphore, #tpu.memory_space<semaphore_mem>>)
    %scan3A = arith.constant 0 : i32
    %scan3A_126 = arith.constant 0 : i32
    %scan3A_127 = arith.constant 40 : i32
    %scan3A_128 = arith.addi %scan3A_126, %scan3A_127 : i32
    %scan3A_129 = arith.constant 1 : i32
    scf.for %scan3A_199 = %scan3A_126 to %scan3A_128 step %scan3A_129  : i32 {
      %mul3A_200 = arith.constant 2 : i32
      %mul3A_201 = arith.muli %mul3A_200, %scan3A_199 : i32
      %add3A_202 = arith.constant 0 : i32
      %add3A_203 = arith.addi %mul3A_201, %add3A_202 : i32
      %dma_wait3A_204 = arith.constant 1 : i32
      %dma_wait3A_205 = arith.constant 0 : i32
      %dma_wait3A_206 = tpu.memref_slice %arg9[%dma_wait3A_204, %dma_wait3A_205] : memref<2x128xi32, #tpu.memory_space<vmem>> -> memref<1x128xi32, #tpu.memory_space<vmem>>
      %dma_wait3A_207 = tpu.memref_squeeze %dma_wait3A_206 : memref<1x128xi32, #tpu.memory_space<vmem>> -> memref<128xi32, #tpu.memory_space<vmem>>
      %dma_wait3A_208 = arith.constant 0 : i32
      %dma_wait3A_209 = tpu.memref_slice %arg4[%dma_wait3A_208] : memref<327680xi32, #tpu.memory_space<hbm>> -> memref<128xi32, #tpu.memory_space<hbm>>
      %dma_wait3A_210 = arith.constant 0 : i32
      %dma_wait3A_211 = tpu.memref_slice %arg9[%dma_wait3A_204, %dma_wait3A_210] : memref<2x128xi32, #tpu.memory_space<vmem>> -> memref<1x128xi32, #tpu.memory_space<vmem>>
      %dma_wait3A_212 = tpu.memref_squeeze %dma_wait3A_211 : memref<1x128xi32, #tpu.memory_space<vmem>> -> memref<128xi32, #tpu.memory_space<vmem>>
      %dma_wait3A_213 = arith.constant 0 : i32
      %dma_wait3A_214 = tpu.memref_slice %arg4[%dma_wait3A_213] : memref<327680xi32, #tpu.memory_space<hbm>> -> memref<128xi32, #tpu.memory_space<hbm>>
      tpu.wait_dma2 semaphore(%arg19 : memref<!tpu.dma_semaphore, #tpu.memory_space<semaphore_mem>>) src(%dma_wait3A_214 : memref<128xi32, #tpu.memory_space<hbm>>) dst(%dma_wait3A_212 : memref<128xi32, #tpu.memory_space<vmem>>)
      %dma_wait3A_215 = arith.constant 1 : i32
      %dma_wait3A_216 = arith.constant 0 : i32
      %dma_wait3A_217 = tpu.memref_slice %arg10[%dma_wait3A_215, %dma_wait3A_216] : memref<2x128xi32, #tpu.memory_space<vmem>> -> memref<1x128xi32, #tpu.memory_space<vmem>>
      %dma_wait3A_218 = tpu.memref_squeeze %dma_wait3A_217 : memref<1x128xi32, #tpu.memory_space<vmem>> -> memref<128xi32, #tpu.memory_space<vmem>>
      %dma_wait3A_219 = arith.constant 0 : i32
      %dma_wait3A_220 = tpu.memref_slice %arg4[%dma_wait3A_219] : memref<327680xi32, #tpu.memory_space<hbm>> -> memref<128xi32, #tpu.memory_space<hbm>>
      %dma_wait3A_221 = arith.constant 0 : i32
      %dma_wait3A_222 = tpu.memref_slice %arg10[%dma_wait3A_215, %dma_wait3A_221] : memref<2x128xi32, #tpu.memory_space<vmem>> -> memref<1x128xi32, #tpu.memory_space<vmem>>
      %dma_wait3A_223 = tpu.memref_squeeze %dma_wait3A_222 : memref<1x128xi32, #tpu.memory_space<vmem>> -> memref<128xi32, #tpu.memory_space<vmem>>
      %dma_wait3A_224 = arith.constant 0 : i32
      %dma_wait3A_225 = tpu.memref_slice %arg4[%dma_wait3A_224] : memref<327680xi32, #tpu.memory_space<hbm>> -> memref<128xi32, #tpu.memory_space<hbm>>
      tpu.wait_dma2 semaphore(%arg19 : memref<!tpu.dma_semaphore, #tpu.memory_space<semaphore_mem>>) src(%dma_wait3A_225 : memref<128xi32, #tpu.memory_space<hbm>>) dst(%dma_wait3A_223 : memref<128xi32, #tpu.memory_space<vmem>>)
      %dma_wait3A_226 = arith.constant 0 : i32
      %dma_wait3A_227 = arith.constant 0 : i32
      %dma_wait3A_228 = arith.constant 0 : i32
      %dma_wait3A_229 = arith.constant 0 : i32
      %dma_wait3A_230 = tpu.memref_slice %arg11[%dma_wait3A_227, %dma_wait3A_228, %dma_wait3A_229] : memref<2x128x64xi32, #tpu.memory_space<vmem>> -> memref<1x128x64xi32, #tpu.memory_space<vmem>>
      %dma_wait3A_231 = tpu.memref_squeeze %dma_wait3A_230 : memref<1x128x64xi32, #tpu.memory_space<vmem>> -> memref<128x64xi32, #tpu.memory_space<vmem>>
      %dma_wait3A_232 = arith.constant 0 : i32
      %dma_wait3A_233 = tpu.memref_slice %arg9[%dma_wait3A_226, %dma_wait3A_232] : memref<2x128xi32, #tpu.memory_space<vmem>> -> memref<1x128xi32, #tpu.memory_space<vmem>>
      %dma_wait3A_234 = tpu.memref_squeeze %dma_wait3A_233 : memref<1x128xi32, #tpu.memory_space<vmem>> -> memref<128xi32, #tpu.memory_space<vmem>>
      %dma_wait3A_235 = arith.constant 0 : i32
      %dma_wait3A_236 = arith.constant 0 : i32
      %dma_wait3A_237 = tpu.memref_slice %arg2[%dma_wait3A_235, %dma_wait3A_236] : memref<10240x64xi32, #tpu.memory_space<hbm>> -> memref<10240x64xi32, #tpu.memory_space<hbm>>
      tpu.wait_indirect_dma semaphore(%arg16 : memref<!tpu.dma_semaphore, #tpu.memory_space<semaphore_mem>>) src(%dma_wait3A_237 : memref<10240x64xi32, #tpu.memory_space<hbm>>) dst(%dma_wait3A_231 : memref<128x64xi32, #tpu.memory_space<vmem>>)
      %dma_wait3A_238 = arith.constant 0 : i32
      %dma_wait3A_239 = arith.constant 0 : i32
      %dma_wait3A_240 = arith.constant 0 : i32
      %dma_wait3A_241 = arith.constant 0 : i32
      %dma_wait3A_242 = tpu.memref_slice %arg12[%dma_wait3A_239, %dma_wait3A_240, %dma_wait3A_241] : memref<2x128x64xi32, #tpu.memory_space<vmem>> -> memref<1x128x64xi32, #tpu.memory_space<vmem>>
      %dma_wait3A_243 = tpu.memref_squeeze %dma_wait3A_242 : memref<1x128x64xi32, #tpu.memory_space<vmem>> -> memref<128x64xi32, #tpu.memory_space<vmem>>
      %dma_wait3A_244 = arith.constant 0 : i32
      %dma_wait3A_245 = tpu.memref_slice %arg10[%dma_wait3A_238, %dma_wait3A_244] : memref<2x128xi32, #tpu.memory_space<vmem>> -> memref<1x128xi32, #tpu.memory_space<vmem>>
      %dma_wait3A_246 = tpu.memref_squeeze %dma_wait3A_245 : memref<1x128xi32, #tpu.memory_space<vmem>> -> memref<128xi32, #tpu.memory_space<vmem>>
      %dma_wait3A_247 = arith.constant 0 : i32
      %dma_wait3A_248 = arith.constant 0 : i32
      %dma_wait3A_249 = tpu.memref_slice %arg3[%dma_wait3A_247, %dma_wait3A_248] : memref<10240x64xi32, #tpu.memory_space<hbm>> -> memref<10240x64xi32, #tpu.memory_space<hbm>>
      tpu.wait_indirect_dma semaphore(%arg16 : memref<!tpu.dma_semaphore, #tpu.memory_space<semaphore_mem>>) src(%dma_wait3A_249 : memref<10240x64xi32, #tpu.memory_space<hbm>>) dst(%dma_wait3A_243 : memref<128x64xi32, #tpu.memory_space<vmem>>)
      %dma_start3A_250 = arith.constant 1 : i32
      %dma_start3A_251 = arith.constant 1 : i32
      %dma_start3A_252 = arith.constant 0 : i32
      %dma_start3A_253 = arith.constant 0 : i32
      %dma_start3A_254 = tpu.memref_slice %arg11[%dma_start3A_251, %dma_start3A_252, %dma_start3A_253] : memref<2x128x64xi32, #tpu.memory_space<vmem>> -> memref<1x128x64xi32, #tpu.memory_space<vmem>>
      %dma_start3A_255 = tpu.memref_squeeze %dma_start3A_254 : memref<1x128x64xi32, #tpu.memory_space<vmem>> -> memref<128x64xi32, #tpu.memory_space<vmem>>
      %dma_start3A_256 = arith.constant 0 : i32
      %dma_start3A_257 = tpu.memref_slice %arg9[%dma_start3A_250, %dma_start3A_256] : memref<2x128xi32, #tpu.memory_space<vmem>> -> memref<1x128xi32, #tpu.memory_space<vmem>>
      %dma_start3A_258 = tpu.memref_squeeze %dma_start3A_257 : memref<1x128xi32, #tpu.memory_space<vmem>> -> memref<128xi32, #tpu.memory_space<vmem>>
      %dma_start3A_259 = arith.constant 0 : i32
      %dma_start3A_260 = arith.constant 0 : i32
      %dma_start3A_261 = tpu.memref_slice %arg2[%dma_start3A_259, %dma_start3A_260] : memref<10240x64xi32, #tpu.memory_space<hbm>> -> memref<10240x64xi32, #tpu.memory_space<hbm>>
      tpu.enqueue_indirect_dma source(%dma_start3A_261 : memref<10240x64xi32, #tpu.memory_space<hbm>>) target(%dma_start3A_255 : memref<128x64xi32, #tpu.memory_space<vmem>>) offsets(%dma_start3A_258 : memref<128xi32, #tpu.memory_space<vmem>>) semaphore(%arg17 : memref<!tpu.dma_semaphore, #tpu.memory_space<semaphore_mem>>)
      %dma_start3A_262 = arith.constant 1 : i32
      %dma_start3A_263 = arith.constant 1 : i32
      %dma_start3A_264 = arith.constant 0 : i32
      %dma_start3A_265 = arith.constant 0 : i32
      %dma_start3A_266 = tpu.memref_slice %arg12[%dma_start3A_263, %dma_start3A_264, %dma_start3A_265] : memref<2x128x64xi32, #tpu.memory_space<vmem>> -> memref<1x128x64xi32, #tpu.memory_space<vmem>>
      %dma_start3A_267 = tpu.memref_squeeze %dma_start3A_266 : memref<1x128x64xi32, #tpu.memory_space<vmem>> -> memref<128x64xi32, #tpu.memory_space<vmem>>
      %dma_start3A_268 = arith.constant 0 : i32
      %dma_start3A_269 = tpu.memref_slice %arg10[%dma_start3A_262, %dma_start3A_268] : memref<2x128xi32, #tpu.memory_space<vmem>> -> memref<1x128xi32, #tpu.memory_space<vmem>>
      %dma_start3A_270 = tpu.memref_squeeze %dma_start3A_269 : memref<1x128xi32, #tpu.memory_space<vmem>> -> memref<128xi32, #tpu.memory_space<vmem>>
      %dma_start3A_271 = arith.constant 0 : i32
      %dma_start3A_272 = arith.constant 0 : i32
      %dma_start3A_273 = tpu.memref_slice %arg3[%dma_start3A_271, %dma_start3A_272] : memref<10240x64xi32, #tpu.memory_space<hbm>> -> memref<10240x64xi32, #tpu.memory_space<hbm>>
      tpu.enqueue_indirect_dma source(%dma_start3A_273 : memref<10240x64xi32, #tpu.memory_space<hbm>>) target(%dma_start3A_267 : memref<128x64xi32, #tpu.memory_space<vmem>>) offsets(%dma_start3A_270 : memref<128xi32, #tpu.memory_space<vmem>>) semaphore(%arg17 : memref<!tpu.dma_semaphore, #tpu.memory_space<semaphore_mem>>)
      %add3A_274 = arith.constant 2 : i32
      %add3A_275 = arith.addi %add3A_203, %add3A_274 : i32
      %min3A = arith.constant 79 : i32
      %min3A_276 = arith.minsi %add3A_275, %min3A : i32
      %mul3A_277 = arith.constant 32 : i32
      %mul3A_278 = arith.muli %min3A_276, %mul3A_277 : i32
      %add3A_279 = arith.addi %mul3A_278, %add3A : i32
      %mul3A_280 = arith.constant 128 : i32
      %mul3A_281 = arith.muli %add3A_279, %mul3A_280 : i32
      %dma_start3A_282 = arith.constant 0 : i32
      %dma_start3A_283 = arith.constant 0 : i32
      %dma_start3A_284 = tpu.memref_slice %arg9[%dma_start3A_282, %dma_start3A_283] : memref<2x128xi32, #tpu.memory_space<vmem>> -> memref<1x128xi32, #tpu.memory_space<vmem>>
      %dma_start3A_285 = tpu.memref_squeeze %dma_start3A_284 : memref<1x128xi32, #tpu.memory_space<vmem>> -> memref<128xi32, #tpu.memory_space<vmem>>
      %dma_start3A_286 = tpu.memref_slice %arg4[%mul3A_281] : memref<327680xi32, #tpu.memory_space<hbm>> -> memref<128xi32, #tpu.memory_space<hbm>>
      %dma_start3A_287 = arith.constant 0 : i32
      %dma_start3A_288 = tpu.memref_slice %arg9[%dma_start3A_282, %dma_start3A_287] : memref<2x128xi32, #tpu.memory_space<vmem>> -> memref<1x128xi32, #tpu.memory_space<vmem>>
      %dma_start3A_289 = tpu.memref_squeeze %dma_start3A_288 : memref<1x128xi32, #tpu.memory_space<vmem>> -> memref<128xi32, #tpu.memory_space<vmem>>
      %dma_start3A_290 = tpu.memref_slice %arg4[%mul3A_281] : memref<327680xi32, #tpu.memory_space<hbm>> -> memref<128xi32, #tpu.memory_space<hbm>>
      tpu.enqueue_dma source(%dma_start3A_290 : memref<128xi32, #tpu.memory_space<hbm>>) target(%dma_start3A_289 : memref<128xi32, #tpu.memory_space<vmem>>) target_semaphore(%arg18 : memref<!tpu.dma_semaphore, #tpu.memory_space<semaphore_mem>>)
      %dma_start3A_291 = arith.constant 0 : i32
      %dma_start3A_292 = arith.constant 0 : i32
      %dma_start3A_293 = tpu.memref_slice %arg10[%dma_start3A_291, %dma_start3A_292] : memref<2x128xi32, #tpu.memory_space<vmem>> -> memref<1x128xi32, #tpu.memory_space<vmem>>
      %dma_start3A_294 = tpu.memref_squeeze %dma_start3A_293 : memref<1x128xi32, #tpu.memory_space<vmem>> -> memref<128xi32, #tpu.memory_space<vmem>>
      %dma_start3A_295 = tpu.memref_slice %arg5[%mul3A_281] : memref<327680xi32, #tpu.memory_space<hbm>> -> memref<128xi32, #tpu.memory_space<hbm>>
      %dma_start3A_296 = arith.constant 0 : i32
      %dma_start3A_297 = tpu.memref_slice %arg10[%dma_start3A_291, %dma_start3A_296] : memref<2x128xi32, #tpu.memory_space<vmem>> -> memref<1x128xi32, #tpu.memory_space<vmem>>
      %dma_start3A_298 = tpu.memref_squeeze %dma_start3A_297 : memref<1x128xi32, #tpu.memory_space<vmem>> -> memref<128xi32, #tpu.memory_space<vmem>>
      %dma_start3A_299 = tpu.memref_slice %arg5[%mul3A_281] : memref<327680xi32, #tpu.memory_space<hbm>> -> memref<128xi32, #tpu.memory_space<hbm>>
      tpu.enqueue_dma source(%dma_start3A_299 : memref<128xi32, #tpu.memory_space<hbm>>) target(%dma_start3A_298 : memref<128xi32, #tpu.memory_space<vmem>>) target_semaphore(%arg18 : memref<!tpu.dma_semaphore, #tpu.memory_space<semaphore_mem>>)
      %ge3A = arith.constant 2 : i32
      %ge3A_300 = arith.cmpi sge, %add3A_203, %ge3A : i32
      %convert_element_type3A = arith.extui %ge3A_300 : i1 to i32
      %cond3A = arith.constant 0 : i32
      %cond3A_301 = arith.cmpi ne, %convert_element_type3A, %cond3A : i32
      scf.if %cond3A_301 {
        %dma_wait3A_451 = arith.constant 0 : i32
        %dma_wait3A_452 = arith.constant 0 : i32
        %dma_wait3A_453 = tpu.memref_slice %arg13[%dma_wait3A_451, %dma_wait3A_452] : memref<2x2048xf32, #tpu.memory_space<vmem>> -> memref<1x2048xf32, #tpu.memory_space<vmem>>
        %dma_wait3A_454 = tpu.memref_squeeze %dma_wait3A_453 : memref<1x2048xf32, #tpu.memory_space<vmem>> -> memref<2048xf32, #tpu.memory_space<vmem>>
        %dma_wait3A_455 = arith.constant 0 : i32
        %dma_wait3A_456 = tpu.memref_slice %arg8[%dma_wait3A_455] : memref<5242880xf32, #tpu.memory_space<hbm>> -> memref<2048xf32, #tpu.memory_space<hbm>>
        %dma_wait3A_457 = arith.constant 0 : i32
        %dma_wait3A_458 = tpu.memref_slice %arg8[%dma_wait3A_457] : memref<5242880xf32, #tpu.memory_space<hbm>> -> memref<2048xf32, #tpu.memory_space<hbm>>
        %dma_wait3A_459 = arith.constant 0 : i32
        %dma_wait3A_460 = tpu.memref_slice %arg13[%dma_wait3A_451, %dma_wait3A_459] : memref<2x2048xf32, #tpu.memory_space<vmem>> -> memref<1x2048xf32, #tpu.memory_space<vmem>>
        %dma_wait3A_461 = tpu.memref_squeeze %dma_wait3A_460 : memref<1x2048xf32, #tpu.memory_space<vmem>> -> memref<2048xf32, #tpu.memory_space<vmem>>
        tpu.wait_dma2 semaphore(%arg20 : memref<!tpu.dma_semaphore, #tpu.memory_space<semaphore_mem>>) src(%dma_wait3A_461 : memref<2048xf32, #tpu.memory_space<vmem>>) dst(%dma_wait3A_458 : memref<2048xf32, #tpu.memory_space<hbm>>)
      } else {
      }
      %parallel_loop3A = arith.constant 0 : i32
      %parallel_loop3A_302 = arith.constant 128 : i32
      %parallel_loop3A_303 = arith.constant 1 : i32
      %parallel_loop3A_304 = arith.constant 0 : i32
      %parallel_loop3A_305 = arith.constant 0 : i32
      %parallel_loop3A_306 = arith.constant 0 : i32
      scf.for %parallel_loop3A_451 = %parallel_loop3A to %parallel_loop3A_302 step %parallel_loop3A_303  : i32 {
        %parallel_loop3A_452 = arith.constant 0 : i32
        %parallel_loop3A_453 = arith.constant 0 : i32
        %parallel_loop3A_454 = tpu.memref_slice %arg11[%parallel_loop3A_304, %parallel_loop3A_452, %parallel_loop3A_453] : memref<2x128x64xi32, #tpu.memory_space<vmem>> -> memref<1x128x64xi32, #tpu.memory_space<vmem>>
        %parallel_loop3A_455 = tpu.memref_squeeze %parallel_loop3A_454 : memref<1x128x64xi32, #tpu.memory_space<vmem>> -> memref<128x64xi32, #tpu.memory_space<vmem>>
        %parallel_loop3A_456 = arith.index_cast %parallel_loop3A_451 : i32 to index
        %parallel_loop3A_457 = arith.constant 0 : index
        %parallel_loop3A_458 = tpu.vector_load %parallel_loop3A_455[%parallel_loop3A_456, %parallel_loop3A_457] {strides = array<i32>} : memref<128x64xi32, #tpu.memory_space<vmem>>, vector<1x16xi32>,
        %parallel_loop3A_459 = vector.shape_cast %parallel_loop3A_458 : vector<1x16xi32> to vector<16xi32>
        %parallel_loop3A_460 = arith.constant 0 : i32
        %parallel_loop3A_461 = arith.constant 0 : i32
        %parallel_loop3A_462 = tpu.memref_slice %arg12[%parallel_loop3A_305, %parallel_loop3A_460, %parallel_loop3A_461] : memref<2x128x64xi32, #tpu.memory_space<vmem>> -> memref<1x128x64xi32, #tpu.memory_space<vmem>>
        %parallel_loop3A_463 = tpu.memref_squeeze %parallel_loop3A_462 : memref<1x128x64xi32, #tpu.memory_space<vmem>> -> memref<128x64xi32, #tpu.memory_space<vmem>>
        %parallel_loop3A_464 = arith.index_cast %parallel_loop3A_451 : i32 to index
        %parallel_loop3A_465 = arith.constant 0 : index
        %parallel_loop3A_466 = tpu.vector_load %parallel_loop3A_463[%parallel_loop3A_464, %parallel_loop3A_465] {strides = array<i32>} : memref<128x64xi32, #tpu.memory_space<vmem>>, vector<1x16xi32>,
        %parallel_loop3A_467 = vector.shape_cast %parallel_loop3A_466 : vector<1x16xi32> to vector<16xi32>
        %parallel_loop3A_468 = arith.constant 16 : i32
        %parallel_loop3A_469 = vector.broadcast %parallel_loop3A_468 : i32 to vector<16xi32>
        %parallel_loop3A_470 = arith.shli %parallel_loop3A_459, %parallel_loop3A_469 : vector<16xi32>
        %parallel_loop3A_471 = arith.constant 16 : i32
        %parallel_loop3A_472 = vector.broadcast %parallel_loop3A_471 : i32 to vector<16xi32>
        %parallel_loop3A_473 = arith.shrsi %parallel_loop3A_470, %parallel_loop3A_472 : vector<16xi32>
        %parallel_loop3A_474 = arith.constant 16 : i32
        %parallel_loop3A_475 = vector.broadcast %parallel_loop3A_474 : i32 to vector<16xi32>
        %parallel_loop3A_476 = arith.shli %parallel_loop3A_467, %parallel_loop3A_475 : vector<16xi32>
        %parallel_loop3A_477 = arith.constant 16 : i32
        %parallel_loop3A_478 = vector.broadcast %parallel_loop3A_477 : i32 to vector<16xi32>
        %parallel_loop3A_479 = arith.shrsi %parallel_loop3A_476, %parallel_loop3A_478 : vector<16xi32>
        %parallel_loop3A_480 = arith.addi %parallel_loop3A_473, %parallel_loop3A_479 : vector<16xi32>
        %parallel_loop3A_481 = arith.constant 16 : i32
        %parallel_loop3A_482 = vector.broadcast %parallel_loop3A_481 : i32 to vector<16xi32>
        %parallel_loop3A_483 = arith.shrsi %parallel_loop3A_459, %parallel_loop3A_482 : vector<16xi32>
        %parallel_loop3A_484 = arith.constant 16 : i32
        %parallel_loop3A_485 = vector.broadcast %parallel_loop3A_484 : i32 to vector<16xi32>
        %parallel_loop3A_486 = arith.shrsi %parallel_loop3A_467, %parallel_loop3A_485 : vector<16xi32>
        %parallel_loop3A_487 = arith.addi %parallel_loop3A_483, %parallel_loop3A_486 : vector<16xi32>
        %parallel_loop3A_488 = arith.constant 0 : i32
        %parallel_loop3A_489 = vector.broadcast %parallel_loop3A_488 : i32 to vector<16xi32>
        %parallel_loop3A_490 = arith.maxsi %parallel_loop3A_480, %parallel_loop3A_489 : vector<16xi32>
        %parallel_loop3A_491 = arith.sitofp %parallel_loop3A_490 : vector<16xi32> to vector<16xf32>
        %parallel_loop3A_492 = arith.constant 0 : i32
        %parallel_loop3A_493 = vector.broadcast %parallel_loop3A_492 : i32 to vector<16xi32>
        %parallel_loop3A_494 = arith.maxsi %parallel_loop3A_487, %parallel_loop3A_493 : vector<16xi32>
        %parallel_loop3A_495 = arith.sitofp %parallel_loop3A_494 : vector<16xi32> to vector<16xf32>
        %parallel_loop3A_496 = arith.mulf %parallel_loop3A_491, %mul3A_9 : vector<16xf32>
        %parallel_loop3A_497 = arith.mulf %parallel_loop3A_495, %mul3A_25 : vector<16xf32>
        %parallel_loop3A_498 = arith.constant 0 : i32
        %parallel_loop3A_499 = arith.constant 0 : i32
        %parallel_loop3A_500 = tpu.memref_slice %arg11[%parallel_loop3A_304, %parallel_loop3A_498, %parallel_loop3A_499] : memref<2x128x64xi32, #tpu.memory_space<vmem>> -> memref<1x128x64xi32, #tpu.memory_space<vmem>>
        %parallel_loop3A_501 = tpu.memref_squeeze %parallel_loop3A_500 : memref<1x128x64xi32, #tpu.memory_space<vmem>> -> memref<128x64xi32, #tpu.memory_space<vmem>>
        %parallel_loop3A_502 = arith.index_cast %parallel_loop3A_451 : i32 to index
        %parallel_loop3A_503 = arith.constant 16 : index
        %parallel_loop3A_504 = tpu.vector_load %parallel_loop3A_501[%parallel_loop3A_502, %parallel_loop3A_503] {strides = array<i32>} : memref<128x64xi32, #tpu.memory_space<vmem>>, vector<1x16xi32>,
        %parallel_loop3A_505 = vector.shape_cast %parallel_loop3A_504 : vector<1x16xi32> to vector<16xi32>
        %parallel_loop3A_506 = arith.constant 0 : i32
        %parallel_loop3A_507 = arith.constant 0 : i32
        %parallel_loop3A_508 = tpu.memref_slice %arg12[%parallel_loop3A_305, %parallel_loop3A_506, %parallel_loop3A_507] : memref<2x128x64xi32, #tpu.memory_space<vmem>> -> memref<1x128x64xi32, #tpu.memory_space<vmem>>
        %parallel_loop3A_509 = tpu.memref_squeeze %parallel_loop3A_508 : memref<1x128x64xi32, #tpu.memory_space<vmem>> -> memref<128x64xi32, #tpu.memory_space<vmem>>
        %parallel_loop3A_510 = arith.index_cast %parallel_loop3A_451 : i32 to index
        %parallel_loop3A_511 = arith.constant 16 : index
        %parallel_loop3A_512 = tpu.vector_load %parallel_loop3A_509[%parallel_loop3A_510, %parallel_loop3A_511] {strides = array<i32>} : memref<128x64xi32, #tpu.memory_space<vmem>>, vector<1x16xi32>,
        %parallel_loop3A_513 = vector.shape_cast %parallel_loop3A_512 : vector<1x16xi32> to vector<16xi32>
        %parallel_loop3A_514 = arith.constant 16 : i32
        %parallel_loop3A_515 = vector.broadcast %parallel_loop3A_514 : i32 to vector<16xi32>
        %parallel_loop3A_516 = arith.shli %parallel_loop3A_505, %parallel_loop3A_515 : vector<16xi32>
        %parallel_loop3A_517 = arith.constant 16 : i32
        %parallel_loop3A_518 = vector.broadcast %parallel_loop3A_517 : i32 to vector<16xi32>
        %parallel_loop3A_519 = arith.shrsi %parallel_loop3A_516, %parallel_loop3A_518 : vector<16xi32>
        %parallel_loop3A_520 = arith.constant 16 : i32
        %parallel_loop3A_521 = vector.broadcast %parallel_loop3A_520 : i32 to vector<16xi32>
        %parallel_loop3A_522 = arith.shli %parallel_loop3A_513, %parallel_loop3A_521 : vector<16xi32>
        %parallel_loop3A_523 = arith.constant 16 : i32
        %parallel_loop3A_524 = vector.broadcast %parallel_loop3A_523 : i32 to vector<16xi32>
        %parallel_loop3A_525 = arith.shrsi %parallel_loop3A_522, %parallel_loop3A_524 : vector<16xi32>
        %parallel_loop3A_526 = arith.addi %parallel_loop3A_519, %parallel_loop3A_525 : vector<16xi32>
        %parallel_loop3A_527 = arith.constant 16 : i32
        %parallel_loop3A_528 = vector.broadcast %parallel_loop3A_527 : i32 to vector<16xi32>
        %parallel_loop3A_529 = arith.shrsi %parallel_loop3A_505, %parallel_loop3A_528 : vector<16xi32>
        %parallel_loop3A_530 = arith.constant 16 : i32
        %parallel_loop3A_531 = vector.broadcast %parallel_loop3A_530 : i32 to vector<16xi32>
        %parallel_loop3A_532 = arith.shrsi %parallel_loop3A_513, %parallel_loop3A_531 : vector<16xi32>
        %parallel_loop3A_533 = arith.addi %parallel_loop3A_529, %parallel_loop3A_532 : vector<16xi32>
        %parallel_loop3A_534 = arith.constant 0 : i32
        %parallel_loop3A_535 = vector.broadcast %parallel_loop3A_534 : i32 to vector<16xi32>
        %parallel_loop3A_536 = arith.maxsi %parallel_loop3A_526, %parallel_loop3A_535 : vector<16xi32>
        %parallel_loop3A_537 = arith.sitofp %parallel_loop3A_536 : vector<16xi32> to vector<16xf32>
        %parallel_loop3A_538 = arith.constant 0 : i32
        %parallel_loop3A_539 = vector.broadcast %parallel_loop3A_538 : i32 to vector<16xi32>
        %parallel_loop3A_540 = arith.maxsi %parallel_loop3A_533, %parallel_loop3A_539 : vector<16xi32>
        %parallel_loop3A_541 = arith.sitofp %parallel_loop3A_540 : vector<16xi32> to vector<16xf32>
        %parallel_loop3A_542 = arith.mulf %parallel_loop3A_537, %mul3A_13 : vector<16xf32>
        %parallel_loop3A_543 = arith.mulf %parallel_loop3A_541, %mul3A_29 : vector<16xf32>
        %parallel_loop3A_544 = arith.constant 0 : i32
        %parallel_loop3A_545 = arith.constant 0 : i32
        %parallel_loop3A_546 = tpu.memref_slice %arg11[%parallel_loop3A_304, %parallel_loop3A_544, %parallel_loop3A_545] : memref<2x128x64xi32, #tpu.memory_space<vmem>> -> memref<1x128x64xi32, #tpu.memory_space<vmem>>
        %parallel_loop3A_547 = tpu.memref_squeeze %parallel_loop3A_546 : memref<1x128x64xi32, #tpu.memory_space<vmem>> -> memref<128x64xi32, #tpu.memory_space<vmem>>
        %parallel_loop3A_548 = arith.index_cast %parallel_loop3A_451 : i32 to index
        %parallel_loop3A_549 = arith.constant 32 : index
        %parallel_loop3A_550 = tpu.vector_load %parallel_loop3A_547[%parallel_loop3A_548, %parallel_loop3A_549] {strides = array<i32>} : memref<128x64xi32, #tpu.memory_space<vmem>>, vector<1x16xi32>,
        %parallel_loop3A_551 = vector.shape_cast %parallel_loop3A_550 : vector<1x16xi32> to vector<16xi32>
        %parallel_loop3A_552 = arith.constant 0 : i32
        %parallel_loop3A_553 = arith.constant 0 : i32
        %parallel_loop3A_554 = tpu.memref_slice %arg12[%parallel_loop3A_305, %parallel_loop3A_552, %parallel_loop3A_553] : memref<2x128x64xi32, #tpu.memory_space<vmem>> -> memref<1x128x64xi32, #tpu.memory_space<vmem>>
        %parallel_loop3A_555 = tpu.memref_squeeze %parallel_loop3A_554 : memref<1x128x64xi32, #tpu.memory_space<vmem>> -> memref<128x64xi32, #tpu.memory_space<vmem>>
        %parallel_loop3A_556 = arith.index_cast %parallel_loop3A_451 : i32 to index
        %parallel_loop3A_557 = arith.constant 32 : index
        %parallel_loop3A_558 = tpu.vector_load %parallel_loop3A_555[%parallel_loop3A_556, %parallel_loop3A_557] {strides = array<i32>} : memref<128x64xi32, #tpu.memory_space<vmem>>, vector<1x16xi32>,
        %parallel_loop3A_559 = vector.shape_cast %parallel_loop3A_558 : vector<1x16xi32> to vector<16xi32>
        %parallel_loop3A_560 = arith.constant 16 : i32
        %parallel_loop3A_561 = vector.broadcast %parallel_loop3A_560 : i32 to vector<16xi32>
        %parallel_loop3A_562 = arith.shli %parallel_loop3A_551, %parallel_loop3A_561 : vector<16xi32>
        %parallel_loop3A_563 = arith.constant 16 : i32
        %parallel_loop3A_564 = vector.broadcast %parallel_loop3A_563 : i32 to vector<16xi32>
        %parallel_loop3A_565 = arith.shrsi %parallel_loop3A_562, %parallel_loop3A_564 : vector<16xi32>
        %parallel_loop3A_566 = arith.constant 16 : i32
        %parallel_loop3A_567 = vector.broadcast %parallel_loop3A_566 : i32 to vector<16xi32>
        %parallel_loop3A_568 = arith.shli %parallel_loop3A_559, %parallel_loop3A_567 : vector<16xi32>
        %parallel_loop3A_569 = arith.constant 16 : i32
        %parallel_loop3A_570 = vector.broadcast %parallel_loop3A_569 : i32 to vector<16xi32>
        %parallel_loop3A_571 = arith.shrsi %parallel_loop3A_568, %parallel_loop3A_570 : vector<16xi32>
        %parallel_loop3A_572 = arith.addi %parallel_loop3A_565, %parallel_loop3A_571 : vector<16xi32>
        %parallel_loop3A_573 = arith.constant 16 : i32
        %parallel_loop3A_574 = vector.broadcast %parallel_loop3A_573 : i32 to vector<16xi32>
        %parallel_loop3A_575 = arith.shrsi %parallel_loop3A_551, %parallel_loop3A_574 : vector<16xi32>
        %parallel_loop3A_576 = arith.constant 16 : i32
        %parallel_loop3A_577 = vector.broadcast %parallel_loop3A_576 : i32 to vector<16xi32>
        %parallel_loop3A_578 = arith.shrsi %parallel_loop3A_559, %parallel_loop3A_577 : vector<16xi32>
        %parallel_loop3A_579 = arith.addi %parallel_loop3A_575, %parallel_loop3A_578 : vector<16xi32>
        %parallel_loop3A_580 = arith.constant 0 : i32
        %parallel_loop3A_581 = vector.broadcast %parallel_loop3A_580 : i32 to vector<16xi32>
        %parallel_loop3A_582 = arith.maxsi %parallel_loop3A_572, %parallel_loop3A_581 : vector<16xi32>
        %parallel_loop3A_583 = arith.sitofp %parallel_loop3A_582 : vector<16xi32> to vector<16xf32>
        %parallel_loop3A_584 = arith.constant 0 : i32
        %parallel_loop3A_585 = vector.broadcast %parallel_loop3A_584 : i32 to vector<16xi32>
        %parallel_loop3A_586 = arith.maxsi %parallel_loop3A_579, %parallel_loop3A_585 : vector<16xi32>
        %parallel_loop3A_587 = arith.sitofp %parallel_loop3A_586 : vector<16xi32> to vector<16xf32>
        %parallel_loop3A_588 = arith.mulf %parallel_loop3A_583, %mul3A_17 : vector<16xf32>
        %parallel_loop3A_589 = arith.mulf %parallel_loop3A_587, %mul3A_33 : vector<16xf32>
        %parallel_loop3A_590 = arith.constant 0 : i32
        %parallel_loop3A_591 = arith.constant 0 : i32
        %parallel_loop3A_592 = tpu.memref_slice %arg11[%parallel_loop3A_304, %parallel_loop3A_590, %parallel_loop3A_591] : memref<2x128x64xi32, #tpu.memory_space<vmem>> -> memref<1x128x64xi32, #tpu.memory_space<vmem>>
        %parallel_loop3A_593 = tpu.memref_squeeze %parallel_loop3A_592 : memref<1x128x64xi32, #tpu.memory_space<vmem>> -> memref<128x64xi32, #tpu.memory_space<vmem>>
        %parallel_loop3A_594 = arith.index_cast %parallel_loop3A_451 : i32 to index
        %parallel_loop3A_595 = arith.constant 48 : index
        %parallel_loop3A_596 = tpu.vector_load %parallel_loop3A_593[%parallel_loop3A_594, %parallel_loop3A_595] {strides = array<i32>} : memref<128x64xi32, #tpu.memory_space<vmem>>, vector<1x16xi32>,
        %parallel_loop3A_597 = vector.shape_cast %parallel_loop3A_596 : vector<1x16xi32> to vector<16xi32>
        %parallel_loop3A_598 = arith.constant 0 : i32
        %parallel_loop3A_599 = arith.constant 0 : i32
        %parallel_loop3A_600 = tpu.memref_slice %arg12[%parallel_loop3A_305, %parallel_loop3A_598, %parallel_loop3A_599] : memref<2x128x64xi32, #tpu.memory_space<vmem>> -> memref<1x128x64xi32, #tpu.memory_space<vmem>>
        %parallel_loop3A_601 = tpu.memref_squeeze %parallel_loop3A_600 : memref<1x128x64xi32, #tpu.memory_space<vmem>> -> memref<128x64xi32, #tpu.memory_space<vmem>>
        %parallel_loop3A_602 = arith.index_cast %parallel_loop3A_451 : i32 to index
        %parallel_loop3A_603 = arith.constant 48 : index
        %parallel_loop3A_604 = tpu.vector_load %parallel_loop3A_601[%parallel_loop3A_602, %parallel_loop3A_603] {strides = array<i32>} : memref<128x64xi32, #tpu.memory_space<vmem>>, vector<1x16xi32>,
        %parallel_loop3A_605 = vector.shape_cast %parallel_loop3A_604 : vector<1x16xi32> to vector<16xi32>
        %parallel_loop3A_606 = arith.constant 16 : i32
        %parallel_loop3A_607 = vector.broadcast %parallel_loop3A_606 : i32 to vector<16xi32>
        %parallel_loop3A_608 = arith.shli %parallel_loop3A_597, %parallel_loop3A_607 : vector<16xi32>
        %parallel_loop3A_609 = arith.constant 16 : i32
        %parallel_loop3A_610 = vector.broadcast %parallel_loop3A_609 : i32 to vector<16xi32>
        %parallel_loop3A_611 = arith.shrsi %parallel_loop3A_608, %parallel_loop3A_610 : vector<16xi32>
        %parallel_loop3A_612 = arith.constant 16 : i32
        %parallel_loop3A_613 = vector.broadcast %parallel_loop3A_612 : i32 to vector<16xi32>
        %parallel_loop3A_614 = arith.shli %parallel_loop3A_605, %parallel_loop3A_613 : vector<16xi32>
        %parallel_loop3A_615 = arith.constant 16 : i32
        %parallel_loop3A_616 = vector.broadcast %parallel_loop3A_615 : i32 to vector<16xi32>
        %parallel_loop3A_617 = arith.shrsi %parallel_loop3A_614, %parallel_loop3A_616 : vector<16xi32>
        %parallel_loop3A_618 = arith.addi %parallel_loop3A_611, %parallel_loop3A_617 : vector<16xi32>
        %parallel_loop3A_619 = arith.constant 16 : i32
        %parallel_loop3A_620 = vector.broadcast %parallel_loop3A_619 : i32 to vector<16xi32>
        %parallel_loop3A_621 = arith.shrsi %parallel_loop3A_597, %parallel_loop3A_620 : vector<16xi32>
        %parallel_loop3A_622 = arith.constant 16 : i32
        %parallel_loop3A_623 = vector.broadcast %parallel_loop3A_622 : i32 to vector<16xi32>
        %parallel_loop3A_624 = arith.shrsi %parallel_loop3A_605, %parallel_loop3A_623 : vector<16xi32>
        %parallel_loop3A_625 = arith.addi %parallel_loop3A_621, %parallel_loop3A_624 : vector<16xi32>
        %parallel_loop3A_626 = arith.constant 0 : i32
        %parallel_loop3A_627 = vector.broadcast %parallel_loop3A_626 : i32 to vector<16xi32>
        %parallel_loop3A_628 = arith.maxsi %parallel_loop3A_618, %parallel_loop3A_627 : vector<16xi32>
        %parallel_loop3A_629 = arith.sitofp %parallel_loop3A_628 : vector<16xi32> to vector<16xf32>
        %parallel_loop3A_630 = arith.constant 0 : i32
        %parallel_loop3A_631 = vector.broadcast %parallel_loop3A_630 : i32 to vector<16xi32>
        %parallel_loop3A_632 = arith.maxsi %parallel_loop3A_625, %parallel_loop3A_631 : vector<16xi32>
        %parallel_loop3A_633 = arith.sitofp %parallel_loop3A_632 : vector<16xi32> to vector<16xf32>
        %parallel_loop3A_634 = arith.mulf %parallel_loop3A_629, %mul3A_21 : vector<16xf32>
        %parallel_loop3A_635 = arith.mulf %parallel_loop3A_633, %mul3A_37 : vector<16xf32>
        %parallel_loop3A_636 = arith.addf %parallel_loop3A_496, %parallel_loop3A_497 : vector<16xf32>
        %parallel_loop3A_637 = arith.addf %parallel_loop3A_542, %parallel_loop3A_543 : vector<16xf32>
        %parallel_loop3A_638 = arith.addf %parallel_loop3A_588, %parallel_loop3A_589 : vector<16xf32>
        %parallel_loop3A_639 = arith.addf %parallel_loop3A_634, %parallel_loop3A_635 : vector<16xf32>
        %parallel_loop3A_640 = arith.addf %parallel_loop3A_636, %parallel_loop3A_637 : vector<16xf32>
        %parallel_loop3A_641 = arith.addf %parallel_loop3A_638, %parallel_loop3A_639 : vector<16xf32>
        %parallel_loop3A_642 = arith.addf %parallel_loop3A_640, %parallel_loop3A_641 : vector<16xf32>
        %parallel_loop3A_643 = arith.constant 16 : i32
        %parallel_loop3A_644 = arith.muli %parallel_loop3A_451, %parallel_loop3A_643 : i32
        %parallel_loop3A_645 = arith.constant 0 : i32
        %parallel_loop3A_646 = tpu.memref_slice %arg13[%parallel_loop3A_306, %parallel_loop3A_645] : memref<2x2048xf32, #tpu.memory_space<vmem>> -> memref<1x2048xf32, #tpu.memory_space<vmem>>
        %parallel_loop3A_647 = tpu.memref_squeeze %parallel_loop3A_646 : memref<1x2048xf32, #tpu.memory_space<vmem>> -> memref<2048xf32, #tpu.memory_space<vmem>>
        %parallel_loop3A_648 = arith.index_cast %parallel_loop3A_644 : i32 to index
        %parallel_loop3A_649 = tpu.vector_load %parallel_loop3A_647[%parallel_loop3A_648] {strides = array<i32>} : memref<2048xf32, #tpu.memory_space<vmem>>, vector<16xf32>,
        %parallel_loop3A_650 = vector.shape_cast %parallel_loop3A_649 : vector<16xf32> to vector<16xf32>
        %parallel_loop3A_651 = vector.shape_cast %parallel_loop3A_642 : vector<16xf32> to vector<16xf32>
        tpu.vector_store %parallel_loop3A_647[%parallel_loop3A_648], %parallel_loop3A_651 {strides = array<i32>} : memref<2048xf32, #tpu.memory_space<vmem>>, vector<16xf32>,
      } {sc.loop_unroll_factor = 4 : i64, sc.parallel_access}
      %mul3A_307 = arith.constant 32 : i32
      %mul3A_308 = arith.muli %add3A_203, %mul3A_307 : i32
      %add3A_309 = arith.addi %mul3A_308, %add3A : i32
      %mul3A_310 = arith.constant 128 : i32
      %mul3A_311 = arith.muli %add3A_309, %mul3A_310 : i32
      %mul3A_312 = arith.constant 16 : i32
      %mul3A_313 = arith.muli %mul3A_311, %mul3A_312 : i32
      %dma_start3A_314 = arith.constant 0 : i32
      %dma_start3A_315 = arith.constant 0 : i32
      %dma_start3A_316 = tpu.memref_slice %arg13[%dma_start3A_314, %dma_start3A_315] : memref<2x2048xf32, #tpu.memory_space<vmem>> -> memref<1x2048xf32, #tpu.memory_space<vmem>>
      %dma_start3A_317 = tpu.memref_squeeze %dma_start3A_316 : memref<1x2048xf32, #tpu.memory_space<vmem>> -> memref<2048xf32, #tpu.memory_space<vmem>>
      %dma_start3A_318 = tpu.memref_slice %arg8[%mul3A_313] : memref<5242880xf32, #tpu.memory_space<hbm>> -> memref<2048xf32, #tpu.memory_space<hbm>>
      %dma_start3A_319 = tpu.memref_slice %arg8[%mul3A_313] : memref<5242880xf32, #tpu.memory_space<hbm>> -> memref<2048xf32, #tpu.memory_space<hbm>>
      %dma_start3A_320 = arith.constant 0 : i32
      %dma_start3A_321 = tpu.memref_slice %arg13[%dma_start3A_314, %dma_start3A_320] : memref<2x2048xf32, #tpu.memory_space<vmem>> -> memref<1x2048xf32, #tpu.memory_space<vmem>>
      %dma_start3A_322 = tpu.memref_squeeze %dma_start3A_321 : memref<1x2048xf32, #tpu.memory_space<vmem>> -> memref<2048xf32, #tpu.memory_space<vmem>>
      tpu.enqueue_dma source(%dma_start3A_322 : memref<2048xf32, #tpu.memory_space<vmem>>) target(%dma_start3A_319 : memref<2048xf32, #tpu.memory_space<hbm>>) target_semaphore(%arg20 : memref<!tpu.dma_semaphore, #tpu.memory_space<semaphore_mem>>)
      %mul3A_323 = arith.constant 2 : i32
      %mul3A_324 = arith.muli %mul3A_323, %scan3A_199 : i32
      %add3A_325 = arith.constant 1 : i32
      %add3A_326 = arith.addi %mul3A_324, %add3A_325 : i32
      %dma_wait3A_327 = arith.constant 0 : i32
      %dma_wait3A_328 = arith.constant 0 : i32
      %dma_wait3A_329 = tpu.memref_slice %arg9[%dma_wait3A_327, %dma_wait3A_328] : memref<2x128xi32, #tpu.memory_space<vmem>> -> memref<1x128xi32, #tpu.memory_space<vmem>>
      %dma_wait3A_330 = tpu.memref_squeeze %dma_wait3A_329 : memref<1x128xi32, #tpu.memory_space<vmem>> -> memref<128xi32, #tpu.memory_space<vmem>>
      %dma_wait3A_331 = arith.constant 0 : i32
      %dma_wait3A_332 = tpu.memref_slice %arg4[%dma_wait3A_331] : memref<327680xi32, #tpu.memory_space<hbm>> -> memref<128xi32, #tpu.memory_space<hbm>>
      %dma_wait3A_333 = arith.constant 0 : i32
      %dma_wait3A_334 = tpu.memref_slice %arg9[%dma_wait3A_327, %dma_wait3A_333] : memref<2x128xi32, #tpu.memory_space<vmem>> -> memref<1x128xi32, #tpu.memory_space<vmem>>
      %dma_wait3A_335 = tpu.memref_squeeze %dma_wait3A_334 : memref<1x128xi32, #tpu.memory_space<vmem>> -> memref<128xi32, #tpu.memory_space<vmem>>
      %dma_wait3A_336 = arith.constant 0 : i32
      %dma_wait3A_337 = tpu.memref_slice %arg4[%dma_wait3A_336] : memref<327680xi32, #tpu.memory_space<hbm>> -> memref<128xi32, #tpu.memory_space<hbm>>
      tpu.wait_dma2 semaphore(%arg18 : memref<!tpu.dma_semaphore, #tpu.memory_space<semaphore_mem>>) src(%dma_wait3A_337 : memref<128xi32, #tpu.memory_space<hbm>>) dst(%dma_wait3A_335 : memref<128xi32, #tpu.memory_space<vmem>>)
      %dma_wait3A_338 = arith.constant 0 : i32
      %dma_wait3A_339 = arith.constant 0 : i32
      %dma_wait3A_340 = tpu.memref_slice %arg10[%dma_wait3A_338, %dma_wait3A_339] : memref<2x128xi32, #tpu.memory_space<vmem>> -> memref<1x128xi32, #tpu.memory_space<vmem>>
      %dma_wait3A_341 = tpu.memref_squeeze %dma_wait3A_340 : memref<1x128xi32, #tpu.memory_space<vmem>> -> memref<128xi32, #tpu.memory_space<vmem>>
      %dma_wait3A_342 = arith.constant 0 : i32
      %dma_wait3A_343 = tpu.memref_slice %arg4[%dma_wait3A_342] : memref<327680xi32, #tpu.memory_space<hbm>> -> memref<128xi32, #tpu.memory_space<hbm>>
      %dma_wait3A_344 = arith.constant 0 : i32
      %dma_wait3A_345 = tpu.memref_slice %arg10[%dma_wait3A_338, %dma_wait3A_344] : memref<2x128xi32, #tpu.memory_space<vmem>> -> memref<1x128xi32, #tpu.memory_space<vmem>>
      %dma_wait3A_346 = tpu.memref_squeeze %dma_wait3A_345 : memref<1x128xi32, #tpu.memory_space<vmem>> -> memref<128xi32, #tpu.memory_space<vmem>>
      %dma_wait3A_347 = arith.constant 0 : i32
      %dma_wait3A_348 = tpu.memref_slice %arg4[%dma_wait3A_347] : memref<327680xi32, #tpu.memory_space<hbm>> -> memref<128xi32, #tpu.memory_space<hbm>>
      tpu.wait_dma2 semaphore(%arg18 : memref<!tpu.dma_semaphore, #tpu.memory_space<semaphore_mem>>) src(%dma_wait3A_348 : memref<128xi32, #tpu.memory_space<hbm>>) dst(%dma_wait3A_346 : memref<128xi32, #tpu.memory_space<vmem>>)
      %dma_wait3A_349 = arith.constant 1 : i32
      %dma_wait3A_350 = arith.constant 1 : i32
      %dma_wait3A_351 = arith.constant 0 : i32
      %dma_wait3A_352 = arith.constant 0 : i32
      %dma_wait3A_353 = tpu.memref_slice %arg11[%dma_wait3A_350, %dma_wait3A_351, %dma_wait3A_352] : memref<2x128x64xi32, #tpu.memory_space<vmem>> -> memref<1x128x64xi32, #tpu.memory_space<vmem>>
      %dma_wait3A_354 = tpu.memref_squeeze %dma_wait3A_353 : memref<1x128x64xi32, #tpu.memory_space<vmem>> -> memref<128x64xi32, #tpu.memory_space<vmem>>
      %dma_wait3A_355 = arith.constant 0 : i32
      %dma_wait3A_356 = tpu.memref_slice %arg9[%dma_wait3A_349, %dma_wait3A_355] : memref<2x128xi32, #tpu.memory_space<vmem>> -> memref<1x128xi32, #tpu.memory_space<vmem>>
      %dma_wait3A_357 = tpu.memref_squeeze %dma_wait3A_356 : memref<1x128xi32, #tpu.memory_space<vmem>> -> memref<128xi32, #tpu.memory_space<vmem>>
      %dma_wait3A_358 = arith.constant 0 : i32
      %dma_wait3A_359 = arith.constant 0 : i32
      %dma_wait3A_360 = tpu.memref_slice %arg2[%dma_wait3A_358, %dma_wait3A_359] : memref<10240x64xi32, #tpu.memory_space<hbm>> -> memref<10240x64xi32, #tpu.memory_space<hbm>>
      tpu.wait_indirect_dma semaphore(%arg17 : memref<!tpu.dma_semaphore, #tpu.memory_space<semaphore_mem>>) src(%dma_wait3A_360 : memref<10240x64xi32, #tpu.memory_space<hbm>>) dst(%dma_wait3A_354 : memref<128x64xi32, #tpu.memory_space<vmem>>)
      %dma_wait3A_361 = arith.constant 1 : i32
      %dma_wait3A_362 = arith.constant 1 : i32
      %dma_wait3A_363 = arith.constant 0 : i32
      %dma_wait3A_364 = arith.constant 0 : i32
      %dma_wait3A_365 = tpu.memref_slice %arg12[%dma_wait3A_362, %dma_wait3A_363, %dma_wait3A_364] : memref<2x128x64xi32, #tpu.memory_space<vmem>> -> memref<1x128x64xi32, #tpu.memory_space<vmem>>
      %dma_wait3A_366 = tpu.memref_squeeze %dma_wait3A_365 : memref<1x128x64xi32, #tpu.memory_space<vmem>> -> memref<128x64xi32, #tpu.memory_space<vmem>>
      %dma_wait3A_367 = arith.constant 0 : i32
      %dma_wait3A_368 = tpu.memref_slice %arg10[%dma_wait3A_361, %dma_wait3A_367] : memref<2x128xi32, #tpu.memory_space<vmem>> -> memref<1x128xi32, #tpu.memory_space<vmem>>
      %dma_wait3A_369 = tpu.memref_squeeze %dma_wait3A_368 : memref<1x128xi32, #tpu.memory_space<vmem>> -> memref<128xi32, #tpu.memory_space<vmem>>
      %dma_wait3A_370 = arith.constant 0 : i32
      %dma_wait3A_371 = arith.constant 0 : i32
      %dma_wait3A_372 = tpu.memref_slice %arg3[%dma_wait3A_370, %dma_wait3A_371] : memref<10240x64xi32, #tpu.memory_space<hbm>> -> memref<10240x64xi32, #tpu.memory_space<hbm>>
      tpu.wait_indirect_dma semaphore(%arg17 : memref<!tpu.dma_semaphore, #tpu.memory_space<semaphore_mem>>) src(%dma_wait3A_372 : memref<10240x64xi32, #tpu.memory_space<hbm>>) dst(%dma_wait3A_366 : memref<128x64xi32, #tpu.memory_space<vmem>>)
      %dma_start3A_373 = arith.constant 0 : i32
      %dma_start3A_374 = arith.constant 0 : i32
      %dma_start3A_375 = arith.constant 0 : i32
      %dma_start3A_376 = arith.constant 0 : i32
      %dma_start3A_377 = tpu.memref_slice %arg11[%dma_start3A_374, %dma_start3A_375, %dma_start3A_376] : memref<2x128x64xi32, #tpu.memory_space<vmem>> -> memref<1x128x64xi32, #tpu.memory_space<vmem>>
      %dma_start3A_378 = tpu.memref_squeeze %dma_start3A_377 : memref<1x128x64xi32, #tpu.memory_space<vmem>> -> memref<128x64xi32, #tpu.memory_space<vmem>>
      %dma_start3A_379 = arith.constant 0 : i32
      %dma_start3A_380 = tpu.memref_slice %arg9[%dma_start3A_373, %dma_start3A_379] : memref<2x128xi32, #tpu.memory_space<vmem>> -> memref<1x128xi32, #tpu.memory_space<vmem>>
      %dma_start3A_381 = tpu.memref_squeeze %dma_start3A_380 : memref<1x128xi32, #tpu.memory_space<vmem>> -> memref<128xi32, #tpu.memory_space<vmem>>
      %dma_start3A_382 = arith.constant 0 : i32
      %dma_start3A_383 = arith.constant 0 : i32
      %dma_start3A_384 = tpu.memref_slice %arg2[%dma_start3A_382, %dma_start3A_383] : memref<10240x64xi32, #tpu.memory_space<hbm>> -> memref<10240x64xi32, #tpu.memory_space<hbm>>
      tpu.enqueue_indirect_dma source(%dma_start3A_384 : memref<10240x64xi32, #tpu.memory_space<hbm>>) target(%dma_start3A_378 : memref<128x64xi32, #tpu.memory_space<vmem>>) offsets(%dma_start3A_381 : memref<128xi32, #tpu.memory_space<vmem>>) semaphore(%arg16 : memref<!tpu.dma_semaphore, #tpu.memory_space<semaphore_mem>>)
      %dma_start3A_385 = arith.constant 0 : i32
      %dma_start3A_386 = arith.constant 0 : i32
      %dma_start3A_387 = arith.constant 0 : i32
      %dma_start3A_388 = arith.constant 0 : i32
      %dma_start3A_389 = tpu.memref_slice %arg12[%dma_start3A_386, %dma_start3A_387, %dma_start3A_388] : memref<2x128x64xi32, #tpu.memory_space<vmem>> -> memref<1x128x64xi32, #tpu.memory_space<vmem>>
      %dma_start3A_390 = tpu.memref_squeeze %dma_start3A_389 : memref<1x128x64xi32, #tpu.memory_space<vmem>> -> memref<128x64xi32, #tpu.memory_space<vmem>>
      %dma_start3A_391 = arith.constant 0 : i32
      %dma_start3A_392 = tpu.memref_slice %arg10[%dma_start3A_385, %dma_start3A_391] : memref<2x128xi32, #tpu.memory_space<vmem>> -> memref<1x128xi32, #tpu.memory_space<vmem>>
      %dma_start3A_393 = tpu.memref_squeeze %dma_start3A_392 : memref<1x128xi32, #tpu.memory_space<vmem>> -> memref<128xi32, #tpu.memory_space<vmem>>
      %dma_start3A_394 = arith.constant 0 : i32
      %dma_start3A_395 = arith.constant 0 : i32
      %dma_start3A_396 = tpu.memref_slice %arg3[%dma_start3A_394, %dma_start3A_395] : memref<10240x64xi32, #tpu.memory_space<hbm>> -> memref<10240x64xi32, #tpu.memory_space<hbm>>
      tpu.enqueue_indirect_dma source(%dma_start3A_396 : memref<10240x64xi32, #tpu.memory_space<hbm>>) target(%dma_start3A_390 : memref<128x64xi32, #tpu.memory_space<vmem>>) offsets(%dma_start3A_393 : memref<128xi32, #tpu.memory_space<vmem>>) semaphore(%arg16 : memref<!tpu.dma_semaphore, #tpu.memory_space<semaphore_mem>>)
      %add3A_397 = arith.constant 2 : i32
      %add3A_398 = arith.addi %add3A_326, %add3A_397 : i32
      %min3A_399 = arith.constant 79 : i32
      %min3A_400 = arith.minsi %add3A_398, %min3A_399 : i32
      %mul3A_401 = arith.constant 32 : i32
      %mul3A_402 = arith.muli %min3A_400, %mul3A_401 : i32
      %add3A_403 = arith.addi %mul3A_402, %add3A : i32
      %mul3A_404 = arith.constant 128 : i32
      %mul3A_405 = arith.muli %add3A_403, %mul3A_404 : i32
      %dma_start3A_406 = arith.constant 1 : i32
      %dma_start3A_407 = arith.constant 0 : i32
      %dma_start3A_408 = tpu.memref_slice %arg9[%dma_start3A_406, %dma_start3A_407] : memref<2x128xi32, #tpu.memory_space<vmem>> -> memref<1x128xi32, #tpu.memory_space<vmem>>
      %dma_start3A_409 = tpu.memref_squeeze %dma_start3A_408 : memref<1x128xi32, #tpu.memory_space<vmem>> -> memref<128xi32, #tpu.memory_space<vmem>>
      %dma_start3A_410 = tpu.memref_slice %arg4[%mul3A_405] : memref<327680xi32, #tpu.memory_space<hbm>> -> memref<128xi32, #tpu.memory_space<hbm>>
      %dma_start3A_411 = arith.constant 0 : i32
      %dma_start3A_412 = tpu.memref_slice %arg9[%dma_start3A_406, %dma_start3A_411] : memref<2x128xi32, #tpu.memory_space<vmem>> -> memref<1x128xi32, #tpu.memory_space<vmem>>
      %dma_start3A_413 = tpu.memref_squeeze %dma_start3A_412 : memref<1x128xi32, #tpu.memory_space<vmem>> -> memref<128xi32, #tpu.memory_space<vmem>>
      %dma_start3A_414 = tpu.memref_slice %arg4[%mul3A_405] : memref<327680xi32, #tpu.memory_space<hbm>> -> memref<128xi32, #tpu.memory_space<hbm>>
      tpu.enqueue_dma source(%dma_start3A_414 : memref<128xi32, #tpu.memory_space<hbm>>) target(%dma_start3A_413 : memref<128xi32, #tpu.memory_space<vmem>>) target_semaphore(%arg19 : memref<!tpu.dma_semaphore, #tpu.memory_space<semaphore_mem>>)
      %dma_start3A_415 = arith.constant 1 : i32
      %dma_start3A_416 = arith.constant 0 : i32
      %dma_start3A_417 = tpu.memref_slice %arg10[%dma_start3A_415, %dma_start3A_416] : memref<2x128xi32, #tpu.memory_space<vmem>> -> memref<1x128xi32, #tpu.memory_space<vmem>>
      %dma_start3A_418 = tpu.memref_squeeze %dma_start3A_417 : memref<1x128xi32, #tpu.memory_space<vmem>> -> memref<128xi32, #tpu.memory_space<vmem>>
      %dma_start3A_419 = tpu.memref_slice %arg5[%mul3A_405] : memref<327680xi32, #tpu.memory_space<hbm>> -> memref<128xi32, #tpu.memory_space<hbm>>
      %dma_start3A_420 = arith.constant 0 : i32
      %dma_start3A_421 = tpu.memref_slice %arg10[%dma_start3A_415, %dma_start3A_420] : memref<2x128xi32, #tpu.memory_space<vmem>> -> memref<1x128xi32, #tpu.memory_space<vmem>>
      %dma_start3A_422 = tpu.memref_squeeze %dma_start3A_421 : memref<1x128xi32, #tpu.memory_space<vmem>> -> memref<128xi32, #tpu.memory_space<vmem>>
      %dma_start3A_423 = tpu.memref_slice %arg5[%mul3A_405] : memref<327680xi32, #tpu.memory_space<hbm>> -> memref<128xi32, #tpu.memory_space<hbm>>
      tpu.enqueue_dma source(%dma_start3A_423 : memref<128xi32, #tpu.memory_space<hbm>>) target(%dma_start3A_422 : memref<128xi32, #tpu.memory_space<vmem>>) target_semaphore(%arg19 : memref<!tpu.dma_semaphore, #tpu.memory_space<semaphore_mem>>)
      %ge3A_424 = arith.constant 2 : i32
      %ge3A_425 = arith.cmpi sge, %add3A_326, %ge3A_424 : i32
      %convert_element_type3A_426 = arith.extui %ge3A_425 : i1 to i32
      %cond3A_427 = arith.constant 0 : i32
      %cond3A_428 = arith.cmpi ne, %convert_element_type3A_426, %cond3A_427 : i32
      scf.if %cond3A_428 {
        %dma_wait3A_451 = arith.constant 1 : i32
        %dma_wait3A_452 = arith.constant 0 : i32
        %dma_wait3A_453 = tpu.memref_slice %arg13[%dma_wait3A_451, %dma_wait3A_452] : memref<2x2048xf32, #tpu.memory_space<vmem>> -> memref<1x2048xf32, #tpu.memory_space<vmem>>
        %dma_wait3A_454 = tpu.memref_squeeze %dma_wait3A_453 : memref<1x2048xf32, #tpu.memory_space<vmem>> -> memref<2048xf32, #tpu.memory_space<vmem>>
        %dma_wait3A_455 = arith.constant 0 : i32
        %dma_wait3A_456 = tpu.memref_slice %arg8[%dma_wait3A_455] : memref<5242880xf32, #tpu.memory_space<hbm>> -> memref<2048xf32, #tpu.memory_space<hbm>>
        %dma_wait3A_457 = arith.constant 0 : i32
        %dma_wait3A_458 = tpu.memref_slice %arg8[%dma_wait3A_457] : memref<5242880xf32, #tpu.memory_space<hbm>> -> memref<2048xf32, #tpu.memory_space<hbm>>
        %dma_wait3A_459 = arith.constant 0 : i32
        %dma_wait3A_460 = tpu.memref_slice %arg13[%dma_wait3A_451, %dma_wait3A_459] : memref<2x2048xf32, #tpu.memory_space<vmem>> -> memref<1x2048xf32, #tpu.memory_space<vmem>>
        %dma_wait3A_461 = tpu.memref_squeeze %dma_wait3A_460 : memref<1x2048xf32, #tpu.memory_space<vmem>> -> memref<2048xf32, #tpu.memory_space<vmem>>
        tpu.wait_dma2 semaphore(%arg21 : memref<!tpu.dma_semaphore, #tpu.memory_space<semaphore_mem>>) src(%dma_wait3A_461 : memref<2048xf32, #tpu.memory_space<vmem>>) dst(%dma_wait3A_458 : memref<2048xf32, #tpu.memory_space<hbm>>)
      } else {
      }
      %parallel_loop3A_429 = arith.constant 0 : i32
      %parallel_loop3A_430 = arith.constant 128 : i32
      %parallel_loop3A_431 = arith.constant 1 : i32
      %parallel_loop3A_432 = arith.constant 1 : i32
      %parallel_loop3A_433 = arith.constant 1 : i32
      %parallel_loop3A_434 = arith.constant 1 : i32
      scf.for %parallel_loop3A_451 = %parallel_loop3A_429 to %parallel_loop3A_430 step %parallel_loop3A_431  : i32 {
        %parallel_loop3A_452 = arith.constant 0 : i32
        %parallel_loop3A_453 = arith.constant 0 : i32
        %parallel_loop3A_454 = tpu.memref_slice %arg11[%parallel_loop3A_432, %parallel_loop3A_452, %parallel_loop3A_453] : memref<2x128x64xi32, #tpu.memory_space<vmem>> -> memref<1x128x64xi32, #tpu.memory_space<vmem>>
        %parallel_loop3A_455 = tpu.memref_squeeze %parallel_loop3A_454 : memref<1x128x64xi32, #tpu.memory_space<vmem>> -> memref<128x64xi32, #tpu.memory_space<vmem>>
        %parallel_loop3A_456 = arith.index_cast %parallel_loop3A_451 : i32 to index
        %parallel_loop3A_457 = arith.constant 0 : index
        %parallel_loop3A_458 = tpu.vector_load %parallel_loop3A_455[%parallel_loop3A_456, %parallel_loop3A_457] {strides = array<i32>} : memref<128x64xi32, #tpu.memory_space<vmem>>, vector<1x16xi32>,
        %parallel_loop3A_459 = vector.shape_cast %parallel_loop3A_458 : vector<1x16xi32> to vector<16xi32>
        %parallel_loop3A_460 = arith.constant 0 : i32
        %parallel_loop3A_461 = arith.constant 0 : i32
        %parallel_loop3A_462 = tpu.memref_slice %arg12[%parallel_loop3A_433, %parallel_loop3A_460, %parallel_loop3A_461] : memref<2x128x64xi32, #tpu.memory_space<vmem>> -> memref<1x128x64xi32, #tpu.memory_space<vmem>>
        %parallel_loop3A_463 = tpu.memref_squeeze %parallel_loop3A_462 : memref<1x128x64xi32, #tpu.memory_space<vmem>> -> memref<128x64xi32, #tpu.memory_space<vmem>>
        %parallel_loop3A_464 = arith.index_cast %parallel_loop3A_451 : i32 to index
        %parallel_loop3A_465 = arith.constant 0 : index
        %parallel_loop3A_466 = tpu.vector_load %parallel_loop3A_463[%parallel_loop3A_464, %parallel_loop3A_465] {strides = array<i32>} : memref<128x64xi32, #tpu.memory_space<vmem>>, vector<1x16xi32>,
        %parallel_loop3A_467 = vector.shape_cast %parallel_loop3A_466 : vector<1x16xi32> to vector<16xi32>
        %parallel_loop3A_468 = arith.constant 16 : i32
        %parallel_loop3A_469 = vector.broadcast %parallel_loop3A_468 : i32 to vector<16xi32>
        %parallel_loop3A_470 = arith.shli %parallel_loop3A_459, %parallel_loop3A_469 : vector<16xi32>
        %parallel_loop3A_471 = arith.constant 16 : i32
        %parallel_loop3A_472 = vector.broadcast %parallel_loop3A_471 : i32 to vector<16xi32>
        %parallel_loop3A_473 = arith.shrsi %parallel_loop3A_470, %parallel_loop3A_472 : vector<16xi32>
        %parallel_loop3A_474 = arith.constant 16 : i32
        %parallel_loop3A_475 = vector.broadcast %parallel_loop3A_474 : i32 to vector<16xi32>
        %parallel_loop3A_476 = arith.shli %parallel_loop3A_467, %parallel_loop3A_475 : vector<16xi32>
        %parallel_loop3A_477 = arith.constant 16 : i32
        %parallel_loop3A_478 = vector.broadcast %parallel_loop3A_477 : i32 to vector<16xi32>
        %parallel_loop3A_479 = arith.shrsi %parallel_loop3A_476, %parallel_loop3A_478 : vector<16xi32>
        %parallel_loop3A_480 = arith.addi %parallel_loop3A_473, %parallel_loop3A_479 : vector<16xi32>
        %parallel_loop3A_481 = arith.constant 16 : i32
        %parallel_loop3A_482 = vector.broadcast %parallel_loop3A_481 : i32 to vector<16xi32>
        %parallel_loop3A_483 = arith.shrsi %parallel_loop3A_459, %parallel_loop3A_482 : vector<16xi32>
        %parallel_loop3A_484 = arith.constant 16 : i32
        %parallel_loop3A_485 = vector.broadcast %parallel_loop3A_484 : i32 to vector<16xi32>
        %parallel_loop3A_486 = arith.shrsi %parallel_loop3A_467, %parallel_loop3A_485 : vector<16xi32>
        %parallel_loop3A_487 = arith.addi %parallel_loop3A_483, %parallel_loop3A_486 : vector<16xi32>
        %parallel_loop3A_488 = arith.constant 0 : i32
        %parallel_loop3A_489 = vector.broadcast %parallel_loop3A_488 : i32 to vector<16xi32>
        %parallel_loop3A_490 = arith.maxsi %parallel_loop3A_480, %parallel_loop3A_489 : vector<16xi32>
        %parallel_loop3A_491 = arith.sitofp %parallel_loop3A_490 : vector<16xi32> to vector<16xf32>
        %parallel_loop3A_492 = arith.constant 0 : i32
        %parallel_loop3A_493 = vector.broadcast %parallel_loop3A_492 : i32 to vector<16xi32>
        %parallel_loop3A_494 = arith.maxsi %parallel_loop3A_487, %parallel_loop3A_493 : vector<16xi32>
        %parallel_loop3A_495 = arith.sitofp %parallel_loop3A_494 : vector<16xi32> to vector<16xf32>
        %parallel_loop3A_496 = arith.mulf %parallel_loop3A_491, %mul3A_9 : vector<16xf32>
        %parallel_loop3A_497 = arith.mulf %parallel_loop3A_495, %mul3A_25 : vector<16xf32>
        %parallel_loop3A_498 = arith.constant 0 : i32
        %parallel_loop3A_499 = arith.constant 0 : i32
        %parallel_loop3A_500 = tpu.memref_slice %arg11[%parallel_loop3A_432, %parallel_loop3A_498, %parallel_loop3A_499] : memref<2x128x64xi32, #tpu.memory_space<vmem>> -> memref<1x128x64xi32, #tpu.memory_space<vmem>>
        %parallel_loop3A_501 = tpu.memref_squeeze %parallel_loop3A_500 : memref<1x128x64xi32, #tpu.memory_space<vmem>> -> memref<128x64xi32, #tpu.memory_space<vmem>>
        %parallel_loop3A_502 = arith.index_cast %parallel_loop3A_451 : i32 to index
        %parallel_loop3A_503 = arith.constant 16 : index
        %parallel_loop3A_504 = tpu.vector_load %parallel_loop3A_501[%parallel_loop3A_502, %parallel_loop3A_503] {strides = array<i32>} : memref<128x64xi32, #tpu.memory_space<vmem>>, vector<1x16xi32>,
        %parallel_loop3A_505 = vector.shape_cast %parallel_loop3A_504 : vector<1x16xi32> to vector<16xi32>
        %parallel_loop3A_506 = arith.constant 0 : i32
        %parallel_loop3A_507 = arith.constant 0 : i32
        %parallel_loop3A_508 = tpu.memref_slice %arg12[%parallel_loop3A_433, %parallel_loop3A_506, %parallel_loop3A_507] : memref<2x128x64xi32, #tpu.memory_space<vmem>> -> memref<1x128x64xi32, #tpu.memory_space<vmem>>
        %parallel_loop3A_509 = tpu.memref_squeeze %parallel_loop3A_508 : memref<1x128x64xi32, #tpu.memory_space<vmem>> -> memref<128x64xi32, #tpu.memory_space<vmem>>
        %parallel_loop3A_510 = arith.index_cast %parallel_loop3A_451 : i32 to index
        %parallel_loop3A_511 = arith.constant 16 : index
        %parallel_loop3A_512 = tpu.vector_load %parallel_loop3A_509[%parallel_loop3A_510, %parallel_loop3A_511] {strides = array<i32>} : memref<128x64xi32, #tpu.memory_space<vmem>>, vector<1x16xi32>,
        %parallel_loop3A_513 = vector.shape_cast %parallel_loop3A_512 : vector<1x16xi32> to vector<16xi32>
        %parallel_loop3A_514 = arith.constant 16 : i32
        %parallel_loop3A_515 = vector.broadcast %parallel_loop3A_514 : i32 to vector<16xi32>
        %parallel_loop3A_516 = arith.shli %parallel_loop3A_505, %parallel_loop3A_515 : vector<16xi32>
        %parallel_loop3A_517 = arith.constant 16 : i32
        %parallel_loop3A_518 = vector.broadcast %parallel_loop3A_517 : i32 to vector<16xi32>
        %parallel_loop3A_519 = arith.shrsi %parallel_loop3A_516, %parallel_loop3A_518 : vector<16xi32>
        %parallel_loop3A_520 = arith.constant 16 : i32
        %parallel_loop3A_521 = vector.broadcast %parallel_loop3A_520 : i32 to vector<16xi32>
        %parallel_loop3A_522 = arith.shli %parallel_loop3A_513, %parallel_loop3A_521 : vector<16xi32>
        %parallel_loop3A_523 = arith.constant 16 : i32
        %parallel_loop3A_524 = vector.broadcast %parallel_loop3A_523 : i32 to vector<16xi32>
        %parallel_loop3A_525 = arith.shrsi %parallel_loop3A_522, %parallel_loop3A_524 : vector<16xi32>
        %parallel_loop3A_526 = arith.addi %parallel_loop3A_519, %parallel_loop3A_525 : vector<16xi32>
        %parallel_loop3A_527 = arith.constant 16 : i32
        %parallel_loop3A_528 = vector.broadcast %parallel_loop3A_527 : i32 to vector<16xi32>
        %parallel_loop3A_529 = arith.shrsi %parallel_loop3A_505, %parallel_loop3A_528 : vector<16xi32>
        %parallel_loop3A_530 = arith.constant 16 : i32
        %parallel_loop3A_531 = vector.broadcast %parallel_loop3A_530 : i32 to vector<16xi32>
        %parallel_loop3A_532 = arith.shrsi %parallel_loop3A_513, %parallel_loop3A_531 : vector<16xi32>
        %parallel_loop3A_533 = arith.addi %parallel_loop3A_529, %parallel_loop3A_532 : vector<16xi32>
        %parallel_loop3A_534 = arith.constant 0 : i32
        %parallel_loop3A_535 = vector.broadcast %parallel_loop3A_534 : i32 to vector<16xi32>
        %parallel_loop3A_536 = arith.maxsi %parallel_loop3A_526, %parallel_loop3A_535 : vector<16xi32>
        %parallel_loop3A_537 = arith.sitofp %parallel_loop3A_536 : vector<16xi32> to vector<16xf32>
        %parallel_loop3A_538 = arith.constant 0 : i32
        %parallel_loop3A_539 = vector.broadcast %parallel_loop3A_538 : i32 to vector<16xi32>
        %parallel_loop3A_540 = arith.maxsi %parallel_loop3A_533, %parallel_loop3A_539 : vector<16xi32>
        %parallel_loop3A_541 = arith.sitofp %parallel_loop3A_540 : vector<16xi32> to vector<16xf32>
        %parallel_loop3A_542 = arith.mulf %parallel_loop3A_537, %mul3A_13 : vector<16xf32>
        %parallel_loop3A_543 = arith.mulf %parallel_loop3A_541, %mul3A_29 : vector<16xf32>
        %parallel_loop3A_544 = arith.constant 0 : i32
        %parallel_loop3A_545 = arith.constant 0 : i32
        %parallel_loop3A_546 = tpu.memref_slice %arg11[%parallel_loop3A_432, %parallel_loop3A_544, %parallel_loop3A_545] : memref<2x128x64xi32, #tpu.memory_space<vmem>> -> memref<1x128x64xi32, #tpu.memory_space<vmem>>
        %parallel_loop3A_547 = tpu.memref_squeeze %parallel_loop3A_546 : memref<1x128x64xi32, #tpu.memory_space<vmem>> -> memref<128x64xi32, #tpu.memory_space<vmem>>
        %parallel_loop3A_548 = arith.index_cast %parallel_loop3A_451 : i32 to index
        %parallel_loop3A_549 = arith.constant 32 : index
        %parallel_loop3A_550 = tpu.vector_load %parallel_loop3A_547[%parallel_loop3A_548, %parallel_loop3A_549] {strides = array<i32>} : memref<128x64xi32, #tpu.memory_space<vmem>>, vector<1x16xi32>,
        %parallel_loop3A_551 = vector.shape_cast %parallel_loop3A_550 : vector<1x16xi32> to vector<16xi32>
        %parallel_loop3A_552 = arith.constant 0 : i32
        %parallel_loop3A_553 = arith.constant 0 : i32
        %parallel_loop3A_554 = tpu.memref_slice %arg12[%parallel_loop3A_433, %parallel_loop3A_552, %parallel_loop3A_553] : memref<2x128x64xi32, #tpu.memory_space<vmem>> -> memref<1x128x64xi32, #tpu.memory_space<vmem>>
        %parallel_loop3A_555 = tpu.memref_squeeze %parallel_loop3A_554 : memref<1x128x64xi32, #tpu.memory_space<vmem>> -> memref<128x64xi32, #tpu.memory_space<vmem>>
        %parallel_loop3A_556 = arith.index_cast %parallel_loop3A_451 : i32 to index
        %parallel_loop3A_557 = arith.constant 32 : index
        %parallel_loop3A_558 = tpu.vector_load %parallel_loop3A_555[%parallel_loop3A_556, %parallel_loop3A_557] {strides = array<i32>} : memref<128x64xi32, #tpu.memory_space<vmem>>, vector<1x16xi32>,
        %parallel_loop3A_559 = vector.shape_cast %parallel_loop3A_558 : vector<1x16xi32> to vector<16xi32>
        %parallel_loop3A_560 = arith.constant 16 : i32
        %parallel_loop3A_561 = vector.broadcast %parallel_loop3A_560 : i32 to vector<16xi32>
        %parallel_loop3A_562 = arith.shli %parallel_loop3A_551, %parallel_loop3A_561 : vector<16xi32>
        %parallel_loop3A_563 = arith.constant 16 : i32
        %parallel_loop3A_564 = vector.broadcast %parallel_loop3A_563 : i32 to vector<16xi32>
        %parallel_loop3A_565 = arith.shrsi %parallel_loop3A_562, %parallel_loop3A_564 : vector<16xi32>
        %parallel_loop3A_566 = arith.constant 16 : i32
        %parallel_loop3A_567 = vector.broadcast %parallel_loop3A_566 : i32 to vector<16xi32>
        %parallel_loop3A_568 = arith.shli %parallel_loop3A_559, %parallel_loop3A_567 : vector<16xi32>
        %parallel_loop3A_569 = arith.constant 16 : i32
        %parallel_loop3A_570 = vector.broadcast %parallel_loop3A_569 : i32 to vector<16xi32>
        %parallel_loop3A_571 = arith.shrsi %parallel_loop3A_568, %parallel_loop3A_570 : vector<16xi32>
        %parallel_loop3A_572 = arith.addi %parallel_loop3A_565, %parallel_loop3A_571 : vector<16xi32>
        %parallel_loop3A_573 = arith.constant 16 : i32
        %parallel_loop3A_574 = vector.broadcast %parallel_loop3A_573 : i32 to vector<16xi32>
        %parallel_loop3A_575 = arith.shrsi %parallel_loop3A_551, %parallel_loop3A_574 : vector<16xi32>
        %parallel_loop3A_576 = arith.constant 16 : i32
        %parallel_loop3A_577 = vector.broadcast %parallel_loop3A_576 : i32 to vector<16xi32>
        %parallel_loop3A_578 = arith.shrsi %parallel_loop3A_559, %parallel_loop3A_577 : vector<16xi32>
        %parallel_loop3A_579 = arith.addi %parallel_loop3A_575, %parallel_loop3A_578 : vector<16xi32>
        %parallel_loop3A_580 = arith.constant 0 : i32
        %parallel_loop3A_581 = vector.broadcast %parallel_loop3A_580 : i32 to vector<16xi32>
        %parallel_loop3A_582 = arith.maxsi %parallel_loop3A_572, %parallel_loop3A_581 : vector<16xi32>
        %parallel_loop3A_583 = arith.sitofp %parallel_loop3A_582 : vector<16xi32> to vector<16xf32>
        %parallel_loop3A_584 = arith.constant 0 : i32
        %parallel_loop3A_585 = vector.broadcast %parallel_loop3A_584 : i32 to vector<16xi32>
        %parallel_loop3A_586 = arith.maxsi %parallel_loop3A_579, %parallel_loop3A_585 : vector<16xi32>
        %parallel_loop3A_587 = arith.sitofp %parallel_loop3A_586 : vector<16xi32> to vector<16xf32>
        %parallel_loop3A_588 = arith.mulf %parallel_loop3A_583, %mul3A_17 : vector<16xf32>
        %parallel_loop3A_589 = arith.mulf %parallel_loop3A_587, %mul3A_33 : vector<16xf32>
        %parallel_loop3A_590 = arith.constant 0 : i32
        %parallel_loop3A_591 = arith.constant 0 : i32
        %parallel_loop3A_592 = tpu.memref_slice %arg11[%parallel_loop3A_432, %parallel_loop3A_590, %parallel_loop3A_591] : memref<2x128x64xi32, #tpu.memory_space<vmem>> -> memref<1x128x64xi32, #tpu.memory_space<vmem>>
        %parallel_loop3A_593 = tpu.memref_squeeze %parallel_loop3A_592 : memref<1x128x64xi32, #tpu.memory_space<vmem>> -> memref<128x64xi32, #tpu.memory_space<vmem>>
        %parallel_loop3A_594 = arith.index_cast %parallel_loop3A_451 : i32 to index
        %parallel_loop3A_595 = arith.constant 48 : index
        %parallel_loop3A_596 = tpu.vector_load %parallel_loop3A_593[%parallel_loop3A_594, %parallel_loop3A_595] {strides = array<i32>} : memref<128x64xi32, #tpu.memory_space<vmem>>, vector<1x16xi32>,
        %parallel_loop3A_597 = vector.shape_cast %parallel_loop3A_596 : vector<1x16xi32> to vector<16xi32>
        %parallel_loop3A_598 = arith.constant 0 : i32
        %parallel_loop3A_599 = arith.constant 0 : i32
        %parallel_loop3A_600 = tpu.memref_slice %arg12[%parallel_loop3A_433, %parallel_loop3A_598, %parallel_loop3A_599] : memref<2x128x64xi32, #tpu.memory_space<vmem>> -> memref<1x128x64xi32, #tpu.memory_space<vmem>>
        %parallel_loop3A_601 = tpu.memref_squeeze %parallel_loop3A_600 : memref<1x128x64xi32, #tpu.memory_space<vmem>> -> memref<128x64xi32, #tpu.memory_space<vmem>>
        %parallel_loop3A_602 = arith.index_cast %parallel_loop3A_451 : i32 to index
        %parallel_loop3A_603 = arith.constant 48 : index
        %parallel_loop3A_604 = tpu.vector_load %parallel_loop3A_601[%parallel_loop3A_602, %parallel_loop3A_603] {strides = array<i32>} : memref<128x64xi32, #tpu.memory_space<vmem>>, vector<1x16xi32>,
        %parallel_loop3A_605 = vector.shape_cast %parallel_loop3A_604 : vector<1x16xi32> to vector<16xi32>
        %parallel_loop3A_606 = arith.constant 16 : i32
        %parallel_loop3A_607 = vector.broadcast %parallel_loop3A_606 : i32 to vector<16xi32>
        %parallel_loop3A_608 = arith.shli %parallel_loop3A_597, %parallel_loop3A_607 : vector<16xi32>
        %parallel_loop3A_609 = arith.constant 16 : i32
        %parallel_loop3A_610 = vector.broadcast %parallel_loop3A_609 : i32 to vector<16xi32>
        %parallel_loop3A_611 = arith.shrsi %parallel_loop3A_608, %parallel_loop3A_610 : vector<16xi32>
        %parallel_loop3A_612 = arith.constant 16 : i32
        %parallel_loop3A_613 = vector.broadcast %parallel_loop3A_612 : i32 to vector<16xi32>
        %parallel_loop3A_614 = arith.shli %parallel_loop3A_605, %parallel_loop3A_613 : vector<16xi32>
        %parallel_loop3A_615 = arith.constant 16 : i32
        %parallel_loop3A_616 = vector.broadcast %parallel_loop3A_615 : i32 to vector<16xi32>
        %parallel_loop3A_617 = arith.shrsi %parallel_loop3A_614, %parallel_loop3A_616 : vector<16xi32>
        %parallel_loop3A_618 = arith.addi %parallel_loop3A_611, %parallel_loop3A_617 : vector<16xi32>
        %parallel_loop3A_619 = arith.constant 16 : i32
        %parallel_loop3A_620 = vector.broadcast %parallel_loop3A_619 : i32 to vector<16xi32>
        %parallel_loop3A_621 = arith.shrsi %parallel_loop3A_597, %parallel_loop3A_620 : vector<16xi32>
        %parallel_loop3A_622 = arith.constant 16 : i32
        %parallel_loop3A_623 = vector.broadcast %parallel_loop3A_622 : i32 to vector<16xi32>
        %parallel_loop3A_624 = arith.shrsi %parallel_loop3A_605, %parallel_loop3A_623 : vector<16xi32>
        %parallel_loop3A_625 = arith.addi %parallel_loop3A_621, %parallel_loop3A_624 : vector<16xi32>
        %parallel_loop3A_626 = arith.constant 0 : i32
        %parallel_loop3A_627 = vector.broadcast %parallel_loop3A_626 : i32 to vector<16xi32>
        %parallel_loop3A_628 = arith.maxsi %parallel_loop3A_618, %parallel_loop3A_627 : vector<16xi32>
        %parallel_loop3A_629 = arith.sitofp %parallel_loop3A_628 : vector<16xi32> to vector<16xf32>
        %parallel_loop3A_630 = arith.constant 0 : i32
        %parallel_loop3A_631 = vector.broadcast %parallel_loop3A_630 : i32 to vector<16xi32>
        %parallel_loop3A_632 = arith.maxsi %parallel_loop3A_625, %parallel_loop3A_631 : vector<16xi32>
        %parallel_loop3A_633 = arith.sitofp %parallel_loop3A_632 : vector<16xi32> to vector<16xf32>
        %parallel_loop3A_634 = arith.mulf %parallel_loop3A_629, %mul3A_21 : vector<16xf32>
        %parallel_loop3A_635 = arith.mulf %parallel_loop3A_633, %mul3A_37 : vector<16xf32>
        %parallel_loop3A_636 = arith.addf %parallel_loop3A_496, %parallel_loop3A_497 : vector<16xf32>
        %parallel_loop3A_637 = arith.addf %parallel_loop3A_542, %parallel_loop3A_543 : vector<16xf32>
        %parallel_loop3A_638 = arith.addf %parallel_loop3A_588, %parallel_loop3A_589 : vector<16xf32>
        %parallel_loop3A_639 = arith.addf %parallel_loop3A_634, %parallel_loop3A_635 : vector<16xf32>
        %parallel_loop3A_640 = arith.addf %parallel_loop3A_636, %parallel_loop3A_637 : vector<16xf32>
        %parallel_loop3A_641 = arith.addf %parallel_loop3A_638, %parallel_loop3A_639 : vector<16xf32>
        %parallel_loop3A_642 = arith.addf %parallel_loop3A_640, %parallel_loop3A_641 : vector<16xf32>
        %parallel_loop3A_643 = arith.constant 16 : i32
        %parallel_loop3A_644 = arith.muli %parallel_loop3A_451, %parallel_loop3A_643 : i32
        %parallel_loop3A_645 = arith.constant 0 : i32
        %parallel_loop3A_646 = tpu.memref_slice %arg13[%parallel_loop3A_434, %parallel_loop3A_645] : memref<2x2048xf32, #tpu.memory_space<vmem>> -> memref<1x2048xf32, #tpu.memory_space<vmem>>
        %parallel_loop3A_647 = tpu.memref_squeeze %parallel_loop3A_646 : memref<1x2048xf32, #tpu.memory_space<vmem>> -> memref<2048xf32, #tpu.memory_space<vmem>>
        %parallel_loop3A_648 = arith.index_cast %parallel_loop3A_644 : i32 to index
        %parallel_loop3A_649 = tpu.vector_load %parallel_loop3A_647[%parallel_loop3A_648] {strides = array<i32>} : memref<2048xf32, #tpu.memory_space<vmem>>, vector<16xf32>,
        %parallel_loop3A_650 = vector.shape_cast %parallel_loop3A_649 : vector<16xf32> to vector<16xf32>
        %parallel_loop3A_651 = vector.shape_cast %parallel_loop3A_642 : vector<16xf32> to vector<16xf32>
        tpu.vector_store %parallel_loop3A_647[%parallel_loop3A_648], %parallel_loop3A_651 {strides = array<i32>} : memref<2048xf32, #tpu.memory_space<vmem>>, vector<16xf32>,
      } {sc.loop_unroll_factor = 4 : i64, sc.parallel_access}
      %mul3A_435 = arith.constant 32 : i32
      %mul3A_436 = arith.muli %add3A_326, %mul3A_435 : i32
      %add3A_437 = arith.addi %mul3A_436, %add3A : i32
      %mul3A_438 = arith.constant 128 : i32
      %mul3A_439 = arith.muli %add3A_437, %mul3A_438 : i32
      %mul3A_440 = arith.constant 16 : i32
      %mul3A_441 = arith.muli %mul3A_439, %mul3A_440 : i32
      %dma_start3A_442 = arith.constant 1 : i32
      %dma_start3A_443 = arith.constant 0 : i32
      %dma_start3A_444 = tpu.memref_slice %arg13[%dma_start3A_442, %dma_start3A_443] : memref<2x2048xf32, #tpu.memory_space<vmem>> -> memref<1x2048xf32, #tpu.memory_space<vmem>>
      %dma_start3A_445 = tpu.memref_squeeze %dma_start3A_444 : memref<1x2048xf32, #tpu.memory_space<vmem>> -> memref<2048xf32, #tpu.memory_space<vmem>>
      %dma_start3A_446 = tpu.memref_slice %arg8[%mul3A_441] : memref<5242880xf32, #tpu.memory_space<hbm>> -> memref<2048xf32, #tpu.memory_space<hbm>>
      %dma_start3A_447 = tpu.memref_slice %arg8[%mul3A_441] : memref<5242880xf32, #tpu.memory_space<hbm>> -> memref<2048xf32, #tpu.memory_space<hbm>>
      %dma_start3A_448 = arith.constant 0 : i32
      %dma_start3A_449 = tpu.memref_slice %arg13[%dma_start3A_442, %dma_start3A_448] : memref<2x2048xf32, #tpu.memory_space<vmem>> -> memref<1x2048xf32, #tpu.memory_space<vmem>>
      %dma_start3A_450 = tpu.memref_squeeze %dma_start3A_449 : memref<1x2048xf32, #tpu.memory_space<vmem>> -> memref<2048xf32, #tpu.memory_space<vmem>>
      tpu.enqueue_dma source(%dma_start3A_450 : memref<2048xf32, #tpu.memory_space<vmem>>) target(%dma_start3A_447 : memref<2048xf32, #tpu.memory_space<hbm>>) target_semaphore(%arg21 : memref<!tpu.dma_semaphore, #tpu.memory_space<semaphore_mem>>)
    }
    %scan3A_130 = arith.constant 40 : i32
    %dma_wait3A_131 = arith.constant 0 : i32
    %dma_wait3A_132 = arith.constant 0 : i32
    %dma_wait3A_133 = arith.constant 0 : i32
    %dma_wait3A_134 = arith.constant 0 : i32
    %dma_wait3A_135 = tpu.memref_slice %arg11[%dma_wait3A_132, %dma_wait3A_133, %dma_wait3A_134] : memref<2x128x64xi32, #tpu.memory_space<vmem>> -> memref<1x128x64xi32, #tpu.memory_space<vmem>>
    %dma_wait3A_136 = tpu.memref_squeeze %dma_wait3A_135 : memref<1x128x64xi32, #tpu.memory_space<vmem>> -> memref<128x64xi32, #tpu.memory_space<vmem>>
    %dma_wait3A_137 = arith.constant 0 : i32
    %dma_wait3A_138 = tpu.memref_slice %arg9[%dma_wait3A_131, %dma_wait3A_137] : memref<2x128xi32, #tpu.memory_space<vmem>> -> memref<1x128xi32, #tpu.memory_space<vmem>>
    %dma_wait3A_139 = tpu.memref_squeeze %dma_wait3A_138 : memref<1x128xi32, #tpu.memory_space<vmem>> -> memref<128xi32, #tpu.memory_space<vmem>>
    %dma_wait3A_140 = arith.constant 0 : i32
    %dma_wait3A_141 = arith.constant 0 : i32
    %dma_wait3A_142 = tpu.memref_slice %arg2[%dma_wait3A_140, %dma_wait3A_141] : memref<10240x64xi32, #tpu.memory_space<hbm>> -> memref<10240x64xi32, #tpu.memory_space<hbm>>
    tpu.wait_indirect_dma semaphore(%arg16 : memref<!tpu.dma_semaphore, #tpu.memory_space<semaphore_mem>>) src(%dma_wait3A_142 : memref<10240x64xi32, #tpu.memory_space<hbm>>) dst(%dma_wait3A_136 : memref<128x64xi32, #tpu.memory_space<vmem>>)
    %dma_wait3A_143 = arith.constant 0 : i32
    %dma_wait3A_144 = arith.constant 0 : i32
    %dma_wait3A_145 = arith.constant 0 : i32
    %dma_wait3A_146 = arith.constant 0 : i32
    %dma_wait3A_147 = tpu.memref_slice %arg12[%dma_wait3A_144, %dma_wait3A_145, %dma_wait3A_146] : memref<2x128x64xi32, #tpu.memory_space<vmem>> -> memref<1x128x64xi32, #tpu.memory_space<vmem>>
    %dma_wait3A_148 = tpu.memref_squeeze %dma_wait3A_147 : memref<1x128x64xi32, #tpu.memory_space<vmem>> -> memref<128x64xi32, #tpu.memory_space<vmem>>
    %dma_wait3A_149 = arith.constant 0 : i32
    %dma_wait3A_150 = tpu.memref_slice %arg10[%dma_wait3A_143, %dma_wait3A_149] : memref<2x128xi32, #tpu.memory_space<vmem>> -> memref<1x128xi32, #tpu.memory_space<vmem>>
    %dma_wait3A_151 = tpu.memref_squeeze %dma_wait3A_150 : memref<1x128xi32, #tpu.memory_space<vmem>> -> memref<128xi32, #tpu.memory_space<vmem>>
    %dma_wait3A_152 = arith.constant 0 : i32
    %dma_wait3A_153 = arith.constant 0 : i32
    %dma_wait3A_154 = tpu.memref_slice %arg3[%dma_wait3A_152, %dma_wait3A_153] : memref<10240x64xi32, #tpu.memory_space<hbm>> -> memref<10240x64xi32, #tpu.memory_space<hbm>>
    tpu.wait_indirect_dma semaphore(%arg16 : memref<!tpu.dma_semaphore, #tpu.memory_space<semaphore_mem>>) src(%dma_wait3A_154 : memref<10240x64xi32, #tpu.memory_space<hbm>>) dst(%dma_wait3A_148 : memref<128x64xi32, #tpu.memory_space<vmem>>)
    %dma_wait3A_155 = arith.constant 1 : i32
    %dma_wait3A_156 = arith.constant 0 : i32
    %dma_wait3A_157 = tpu.memref_slice %arg9[%dma_wait3A_155, %dma_wait3A_156] : memref<2x128xi32, #tpu.memory_space<vmem>> -> memref<1x128xi32, #tpu.memory_space<vmem>>
    %dma_wait3A_158 = tpu.memref_squeeze %dma_wait3A_157 : memref<1x128xi32, #tpu.memory_space<vmem>> -> memref<128xi32, #tpu.memory_space<vmem>>
    %dma_wait3A_159 = arith.constant 0 : i32
    %dma_wait3A_160 = tpu.memref_slice %arg4[%dma_wait3A_159] : memref<327680xi32, #tpu.memory_space<hbm>> -> memref<128xi32, #tpu.memory_space<hbm>>
    %dma_wait3A_161 = arith.constant 0 : i32
    %dma_wait3A_162 = tpu.memref_slice %arg9[%dma_wait3A_155, %dma_wait3A_161] : memref<2x128xi32, #tpu.memory_space<vmem>> -> memref<1x128xi32, #tpu.memory_space<vmem>>
    %dma_wait3A_163 = tpu.memref_squeeze %dma_wait3A_162 : memref<1x128xi32, #tpu.memory_space<vmem>> -> memref<128xi32, #tpu.memory_space<vmem>>
    %dma_wait3A_164 = arith.constant 0 : i32
    %dma_wait3A_165 = tpu.memref_slice %arg4[%dma_wait3A_164] : memref<327680xi32, #tpu.memory_space<hbm>> -> memref<128xi32, #tpu.memory_space<hbm>>
    tpu.wait_dma2 semaphore(%arg19 : memref<!tpu.dma_semaphore, #tpu.memory_space<semaphore_mem>>) src(%dma_wait3A_165 : memref<128xi32, #tpu.memory_space<hbm>>) dst(%dma_wait3A_163 : memref<128xi32, #tpu.memory_space<vmem>>)
    %dma_wait3A_166 = arith.constant 1 : i32
    %dma_wait3A_167 = arith.constant 0 : i32
    %dma_wait3A_168 = tpu.memref_slice %arg10[%dma_wait3A_166, %dma_wait3A_167] : memref<2x128xi32, #tpu.memory_space<vmem>> -> memref<1x128xi32, #tpu.memory_space<vmem>>
    %dma_wait3A_169 = tpu.memref_squeeze %dma_wait3A_168 : memref<1x128xi32, #tpu.memory_space<vmem>> -> memref<128xi32, #tpu.memory_space<vmem>>
    %dma_wait3A_170 = arith.constant 0 : i32
    %dma_wait3A_171 = tpu.memref_slice %arg4[%dma_wait3A_170] : memref<327680xi32, #tpu.memory_space<hbm>> -> memref<128xi32, #tpu.memory_space<hbm>>
    %dma_wait3A_172 = arith.constant 0 : i32
    %dma_wait3A_173 = tpu.memref_slice %arg10[%dma_wait3A_166, %dma_wait3A_172] : memref<2x128xi32, #tpu.memory_space<vmem>> -> memref<1x128xi32, #tpu.memory_space<vmem>>
    %dma_wait3A_174 = tpu.memref_squeeze %dma_wait3A_173 : memref<1x128xi32, #tpu.memory_space<vmem>> -> memref<128xi32, #tpu.memory_space<vmem>>
    %dma_wait3A_175 = arith.constant 0 : i32
    %dma_wait3A_176 = tpu.memref_slice %arg4[%dma_wait3A_175] : memref<327680xi32, #tpu.memory_space<hbm>> -> memref<128xi32, #tpu.memory_space<hbm>>
    tpu.wait_dma2 semaphore(%arg19 : memref<!tpu.dma_semaphore, #tpu.memory_space<semaphore_mem>>) src(%dma_wait3A_176 : memref<128xi32, #tpu.memory_space<hbm>>) dst(%dma_wait3A_174 : memref<128xi32, #tpu.memory_space<vmem>>)
    %dma_wait3A_177 = arith.constant 0 : i32
    %dma_wait3A_178 = arith.constant 0 : i32
    %dma_wait3A_179 = tpu.memref_slice %arg13[%dma_wait3A_177, %dma_wait3A_178] : memref<2x2048xf32, #tpu.memory_space<vmem>> -> memref<1x2048xf32, #tpu.memory_space<vmem>>
    %dma_wait3A_180 = tpu.memref_squeeze %dma_wait3A_179 : memref<1x2048xf32, #tpu.memory_space<vmem>> -> memref<2048xf32, #tpu.memory_space<vmem>>
    %dma_wait3A_181 = arith.constant 0 : i32
    %dma_wait3A_182 = tpu.memref_slice %arg8[%dma_wait3A_181] : memref<5242880xf32, #tpu.memory_space<hbm>> -> memref<2048xf32, #tpu.memory_space<hbm>>
    %dma_wait3A_183 = arith.constant 0 : i32
    %dma_wait3A_184 = tpu.memref_slice %arg8[%dma_wait3A_183] : memref<5242880xf32, #tpu.memory_space<hbm>> -> memref<2048xf32, #tpu.memory_space<hbm>>
    %dma_wait3A_185 = arith.constant 0 : i32
    %dma_wait3A_186 = tpu.memref_slice %arg13[%dma_wait3A_177, %dma_wait3A_185] : memref<2x2048xf32, #tpu.memory_space<vmem>> -> memref<1x2048xf32, #tpu.memory_space<vmem>>
    %dma_wait3A_187 = tpu.memref_squeeze %dma_wait3A_186 : memref<1x2048xf32, #tpu.memory_space<vmem>> -> memref<2048xf32, #tpu.memory_space<vmem>>
    tpu.wait_dma2 semaphore(%arg20 : memref<!tpu.dma_semaphore, #tpu.memory_space<semaphore_mem>>) src(%dma_wait3A_187 : memref<2048xf32, #tpu.memory_space<vmem>>) dst(%dma_wait3A_184 : memref<2048xf32, #tpu.memory_space<hbm>>)
    %dma_wait3A_188 = arith.constant 1 : i32
    %dma_wait3A_189 = arith.constant 0 : i32
    %dma_wait3A_190 = tpu.memref_slice %arg13[%dma_wait3A_188, %dma_wait3A_189] : memref<2x2048xf32, #tpu.memory_space<vmem>> -> memref<1x2048xf32, #tpu.memory_space<vmem>>
    %dma_wait3A_191 = tpu.memref_squeeze %dma_wait3A_190 : memref<1x2048xf32, #tpu.memory_space<vmem>> -> memref<2048xf32, #tpu.memory_space<vmem>>
    %dma_wait3A_192 = arith.constant 0 : i32
    %dma_wait3A_193 = tpu.memref_slice %arg8[%dma_wait3A_192] : memref<5242880xf32, #tpu.memory_space<hbm>> -> memref<2048xf32, #tpu.memory_space<hbm>>
    %dma_wait3A_194 = arith.constant 0 : i32
    %dma_wait3A_195 = tpu.memref_slice %arg8[%dma_wait3A_194] : memref<5242880xf32, #tpu.memory_space<hbm>> -> memref<2048xf32, #tpu.memory_space<hbm>>
    %dma_wait3A_196 = arith.constant 0 : i32
    %dma_wait3A_197 = tpu.memref_slice %arg13[%dma_wait3A_188, %dma_wait3A_196] : memref<2x2048xf32, #tpu.memory_space<vmem>> -> memref<1x2048xf32, #tpu.memory_space<vmem>>
    %dma_wait3A_198 = tpu.memref_squeeze %dma_wait3A_197 : memref<1x2048xf32, #tpu.memory_space<vmem>> -> memref<2048xf32, #tpu.memory_space<vmem>>
    tpu.wait_dma2 semaphore(%arg21 : memref<!tpu.dma_semaphore, #tpu.memory_space<semaphore_mem>>) src(%dma_wait3A_198 : memref<2048xf32, #tpu.memory_space<vmem>>) dst(%dma_wait3A_195 : memref<2048xf32, #tpu.memory_space<hbm>>)
    return
  }
}

module attributes {stable_mosaic.version = 14 : i64} {
  func.func @body(%arg0: i32, %arg1: memref<512x128xf32, #tpu.memory_space<vmem>>, %arg2: memref<128x128xf32, #tpu.memory_space<vmem>>, %arg3: memref<1x128xf32, #tpu.memory_space<vmem>>, %arg4: memref<1x128xf32, #tpu.memory_space<vmem>>, %arg5: memref<1x1xf32, #tpu.memory_space<vmem>>, %arg6: memref<128x128xf32, #tpu.memory_space<vmem>>, %arg7: memref<128x128xf32, #tpu.memory_space<vmem>>, %arg8: memref<1x128xf32, #tpu.memory_space<vmem>>, %arg9: memref<512x1xf32, #tpu.memory_space<vmem>>, %arg10: memref<512x128xf32, #tpu.memory_space<vmem>>, %arg11: memref<512x128xf32, #tpu.memory_space<vmem>>, %arg12: memref<1x128xf32, #tpu.memory_space<vmem>>) attributes {dimension_semantics = [#tpu.dimension_semantics<arbitrary>], iteration_bounds = array<i64: 20>, scalar_prefetch = 0 : i64, scratch_operands = 0 : i64, tpu.core_type = #tpu.core_type<tc>, window_params = [{transform_indices = @transform_0, window_bounds = array<i64: 512, 128>}, {pipeline_mode = #tpu.pipeline_mode<synchronous>, transform_indices = @transform_1, window_bounds = array<i64: 128, 128>}, {pipeline_mode = #tpu.pipeline_mode<synchronous>, transform_indices = @transform_2, window_bounds = array<i64: 1, 128>}, {pipeline_mode = #tpu.pipeline_mode<synchronous>, transform_indices = @transform_3, window_bounds = array<i64: 1, 128>}, {pipeline_mode = #tpu.pipeline_mode<synchronous>, transform_indices = @transform_4, window_bounds = array<i64: 1, 1>}, {pipeline_mode = #tpu.pipeline_mode<synchronous>, transform_indices = @transform_5, window_bounds = array<i64: 128, 128>}, {pipeline_mode = #tpu.pipeline_mode<synchronous>, transform_indices = @transform_6, window_bounds = array<i64: 128, 128>}, {pipeline_mode = #tpu.pipeline_mode<synchronous>, transform_indices = @transform_7, window_bounds = array<i64: 1, 128>}, {transform_indices = @transform_8, window_bounds = array<i64: 512, 1>}, {transform_indices = @transform_9, window_bounds = array<i64: 512, 128>}, {transform_indices = @transform_10, window_bounds = array<i64: 512, 128>}, {pipeline_mode = #tpu.pipeline_mode<synchronous>, transform_indices = @transform_11, window_bounds = array<i64: 1, 128>}]} {
    %get3A = arith.constant 0 : index
    %get3A_0 = arith.constant 0 : index
    %get3A_1 = vector.load %arg1[%get3A, %get3A_0] : memref<512x128xf32, #tpu.memory_space<vmem>>, vector<512x128xf32>
    %get3A_2 = arith.constant 0 : index
    %get3A_3 = arith.constant 0 : index
    %get3A_4 = vector.load %arg2[%get3A_2, %get3A_3] : memref<128x128xf32, #tpu.memory_space<vmem>>, vector<128x128xf32>
    %dot_general3A = arith.constant dense<0.000000e+00> : vector<512x128xf32>
    %dot_general3A_5 = tpu.matmul %get3A_1, %get3A_4, %dot_general3A {dimension_numbers = #tpu.dot_dimension_numbers<[1], [0], [0], [1], [0, 0, 1, 1], [], []>, transpose_lhs_hint = false} : vector<512x128xf32>, vector<128x128xf32>, vector<512x128xf32> -> vector<512x128xf32>
    %get3A_6 = arith.constant 0 : index
    %get3A_7 = arith.constant 0 : index
    %get3A_8 = vector.load %arg3[%get3A_6, %get3A_7] : memref<1x128xf32, #tpu.memory_space<vmem>>, vector<1x128xf32>
    %add3A = vector.broadcast %get3A_8 : vector<1x128xf32> to vector<512x128xf32>
    %add3A_9 = arith.addf %dot_general3A_5, %add3A : vector<512x128xf32>
    %max3A = arith.constant 0.000000e+00 : f32
    %max3A_10 = vector.broadcast %max3A : f32 to vector<512x128xf32>
    %max3A_11 = arith.maximumf %add3A_9, %max3A_10 : vector<512x128xf32>
    %get3A_12 = arith.constant 0 : index
    %get3A_13 = arith.constant 0 : index
    %get3A_14 = vector.load %arg4[%get3A_12, %get3A_13] : memref<1x128xf32, #tpu.memory_space<vmem>>, vector<1x128xf32>
    %mul3A = vector.broadcast %get3A_14 : vector<1x128xf32> to vector<512x128xf32>
    %mul3A_15 = arith.mulf %max3A_11, %mul3A : vector<512x128xf32>
    %reduce_sum3A = arith.constant dense<0.000000e+00> : vector<512xf32>
    %reduce_sum3A_16 = vector.multi_reduction <add>, %mul3A_15, %reduce_sum3A [1] : vector<512x128xf32> to vector<512xf32>
    %broadcast_in_dim3A = vector.shape_cast %reduce_sum3A_16 : vector<512xf32> to vector<512x1xf32>
    %get3A_17 = arith.constant 0 : index
    %get3A_18 = arith.constant 0 : index
    %get3A_19 = vector.load %arg5[%get3A_17, %get3A_18] : memref<1x1xf32, #tpu.memory_space<vmem>>, vector<1x1xf32>
    %add3A_20 = vector.broadcast %get3A_19 : vector<1x1xf32> to vector<512x1xf32>
    %add3A_21 = arith.addf %broadcast_in_dim3A, %add3A_20 : vector<512x1xf32>
    %swap3A = arith.constant 0 : index
    %swap3A_22 = arith.constant 0 : index
    %swap3A_23 = vector.load %arg9[%swap3A, %swap3A_22] : memref<512x1xf32, #tpu.memory_space<vmem>>, vector<512x1xf32>
    tpu.vector_store %arg9[%swap3A, %swap3A_22], %add3A_21 {strides = array<i32>} : memref<512x1xf32, #tpu.memory_space<vmem>>, vector<512x1xf32>,
    %get3A_24 = arith.constant 0 : index
    %get3A_25 = arith.constant 0 : index
    %get3A_26 = vector.load %arg6[%get3A_24, %get3A_25] : memref<128x128xf32, #tpu.memory_space<vmem>>, vector<128x128xf32>
    %dot_general3A_27 = arith.constant dense<0.000000e+00> : vector<512x128xf32>
    %dot_general3A_28 = tpu.matmul %get3A_1, %get3A_26, %dot_general3A_27 {dimension_numbers = #tpu.dot_dimension_numbers<[1], [0], [0], [1], [0, 0, 1, 1], [], []>, transpose_lhs_hint = false} : vector<512x128xf32>, vector<128x128xf32>, vector<512x128xf32> -> vector<512x128xf32>
    %get3A_29 = arith.constant 0 : index
    %get3A_30 = arith.constant 0 : index
    %get3A_31 = vector.load %arg8[%get3A_29, %get3A_30] : memref<1x128xf32, #tpu.memory_space<vmem>>, vector<1x128xf32>
    %add3A_32 = vector.broadcast %get3A_31 : vector<1x128xf32> to vector<512x128xf32>
    %add3A_33 = arith.addf %dot_general3A_28, %add3A_32 : vector<512x128xf32>
    %get3A_34 = arith.constant 0 : index
    %get3A_35 = arith.constant 0 : index
    %get3A_36 = vector.load %arg7[%get3A_34, %get3A_35] : memref<128x128xf32, #tpu.memory_space<vmem>>, vector<128x128xf32>
    %dot_general3A_37 = arith.constant dense<0.000000e+00> : vector<512x128xf32>
    %dot_general3A_38 = tpu.matmul %get3A_1, %get3A_36, %dot_general3A_37 {dimension_numbers = #tpu.dot_dimension_numbers<[1], [0], [0], [1], [0, 0, 1, 1], [], []>, transpose_lhs_hint = false} : vector<512x128xf32>, vector<128x128xf32>, vector<512x128xf32> -> vector<512x128xf32>
    %swap3A_39 = arith.constant 0 : index
    %swap3A_40 = arith.constant 0 : index
    %swap3A_41 = vector.load %arg10[%swap3A_39, %swap3A_40] : memref<512x128xf32, #tpu.memory_space<vmem>>, vector<512x128xf32>
    tpu.vector_store %arg10[%swap3A_39, %swap3A_40], %add3A_33 {strides = array<i32>} : memref<512x128xf32, #tpu.memory_space<vmem>>, vector<512x128xf32>,
    %swap3A_42 = arith.constant 0 : index
    %swap3A_43 = arith.constant 0 : index
    %swap3A_44 = vector.load %arg11[%swap3A_42, %swap3A_43] : memref<512x128xf32, #tpu.memory_space<vmem>>, vector<512x128xf32>
    tpu.vector_store %arg11[%swap3A_42, %swap3A_43], %dot_general3A_38 {strides = array<i32>} : memref<512x128xf32, #tpu.memory_space<vmem>>, vector<512x128xf32>,
    %abs3A = math.absf %add3A_33 : vector<512x128xf32>
    %reduce_max3A = vector.shape_cast %abs3A : vector<512x128xf32> to vector<1x512x128xf32>
    %reduce_max3A_45 = arith.constant dense<0xFF800000> : vector<1xf32>
    %reduce_max3A_46 = vector.multi_reduction <maximumf>, %reduce_max3A, %reduce_max3A_45 [1, 2] : vector<1x512x128xf32> to vector<1xf32>
    %reduce_max3A_47 = vector.shape_cast %reduce_max3A_46 : vector<1xf32> to vector<1x1x1xf32>
    %reduce_max3A_48 = vector.extract %reduce_max3A_47[0, 0, 0] : f32 from vector<1x1x1xf32>
    %abs3A_49 = math.absf %dot_general3A_38 : vector<512x128xf32>
    %reduce_max3A_50 = vector.shape_cast %abs3A_49 : vector<512x128xf32> to vector<1x512x128xf32>
    %reduce_max3A_51 = arith.constant dense<0xFF800000> : vector<1xf32>
    %reduce_max3A_52 = vector.multi_reduction <maximumf>, %reduce_max3A_50, %reduce_max3A_51 [1, 2] : vector<1x512x128xf32> to vector<1xf32>
    %reduce_max3A_53 = vector.shape_cast %reduce_max3A_52 : vector<1xf32> to vector<1x1x1xf32>
    %reduce_max3A_54 = vector.extract %reduce_max3A_53[0, 0, 0] : f32 from vector<1x1x1xf32>
    %max3A_55 = arith.maximumf %reduce_max3A_48, %reduce_max3A_54 : f32
    %eq3A = arith.constant 0 : i32
    %eq3A_56 = arith.cmpi eq, %arg0, %eq3A : i32
    %convert_element_type3A = arith.extui %eq3A_56 : i1 to i32
    %cond3A = arith.constant 0 : i32
    %cond3A_57 = arith.cmpi ne, %convert_element_type3A, %cond3A : i32
    scf.if %cond3A_57 {
      %broadcast_in_dim3A_66 = arith.constant 1.000000e-30 : f32
      %broadcast_in_dim3A_67 = vector.broadcast %broadcast_in_dim3A_66 : f32 to vector<1x128xf32>
      %swap3A_68 = arith.constant 0 : index
      %swap3A_69 = arith.constant 0 : index
      %swap3A_70 = vector.load %arg12[%swap3A_68, %swap3A_69] : memref<1x128xf32, #tpu.memory_space<vmem>>, vector<1x128xf32>
      tpu.vector_store %arg12[%swap3A_68, %swap3A_69], %broadcast_in_dim3A_67 {strides = array<i32>} : memref<1x128xf32, #tpu.memory_space<vmem>>, vector<1x128xf32>,
    } else {
    }
    %get3A_58 = arith.constant 0 : index
    %get3A_59 = arith.constant 0 : index
    %get3A_60 = vector.load %arg12[%get3A_58, %get3A_59] : memref<1x128xf32, #tpu.memory_space<vmem>>, vector<1x128xf32>
    %max3A_61 = vector.broadcast %max3A_55 : f32 to vector<1x128xf32>
    %max3A_62 = arith.maximumf %get3A_60, %max3A_61 : vector<1x128xf32>
    %swap3A_63 = arith.constant 0 : index
    %swap3A_64 = arith.constant 0 : index
    %swap3A_65 = vector.load %arg12[%swap3A_63, %swap3A_64] : memref<1x128xf32, #tpu.memory_space<vmem>>, vector<1x128xf32>
    tpu.vector_store %arg12[%swap3A_63, %swap3A_64], %max3A_62 {strides = array<i32>} : memref<1x128xf32, #tpu.memory_space<vmem>>, vector<1x128xf32>,
    return
  }
  func.func @transform_0(%arg0: i32) -> (i32, i32) {
    %c0_i32 = arith.constant 0 : i32
    %c0_i32_0 = arith.constant 0 : i32
    return %arg0, %c0_i32 : i32, i32
  }
  func.func @transform_1(%arg0: i32) -> (i32, i32) {
    %c0_i32 = arith.constant 0 : i32
    %c0_i32_0 = arith.constant 0 : i32
    %c0_i32_1 = arith.constant 0 : i32
    return %c0_i32, %c0_i32_0 : i32, i32
  }
  func.func @transform_2(%arg0: i32) -> (i32, i32) {
    %c0_i32 = arith.constant 0 : i32
    %c0_i32_0 = arith.constant 0 : i32
    %c0_i32_1 = arith.constant 0 : i32
    return %c0_i32, %c0_i32_0 : i32, i32
  }
  func.func @transform_3(%arg0: i32) -> (i32, i32) {
    %c0_i32 = arith.constant 0 : i32
    %c0_i32_0 = arith.constant 0 : i32
    %c0_i32_1 = arith.constant 0 : i32
    return %c0_i32, %c0_i32_0 : i32, i32
  }
  func.func @transform_4(%arg0: i32) -> (i32, i32) {
    %c0_i32 = arith.constant 0 : i32
    %c0_i32_0 = arith.constant 0 : i32
    %c0_i32_1 = arith.constant 0 : i32
    return %c0_i32, %c0_i32_0 : i32, i32
  }
  func.func @transform_5(%arg0: i32) -> (i32, i32) {
    %c0_i32 = arith.constant 0 : i32
    %c0_i32_0 = arith.constant 0 : i32
    %c0_i32_1 = arith.constant 0 : i32
    return %c0_i32, %c0_i32_0 : i32, i32
  }
  func.func @transform_6(%arg0: i32) -> (i32, i32) {
    %c0_i32 = arith.constant 0 : i32
    %c0_i32_0 = arith.constant 0 : i32
    %c0_i32_1 = arith.constant 0 : i32
    return %c0_i32, %c0_i32_0 : i32, i32
  }
  func.func @transform_7(%arg0: i32) -> (i32, i32) {
    %c0_i32 = arith.constant 0 : i32
    %c0_i32_0 = arith.constant 0 : i32
    %c0_i32_1 = arith.constant 0 : i32
    return %c0_i32, %c0_i32_0 : i32, i32
  }
  func.func @transform_8(%arg0: i32) -> (i32, i32) {
    %c0_i32 = arith.constant 0 : i32
    %c0_i32_0 = arith.constant 0 : i32
    return %arg0, %c0_i32 : i32, i32
  }
  func.func @transform_9(%arg0: i32) -> (i32, i32) {
    %c0_i32 = arith.constant 0 : i32
    %c0_i32_0 = arith.constant 0 : i32
    return %arg0, %c0_i32 : i32, i32
  }
  func.func @transform_10(%arg0: i32) -> (i32, i32) {
    %c0_i32 = arith.constant 0 : i32
    %c0_i32_0 = arith.constant 0 : i32
    return %arg0, %c0_i32 : i32, i32
  }
  func.func @transform_11(%arg0: i32) -> (i32, i32) {
    %c0_i32 = arith.constant 0 : i32
    %c0_i32_0 = arith.constant 0 : i32
    %c0_i32_1 = arith.constant 0 : i32
    return %c0_i32, %c0_i32_0 : i32, i32
  }
}

module attributes {stable_mosaic.version = 14 : i64} {
  func.func @body(%arg0: i32, %arg1: memref<512x128xf32, #tpu.memory_space<vmem>>, %arg2: memref<128x8xf32, #tpu.memory_space<vmem>>, %arg3: memref<1x1xf32, #tpu.memory_space<vmem>>, %arg4: memref<512x8xf32, #tpu.memory_space<vmem>>) attributes {dimension_semantics = [#tpu.dimension_semantics<arbitrary>], iteration_bounds = array<i64: 80>, scalar_prefetch = 0 : i64, scratch_operands = 0 : i64, tpu.core_type = #tpu.core_type<tc>, window_params = [{transform_indices = @transform_0, window_bounds = array<i64: 512, 128>}, {pipeline_mode = #tpu.pipeline_mode<synchronous>, transform_indices = @transform_1, window_bounds = array<i64: 128, 8>}, {pipeline_mode = #tpu.pipeline_mode<synchronous>, transform_indices = @transform_2, window_bounds = array<i64: 1, 1>}, {transform_indices = @transform_3, window_bounds = array<i64: 512, 8>}]} {
    %get3A = arith.constant 0 : index
    %get3A_0 = arith.constant 0 : index
    %get3A_1 = vector.load %arg1[%get3A, %get3A_0] : memref<512x128xf32, #tpu.memory_space<vmem>>, vector<512x128xf32>
    %get3A_2 = arith.constant 0 : index
    %get3A_3 = arith.constant 0 : index
    %get3A_4 = vector.load %arg2[%get3A_2, %get3A_3] : memref<128x8xf32, #tpu.memory_space<vmem>>, vector<128x8xf32>
    %dot_general3A = arith.constant dense<0.000000e+00> : vector<512x8xf32>
    %dot_general3A_5 = tpu.matmul %get3A_1, %get3A_4, %dot_general3A {dimension_numbers = #tpu.dot_dimension_numbers<[1], [0], [0], [1], [0, 0, 1, 1], [], []>, transpose_lhs_hint = false} : vector<512x128xf32>, vector<128x8xf32>, vector<512x8xf32> -> vector<512x8xf32>
    %get3A_6 = arith.constant 0 : index
    %get3A_7 = arith.constant 0 : index
    %get3A_8 = vector.load %arg3[%get3A_6, %get3A_7] : memref<1x1xf32, #tpu.memory_space<vmem>>, vector<1x1xf32>
    %add3A = vector.broadcast %get3A_8 : vector<1x1xf32> to vector<512x8xf32>
    %add3A_9 = arith.addf %dot_general3A_5, %add3A : vector<512x8xf32>
    %swap3A = arith.constant 0 : index
    %swap3A_10 = arith.constant 0 : index
    %swap3A_11 = vector.load %arg4[%swap3A, %swap3A_10] : memref<512x8xf32, #tpu.memory_space<vmem>>, vector<512x8xf32>
    tpu.vector_store %arg4[%swap3A, %swap3A_10], %add3A_9 {strides = array<i32>} : memref<512x8xf32, #tpu.memory_space<vmem>>, vector<512x8xf32>,
    return
  }
  func.func @transform_0(%arg0: i32) -> (i32, i32) {
    %c0_i32 = arith.constant 0 : i32
    %c0_i32_0 = arith.constant 0 : i32
    return %arg0, %c0_i32 : i32, i32
  }
  func.func @transform_1(%arg0: i32) -> (i32, i32) {
    %c0_i32 = arith.constant 0 : i32
    %c0_i32_0 = arith.constant 0 : i32
    %c0_i32_1 = arith.constant 0 : i32
    return %c0_i32, %c0_i32_0 : i32, i32
  }
  func.func @transform_2(%arg0: i32) -> (i32, i32) {
    %c0_i32 = arith.constant 0 : i32
    %c0_i32_0 = arith.constant 0 : i32
    %c0_i32_1 = arith.constant 0 : i32
    return %c0_i32, %c0_i32_0 : i32, i32
  }
  func.func @transform_3(%arg0: i32) -> (i32, i32) {
    %c0_i32 = arith.constant 0 : i32
    %c0_i32_0 = arith.constant 0 : i32
    return %arg0, %c0_i32 : i32, i32
  }
}

</mosaic_0001>

<sc_bundles>
// kernel: kernel.6.cloned.1.call-start
scs
__scs_entry_jumppad:
0x0: {  	(pc) =	sbr.rel $0x88, $3  }
0x1: {  	(tag) =	ssettag $0x0;
	lr =	simm.s32 $0x1  }
0x2: {  	[smem:$0x3F97] =	sst lr;
	_ =	strace $0xD0000000  }
0x3: {  	_ = 	snop  }
0x4: {  	_ = 	snop  }
0x5: {  	_ = 	snop  }
0x6: {  	_ = 	snop  }
0x7: {  	_ = 	snop  }
__scs_overlays_trampoline_lowered:
0x8: {  	[smem:$0x3FA6] =	sst s0  }
0x9: {  	[smem:$0x3FA7] =	sst s1  }
0xa: {  	[smem:$0x3FA8] =	sst s2  }
0xb: {  	[smem:$0x3FA9] =	sst s3  }
0xc: {  	[smem:$0x3FAA] =	sst s4  }
0xd: {  	[smem:$0x3FAB] =	sst s5  }
0xe: {  	[smem:$0x3FAC] =	sst s6  }
0xf: {  	[smem:$0x3FAD] =	sst s7  }
0x10: {  	[smem:$0x3FAE] =	sst s8  }
0x11: {  	[smem:$0x3FAF] =	sst s9;
	s0 =	simm.s32 @!p0 $0x0  }
0x12: {  	s1 =	sld [smem:$0x3F95];
	s0 =	simm.s32 @p0 $0x1  }
0x13: {  	[smem:$0x3FB0] =	sst s0;
	s0 =	simm.s32 @!p1 $0x0  }
0x14: {  	s2 =	sld [smem:$0x3F94];
	s0 =	simm.s32 @p1 $0x1  }
0x15: {  	[smem:$0x3FB1] =	sst s0;
	s0 =	simm.s32 @!p2 $0x0  }
0x16: {  	s3 =	sld [smem:$0x3FDB];
	s0 =	simm.s32 @p2 $0x1  }
0x17: {  	s4 =	simm.s32 $0x1BF5;
	[smem:$0x3FB3] =	sst s0  }
0x18: {  	s0 =	sld [smem:$0x3F96];
	_ =	swait.ge [sflag:s4], $0x0  }
0x19: {  	s7 =	sld [smem:$0x3F97]  }
0x1a: {  	s8 =	sadd.s32 $0xFFFFE003, lr  }
0x1b: {  	s9 =	sadd.s32 $0xFFFFFEF7, lr;
	s5 =	simm.s32 $0xFFFFFFFF;
	p2 =	slt.u32 s8, $0xFFFFF086  }
0x1c: {  	p1 =	slt.u32 s9, $0xF7A;
	s5 =	simm.s32 @!p2 $0x0  }
0x1d: {  	s5 =	simm.s32 @p1 $0x1;
	p0 =	seq.s32 s7, s2  }
0x1e: {  	s7 =	smul.u32 @!p0 $0xF7A, s2;
	p2 =	seq.s32 @!p0 s5, $0x0  }
0x1f: {  	s9 =	smul.u32 $0xF7A, s1;
	s8 =	simm.s32 @!p0 $0x1BF5;
	p2 =	por !p2, p0  }
0x20: {  	[sflag:s8] =	ssyncset.s32 @!p0 $0xFFFFF086;
	s6 =	sadd.s32 @!p0 s3, s7;
	s7 =	simm.s32 @!p0 $0x108  }
0x21: {  	s3 =	sadd.s32 s3, s9;
	s6 =	sadd.s32 @!p0 $0x88, s6;
	s7 =	simm.s32 @p2 $0x1082  }
0x22: {  	[simem:s7], [sflag:s8] =	dma.local @!p0 [hbm:s6], $0xF7A  }
0x23: {  	s9 =	sor.u32 $0xD0000000, s2;
	s6 =	simm.s32 $0x108;
	_ =	swait.ge @!p0 [sflag:s8], $0x0  }
0x24: {  	s3 =	sadd.s32 $0x88, s3;
	s6 =	simm.s32 @!p1 $0x1082;
	[sflag:s4] =	ssyncset.s32 $0xFFFFF086  }
0x25: {  	[simem:s6], [sflag:s4] =	dma.local [hbm:s3], $0xF7A  }
0x26: {  	[smem:$0x3F97] =	sst s1;
	(tag) =	ssettag s2;
	_ =	strace s9  }
0x27: {  	s1 =	sld [smem:$0x3FA7]  }
0x28: {  	s2 =	sld [smem:$0x3FA8]  }
0x29: {  	s4 =	sld [smem:$0x3FAA]  }
0x2a: {  	p0 =	seq.s32 s5, $0x0;
	s5 =	sld [smem:$0x3FAB]  }
0x2b: {  	s6 =	sld [smem:$0x3FAC]  }
0x2c: {  	s7 =	sld [smem:$0x3FAD]  }
0x2d: {  	s3 =	simm.s32 $0x108;
	s8 =	sld [smem:$0x3FAE]  }
0x2e: {  	s3 =	simm.s32 @!p0 $0x1082;
	s9 =	sld [smem:$0x3FAF]  }
0x2f: {  	lr =	sadd.s32 s0, s3;
	s0 =	sld [smem:$0x3FA6]  }
0x30: {  	s3 =	sld [smem:$0x3FA9]  }
0x31: {  	[smem:$0x3FB2] =	sst s10  }
0x32: {  	s10 =	sld [smem:$0x3FB0];
	_ =	sdelay $0x3  }
0x33: {  	p0 =	seq.s32 s10, $0x1;
	s10 =	sld [smem:$0x3FB2];
	_ =	sdelay $0x3  }
0x34: {  	[smem:$0x3FB2] =	sst s10  }
0x35: {  	s10 =	sld [smem:$0x3FB1];
	_ =	sdelay $0x3  }
0x36: {  	p1 =	seq.s32 s10, $0x1;
	s10 =	sld [smem:$0x3FB2];
	_ =	sdelay $0x3  }
0x37: {  	[smem:$0x3FB2] =	sst s10  }
0x38: {  	s10 =	sld [smem:$0x3FB3]  }
0x39: {  	_ = 	snop;
	(pc) =	sbr.ind lr, $3  }
0x3a: {  	_ = 	snop  }
0x3b: {  	_ = 	snop  }
0x3c: {  	p2 =	seq.s32 s10, $0x1;
	s10 =	sld [smem:$0x3FB2]  }
0x3d: {  	_ =	shalt  }
0x3e: {  	_ =	shalt  }
0x3f: {  	_ =	shalt  }
0x40: {  	_ =	shalt  }
0x41: {  	_ =	shalt  }
0x42: {  	_ =	shalt  }
0x43: {  	_ =	shalt  }
0x44: {  	_ =	shalt  }
0x45: {  	_ =	shalt  }
0x46: {  	_ =	shalt  }
0x47: {  	_ =	shalt  }
0x48: {  	_ =	shalt  }
0x49: {  	_ =	shalt  }
0x4a: {  	_ =	shalt  }
0x4b: {  	_ =	shalt  }
0x4c: {  	_ =	shalt  }
0x4d: {  	_ =	shalt  }
0x4e: {  	_ =	shalt  }
0x4f: {  	_ =	shalt  }
0x50: {  	_ =	shalt  }
0x51: {  	_ =	shalt  }
0x52: {  	_ =	shalt  }
0x53: {  	_ =	shalt  }
0x54: {  	_ =	shalt  }
0x55: {  	_ =	shalt  }
0x56: {  	_ =	shalt  }
0x57: {  	_ =	shalt  }
0x58: {  	_ =	shalt  }
0x59: {  	_ =	shalt  }
0x5a: {  	_ =	shalt  }
0x5b: {  	_ =	shalt  }
0x5c: {  	_ =	shalt  }
0x5d: {  	_ =	shalt  }
0x5e: {  	_ =	shalt  }
0x5f: {  	_ =	shalt  }
0x60: {  	_ =	shalt  }
0x61: {  	_ =	shalt  }
0x62: {  	_ =	shalt  }
0x63: {  	_ =	shalt  }
0x64: {  	_ =	shalt  }
0x65: {  	_ =	shalt  }
0x66: {  	_ =	shalt  }
0x67: {  	_ =	shalt  }
0x68: {  	_ =	shalt  }
0x69: {  	_ =	shalt  }
0x6a: {  	_ =	shalt  }
0x6b: {  	_ =	shalt  }
0x6c: {  	_ =	shalt  }
0x6d: {  	_ =	shalt  }
0x6e: {  	_ =	shalt  }
0x6f: {  	_ =	shalt  }
0x70: {  	_ =	shalt  }
0x71: {  	_ =	shalt  }
0x72: {  	_ =	shalt  }
0x73: {  	_ =	shalt  }
0x74: {  	_ =	shalt  }
0x75: {  	_ =	shalt  }
0x76: {  	_ =	shalt  }
0x77: {  	_ =	shalt  }
0x78: {  	_ =	shalt  }
0x79: {  	_ =	shalt  }
0x7a: {  	_ =	shalt  }
0x7b: {  	_ =	shalt  }
0x7c: {  	_ =	shalt  }
0x7d: {  	_ =	shalt  }
0x7e: {  	_ =	shalt  }
0x7f: {  	_ =	shalt  }
0x80: {  	_ =	shalt  }
0x81: {  	_ =	shalt  }
0x82: {  	_ =	shalt  }
0x83: {  	_ =	shalt  }
0x84: {  	_ =	shalt  }
0x85: {  	_ =	shalt  }
0x86: {  	_ =	shalt  }
0x87: {  	_ =	shalt  }
.Lfunc_end0:
.L_simem_size_0:
called_computation_lowered:
.L_overlay_start_0:
0x88: {  	s2 =	sld [smem:$0x3FD9]  }
0x89: {  	s3 =	sld [smem:$0x3FFE];
	_ =	sdelay $0x1  }
0x8a: {  	s1 =	srdreg.scid  }
0x8b: {  	s0 =	sand.u32 $0x1, s1  }
0x8c: {  	s14 =	sshll.u32 s0, $0xA;
	s2 =	sadd.s32 s3, s2  }
0x8d: {  	s2 =	sadd.s32 s2, s14  }
0x8e: {  	[smem:$0x3FBE] =	sst s2  }
0x8f: {  	_ = 	snop  }
0x90: {  	s2 =	sld [smem:$0x3FD0];
	_ =	sdelay $0x2  }
0x91: {  	s15 =	simm.s32 $0xA;
	s4 =	simm.s32 $0x10  }
0x92: {  	[smem:s4], [sflag:s15] =	dma.local [hbm:s2], $0x1  }
0x93: {  	_ =	swait.eq [sflag:s15], $0x1  }
0x94: {  	[sflag:s15] =	ssyncset.done $0x0  }
0x95: {  	[sflag:s15] =	ssyncadd.s32 $0xFFFFFFFF  }
0x96: {  	s16 =	sld [smem:$0x11];
	(tm) =	ssettm $0x1  }
0x97: {  	s17 =	sld [smem:$0x3FFB];
	_ =	sdelay $0x3  }
0x98: {  	_ =	strace s17  }
0x99: {  	s3 =	sld [smem:$0x3FFC];
	_ =	sdelay $0x3  }
0x9a: {  	_ =	strace s3  }
0x9b: {  	s3 =	sld [smem:$0x3FFD];
	_ =	sdelay $0x3  }
0x9c: {  	_ =	strace s3  }
0x9d: {  	_ =	strace $0x8FFFFFFF  }
0x9e: {  	s18 =	sld [smem:$0x3FDB];
	_ =	sdelay $0x1  }
0x9f: {  	s19 =	simm.s32 $_scs_section_size  }
0xa0: {  	s5 =	simm.s32 $_size__tile_overlayer_lowered;
	s6 =	simm.s32 $_tile_overlayer_lowered  }
0xa1: {  	s22 =	simm.s32 $0x1BFF;
	s21 =	sshll.u32 s6, $0x1;
	s3 =	sadd.s32 s19, s18  }
0xa2: {  	s7 =	simm.s32 $0x0;
	s20 =	sshll.u32 s5, $0x1;
	s5 =	sadd.s32 s21, s3  }
0xa3: {  	[timem:s7], [sflag:s22] =	dma.local [hbm:s5], s20  }
0xa4: {  	_ =	swait.ge [sflag:s22], s20  }
0xa5: {  	s4 =	ssub.s32 $0x0, s20;
	[sflag:s22] =	ssyncset.done $0x0  }
0xa6: {  	[sflag:s22] =	ssyncadd.s32 s4;
	_ =	sdelay $0x1  }
0xa7: {  	s23 =	simm.s32 $0x1B8B  }
0xa8: {  	_ =	swait.ge [sflag:s23], $0x1  }
0xa9: {  	[sflag:s23] =	ssyncset.done $0x0  }
0xaa: {  	s25 =	simm.s32 $0x1B8E;
	s24 =	sld [smem:$0x3FFE];
	[sflag:s23] =	ssyncadd.s32 $0xFFFFFFFF  }
0xab: {  	s26 =	simm.s32 $execute0_lowered;
	[smem:$0x3FD2] =	sst s25  }
0xac: {  	s5 =	sshll.u32 s26, $0x1;
	_ =	strace $0x80000046;
	[dreg:$0x1] =	wrdreg $0xFFFFFFFF  }
0xad: {  	s28 =	simm.s32 $_size_execute0_lowered;
	s3 =	sadd.s32 s3, s5;
	[dreg:$0x0] =	wrdreg $0x0  }
0xae: {  	s5 =	sshll.u32 s28, $0x1;
	[dreg:$0x2] =	wrdreg s3  }
0xaf: {  	[dreg:$0x3] =	wrdreg s5  }
0xb0: {  	[dreg:$0x4] =	wrdreg $0xC0  }
0xb1: {  	_ =	task [dreg:s7], $0x5FFFF  }
0xb2: {  	[dreg:$0x1] =	wrdreg $0xFFFFFFFF  }
0xb3: {  	[dreg:$0x0] =	wrdreg $0x60  }
0xb4: {  	[dreg:$0x2] =	wrdreg s24  }
0xb5: {  	[dreg:$0x3] =	wrdreg s16  }
0xb6: {  	[dreg:$0x4] =	wrdreg $0x9  }
0xb7: {  	_ =	task.clear_ibuf [dreg:s7], $0x5FFFF;
	_ =	strace $0x90000046  }
0xb8: {  	s29 =	simm.s32 $0x9;
	_ =	strace $0x80000048  }
0xb9: {  	_ =	swait.ge [sflag:s29], $0x1  }
0xba: {  	[sflag:s29] =	ssyncadd.s32 $0xFFFFFFFF  }
0xbb: {  	_ =	strace $0x90000048  }
0xbc: {  	_ =	sfence  }
0xbd: {  	s30 =	sld [smem:$0x0];
	_ =	sdelay $0x2  }
0xbe: {  	s31 =	sshll.u32 s1, $0xD;
	s1 =	sshrl.u32 s1, $0x2  }
0xbf: {  	s3 =	sand.u32 $0x4000, s31;
	s1 =	sadd.s32 s1, s30  }
0xc0: {  	s0 =	sor.u32 s3, s0;
	s1 =	sshll.u32 s1, $0x11  }
0xc1: {  	s0 =	sor.u32 s1, s0  }
0xc2: {  	s0 =	sadd.s32 $0x8F2B, s0  }
0xc3: {  	[sflag:s0] =	ssyncadd.remote.s32 $0x1  }
0xc4: {  	_ =	sfence.sel $0xFFFF  }
0xc5: {  	[dreg:$0x0] =	wrdreg $0xFFFFFFFF;
	(pc) =	sbr.abs _section_cstart, $3  }
0xc6: {  	[dreg:$0x1] =	wrdreg $0xFFFFFFFF  }
0xc7: {  	_ =	task.clear_ibuf [dreg:s7], $0x2FFFF;
	_ =	strace $0x9FFFFFFF  }
0xc8: {  	(tm) =	ssettm $0x7FFFFFFF  }
0xc9: {  	_ =	shalt  }
tec
execute0_lowered:
.L_overlay_start_1:
0x0: {  	(tag) =	ssettag $0x1  }
0x1: {  	s7 =	rddreg [dreg:$0x0]  }
0x2: {  	s1 =	rddreg [dreg:$0x1]  }
0x3: {  	s0 =	rddreg [dreg:$0x2];
	s2 =	simm.s32 $0x0;
	s3 =	srdreg.scid  }
0x4: {  	s12 =	simm.s32 $0x2000;
	s13 =	simm.s32 $0x4000;
	s14 =	simm.s32 $0x5000  }
0x5: {  	s15 =	simm.s32 $0x0;
	[smem:$0x7FF] =	sst s2;
	s8 =	sand.u32 $0x1, s3  }
0x6: {  	s4 =	sadd.s32 $0x1800, s7;
	s3 =	stileid.u32;
	s5 =	sadd.s32 $0x29800, s7  }
0x7: {  	s6 =	sadd.s32 $0x51800, s7;
	s7 =	sadd.s32 $0x65800, s7;
	s9 =	ssub.s32 $0x2, s8  }
0x8: {  	_ =	strace $0x80000047;
	s11 =	sshll.u32 s3, $0x1;
	s10 =	sshrl.u32 s9, $0x1  }
0x9: {  	s8 =	sor.u32 s8, s11;
	s11 =	simm.s32 $0x1;
	s9 =	ssub.s32 s9, s10  }
0xa: {  	v0 =	vimm.f32 $-5.000000000e-01;
	s8 =	smul.u32 $0x140, s8;
	s10 =	simm.s32 $0x6000;
	s9 =	smax.u32 s9, $0x1  }
.LBB2_1:
0xb: {  	[tilespmem:s10], [sflag:$0x1] =	stream.linear.gather [hbm4b:s1+s2], $0x80, $0x38;
	[tilespmem:$0x6080] =	vst v63  }
0xc: {  	_ =	swait.ge [sflag:s11], $0x80  }
0xd: {  	[sflag:s11] =	ssyncset.done $0x0  }
0xe: {  	[sflag:s11] =	ssyncadd.s32 $0xFFFFFF80  }
0xf: {  	v1 =	vld [tilespmem:$0x6000];
	_ =	sdelay $0x4  }
0x10: {  	(erf) = vrcp.f32 v1;
	_ =	sdelay $0x8  }
0x11: {  	v1 =	vpop (erf)  }
0x12: {  	s16 =	simm.s32 $0x0;
	v1 =	vmul.f32 $3.200000000e+04, v1  }
.LBB2_2:
0x13: {  	s17 =	sshll.u32 s16, $0x6  }
0x14: {  	s17 =	sadd.s32 s8, s17  }
0x15: {  	s18 =	sshll.u32 s17, $0x4  }
0x16: {  	s19 =	sadd.s32 s4, s18  }
0x17: {  	[tilespmem:s2], [sflag:$0x1] =	stream.linear.gather [hbm4b:s19+s2], $0x2000, $0x38;
	[tilespmem:$0x6080] =	vst v63  }
0x18: {  	_ =	swait.ge [sflag:s11], $0x2000  }
0x19: {  	[sflag:s11] =	ssyncset.done $0x0  }
0x1a: {  	s18 =	sadd.s32 s5, s18;
	[sflag:s11] =	ssyncadd.s32 $0xFFFFE000  }
0x1b: {  	[tilespmem:s12], [sflag:$0x1] =	stream.linear.gather [hbm4b:s18+s2], $0x2000, $0x38;
	[tilespmem:$0x6080] =	vst v63  }
0x1c: {  	_ =	swait.ge [sflag:s11], $0x2000  }
0x1d: {  	[sflag:s11] =	ssyncset.done $0x0  }
0x1e: {  	s25 =	simm.s32 $0x80;
	[sflag:s11] =	ssyncadd.s32 $0xFFFFE000  }
0x1f: {  	v2 =	vld [tilespmem:s25+$0x0]  }
0x20: {  	v3 =	vld [tilespmem:s25+$0x40];
	_ =	sdelay $0x4  }
0x21: {  	v2 =	vmul.f32 v2, v1;
	v3 =	vmul.f32 v3, v1;
	_ =	sdelay $0x1  }
0x22: {  	vm0 =	vge.f32 v2, $0.0e+00;
	vm1 =	vge.f32 v3, $0.0e+00  }
0x23: {  	v4 =	vsel vm0, $0x3F000000, v0;
	v5 =	vsel vm1, $0x3F000000, v0  }
0x24: {  	v2 =	vadd.f32 v4, v2;
	v3 =	vadd.f32 v5, v3;
	_ =	sdelay $0x1  }
0x25: {  	v2 =	vtrunc.f32 v2;
	v3 =	vtrunc.f32 v3  }
0x26: {  	v2 =	vcvt.f32.s32 v2;
	v3 =	vcvt.f32.s32 v3;
	_ =	sdelay $0x1  }
0x27: {  	v2 =	vand.u32 $0xFFFF, v2;
	v3 =	vshll.u32 v3, $0x10  }
0x28: {  	s22 =	simm.s32 $0x4040;
	v2 =	vor.u32 v2, v3  }
0x29: {  	[tilespmem:s22+$0x0] =	vst v2  }
0x2a: {  	v2 =	vld [tilespmem:s25+$0x10]  }
0x2b: {  	v3 =	vld [tilespmem:s25+$0x50];
	_ =	sdelay $0x4  }
0x2c: {  	v2 =	vmul.f32 v2, v1;
	v3 =	vmul.f32 v3, v1;
	_ =	sdelay $0x1  }
0x2d: {  	vm6 =	vge.f32 v2, $0.0e+00;
	vm7 =	vge.f32 v3, $0.0e+00  }
0x2e: {  	v4 =	vsel vm6, $0x3F000000, v0;
	v5 =	vsel vm7, $0x3F000000, v0  }
0x2f: {  	v6 =	vld [tilespmem:s25+$0xFFFFFFC0];
	v2 =	vadd.f32 v4, v2;
	v3 =	vadd.f32 v5, v3  }
0x30: {  	v4 =	vld [tilespmem:s25+$0xFFFFFF80]  }
0x31: {  	v2 =	vtrunc.f32 v2;
	v3 =	vtrunc.f32 v3  }
0x32: {  	v2 =	vcvt.f32.s32 v2;
	v3 =	vcvt.f32.s32 v3;
	_ =	sdelay $0x1  }
0x33: {  	v2 =	vand.u32 $0xFFFF, v2;
	v3 =	vshll.u32 v3, $0x10  }
0x34: {  	v5 =	vmul.f32 v6, v1;
	v4 =	vmul.f32 v4, v1;
	v2 =	vor.u32 v2, v3  }
0x35: {  	[tilespmem:s22+$0x10] =	vst v2  }
0x36: {  	vm8 =	vge.f32 v5, $0.0e+00;
	vm9 =	vge.f32 v4, $0.0e+00;
	v2 =	vld [tilespmem:s25+$0x20]  }
0x37: {  	v3 =	vsel vm8, $0x3F000000, v0;
	v6 =	vsel vm9, $0x3F000000, v0;
	v7 =	vld [tilespmem:s25+$0x60]  }
0x38: {  	v3 =	vadd.f32 v3, v5;
	v4 =	vadd.f32 v6, v4;
	_ =	sdelay $0x1  }
0x39: {  	v3 =	vtrunc.f32 v3;
	v4 =	vtrunc.f32 v4  }
0x3a: {  	v3 =	vcvt.f32.s32 v3;
	v4 =	vcvt.f32.s32 v4  }
0x3b: {  	v2 =	vmul.f32 v2, v1;
	v5 =	vmul.f32 v7, v1  }
0x3c: {  	v3 =	vshll.u32 v3, $0x10;
	v4 =	vand.u32 $0xFFFF, v4  }
0x3d: {  	v3 =	vor.u32 v4, v3;
	vm10 =	vge.f32 v2, $0.0e+00;
	vm11 =	vge.f32 v5, $0.0e+00  }
0x3e: {  	[tilespmem:s22+$0xFFFFFFC0] =	vst v3;
	v3 =	vsel vm10, $0x3F000000, v0;
	v4 =	vsel vm11, $0x3F000000, v0  }
0x3f: {  	v6 =	vld [tilespmem:s25+$0xFFFFFF90];
	v2 =	vadd.f32 v3, v2;
	v3 =	vadd.f32 v4, v5  }
0x40: {  	v4 =	vld [tilespmem:s25+$0xFFFFFFD0]  }
0x41: {  	v2 =	vtrunc.f32 v2;
	v3 =	vtrunc.f32 v3  }
0x42: {  	v2 =	vcvt.f32.s32 v2;
	v3 =	vcvt.f32.s32 v3;
	_ =	sdelay $0x1  }
0x43: {  	v2 =	vand.u32 $0xFFFF, v2;
	v3 =	vshll.u32 v3, $0x10  }
0x44: {  	v5 =	vmul.f32 v6, v1;
	v4 =	vmul.f32 v4, v1;
	v2 =	vor.u32 v2, v3  }
0x45: {  	[tilespmem:s22+$0x20] =	vst v2  }
0x46: {  	vm12 =	vge.f32 v5, $0.0e+00;
	vm13 =	vge.f32 v4, $0.0e+00;
	v2 =	vld [tilespmem:s25+$0x30]  }
0x47: {  	v3 =	vsel vm12, $0x3F000000, v0;
	v6 =	vsel vm13, $0x3F000000, v0;
	v7 =	vld [tilespmem:s25+$0x70]  }
0x48: {  	v3 =	vadd.f32 v3, v5;
	v4 =	vadd.f32 v6, v4;
	_ =	sdelay $0x1  }
0x49: {  	v3 =	vtrunc.f32 v3;
	v4 =	vtrunc.f32 v4  }
0x4a: {  	v3 =	vcvt.f32.s32 v3;
	v4 =	vcvt.f32.s32 v4  }
0x4b: {  	v2 =	vmul.f32 v2, v1;
	v5 =	vmul.f32 v7, v1  }
0x4c: {  	v3 =	vand.u32 $0xFFFF, v3;
	v4 =	vshll.u32 v4, $0x10  }
0x4d: {  	vm14 =	vge.f32 v2, $0.0e+00;
	vm15 =	vge.f32 v5, $0.0e+00;
	v3 =	vor.u32 v3, v4  }
0x4e: {  	v4 =	vsel vm14, $0x3F000000, v0;
	v6 =	vsel vm15, $0x3F000000, v0;
	[tilespmem:s22+$0xFFFFFFD0] =	vst v3  }
0x4f: {  	v2 =	vadd.f32 v4, v2;
	v3 =	vadd.f32 v6, v5;
	v4 =	vld [tilespmem:s25+$0xFFFFFFA0]  }
0x50: {  	v5 =	vld [tilespmem:s25+$0xFFFFFFE0]  }
0x51: {  	v2 =	vtrunc.f32 v2;
	v3 =	vtrunc.f32 v3  }
0x52: {  	v2 =	vcvt.f32.s32 v2;
	v3 =	vcvt.f32.s32 v3;
	_ =	sdelay $0x1  }
0x53: {  	v2 =	vand.u32 $0xFFFF, v2;
	v3 =	vshll.u32 v3, $0x10  }
0x54: {  	v4 =	vmul.f32 v4, v1;
	v2 =	vor.u32 v2, v3;
	v3 =	vmul.f32 v5, v1  }
0x55: {  	s21 =	simm.s32 $0x2080;
	[tilespmem:s22+$0x30] =	vst v2  }
0x56: {  	vm4 =	vge.f32 v4, $0.0e+00;
	v2 =	vld [tilespmem:s21+$0x0];
	vm5 =	vge.f32 v3, $0.0e+00  }
0x57: {  	s26 =	simm.s32 $0x180;
	v5 =	vsel vm4, $0x3F000000, v0;
	v6 =	vld [tilespmem:s21+$0x40];
	v7 =	vsel vm5, $0x3F000000, v0  }
0x58: {  	v4 =	vadd.f32 v5, v4;
	v5 =	vld [tilespmem:s26+$0x0];
	v3 =	vadd.f32 v7, v3;
	_ =	sdelay $0x1  }
0x59: {  	v7 =	vld [tilespmem:s26+$0x40];
	v4 =	vtrunc.f32 v4;
	v3 =	vtrunc.f32 v3  }
0x5a: {  	v4 =	vcvt.f32.s32 v4;
	v2 =	vmul.f32 v2, v1  }
0x5b: {  	v6 =	vmul.f32 v6, v1;
	v3 =	vcvt.f32.s32 v3  }
0x5c: {  	v4 =	vand.u32 $0xFFFF, v4;
	v5 =	vmul.f32 v5, v1  }
0x5d: {  	vm6 =	vge.f32 v2, $0.0e+00;
	vm7 =	vge.f32 v6, $0.0e+00;
	v3 =	vshll.u32 v3, $0x10  }
0x5e: {  	v7 =	vmul.f32 v7, v1;
	v8 =	vsel vm6, $0x3F000000, v0;
	v3 =	vor.u32 v4, v3  }
0x5f: {  	v9 =	vsel vm7, $0x3F000000, v0;
	vm8 =	vge.f32 v5, $0.0e+00;
	v2 =	vadd.f32 v8, v2;
	[tilespmem:s22+$0xFFFFFFE0] =	vst v3  }
0x60: {  	v4 =	vadd.f32 v9, v6;
	vm9 =	vge.f32 v7, $0.0e+00;
	v6 =	vsel vm8, $0x3F000000, v0;
	v3 =	vld [tilespmem:s25+$0xFFFFFFB0]  }
0x61: {  	v8 =	vsel vm9, $0x3F000000, v0;
	v9 =	vld [tilespmem:s25+$0xFFFFFFF0];
	v5 =	vadd.f32 v6, v5;
	v2 =	vtrunc.f32 v2  }
0x62: {  	v4 =	vtrunc.f32 v4;
	v6 =	vadd.f32 v8, v7;
	v7 =	vld [tilespmem:s26+$0xFFFFFF80];
	v2 =	vcvt.f32.s32 v2  }
0x63: {  	v4 =	vcvt.f32.s32 v4;
	v5 =	vtrunc.f32 v5  }
0x64: {  	v6 =	vtrunc.f32 v6;
	v5 =	vcvt.f32.s32 v5  }
0x65: {  	v2 =	vand.u32 $0xFFFF, v2;
	v4 =	vshll.u32 v4, $0x10;
	v6 =	vcvt.f32.s32 v6  }
0x66: {  	s18 =	simm.s32 $0x5040;
	v8 =	vld [tilespmem:s26+$0xFFFFFFC0];
	v3 =	vmul.f32 v3, v1;
	v2 =	vor.u32 v2, v4;
	v4 =	vmul.f32 v9, v1  }
0x67: {  	[tilespmem:s18+$0x0] =	vst v2;
	v2 =	vand.u32 $0xFFFF, v5;
	v5 =	vshll.u32 v6, $0x10;
	v6 =	vmul.f32 v7, v1  }
0x68: {  	s20 =	simm.s32 $0x40C0;
	vm10 =	vge.f32 v3, $0.0e+00;
	v7 =	vld [tilespmem:s21+$0x10];
	v2 =	vor.u32 v2, v5;
	vm11 =	vge.f32 v4, $0.0e+00  }
0x69: {  	v9 =	vld [tilespmem:s21+$0x50];
	v5 =	vsel vm10, $0x3F000000, v0;
	[tilespmem:s20+$0x0] =	vst v2;
	v2 =	vsel vm11, $0x3F000000, v0  }
0x6a: {  	vm12 =	vge.f32 v6, $0.0e+00;
	v3 =	vadd.f32 v5, v3;
	v5 =	vld [tilespmem:s26+$0x10];
	v2 =	vadd.f32 v2, v4  }
0x6b: {  	v4 =	vmul.f32 v8, v1;
	v8 =	vsel vm12, $0x3F000000, v0;
	v10 =	vld [tilespmem:s26+$0x50]  }
0x6c: {  	v6 =	vadd.f32 v8, v6;
	v3 =	vtrunc.f32 v3;
	v2 =	vtrunc.f32 v2  }
0x6d: {  	vm13 =	vge.f32 v4, $0.0e+00;
	v3 =	vcvt.f32.s32 v3;
	v2 =	vcvt.f32.s32 v2  }
0x6e: {  	v8 =	vsel vm13, $0x3F000000, v0;
	v6 =	vtrunc.f32 v6;
	v7 =	vmul.f32 v7, v1  }
0x6f: {  	v4 =	vadd.f32 v8, v4;
	v8 =	vmul.f32 v9, v1;
	v6 =	vcvt.f32.s32 v6  }
0x70: {  	v5 =	vmul.f32 v5, v1;
	v9 =	vmul.f32 v10, v1  }
0x71: {  	v3 =	vand.u32 $0xFFFF, v3;
	v2 =	vshll.u32 v2, $0x10;
	v4 =	vtrunc.f32 v4  }
0x72: {  	v2 =	vor.u32 v3, v2;
	vm14 =	vge.f32 v5, $0.0e+00;
	vm15 =	vge.f32 v9, $0.0e+00  }
0x73: {  	v3 =	vcvt.f32.s32 v4;
	v4 =	vsel vm14, $0x3F000000, v0;
	v10 =	vsel vm15, $0x3F000000, v0  }
0x74: {  	vm4 =	vge.f32 v7, $0.0e+00;
	v4 =	vadd.f32 v4, v5;
	v5 =	vadd.f32 v10, v9  }
0x75: {  	vm5 =	vge.f32 v8, $0.0e+00;
	v6 =	vand.u32 $0xFFFF, v6;
	v9 =	vsel vm4, $0x3F000000, v0  }
0x76: {  	v10 =	vsel vm5, $0x3F000000, v0;
	v4 =	vtrunc.f32 v4;
	v5 =	vtrunc.f32 v5  }
0x77: {  	[tilespmem:s22+$0xFFFFFFF0] =	vst v2;
	v2 =	vshll.u32 v3, $0x10;
	v3 =	vcvt.f32.s32 v4;
	v4 =	vcvt.f32.s32 v5  }
0x78: {  	v7 =	vadd.f32 v9, v7;
	v8 =	vadd.f32 v10, v8;
	v2 =	vor.u32 v6, v2  }
0x79: {  	[tilespmem:s20+$0xFFFFFFC0] =	vst v2;
	v5 =	vld [tilespmem:s21+$0xFFFFFF80];
	v2 =	vand.u32 $0xFFFF, v3;
	v3 =	vshll.u32 v4, $0x10  }
0x7a: {  	v4 =	vtrunc.f32 v7;
	v7 =	vtrunc.f32 v8;
	v8 =	vld [tilespmem:s26+$0xFFFFFF90];
	v2 =	vor.u32 v2, v3  }
0x7b: {  	v3 =	vcvt.f32.s32 v4;
	v4 =	vcvt.f32.s32 v7;
	v7 =	vld [tilespmem:s26+$0xFFFFFFD0];
	[tilespmem:s20+$0x10] =	vst v2  }
0x7c: {  	v2 =	vld [tilespmem:s26+$0x20]  }
0x7d: {  	v3 =	vand.u32 $0xFFFF, v3;
	v4 =	vshll.u32 v4, $0x10;
	v9 =	vld [tilespmem:s26+$0x60]  }
0x7e: {  	v6 =	vld [tilespmem:s21+$0xFFFFFFC0];
	v3 =	vor.u32 v3, v4  }
0x7f: {  	[tilespmem:s18+$0x10] =	vst v3;
	v3 =	vmul.f32 v8, v1  }
0x80: {  	v4 =	vmul.f32 v5, v1;
	v5 =	vld [tilespmem:s21+$0x20];
	v7 =	vmul.f32 v7, v1  }
0x81: {  	v8 =	vld [tilespmem:s21+$0x60];
	vm2 =	vge.f32 v3, $0.0e+00  }
0x82: {  	vm3 =	vge.f32 v7, $0.0e+00;
	v2 =	vmul.f32 v2, v1;
	v9 =	vmul.f32 v9, v1  }
0x83: {  	v6 =	vmul.f32 v6, v1;
	v10 =	vsel vm2, $0x3F000000, v0;
	v11 =	vsel vm3, $0x3F000000, v0  }
0x84: {  	v3 =	vadd.f32 v10, v3;
	vm8 =	vge.f32 v2, $0.0e+00;
	vm9 =	vge.f32 v9, $0.0e+00  }
0x85: {  	v7 =	vadd.f32 v11, v7;
	v5 =	vmul.f32 v5, v1;
	v10 =	vsel vm8, $0x3F000000, v0  }
0x86: {  	v12 =	vsel vm9, $0x3F000000, v0;
	v3 =	vtrunc.f32 v3;
	v8 =	vmul.f32 v8, v1  }
0x87: {  	v2 =	vadd.f32 v10, v2;
	v9 =	vadd.f32 v12, v9;
	v7 =	vtrunc.f32 v7  }
0x88: {  	v3 =	vcvt.f32.s32 v3;
	v7 =	vcvt.f32.s32 v7  }
0x89: {  	vm10 =	vge.f32 v5, $0.0e+00;
	v2 =	vtrunc.f32 v2;
	v9 =	vtrunc.f32 v9  }
0x8a: {  	vm11 =	vge.f32 v8, $0.0e+00;
	v2 =	vcvt.f32.s32 v2;
	v9 =	vcvt.f32.s32 v9  }
0x8b: {  	v10 =	vsel vm10, $0x3F000000, v0;
	v11 =	vsel vm11, $0x3F000000, v0;
	v3 =	vand.u32 $0xFFFF, v3  }
0x8c: {  	v5 =	vadd.f32 v10, v5;
	v2 =	vand.u32 $0xFFFF, v2;
	v9 =	vshll.u32 v9, $0x10  }
0x8d: {  	v8 =	vadd.f32 v11, v8;
	v7 =	vshll.u32 v7, $0x10;
	v2 =	vor.u32 v2, v9  }
0x8e: {  	vm7 =	vge.f32 v6, $0.0e+00;
	vm6 =	vge.f32 v4, $0.0e+00;
	v3 =	vor.u32 v3, v7;
	[tilespmem:s20+$0x20] =	vst v2  }
0x8f: {  	v9 =	vsel vm6, $0x3F000000, v0;
	v2 =	vtrunc.f32 v5;
	v5 =	vtrunc.f32 v8;
	v7 =	vld [tilespmem:s26+$0x30]  }
0x90: {  	[tilespmem:s20+$0xFFFFFFD0] =	vst v3;
	v8 =	vsel vm7, $0x3F000000, v0;
	v2 =	vcvt.f32.s32 v2;
	v5 =	vcvt.f32.s32 v5;
	v3 =	vld [tilespmem:s26+$0x70]  }
0x91: {  	v4 =	vadd.f32 v9, v4;
	v6 =	vadd.f32 v8, v6;
	v8 =	vld [tilespmem:s26+$0xFFFFFFA0]  }
0x92: {  	v9 =	vld [tilespmem:s26+$0xFFFFFFE0];
	v2 =	vand.u32 $0xFFFF, v2;
	v5 =	vshll.u32 v5, $0x10  }
0x93: {  	v4 =	vtrunc.f32 v4;
	v2 =	vor.u32 v2, v5;
	v5 =	vtrunc.f32 v6  }
0x94: {  	[tilespmem:s18+$0x20] =	vst v2;
	v2 =	vcvt.f32.s32 v4;
	v4 =	vcvt.f32.s32 v5  }
0x95: {  	v6 =	vmul.f32 v7, v1;
	v3 =	vmul.f32 v3, v1  }
0x96: {  	v5 =	vld [tilespmem:s21+$0x30];
	v7 =	vmul.f32 v8, v1;
	v2 =	vand.u32 $0xFFFF, v2;
	v4 =	vshll.u32 v4, $0x10  }
0x97: {  	v8 =	vmul.f32 v9, v1;
	v2 =	vor.u32 v2, v4;
	vm12 =	vge.f32 v6, $0.0e+00  }
0x98: {  	vm13 =	vge.f32 v3, $0.0e+00;
	v4 =	vld [tilespmem:s21+$0x70];
	vm14 =	vge.f32 v7, $0.0e+00;
	[tilespmem:s18+$0xFFFFFFC0] =	vst v2;
	v2 =	vsel vm12, $0x3F000000, v0  }
0x99: {  	vm15 =	vge.f32 v8, $0.0e+00;
	v9 =	vsel vm13, $0x3F000000, v0;
	v2 =	vadd.f32 v2, v6  }
0x9a: {  	v3 =	vadd.f32 v9, v3;
	v6 =	vsel vm14, $0x3F000000, v0;
	v9 =	vsel vm15, $0x3F000000, v0  }
0x9b: {  	v10 =	vld [tilespmem:s21+$0xFFFFFF90];
	v5 =	vmul.f32 v5, v1;
	v6 =	vadd.f32 v6, v7;
	v2 =	vtrunc.f32 v2  }
0x9c: {  	v11 =	vld [tilespmem:s21+$0xFFFFFFD0];
	v7 =	vadd.f32 v9, v8;
	v3 =	vtrunc.f32 v3;
	v2 =	vcvt.f32.s32 v2  }
0x9d: {  	v3 =	vcvt.f32.s32 v3;
	v4 =	vmul.f32 v4, v1  }
0x9e: {  	v6 =	vtrunc.f32 v6;
	v7 =	vtrunc.f32 v7  }
0x9f: {  	vm4 =	vge.f32 v5, $0.0e+00;
	v2 =	vand.u32 $0xFFFF, v2;
	v3 =	vshll.u32 v3, $0x10  }
0xa0: {  	s24 =	simm.s32 $0x280;
	v8 =	vmul.f32 v10, v1;
	v2 =	vor.u32 v2, v3;
	v3 =	vcvt.f32.s32 v6  }
0xa1: {  	vm5 =	vge.f32 v4, $0.0e+00;
	v9 =	vmul.f32 v11, v1;
	v11 =	vld [tilespmem:s24+$0x40];
	v6 =	vcvt.f32.s32 v7  }
0xa2: {  	s22 =	simm.s32 $0x2180;
	[tilespmem:s20+$0x30] =	vst v2;
	v2 =	vsel vm4, $0x3F000000, v0;
	vm6 =	vge.f32 v8, $0.0e+00;
	v3 =	vand.u32 $0xFFFF, v3  }
0xa3: {  	v7 =	vld [tilespmem:s22+$0x0];
	v6 =	vshll.u32 v6, $0x10;
	v2 =	vadd.f32 v2, v5;
	v5 =	vsel vm6, $0x3F000000, v0  }
0xa4: {  	v10 =	vsel vm5, $0x3F000000, v0;
	v3 =	vor.u32 v3, v6;
	v6 =	vld [tilespmem:s22+$0x40];
	v5 =	vadd.f32 v5, v8  }
0xa5: {  	vm7 =	vge.f32 v9, $0.0e+00;
	[tilespmem:s20+$0xFFFFFFE0] =	vst v3;
	v3 =	vadd.f32 v10, v4;
	v2 =	vtrunc.f32 v2  }
0xa6: {  	v4 =	vsel vm7, $0x3F000000, v0;
	v11 =	vmul.f32 v11, v1;
	v5 =	vtrunc.f32 v5  }
0xa7: {  	v10 =	vld [tilespmem:s24+$0x0];
	v4 =	vadd.f32 v4, v9;
	v2 =	vcvt.f32.s32 v2;
	v3 =	vtrunc.f32 v3  }
0xa8: {  	v8 =	vld [tilespmem:s26+$0xFFFFFFB0];
	v5 =	vcvt.f32.s32 v5;
	vm13 =	vge.f32 v11, $0.0e+00;
	v7 =	vmul.f32 v7, v1  }
0xa9: {  	v9 =	vld [tilespmem:s26+$0xFFFFFFF0];
	v4 =	vtrunc.f32 v4;
	v16 =	vsel vm13, $0x3F000000, v0;
	v6 =	vmul.f32 v6, v1  }
0xaa: {  	v3 =	vcvt.f32.s32 v3;
	v5 =	vand.u32 $0xFFFF, v5;
	vm8 =	vge.f32 v7, $0.0e+00  }
0xab: {  	v4 =	vcvt.f32.s32 v4;
	v12 =	vsel vm8, $0x3F000000, v0;
	vm9 =	vge.f32 v6, $0.0e+00  }
0xac: {  	v10 =	vmul.f32 v10, v1;
	v7 =	vadd.f32 v12, v7;
	v12 =	vsel vm9, $0x3F000000, v0  }
0xad: {  	v11 =	vadd.f32 v16, v11;
	v8 =	vmul.f32 v8, v1;
	v6 =	vadd.f32 v12, v6  }
0xae: {  	v4 =	vshll.u32 v4, $0x10;
	v9 =	vmul.f32 v9, v1;
	vm12 =	vge.f32 v10, $0.0e+00;
	v12 =	vld [tilespmem:s24+$0xFFFFFF80]  }
0xaf: {  	v4 =	vor.u32 v5, v4;
	v7 =	vtrunc.f32 v7;
	v6 =	vtrunc.f32 v6  }
0xb0: {  	vm10 =	vge.f32 v8, $0.0e+00;
	v7 =	vcvt.f32.s32 v7;
	v6 =	vcvt.f32.s32 v6  }
0xb1: {  	v14 =	vld [tilespmem:s24+$0xFFFFFFC0];
	vm11 =	vge.f32 v9, $0.0e+00;
	v15 =	vsel vm12, $0x3F000000, v0;
	v13 =	vsel vm10, $0x3F000000, v0  }
0xb2: {  	v10 =	vadd.f32 v15, v10;
	v7 =	vand.u32 $0xFFFF, v7;
	v6 =	vshll.u32 v6, $0x10  }
0xb3: {  	s19 =	simm.s32 $0x50C0;
	v15 =	vsel vm11, $0x3F000000, v0;
	v6 =	vor.u32 v7, v6;
	v7 =	vmul.f32 v12, v1  }
0xb4: {  	v8 =	vadd.f32 v13, v8;
	[tilespmem:s19+$0x0] =	vst v6;
	v6 =	vtrunc.f32 v10;
	v10 =	vtrunc.f32 v11  }
0xb5: {  	v9 =	vadd.f32 v15, v9;
	v11 =	vld [tilespmem:s22+$0x10];
	v6 =	vcvt.f32.s32 v6;
	v10 =	vcvt.f32.s32 v10  }
0xb6: {  	v8 =	vtrunc.f32 v8;
	v12 =	vmul.f32 v14, v1;
	vm14 =	vge.f32 v7, $0.0e+00;
	v13 =	vld [tilespmem:s22+$0x50]  }
0xb7: {  	v14 =	vsel vm14, $0x3F000000, v0;
	v6 =	vand.u32 $0xFFFF, v6;
	v10 =	vshll.u32 v10, $0x10  }
0xb8: {  	s23 =	simm.s32 $0x4140;
	vm15 =	vge.f32 v12, $0.0e+00;
	v7 =	vadd.f32 v14, v7;
	v6 =	vor.u32 v6, v10  }
0xb9: {  	v9 =	vtrunc.f32 v9;
	v8 =	vcvt.f32.s32 v8;
	v10 =	vsel vm15, $0x3F000000, v0;
	[tilespmem:s23+$0x0] =	vst v6  }
0xba: {  	v6 =	vcvt.f32.s32 v9;
	v9 =	vadd.f32 v10, v12;
	v7 =	vtrunc.f32 v7;
	v10 =	vld [tilespmem:s24+$0x10]  }
0xbb: {  	v8 =	vand.u32 $0xFFFF, v8;
	v5 =	vmul.f32 v11, v1;
	v11 =	vmul.f32 v13, v1;
	v12 =	vld [tilespmem:s24+$0x50]  }
0xbc: {  	v7 =	vcvt.f32.s32 v7;
	v9 =	vtrunc.f32 v9;
	v6 =	vshll.u32 v6, $0x10  }
0xbd: {  	v9 =	vcvt.f32.s32 v9;
	vm4 =	vge.f32 v5, $0.0e+00;
	vm5 =	vge.f32 v11, $0.0e+00  }
0xbe: {  	[tilespmem:s18+$0xFFFFFFD0] =	vst v4;
	v4 =	vor.u32 v8, v6;
	v13 =	vsel vm4, $0x3F000000, v0;
	v14 =	vsel vm5, $0x3F000000, v0  }
0xbf: {  	v7 =	vand.u32 $0xFFFF, v7;
	[tilespmem:s20+$0xFFFFFFF0] =	vst v4;
	v5 =	vadd.f32 v13, v5;
	v11 =	vadd.f32 v14, v11  }
0xc0: {  	v9 =	vshll.u32 v9, $0x10;
	v8 =	vld [tilespmem:s22+$0xFFFFFF80];
	v10 =	vmul.f32 v10, v1;
	v12 =	vmul.f32 v12, v1  }
0xc1: {  	v6 =	vor.u32 v7, v9;
	v5 =	vtrunc.f32 v5;
	v4 =	vtrunc.f32 v11  }
0xc2: {  	v7 =	vld [tilespmem:s21+$0xFFFFFFA0];
	[tilespmem:s23+$0xFFFFFFC0] =	vst v6;
	vm6 =	vge.f32 v10, $0.0e+00;
	vm7 =	vge.f32 v12, $0.0e+00;
	v5 =	vcvt.f32.s32 v5  }
0xc3: {  	v11 =	vld [tilespmem:s24+$0xFFFFFF90];
	v4 =	vcvt.f32.s32 v4;
	v6 =	vsel vm6, $0x3F000000, v0;
	v9 =	vsel vm7, $0x3F000000, v0  }
0xc4: {  	v2 =	vand.u32 $0xFFFF, v2;
	v6 =	vadd.f32 v6, v10;
	v9 =	vadd.f32 v9, v12  }
0xc5: {  	v10 =	vld [tilespmem:s22+$0xFFFFFFC0];
	v5 =	vand.u32 $0xFFFF, v5;
	v4 =	vshll.u32 v4, $0x10;
	v8 =	vmul.f32 v8, v1  }
0xc6: {  	v12 =	vld [tilespmem:s24+$0xFFFFFFD0];
	v4 =	vor.u32 v5, v4;
	v6 =	vtrunc.f32 v6;
	v9 =	vtrunc.f32 v9  }
0xc7: {  	v3 =	vshll.u32 v3, $0x10;
	v13 =	vld [tilespmem:s21+$0xFFFFFFE0];
	[tilespmem:s19+$0x10] =	vst v4;
	v5 =	vcvt.f32.s32 v6;
	v6 =	vcvt.f32.s32 v9  }
0xc8: {  	v7 =	vmul.f32 v7, v1;
	vm9 =	vge.f32 v8, $0.0e+00;
	v4 =	vmul.f32 v11, v1;
	v9 =	vld [tilespmem:s22+$0x20]  }
0xc9: {  	v11 =	vld [tilespmem:s22+$0x60];
	v15 =	vsel vm9, $0x3F000000, v0;
	v5 =	vand.u32 $0xFFFF, v5;
	v6 =	vshll.u32 v6, $0x10  }
0xca: {  	vm4 =	vge.f32 v7, $0.0e+00;
	v8 =	vadd.f32 v15, v8;
	v5 =	vor.u32 v5, v6  }
0xcb: {  	vm8 =	vge.f32 v4, $0.0e+00;
	v6 =	vmul.f32 v10, v1;
	v10 =	vmul.f32 v12, v1;
	[tilespmem:s23+$0x10] =	vst v5  }
0xcc: {  	v12 =	vsel vm8, $0x3F000000, v0;
	v8 =	vtrunc.f32 v8;
	v5 =	vmul.f32 v13, v1;
	v13 =	vld [tilespmem:s24+$0x20]  }
0xcd: {  	v4 =	vadd.f32 v12, v4;
	vm11 =	vge.f32 v10, $0.0e+00;
	v12 =	vld [tilespmem:s24+$0x60];
	v9 =	vmul.f32 v9, v1  }
0xce: {  	vm10 =	vge.f32 v6, $0.0e+00;
	v11 =	vmul.f32 v11, v1;
	v14 =	vsel vm11, $0x3F000000, v0  }
0xcf: {  	v4 =	vtrunc.f32 v4;
	v10 =	vadd.f32 v14, v10;
	vm12 =	vge.f32 v9, $0.0e+00  }
0xd0: {  	v4 =	vcvt.f32.s32 v4;
	vm13 =	vge.f32 v11, $0.0e+00;
	v16 =	vsel vm12, $0x3F000000, v0  }
0xd1: {  	v17 =	vsel vm13, $0x3F000000, v0;
	v10 =	vtrunc.f32 v10;
	v9 =	vadd.f32 v16, v9  }
0xd2: {  	v11 =	vadd.f32 v17, v11;
	v13 =	vmul.f32 v13, v1;
	v12 =	vmul.f32 v12, v1  }
0xd3: {  	v4 =	vand.u32 $0xFFFF, v4;
	v10 =	vcvt.f32.s32 v10;
	v9 =	vtrunc.f32 v9  }
0xd4: {  	v11 =	vtrunc.f32 v11;
	vm14 =	vge.f32 v13, $0.0e+00;
	vm15 =	vge.f32 v12, $0.0e+00  }
0xd5: {  	v10 =	vshll.u32 v10, $0x10;
	v16 =	vsel vm14, $0x3F000000, v0;
	v17 =	vsel vm15, $0x3F000000, v0  }
0xd6: {  	v9 =	vcvt.f32.s32 v9;
	v13 =	vadd.f32 v16, v13;
	v12 =	vadd.f32 v17, v12  }
0xd7: {  	v14 =	vsel vm10, $0x3F000000, v0;
	v11 =	vcvt.f32.s32 v11;
	v4 =	vor.u32 v4, v10  }
0xd8: {  	[tilespmem:s23+$0xFFFFFFD0] =	vst v4;
	v9 =	vand.u32 $0xFFFF, v9;
	v10 =	vtrunc.f32 v13;
	v12 =	vtrunc.f32 v12  }
0xd9: {  	v11 =	vshll.u32 v11, $0x10;
	v13 =	vld [tilespmem:s24+$0xFFFFFFE0];
	v4 =	vcvt.f32.s32 v10;
	v10 =	vcvt.f32.s32 v12  }
0xda: {  	v8 =	vcvt.f32.s32 v8;
	v6 =	vadd.f32 v14, v6;
	v9 =	vor.u32 v9, v11;
	v12 =	vld [tilespmem:s24+$0xFFFFFFA0]  }
0xdb: {  	vm5 =	vge.f32 v5, $0.0e+00;
	[tilespmem:s19+$0x20] =	vst v9;
	v4 =	vand.u32 $0xFFFF, v4;
	v10 =	vshll.u32 v10, $0x10  }
0xdc: {  	v6 =	vtrunc.f32 v6;
	v9 =	vld [tilespmem:s22+$0x30];
	v4 =	vor.u32 v4, v10;
	v10 =	vsel vm5, $0x3F000000, v0  }
0xdd: {  	v6 =	vcvt.f32.s32 v6;
	[tilespmem:s23+$0x20] =	vst v4;
	v4 =	vsel vm4, $0x3F000000, v0;
	v5 =	vadd.f32 v10, v5;
	v10 =	vld [tilespmem:s22+$0x70]  }
0xde: {  	v3 =	vor.u32 v2, v3;
	v13 =	vmul.f32 v13, v1;
	v11 =	vld [tilespmem:s24+$0x30];
	v4 =	vadd.f32 v4, v7  }
0xdf: {  	v6 =	vshll.u32 v6, $0x10;
	v7 =	vand.u32 $0xFFFF, v8;
	v8 =	vld [tilespmem:s24+$0x70];
	v12 =	vmul.f32 v12, v1  }
0xe0: {  	v5 =	vtrunc.f32 v5;
	vm7 =	vge.f32 v13, $0.0e+00;
	v2 =	vtrunc.f32 v4  }
0xe1: {  	v4 =	vor.u32 v7, v6;
	vm6 =	vge.f32 v12, $0.0e+00;
	v6 =	vmul.f32 v9, v1  }
0xe2: {  	v9 =	vsel vm7, $0x3F000000, v0;
	v5 =	vcvt.f32.s32 v5;
	v7 =	vsel vm6, $0x3F000000, v0  }
0xe3: {  	v2 =	vcvt.f32.s32 v2;
	v9 =	vadd.f32 v9, v13;
	v10 =	vmul.f32 v10, v1  }
0xe4: {  	v7 =	vadd.f32 v7, v12;
	v11 =	vmul.f32 v11, v1;
	v8 =	vmul.f32 v8, v1  }
0xe5: {  	[tilespmem:s19+$0xFFFFFFC0] =	vst v4;
	vm10 =	vge.f32 v6, $0.0e+00;
	v5 =	vshll.u32 v5, $0x10;
	v4 =	vtrunc.f32 v9  }
0xe6: {  	v2 =	vand.u32 $0xFFFF, v2;
	vm8 =	vge.f32 v11, $0.0e+00;
	vm9 =	vge.f32 v8, $0.0e+00  }
0xe7: {  	v7 =	vtrunc.f32 v7;
	v9 =	vsel vm8, $0x3F000000, v0;
	v12 =	vsel vm9, $0x3F000000, v0  }
0xe8: {  	s31 =	simm.s32 $0x380;
	v13 =	vld [tilespmem:s22+$0xFFFFFF90];
	v4 =	vcvt.f32.s32 v4;
	v9 =	vadd.f32 v9, v11;
	v8 =	vadd.f32 v12, v8  }
0xe9: {  	vm11 =	vge.f32 v10, $0.0e+00;
	v2 =	vor.u32 v2, v5;
	v5 =	vld [tilespmem:s31+$0xFFFFFF80];
	v7 =	vcvt.f32.s32 v7  }
0xea: {  	v4 =	vshll.u32 v4, $0x10;
	v11 =	vld [tilespmem:s22+$0xFFFFFFD0];
	v9 =	vtrunc.f32 v9;
	v8 =	vtrunc.f32 v8  }
0xeb: {  	v7 =	vand.u32 $0xFFFF, v7;
	v9 =	vcvt.f32.s32 v9;
	v8 =	vcvt.f32.s32 v8  }
0xec: {  	v14 =	vsel vm11, $0x3F000000, v0;
	v12 =	vsel vm10, $0x3F000000, v0;
	v4 =	vor.u32 v7, v4  }
0xed: {  	v7 =	vmul.f32 v13, v1;
	[tilespmem:s23+$0xFFFFFFE0] =	vst v4;
	v4 =	vand.u32 $0xFFFF, v9;
	v8 =	vshll.u32 v8, $0x10  }
0xee: {  	v6 =	vadd.f32 v12, v6;
	v9 =	vadd.f32 v14, v10;
	v10 =	vld [tilespmem:s24+$0xFFFFFFB0];
	v4 =	vor.u32 v4, v8  }
0xef: {  	s25 =	simm.s32 $0x2280;
	v5 =	vmul.f32 v5, v1;
	vm12 =	vge.f32 v7, $0.0e+00;
	v8 =	vmul.f32 v11, v1;
	v11 =	vld [tilespmem:s24+$0xFFFFFFF0];
	[tilespmem:s23+$0x30] =	vst v4  }
0xf0: {  	v4 =	vtrunc.f32 v6;
	v6 =	vtrunc.f32 v9;
	v9 =	vsel vm12, $0x3F000000, v0;
	v12 =	vld [tilespmem:s25+$0x0]  }
0xf1: {  	v7 =	vadd.f32 v9, v7;
	v9 =	vld [tilespmem:s25+$0x40]  }
0xf2: {  	vm9 =	vge.f32 v5, $0.0e+00  }
0xf3: {  	vm13 =	vge.f32 v8, $0.0e+00;
	v4 =	vcvt.f32.s32 v4;
	v10 =	vmul.f32 v10, v1  }
0xf4: {  	v6 =	vcvt.f32.s32 v6;
	v13 =	vsel vm13, $0x3F000000, v0;
	v11 =	vmul.f32 v11, v1  }
0xf5: {  	v7 =	vtrunc.f32 v7;
	v8 =	vadd.f32 v13, v8;
	vm14 =	vge.f32 v10, $0.0e+00  }
0xf6: {  	vm15 =	vge.f32 v11, $0.0e+00;
	v12 =	vmul.f32 v12, v1;
	v9 =	vmul.f32 v9, v1  }
0xf7: {  	v7 =	vcvt.f32.s32 v7;
	v13 =	vsel vm14, $0x3F000000, v0;
	v14 =	vsel vm15, $0x3F000000, v0  }
0xf8: {  	v15 =	vld [tilespmem:s31+$0x0];
	v10 =	vadd.f32 v13, v10;
	vm4 =	vge.f32 v12, $0.0e+00;
	vm5 =	vge.f32 v9, $0.0e+00  }
0xf9: {  	v13 =	vld [tilespmem:s31+$0x40];
	v11 =	vadd.f32 v14, v11;
	v14 =	vsel vm4, $0x3F000000, v0;
	v16 =	vsel vm5, $0x3F000000, v0  }
0xfa: {  	v8 =	vtrunc.f32 v8;
	v12 =	vadd.f32 v14, v12;
	v9 =	vadd.f32 v16, v9  }
0xfb: {  	v4 =	vand.u32 $0xFFFF, v4;
	v8 =	vcvt.f32.s32 v8;
	v10 =	vtrunc.f32 v10  }
0xfc: {  	v17 =	vld [tilespmem:s31+$0xFFFFFFC0];
	v7 =	vand.u32 $0xFFFF, v7;
	v12 =	vtrunc.f32 v12;
	v9 =	vtrunc.f32 v9  }
0xfd: {  	v8 =	vshll.u32 v8, $0x10;
	v12 =	vcvt.f32.s32 v12;
	v9 =	vcvt.f32.s32 v9  }
0xfe: {  	v7 =	vor.u32 v7, v8;
	v8 =	vmul.f32 v15, v1;
	v13 =	vmul.f32 v13, v1  }
0xff: {  	v11 =	vtrunc.f32 v11;
	v12 =	vand.u32 $0xFFFF, v12;
	v9 =	vshll.u32 v9, $0x10  }
0x100: {  	s20 =	simm.s32 $0x5140;
	vm6 =	vge.f32 v8, $0.0e+00;
	vm7 =	vge.f32 v13, $0.0e+00;
	v9 =	vor.u32 v12, v9  }
0x101: {  	v14 =	vmul.f32 v17, v1;
	v15 =	vsel vm7, $0x3F000000, v0;
	v12 =	vsel vm6, $0x3F000000, v0;
	[tilespmem:s20+$0x0] =	vst v9  }
0x102: {  	v16 =	vsel vm9, $0x3F000000, v0;
	v8 =	vadd.f32 v12, v8;
	v9 =	vadd.f32 v15, v13;
	v12 =	vld [tilespmem:s25+$0x10]  }
0x103: {  	v10 =	vcvt.f32.s32 v10;
	v11 =	vcvt.f32.s32 v11;
	v5 =	vadd.f32 v16, v5;
	v15 =	vld [tilespmem:s25+$0x50]  }
0x104: {  	vm8 =	vge.f32 v14, $0.0e+00;
	v8 =	vtrunc.f32 v8;
	v9 =	vtrunc.f32 v9  }
0x105: {  	[tilespmem:s18+$0xFFFFFFE0] =	vst v2;
	v2 =	vand.u32 $0xFFFF, v10;
	v8 =	vcvt.f32.s32 v8;
	v9 =	vcvt.f32.s32 v9  }
0x106: {  	v11 =	vshll.u32 v11, $0x10;
	v5 =	vtrunc.f32 v5;
	v13 =	vsel vm8, $0x3F000000, v0  }
0x107: {  	[tilespmem:s19+$0xFFFFFFD0] =	vst v7;
	v10 =	vadd.f32 v13, v14;
	v13 =	vld [tilespmem:s21+$0xFFFFFFB0];
	v7 =	vand.u32 $0xFFFF, v8;
	v8 =	vshll.u32 v9, $0x10  }
0x108: {  	s26 =	simm.s32 $0x41C0;
	v9 =	vld [tilespmem:s22+$0xFFFFFFA0];
	v7 =	vor.u32 v7, v8;
	v8 =	vmul.f32 v12, v1;
	v12 =	vmul.f32 v15, v1  }
0x109: {  	v5 =	vcvt.f32.s32 v5;
	v2 =	vor.u32 v2, v11;
	v10 =	vtrunc.f32 v10;
	[tilespmem:s26+$0x0] =	vst v7  }
0x10a: {  	v7 =	vcvt.f32.s32 v10;
	v10 =	vld [tilespmem:s31+$0x10];
	vm10 =	vge.f32 v8, $0.0e+00;
	vm11 =	vge.f32 v12, $0.0e+00  }
0x10b: {  	v5 =	vand.u32 $0xFFFF, v5;
	v11 =	vld [tilespmem:s31+$0x50];
	v14 =	vsel vm10, $0x3F000000, v0;
	v15 =	vsel vm11, $0x3F000000, v0  }
0x10c: {  	v16 =	vld [tilespmem:s22+$0xFFFFFFE0];
	[tilespmem:s23+$0xFFFFFFF0] =	vst v2;
	v2 =	vshll.u32 v7, $0x10;
	v7 =	vadd.f32 v14, v8;
	v8 =	vadd.f32 v15, v12  }
0x10d: {  	v12 =	vmul.f32 v13, v1;
	v9 =	vmul.f32 v9, v1;
	v13 =	vld [tilespmem:s25+$0xFFFFFF80];
	v2 =	vor.u32 v5, v2  }
0x10e: {  	v5 =	vshll.u32 v6, $0x10;
	v6 =	vld [tilespmem:s25+$0xFFFFFFC0];
	[tilespmem:s26+$0xFFFFFFC0] =	vst v2;
	v2 =	vtrunc.f32 v7;
	v7 =	vtrunc.f32 v8  }
0x10f: {  	v4 =	vor.u32 v4, v5;
	v5 =	vld [tilespmem:s31+$0xFFFFFF90];
	v2 =	vcvt.f32.s32 v2;
	v7 =	vcvt.f32.s32 v7  }
0x110: {  	v8 =	vld [tilespmem:s31+$0xFFFFFFD0];
	v10 =	vmul.f32 v10, v1;
	v11 =	vmul.f32 v11, v1  }
0x111: {  	v14 =	vmul.f32 v16, v1;
	v2 =	vand.u32 $0xFFFF, v2;
	v7 =	vshll.u32 v7, $0x10  }
0x112: {  	vm13 =	vge.f32 v10, $0.0e+00;
	vm14 =	vge.f32 v11, $0.0e+00;
	v2 =	vor.u32 v2, v7  }
0x113: {  	v7 =	vmul.f32 v13, v1;
	v13 =	vsel vm13, $0x3F000000, v0;
	v15 =	vsel vm14, $0x3F000000, v0  }
0x114: {  	[tilespmem:s20+$0x10] =	vst v2;
	v2 =	vmul.f32 v6, v1;
	v6 =	vadd.f32 v13, v10;
	v10 =	vadd.f32 v15, v11  }
0x115: {  	vm12 =	vge.f32 v12, $0.0e+00;
	v5 =	vmul.f32 v5, v1;
	v8 =	vmul.f32 v8, v1;
	v11 =	vld [tilespmem:s25+$0x20]  }
0x116: {  	v13 =	vsel vm12, $0x3F000000, v0;
	v15 =	vld [tilespmem:s25+$0x60];
	v6 =	vtrunc.f32 v6;
	v10 =	vtrunc.f32 v10  }
0x117: {  	vm15 =	vge.f32 v7, $0.0e+00;
	v6 =	vcvt.f32.s32 v6;
	v10 =	vcvt.f32.s32 v10  }
0x118: {  	vm6 =	vge.f32 v5, $0.0e+00;
	vm7 =	vge.f32 v2, $0.0e+00;
	vm8 =	vge.f32 v8, $0.0e+00  }
0x119: {  	v16 =	vsel vm6, $0x3F000000, v0;
	v6 =	vand.u32 $0xFFFF, v6;
	v10 =	vshll.u32 v10, $0x10  }
0x11a: {  	v5 =	vadd.f32 v16, v5;
	v6 =	vor.u32 v6, v10;
	v10 =	vmul.f32 v11, v1  }
0x11b: {  	v16 =	vsel vm15, $0x3F000000, v0;
	v11 =	vmul.f32 v15, v1;
	v15 =	vsel vm8, $0x3F000000, v0  }
0x11c: {  	v5 =	vtrunc.f32 v5;
	[tilespmem:s26+$0x10] =	vst v6;
	v6 =	vadd.f32 v15, v8;
	vm9 =	vge.f32 v10, $0.0e+00  }
0x11d: {  	v5 =	vcvt.f32.s32 v5;
	v8 =	vld [tilespmem:s31+$0x20];
	vm10 =	vge.f32 v11, $0.0e+00;
	v17 =	vsel vm9, $0x3F000000, v0  }
0x11e: {  	v7 =	vadd.f32 v16, v7;
	v15 =	vld [tilespmem:s31+$0x60];
	v18 =	vsel vm10, $0x3F000000, v0;
	v10 =	vadd.f32 v17, v10  }
0x11f: {  	v6 =	vtrunc.f32 v6;
	v5 =	vand.u32 $0xFFFF, v5;
	v11 =	vadd.f32 v18, v11  }
0x120: {  	v17 =	vsel vm7, $0x3F000000, v0;
	v6 =	vcvt.f32.s32 v6;
	v10 =	vtrunc.f32 v10  }
0x121: {  	v2 =	vadd.f32 v17, v2;
	v11 =	vtrunc.f32 v11;
	v10 =	vcvt.f32.s32 v10  }
0x122: {  	v6 =	vshll.u32 v6, $0x10;
	v11 =	vcvt.f32.s32 v11;
	v8 =	vmul.f32 v8, v1  }
0x123: {  	v15 =	vmul.f32 v15, v1;
	v5 =	vor.u32 v5, v6;
	v2 =	vtrunc.f32 v2  }
0x124: {  	v6 =	vtrunc.f32 v7;
	v2 =	vcvt.f32.s32 v2;
	v7 =	vand.u32 $0xFFFF, v10  }
0x125: {  	v10 =	vshll.u32 v11, $0x10;
	vm11 =	vge.f32 v8, $0.0e+00;
	vm12 =	vge.f32 v15, $0.0e+00  }
0x126: {  	[tilespmem:s26+$0xFFFFFFD0] =	vst v5;
	v5 =	vor.u32 v7, v10;
	v7 =	vsel vm11, $0x3F000000, v0;
	v10 =	vsel vm12, $0x3F000000, v0  }
0x127: {  	vm13 =	vge.f32 v9, $0.0e+00;
	v11 =	vld [tilespmem:s31+$0xFFFFFFA0];
	v7 =	vadd.f32 v7, v8;
	v8 =	vadd.f32 v10, v15  }
0x128: {  	v2 =	vshll.u32 v2, $0x10;
	v10 =	vld [tilespmem:s31+$0xFFFFFFE0];
	[tilespmem:s20+$0x20] =	vst v5;
	v5 =	vcvt.f32.s32 v6;
	v6 =	vsel vm13, $0x3F000000, v0  }
0x129: {  	v15 =	vld [tilespmem:s25+$0x30];
	v6 =	vadd.f32 v6, v9;
	v7 =	vtrunc.f32 v7;
	v8 =	vtrunc.f32 v8  }
0x12a: {  	v16 =	vld [tilespmem:s25+$0x70];
	v5 =	vand.u32 $0xFFFF, v5;
	v7 =	vcvt.f32.s32 v7;
	v8 =	vcvt.f32.s32 v8  }
0x12b: {  	vm14 =	vge.f32 v14, $0.0e+00;
	v2 =	vor.u32 v5, v2;
	v6 =	vtrunc.f32 v6  }
0x12c: {  	v6 =	vcvt.f32.s32 v6;
	v5 =	vand.u32 $0xFFFF, v7;
	v7 =	vshll.u32 v8, $0x10  }
0x12d: {  	[tilespmem:s20+$0xFFFFFFC0] =	vst v2;
	v8 =	vsel vm14, $0x3F000000, v0;
	v2 =	vor.u32 v5, v7;
	v7 =	vmul.f32 v11, v1  }
0x12e: {  	v9 =	vld [tilespmem:s25+$0xFFFFFF90];
	v5 =	vadd.f32 v8, v14;
	v8 =	vmul.f32 v10, v1;
	v10 =	vmul.f32 v15, v1;
	[tilespmem:s26+$0x20] =	vst v2  }
0x12f: {  	v11 =	vmul.f32 v16, v1;
	v6 =	vand.u32 $0xFFFF, v6;
	v2 =	vadd.f32 v13, v12;
	v12 =	vld [tilespmem:s31+$0x30]  }
0x130: {  	v5 =	vtrunc.f32 v5;
	vm15 =	vge.f32 v7, $0.0e+00;
	vm6 =	vge.f32 v8, $0.0e+00;
	v13 =	vld [tilespmem:s31+$0x70]  }
0x131: {  	vm7 =	vge.f32 v10, $0.0e+00;
	vm8 =	vge.f32 v11, $0.0e+00;
	v14 =	vsel vm15, $0x3F000000, v0  }
0x132: {  	v15 =	vsel vm7, $0x3F000000, v0;
	v16 =	vsel vm8, $0x3F000000, v0;
	v17 =	vsel vm6, $0x3F000000, v0  }
0x133: {  	v5 =	vcvt.f32.s32 v5;
	v2 =	vtrunc.f32 v2;
	v10 =	vadd.f32 v15, v10  }
0x134: {  	v11 =	vadd.f32 v16, v11;
	v7 =	vadd.f32 v14, v7;
	v9 =	vmul.f32 v9, v1  }
0x135: {  	v8 =	vadd.f32 v17, v8;
	v12 =	vmul.f32 v12, v1;
	v13 =	vmul.f32 v13, v1  }
0x136: {  	v2 =	vcvt.f32.s32 v2;
	v5 =	vshll.u32 v5, $0x10;
	v7 =	vtrunc.f32 v7  }
0x137: {  	v8 =	vtrunc.f32 v8;
	vm9 =	vge.f32 v12, $0.0e+00;
	vm10 =	vge.f32 v13, $0.0e+00  }
0x138: {  	v16 =	vld [tilespmem:s25+$0xFFFFFFD0];
	v7 =	vcvt.f32.s32 v7;
	v14 =	vsel vm9, $0x3F000000, v0;
	v15 =	vsel vm10, $0x3F000000, v0  }
0x139: {  	v8 =	vcvt.f32.s32 v8;
	v12 =	vadd.f32 v14, v12;
	v13 =	vadd.f32 v15, v13  }
0x13a: {  	v10 =	vtrunc.f32 v10;
	v11 =	vtrunc.f32 v11;
	v7 =	vand.u32 $0xFFFF, v7  }
0x13b: {  	v8 =	vshll.u32 v8, $0x10;
	v14 =	vld [tilespmem:s21+$0xFFFFFFF0];
	v12 =	vtrunc.f32 v12;
	v13 =	vtrunc.f32 v13  }
0x13c: {  	v7 =	vor.u32 v7, v8;
	v12 =	vcvt.f32.s32 v12;
	v13 =	vcvt.f32.s32 v13  }
0x13d: {  	vm11 =	vge.f32 v9, $0.0e+00;
	v10 =	vcvt.f32.s32 v10;
	v8 =	vmul.f32 v16, v1;
	[tilespmem:s26+$0xFFFFFFE0] =	vst v7  }
0x13e: {  	v11 =	vcvt.f32.s32 v11;
	v7 =	vand.u32 $0xFFFF, v12;
	v12 =	vshll.u32 v13, $0x10;
	v13 =	vld [tilespmem:s31+$0xFFFFFFB0]  }
0x13f: {  	v15 =	vsel vm11, $0x3F000000, v0;
	vm12 =	vge.f32 v8, $0.0e+00;
	v7 =	vor.u32 v7, v12;
	v12 =	vld [tilespmem:s31+$0xFFFFFFF0]  }
0x140: {  	s21 =	simm.s32 $0x2380;
	v9 =	vadd.f32 v15, v9;
	[tilespmem:s26+$0x30] =	vst v7;
	v7 =	vmul.f32 v14, v1;
	v14 =	vsel vm12, $0x3F000000, v0  }
0x141: {  	v5 =	vor.u32 v6, v5;
	v10 =	vand.u32 $0xFFFF, v10;
	v15 =	vld [tilespmem:s21+$0x0];
	v8 =	vadd.f32 v14, v8  }
0x142: {  	[tilespmem:s19+$0xFFFFFFE0] =	vst v5;
	v11 =	vshll.u32 v11, $0x10;
	v6 =	vtrunc.f32 v9;
	v9 =	vld [tilespmem:s21+$0x40];
	vm13 =	vge.f32 v7, $0.0e+00  }
0x143: {  	v14 =	vld [tilespmem:s22+$0xFFFFFFB0];
	v5 =	vsel vm13, $0x3F000000, v0;
	v8 =	vtrunc.f32 v8;
	v13 =	vmul.f32 v13, v1  }
0x144: {  	v5 =	vadd.f32 v5, v7;
	v7 =	vor.u32 v10, v11;
	v10 =	vmul.f32 v12, v1  }
0x145: {  	v6 =	vcvt.f32.s32 v6;
	v8 =	vcvt.f32.s32 v8  }
0x146: {  	vm14 =	vge.f32 v13, $0.0e+00;
	v5 =	vtrunc.f32 v5;
	vm15 =	vge.f32 v10, $0.0e+00  }
0x147: {  	v11 =	vmul.f32 v15, v1;
	v9 =	vmul.f32 v9, v1;
	v12 =	vsel vm14, $0x3F000000, v0  }
0x148: {  	s28 =	simm.s32 $0x480;
	v14 =	vmul.f32 v14, v1;
	v15 =	vsel vm15, $0x3F000000, v0;
	v12 =	vadd.f32 v12, v13  }
0x149: {  	v16 =	vld [tilespmem:s28+$0x0];
	vm4 =	vge.f32 v11, $0.0e+00;
	vm5 =	vge.f32 v9, $0.0e+00;
	v10 =	vadd.f32 v15, v10  }
0x14a: {  	v13 =	vld [tilespmem:s28+$0x40];
	v15 =	vsel vm4, $0x3F000000, v0;
	v17 =	vsel vm5, $0x3F000000, v0;
	v12 =	vtrunc.f32 v12  }
0x14b: {  	v48 =	vld [tilespmem:s28+$0xFFFFFFC0];
	v11 =	vadd.f32 v15, v11;
	v9 =	vadd.f32 v17, v9;
	v10 =	vtrunc.f32 v10  }
0x14c: {  	v6 =	vand.u32 $0xFFFF, v6;
	v12 =	vcvt.f32.s32 v12;
	v10 =	vcvt.f32.s32 v10  }
0x14d: {  	v8 =	vshll.u32 v8, $0x10;
	v15 =	vld [tilespmem:s28+$0xFFFFFF80];
	v11 =	vtrunc.f32 v11;
	v9 =	vtrunc.f32 v9  }
0x14e: {  	v6 =	vor.u32 v6, v8;
	v8 =	vcvt.f32.s32 v11;
	v9 =	vcvt.f32.s32 v9  }
0x14f: {  	v13 =	vmul.f32 v13, v1;
	v12 =	vand.u32 $0xFFFF, v12;
	v11 =	vmul.f32 v16, v1  }
0x150: {  	v16 =	vmul.f32 v48, v1;
	v8 =	vand.u32 $0xFFFF, v8;
	v9 =	vshll.u32 v9, $0x10  }
0x151: {  	s23 =	simm.s32 $0x51C0;
	vm7 =	vge.f32 v13, $0.0e+00;
	vm6 =	vge.f32 v11, $0.0e+00;
	v8 =	vor.u32 v8, v9  }
0x152: {  	v17 =	vsel vm7, $0x3F000000, v0;
	v9 =	vmul.f32 v15, v1;
	v15 =	vsel vm6, $0x3F000000, v0;
	[tilespmem:s23+$0x0] =	vst v8  }
0x153: {  	vm8 =	vge.f32 v16, $0.0e+00;
	v8 =	vadd.f32 v15, v11;
	v11 =	vadd.f32 v17, v13;
	v13 =	vld [tilespmem:s21+$0x10]  }
0x154: {  	v10 =	vshll.u32 v10, $0x10;
	v15 =	vsel vm8, $0x3F000000, v0;
	vm9 =	vge.f32 v9, $0.0e+00;
	v17 =	vld [tilespmem:s21+$0x50]  }
0x155: {  	v49 =	vsel vm9, $0x3F000000, v0;
	v8 =	vtrunc.f32 v8;
	v11 =	vtrunc.f32 v11  }
0x156: {  	v9 =	vadd.f32 v49, v9;
	v8 =	vcvt.f32.s32 v8;
	v11 =	vcvt.f32.s32 v11  }
0x157: {  	v63 =	vcvt.f32.s32 v5;
	[tilespmem:s20+$0xFFFFFFD0] =	vst v6;
	v10 =	vor.u32 v12, v10;
	v15 =	vadd.f32 v15, v16  }
0x158: {  	[tilespmem:s26+$0xFFFFFFF0] =	vst v10;
	v6 =	vtrunc.f32 v9;
	v8 =	vand.u32 $0xFFFF, v8;
	v9 =	vshll.u32 v11, $0x10  }
0x159: {  	v10 =	vld [tilespmem:s21+$0xFFFFFF80];
	v8 =	vor.u32 v8, v9;
	v9 =	vmul.f32 v13, v1;
	v13 =	vmul.f32 v17, v1  }
0x15a: {  	s24 =	simm.s32 $0x4240;
	v15 =	vtrunc.f32 v15;
	v6 =	vcvt.f32.s32 v6  }
0x15b: {  	v12 =	vld [tilespmem:s25+$0xFFFFFFE0];
	[tilespmem:s24+$0x0] =	vst v8;
	v8 =	vcvt.f32.s32 v15;
	vm10 =	vge.f32 v9, $0.0e+00;
	vm11 =	vge.f32 v13, $0.0e+00  }
0x15c: {  	v15 =	vld [tilespmem:s28+$0x10];
	v6 =	vand.u32 $0xFFFF, v6;
	v16 =	vsel vm10, $0x3F000000, v0;
	v17 =	vsel vm11, $0x3F000000, v0  }
0x15d: {  	v50 =	vld [tilespmem:s28+$0x50];
	v8 =	vshll.u32 v8, $0x10;
	v9 =	vadd.f32 v16, v9;
	v13 =	vadd.f32 v17, v13  }
0x15e: {  	vm12 =	vge.f32 v14, $0.0e+00;
	v10 =	vmul.f32 v10, v1;
	v6 =	vor.u32 v6, v8  }
0x15f: {  	v8 =	vsel vm12, $0x3F000000, v0;
	v16 =	vld [tilespmem:s21+$0xFFFFFFC0];
	[tilespmem:s24+$0xFFFFFFC0] =	vst v6;
	v9 =	vtrunc.f32 v9;
	v13 =	vtrunc.f32 v13  }
0x160: {  	v6 =	vadd.f32 v8, v14;
	v8 =	vld [tilespmem:s28+$0xFFFFFF90];
	v9 =	vcvt.f32.s32 v9;
	v13 =	vcvt.f32.s32 v13  }
0x161: {  	v12 =	vmul.f32 v12, v1;
	vm9 =	vge.f32 v10, $0.0e+00;
	v14 =	vld [tilespmem:s28+$0xFFFFFFD0];
	v15 =	vmul.f32 v15, v1  }
0x162: {  	v11 =	vld [tilespmem:s25+$0xFFFFFFA0];
	v17 =	vmul.f32 v50, v1;
	v9 =	vand.u32 $0xFFFF, v9;
	v13 =	vshll.u32 v13, $0x10  }
0x163: {  	v53 =	vsel vm9, $0x3F000000, v0;
	vm14 =	vge.f32 v15, $0.0e+00;
	v9 =	vor.u32 v9, v13  }
0x164: {  	vm6 =	vge.f32 v17, $0.0e+00;
	v16 =	vmul.f32 v16, v1;
	v13 =	vsel vm14, $0x3F000000, v0;
	[tilespmem:s23+$0x10] =	vst v9  }
0x165: {  	v9 =	vsel vm6, $0x3F000000, v0;
	v8 =	vmul.f32 v8, v1;
	v13 =	vadd.f32 v13, v15;
	v15 =	vld [tilespmem:s21+$0x20]  }
0x166: {  	v14 =	vmul.f32 v14, v1;
	vm11 =	vge.f32 v16, $0.0e+00;
	v9 =	vadd.f32 v9, v17;
	v17 =	vld [tilespmem:s21+$0x60]  }
0x167: {  	v11 =	vmul.f32 v11, v1;
	v20 =	vsel vm11, $0x3F000000, v0;
	vm7 =	vge.f32 v8, $0.0e+00  }
0x168: {  	v13 =	vtrunc.f32 v13;
	vm8 =	vge.f32 v14, $0.0e+00;
	v9 =	vtrunc.f32 v9  }
0x169: {  	v16 =	vadd.f32 v20, v16;
	v13 =	vcvt.f32.s32 v13;
	v9 =	vcvt.f32.s32 v9  }
0x16a: {  	v19 =	vsel vm7, $0x3F000000, v0;
	v52 =	vsel vm8, $0x3F000000, v0;
	v15 =	vmul.f32 v15, v1  }
0x16b: {  	v13 =	vand.u32 $0xFFFF, v13;
	v9 =	vshll.u32 v9, $0x10;
	v17 =	vmul.f32 v17, v1  }
0x16c: {  	v8 =	vadd.f32 v19, v8;
	v9 =	vor.u32 v13, v9;
	vm10 =	vge.f32 v15, $0.0e+00  }
0x16d: {  	v13 =	vadd.f32 v52, v14;
	[tilespmem:s24+$0x10] =	vst v9;
	vm12 =	vge.f32 v17, $0.0e+00;
	v9 =	vsel vm10, $0x3F000000, v0  }
0x16e: {  	v8 =	vtrunc.f32 v8;
	v14 =	vld [tilespmem:s28+$0x20];
	v9 =	vadd.f32 v9, v15;
	v15 =	vsel vm12, $0x3F000000, v0  }
0x16f: {  	v8 =	vcvt.f32.s32 v8;
	v13 =	vtrunc.f32 v13;
	v15 =	vadd.f32 v15, v17;
	v17 =	vld [tilespmem:s28+$0x60]  }
0x170: {  	v10 =	vadd.f32 v53, v10;
	vm13 =	vge.f32 v11, $0.0e+00;
	v13 =	vcvt.f32.s32 v13  }
0x171: {  	v51 =	vsel vm13, $0x3F000000, v0;
	v16 =	vtrunc.f32 v16;
	v8 =	vand.u32 $0xFFFF, v8  }
0x172: {  	v13 =	vshll.u32 v13, $0x10;
	v9 =	vtrunc.f32 v9;
	v15 =	vtrunc.f32 v15  }
0x173: {  	v8 =	vor.u32 v8, v13;
	v9 =	vcvt.f32.s32 v9;
	v13 =	vcvt.f32.s32 v15  }
0x174: {  	v11 =	vadd.f32 v51, v11;
	v14 =	vmul.f32 v14, v1;
	v15 =	vmul.f32 v17, v1  }
0x175: {  	v16 =	vcvt.f32.s32 v16;
	[tilespmem:s24+$0xFFFFFFD0] =	vst v8;
	v8 =	vtrunc.f32 v10;
	v9 =	vand.u32 $0xFFFF, v9  }
0x176: {  	v10 =	vshll.u32 v13, $0x10;
	vm13 =	vge.f32 v14, $0.0e+00;
	vm14 =	vge.f32 v15, $0.0e+00  }
0x177: {  	v13 =	vld [tilespmem:s28+$0xFFFFFFA0];
	v9 =	vor.u32 v9, v10;
	v17 =	vsel vm13, $0x3F000000, v0;
	v54 =	vsel vm14, $0x3F000000, v0  }
0x178: {  	v8 =	vcvt.f32.s32 v8;
	v10 =	vld [tilespmem:s28+$0xFFFFFFE0];
	[tilespmem:s23+$0x20] =	vst v9;
	v9 =	vadd.f32 v17, v14;
	v14 =	vadd.f32 v54, v15  }
0x179: {  	vm15 =	vge.f32 v12, $0.0e+00;
	v11 =	vtrunc.f32 v11;
	v16 =	vshll.u32 v16, $0x10  }
0x17a: {  	v8 =	vand.u32 $0xFFFF, v8;
	v15 =	vld [tilespmem:s21+$0x30];
	v9 =	vtrunc.f32 v9;
	v14 =	vtrunc.f32 v14  }
0x17b: {  	v17 =	vsel vm15, $0x3F000000, v0;
	v9 =	vcvt.f32.s32 v9;
	v14 =	vcvt.f32.s32 v14  }
0x17c: {  	v8 =	vor.u32 v8, v16;
	v55 =	vld [tilespmem:s21+$0x70];
	v12 =	vadd.f32 v17, v12;
	v13 =	vmul.f32 v13, v1  }
0x17d: {  	v10 =	vmul.f32 v10, v1;
	v9 =	vand.u32 $0xFFFF, v9;
	v14 =	vshll.u32 v14, $0x10  }
0x17e: {  	[tilespmem:s23+$0xFFFFFFC0] =	vst v8;
	v12 =	vtrunc.f32 v12;
	vm15 =	vge.f32 v13, $0.0e+00;
	v8 =	vor.u32 v9, v14  }
0x17f: {  	vm6 =	vge.f32 v10, $0.0e+00;
	v16 =	vsel vm15, $0x3F000000, v0;
	v9 =	vld [tilespmem:s21+$0xFFFFFF90];
	v14 =	vmul.f32 v15, v1;
	[tilespmem:s24+$0x20] =	vst v8  }
0x180: {  	v58 =	vsel vm6, $0x3F000000, v0;
	v13 =	vadd.f32 v16, v13;
	v8 =	vcvt.f32.s32 v11;
	v11 =	vld [tilespmem:s28+$0x30]  }
0x181: {  	v15 =	vmul.f32 v55, v1;
	v10 =	vadd.f32 v58, v10;
	vm7 =	vge.f32 v14, $0.0e+00;
	v17 =	vld [tilespmem:s28+$0x70]  }
0x182: {  	v12 =	vcvt.f32.s32 v12;
	v13 =	vtrunc.f32 v13;
	v56 =	vsel vm7, $0x3F000000, v0  }
0x183: {  	vm8 =	vge.f32 v15, $0.0e+00;
	v10 =	vtrunc.f32 v10;
	v14 =	vadd.f32 v56, v14  }
0x184: {  	v13 =	vcvt.f32.s32 v13;
	v57 =	vsel vm8, $0x3F000000, v0;
	v10 =	vcvt.f32.s32 v10  }
0x185: {  	v15 =	vadd.f32 v57, v15;
	v9 =	vmul.f32 v9, v1;
	v14 =	vtrunc.f32 v14  }
0x186: {  	v2 =	vand.u32 $0xFFFF, v2;
	v16 =	vld [tilespmem:s21+$0xFFFFFFD0];
	v11 =	vmul.f32 v11, v1;
	v17 =	vmul.f32 v17, v1  }
0x187: {  	v13 =	vand.u32 $0xFFFF, v13;
	v15 =	vtrunc.f32 v15;
	v14 =	vcvt.f32.s32 v14  }
0x188: {  	v15 =	vcvt.f32.s32 v15;
	vm10 =	vge.f32 v11, $0.0e+00;
	vm11 =	vge.f32 v17, $0.0e+00  }
0x189: {  	v14 =	vand.u32 $0xFFFF, v14;
	v60 =	vsel vm10, $0x3F000000, v0;
	v61 =	vsel vm11, $0x3F000000, v0  }
0x18a: {  	v15 =	vshll.u32 v15, $0x10;
	v11 =	vadd.f32 v60, v11;
	v17 =	vadd.f32 v61, v17  }
0x18b: {  	v10 =	vshll.u32 v10, $0x10;
	v14 =	vor.u32 v14, v15;
	v15 =	vmul.f32 v16, v1  }
0x18c: {  	vm9 =	vge.f32 v9, $0.0e+00;
	v16 =	vld [tilespmem:s22+$0xFFFFFFF0];
	v11 =	vtrunc.f32 v11;
	v17 =	vtrunc.f32 v17  }
0x18d: {  	v59 =	vsel vm9, $0x3F000000, v0;
	v11 =	vcvt.f32.s32 v11;
	v17 =	vcvt.f32.s32 v17  }
0x18e: {  	v10 =	vor.u32 v13, v10;
	v9 =	vadd.f32 v59, v9;
	vm12 =	vge.f32 v15, $0.0e+00  }
0x18f: {  	[tilespmem:s24+$0xFFFFFFE0] =	vst v10;
	v13 =	vsel vm12, $0x3F000000, v0;
	v10 =	vand.u32 $0xFFFF, v11;
	v11 =	vshll.u32 v17, $0x10  }
0x190: {  	v8 =	vand.u32 $0xFFFF, v8;
	v17 =	vld [tilespmem:s28+$0xFFFFFFB0];
	v10 =	vor.u32 v10, v11;
	v11 =	vadd.f32 v13, v15  }
0x191: {  	s26 =	simm.s32 $0x2480;
	v9 =	vtrunc.f32 v9;
	v13 =	vld [tilespmem:s28+$0xFFFFFFF0];
	[tilespmem:s24+$0x30] =	vst v10;
	v10 =	vshll.u32 v12, $0x10;
	v12 =	vmul.f32 v16, v1  }
0x192: {  	v9 =	vcvt.f32.s32 v9;
	v15 =	vld [tilespmem:s26+$0x0];
	v11 =	vtrunc.f32 v11;
	v8 =	vor.u32 v8, v10  }
0x193: {  	v6 =	vtrunc.f32 v6;
	v16 =	vld [tilespmem:s26+$0x40];
	v11 =	vcvt.f32.s32 v11;
	[tilespmem:s20+$0xFFFFFFE0] =	vst v8;
	vm13 =	vge.f32 v12, $0.0e+00  }
0x194: {  	v6 =	vcvt.f32.s32 v6;
	v9 =	vand.u32 $0xFFFF, v9;
	v62 =	vld [tilespmem:s25+$0xFFFFFFB0];
	v8 =	vsel vm13, $0x3F000000, v0  }
0x195: {  	[tilespmem:s18+$0x30] =	vst v3;
	v10 =	vmul.f32 v17, v1;
	v3 =	vshll.u32 v11, $0x10;
	v5 =	vadd.f32 v8, v12  }
0x196: {  	[tilespmem:s19+$0x30] =	vst v4;
	v11 =	vmul.f32 v13, v1;
	v4 =	vor.u32 v9, v3;
	v3 =	vand.u32 $0xFFFF, v6  }
0x197: {  	v6 =	vld [tilespmem:s25+$0xFFFFFFF0];
	vm14 =	vge.f32 v10, $0.0e+00;
	[tilespmem:s23+$0xFFFFFFD0] =	vst v4;
	v5 =	vtrunc.f32 v5;
	v4 =	vshll.u32 v63, $0x10  }
0x198: {  	s29 =	simm.s32 $0x8;
	s30 =	simm.s32 $0x580;
	[tilespmem:s20+$0x30] =	vst v7;
	vm15 =	vge.f32 v11, $0.0e+00;
	v12 =	vmul.f32 v15, v1;
	v13 =	vmul.f32 v16, v1;
	v9 =	vld [tilespmem:s21+$0xFFFFFFA0]  }
0x199: {  	s22 =	simm.s32 $0x51C0;
	[tilespmem:s23+$0x30] =	vst v14;
	s28 =	simm.s32 $0x4240;
	s25 =	simm.s32 $0x2480;
	v15 =	vsel vm14, $0x3F000000, v0;
	v14 =	vsel vm15, $0x3F000000, v0;
	v8 =	vld [tilespmem:s21+$0xFFFFFFE0];
	v7 =	vmul.f32 v62, v1  }
.LBB2_3:
0x19a: {  	v16 =	vld [tilespmem:s30+$0x0];
	v10 =	vadd.f32 v15, v10;
	vm0 =	vge.f32 v12, $0.0e+00;
	vm1 =	vge.f32 v13, $0.0e+00  }
0x19b: {  	v11 =	vadd.f32 v14, v11;
	v15 =	vld [tilespmem:s30+$0x40];
	v14 =	vsel vm0, $0x3F000000, v0;
	v17 =	vsel vm1, $0x3F000000, v0  }
0x19c: {  	v18 =	vld [tilespmem:s30+$0xFFFFFFC0];
	v10 =	vtrunc.f32 v10;
	v12 =	vadd.f32 v14, v12;
	v13 =	vadd.f32 v17, v13  }
0x19d: {  	vm0 =	vge.f32 v7, $0.0e+00;
	v11 =	vtrunc.f32 v11;
	v14 =	vld [tilespmem:s30+$0xFFFFFF80];
	v10 =	vcvt.f32.s32 v10  }
0x19e: {  	v17 =	vsel vm0, $0x3F000000, v0;
	v12 =	vtrunc.f32 v12;
	v13 =	vtrunc.f32 v13  }
0x19f: {  	v10 =	vand.u32 $0xFFFF, v10;
	v12 =	vcvt.f32.s32 v12;
	v13 =	vcvt.f32.s32 v13  }
0x1a0: {  	v7 =	vadd.f32 v17, v7;
	v16 =	vmul.f32 v16, v1;
	v15 =	vmul.f32 v15, v1  }
0x1a1: {  	v17 =	vmul.f32 v18, v1;
	v12 =	vand.u32 $0xFFFF, v12;
	v13 =	vshll.u32 v13, $0x10  }
0x1a2: {  	s29 =	sadd.s32 $0x2, s29;
	s23 =	sadd.s32 $0x80, s23;
	vm0 =	vge.f32 v16, $0.0e+00;
	vm1 =	vge.f32 v15, $0.0e+00;
	v12 =	vor.u32 v12, v13  }
0x1a3: {  	p0 =	slt.u32 s29, $0x3E;
	v13 =	vmul.f32 v14, v1;
	v14 =	vsel vm0, $0x3F000000, v0;
	v18 =	vsel vm1, $0x3F000000, v0;
	[tilespmem:s23+$0x0] =	vst v12  }
0x1a4: {  	vm0 =	vge.f32 v17, $0.0e+00;
	v12 =	vadd.f32 v14, v16;
	v14 =	vadd.f32 v18, v15;
	v15 =	vld [tilespmem:s26+$0x10]  }
0x1a5: {  	v11 =	vcvt.f32.s32 v11;
	vm1 =	vge.f32 v13, $0.0e+00;
	v16 =	vsel vm0, $0x3F000000, v0;
	v18 =	vld [tilespmem:s26+$0x50]  }
0x1a6: {  	v19 =	vsel vm1, $0x3F000000, v0;
	v12 =	vtrunc.f32 v12;
	v14 =	vtrunc.f32 v14  }
0x1a7: {  	v13 =	vadd.f32 v19, v13;
	v12 =	vcvt.f32.s32 v12;
	v14 =	vcvt.f32.s32 v14  }
0x1a8: {  	v9 =	vmul.f32 v9, v1;
	v11 =	vshll.u32 v11, $0x10;
	v16 =	vadd.f32 v16, v17  }
0x1a9: {  	v13 =	vtrunc.f32 v13;
	v12 =	vand.u32 $0xFFFF, v12;
	v14 =	vshll.u32 v14, $0x10  }
0x1aa: {  	s24 =	sadd.s32 $0x80, s24;
	v12 =	vor.u32 v12, v14;
	v14 =	vmul.f32 v15, v1;
	v15 =	vmul.f32 v18, v1  }
0x1ab: {  	v10 =	vor.u32 v10, v11;
	v16 =	vtrunc.f32 v16;
	v13 =	vcvt.f32.s32 v13;
	[tilespmem:s24+$0x0] =	vst v12  }
0x1ac: {  	v11 =	vcvt.f32.s32 v16;
	v12 =	vld [tilespmem:s30+$0x10];
	[tilespmem:s28+$0xFFFFFFF0] =	vst v10;
	vm0 =	vge.f32 v14, $0.0e+00;
	vm1 =	vge.f32 v15, $0.0e+00;
	s28 =	smov.u32 s24  }
0x1ad: {  	v10 =	vand.u32 $0xFFFF, v13;
	v13 =	vld [tilespmem:s30+$0x50];
	v16 =	vsel vm0, $0x3F000000, v0;
	v17 =	vsel vm1, $0x3F000000, v0  }
0x1ae: {  	v11 =	vshll.u32 v11, $0x10;
	v18 =	vld [tilespmem:s26+$0xFFFFFF80];
	v14 =	vadd.f32 v16, v14;
	v15 =	vadd.f32 v17, v15  }
0x1af: {  	v8 =	vmul.f32 v8, v1;
	v10 =	vor.u32 v10, v11;
	vm0 =	vge.f32 v9, $0.0e+00;
	v11 =	vld [tilespmem:s26+$0xFFFFFFC0]  }
0x1b0: {  	[tilespmem:s24+$0xFFFFFFC0] =	vst v10;
	v10 =	vtrunc.f32 v14;
	v14 =	vtrunc.f32 v15;
	v15 =	vsel vm0, $0x3F000000, v0  }
0x1b1: {  	vm0 =	vge.f32 v8, $0.0e+00;
	v16 =	vld [tilespmem:s30+$0xFFFFFF90];
	v10 =	vcvt.f32.s32 v10;
	v14 =	vcvt.f32.s32 v14  }
0x1b2: {  	v12 =	vmul.f32 v12, v1;
	v19 =	vsel vm0, $0x3F000000, v0;
	v17 =	vld [tilespmem:s30+$0xFFFFFFD0];
	v13 =	vmul.f32 v13, v1  }
0x1b3: {  	v18 =	vmul.f32 v18, v1;
	v10 =	vand.u32 $0xFFFF, v10;
	v14 =	vshll.u32 v14, $0x10  }
0x1b4: {  	vm0 =	vge.f32 v12, $0.0e+00;
	vm1 =	vge.f32 v13, $0.0e+00;
	v10 =	vor.u32 v10, v14  }
0x1b5: {  	v14 =	vsel vm0, $0x3F000000, v0;
	v11 =	vmul.f32 v11, v1;
	v20 =	vsel vm1, $0x3F000000, v0;
	[tilespmem:s23+$0x10] =	vst v10  }
0x1b6: {  	v12 =	vadd.f32 v14, v12;
	v10 =	vmul.f32 v16, v1;
	v13 =	vadd.f32 v20, v13;
	v14 =	vld [tilespmem:s26+$0x20]  }
0x1b7: {  	vm0 =	vge.f32 v18, $0.0e+00;
	vm1 =	vge.f32 v11, $0.0e+00;
	v16 =	vmul.f32 v17, v1;
	v17 =	vld [tilespmem:s26+$0x60]  }
0x1b8: {  	v12 =	vtrunc.f32 v12;
	vm2 =	vge.f32 v10, $0.0e+00;
	v13 =	vtrunc.f32 v13  }
0x1b9: {  	v12 =	vcvt.f32.s32 v12;
	vm3 =	vge.f32 v16, $0.0e+00;
	v13 =	vcvt.f32.s32 v13  }
0x1ba: {  	v22 =	vsel vm0, $0x3F000000, v0;
	v20 =	vsel vm2, $0x3F000000, v0;
	v21 =	vsel vm3, $0x3F000000, v0  }
0x1bb: {  	v10 =	vadd.f32 v20, v10;
	v12 =	vand.u32 $0xFFFF, v12;
	v13 =	vshll.u32 v13, $0x10  }
0x1bc: {  	v12 =	vor.u32 v12, v13;
	v13 =	vmul.f32 v14, v1;
	v14 =	vmul.f32 v17, v1  }
0x1bd: {  	v16 =	vadd.f32 v21, v16;
	v10 =	vtrunc.f32 v10;
	[tilespmem:s24+$0x10] =	vst v12;
	v12 =	vsel vm1, $0x3F000000, v0  }
0x1be: {  	v10 =	vcvt.f32.s32 v10;
	v17 =	vld [tilespmem:s30+$0x20];
	vm0 =	vge.f32 v13, $0.0e+00;
	vm1 =	vge.f32 v14, $0.0e+00  }
0x1bf: {  	v16 =	vtrunc.f32 v16;
	v20 =	vld [tilespmem:s30+$0x60];
	v21 =	vsel vm0, $0x3F000000, v0;
	v23 =	vsel vm1, $0x3F000000, v0  }
0x1c0: {  	v16 =	vcvt.f32.s32 v16;
	v13 =	vadd.f32 v21, v13;
	v14 =	vadd.f32 v23, v14  }
0x1c1: {  	v18 =	vadd.f32 v22, v18;
	v11 =	vadd.f32 v12, v11;
	v10 =	vand.u32 $0xFFFF, v10  }
0x1c2: {  	v12 =	vshll.u32 v16, $0x10;
	v13 =	vtrunc.f32 v13;
	v14 =	vtrunc.f32 v14  }
0x1c3: {  	v10 =	vor.u32 v10, v12;
	v12 =	vcvt.f32.s32 v13;
	v13 =	vcvt.f32.s32 v14  }
0x1c4: {  	v9 =	vadd.f32 v15, v9;
	[tilespmem:s24+$0xFFFFFFD0] =	vst v10;
	v10 =	vmul.f32 v17, v1;
	v14 =	vmul.f32 v20, v1  }
0x1c5: {  	v16 =	vtrunc.f32 v18;
	v15 =	vld [tilespmem:s30+$0xFFFFFFA0];
	v12 =	vand.u32 $0xFFFF, v12;
	v13 =	vshll.u32 v13, $0x10  }
0x1c6: {  	v17 =	vld [tilespmem:s30+$0xFFFFFFE0];
	vm0 =	vge.f32 v10, $0.0e+00;
	vm1 =	vge.f32 v14, $0.0e+00;
	v12 =	vor.u32 v12, v13  }
0x1c7: {  	v11 =	vtrunc.f32 v11;
	v13 =	vsel vm0, $0x3F000000, v0;
	v18 =	vsel vm1, $0x3F000000, v0;
	[tilespmem:s23+$0x20] =	vst v12  }
0x1c8: {  	v10 =	vadd.f32 v13, v10;
	v12 =	vadd.f32 v18, v14;
	v13 =	vcvt.f32.s32 v16;
	v14 =	vld [tilespmem:s26+$0x30]  }
0x1c9: {  	v8 =	vadd.f32 v19, v8;
	v9 =	vtrunc.f32 v9;
	v11 =	vcvt.f32.s32 v11;
	v16 =	vld [tilespmem:s26+$0x70]  }
0x1ca: {  	v10 =	vtrunc.f32 v10;
	v12 =	vtrunc.f32 v12;
	v13 =	vand.u32 $0xFFFF, v13  }
0x1cb: {  	v11 =	vshll.u32 v11, $0x10;
	v10 =	vcvt.f32.s32 v10;
	v12 =	vcvt.f32.s32 v12  }
0x1cc: {  	v15 =	vmul.f32 v15, v1;
	v17 =	vmul.f32 v17, v1;
	v11 =	vor.u32 v13, v11  }
0x1cd: {  	v8 =	vtrunc.f32 v8;
	v10 =	vand.u32 $0xFFFF, v10;
	v12 =	vshll.u32 v12, $0x10;
	[tilespmem:s23+$0xFFFFFFC0] =	vst v11  }
0x1ce: {  	v10 =	vor.u32 v10, v12;
	v11 =	vld [tilespmem:s26+$0xFFFFFF90];
	v12 =	vmul.f32 v14, v1;
	v13 =	vmul.f32 v16, v1  }
0x1cf: {  	v9 =	vcvt.f32.s32 v9;
	vm0 =	vge.f32 v15, $0.0e+00;
	vm1 =	vge.f32 v17, $0.0e+00;
	[tilespmem:s24+$0x20] =	vst v10;
	v10 =	vld [tilespmem:s26+$0xFFFFFFD0]  }
0x1d0: {  	v14 =	vsel vm0, $0x3F000000, v0;
	v16 =	vld [tilespmem:s30+$0x30];
	vm0 =	vge.f32 v12, $0.0e+00;
	vm2 =	vge.f32 v13, $0.0e+00  }
0x1d1: {  	v18 =	vsel vm1, $0x3F000000, v0;
	v19 =	vld [tilespmem:s30+$0x70];
	v20 =	vsel vm0, $0x3F000000, v0;
	v21 =	vsel vm2, $0x3F000000, v0  }
0x1d2: {  	v8 =	vcvt.f32.s32 v8;
	v12 =	vadd.f32 v20, v12;
	v13 =	vadd.f32 v21, v13  }
0x1d3: {  	v14 =	vadd.f32 v14, v15;
	v15 =	vadd.f32 v18, v17;
	v11 =	vmul.f32 v11, v1  }
0x1d4: {  	v9 =	vand.u32 $0xFFFF, v9;
	v12 =	vtrunc.f32 v12;
	v13 =	vtrunc.f32 v13  }
0x1d5: {  	vm0 =	vge.f32 v11, $0.0e+00;
	v12 =	vcvt.f32.s32 v12;
	v13 =	vcvt.f32.s32 v13  }
0x1d6: {  	v16 =	vmul.f32 v16, v1;
	v17 =	vmul.f32 v19, v1;
	v18 =	vsel vm0, $0x3F000000, v0  }
0x1d7: {  	v14 =	vtrunc.f32 v14;
	v12 =	vand.u32 $0xFFFF, v12;
	v13 =	vshll.u32 v13, $0x10  }
0x1d8: {  	vm0 =	vge.f32 v16, $0.0e+00;
	vm1 =	vge.f32 v17, $0.0e+00;
	v12 =	vor.u32 v12, v13  }
0x1d9: {  	v13 =	vtrunc.f32 v15;
	v15 =	vsel vm0, $0x3F000000, v0;
	v19 =	vsel vm1, $0x3F000000, v0;
	[tilespmem:s23+$0x30] =	vst v12  }
0x1da: {  	v12 =	vcvt.f32.s32 v14;
	v14 =	vadd.f32 v15, v16;
	v15 =	vadd.f32 v19, v17  }
0x1db: {  	v10 =	vmul.f32 v10, v1;
	v11 =	vadd.f32 v18, v11;
	v13 =	vcvt.f32.s32 v13  }
0x1dc: {  	v12 =	vand.u32 $0xFFFF, v12;
	v14 =	vtrunc.f32 v14;
	v15 =	vtrunc.f32 v15  }
0x1dd: {  	v13 =	vshll.u32 v13, $0x10;
	v14 =	vcvt.f32.s32 v14;
	v15 =	vcvt.f32.s32 v15  }
0x1de: {  	vm0 =	vge.f32 v10, $0.0e+00;
	v11 =	vtrunc.f32 v11;
	v12 =	vor.u32 v12, v13  }
0x1df: {  	[tilespmem:s24+$0xFFFFFFE0] =	vst v12;
	v12 =	vand.u32 $0xFFFF, v14;
	v13 =	vshll.u32 v15, $0x10;
	v14 =	vsel vm0, $0x3F000000, v0  }
0x1e0: {  	v11 =	vcvt.f32.s32 v11;
	v15 =	vld [tilespmem:s30+$0xFFFFFFB0];
	v12 =	vor.u32 v12, v13;
	v10 =	vadd.f32 v14, v10  }
0x1e1: {  	v8 =	vshll.u32 v8, $0x10;
	s26 =	sadd.s32 $0x100, s26;
	v13 =	vld [tilespmem:s30+$0xFFFFFFF0];
	[tilespmem:s24+$0x30] =	vst v12;
	v12 =	vmul.f32 v6, v1;
	v6 =	vtrunc.f32 v7  }
0x1e2: {  	v8 =	vor.u32 v9, v8;
	v14 =	vand.u32 $0xFFFF, v11;
	v7 =	vld [tilespmem:s26+$0x0];
	v10 =	vtrunc.f32 v10  }
0x1e3: {  	v9 =	vld [tilespmem:s26+$0x40];
	v11 =	vcvt.f32.s32 v10;
	[tilespmem:s22+$0xFFFFFFE0] =	vst v8;
	v8 =	vcvt.f32.s32 v6;
	vm0 =	vge.f32 v12, $0.0e+00  }
0x1e4: {  	v4 =	vor.u32 v2, v4;
	v2 =	vmovc v3;
	v18 =	vcvt.f32.s32 v5;
	v16 =	vld [tilespmem:s21+$0xFFFFFFB0];
	v17 =	vsel vm0, $0x3F000000, v0  }
.Ltmp0:
0x1e5: {  	v10 =	vmul.f32 v15, v1;
	v3 =	vshll.u32 v11, $0x10;
	v6 =	vld [tilespmem:s21+$0xFFFFFFF0];
	v5 =	vadd.f32 v17, v12;
	[tilespmem:s18+$0xFFFFFFF0] =	vst v4;
	s18 =	smov.u32 s19;
	s19 =	smov.u32 s20;
	(pc) =	sbr.rel @p0 .LBB2_3-.Ltmp0, $4  }
0x1e6: {  	s20 =	smov.u32 s22;
	s22 =	smov.u32 s23;
	s21 =	smov.u32 s25;
	v11 =	vmul.f32 v13, v1;
	v4 =	vor.u32 v14, v3;
	v3 =	vand.u32 $0xFFFF, v8  }
0x1e7: {  	s25 =	smov.u32 s26;
	vm0 =	vge.f32 v10, $0.0e+00;
	[tilespmem:s23+$0xFFFFFFD0] =	vst v4;
	v5 =	vtrunc.f32 v5;
	v4 =	vshll.u32 v18, $0x10  }
0x1e8: {  	v12 =	vmul.f32 v7, v1;
	vm1 =	vge.f32 v11, $0.0e+00;
	v13 =	vmul.f32 v9, v1;
	v9 =	vld [tilespmem:s21+$0xFFFFFFA0]  }
0x1e9: {  	s30 =	sadd.s32 $0x100, s30;
	v15 =	vsel vm0, $0x3F000000, v0;
	v14 =	vsel vm1, $0x3F000000, v0;
	v8 =	vld [tilespmem:s21+$0xFFFFFFE0];
	v7 =	vmul.f32 v16, v1  }
0x1ea: {  	vm0 =	vge.f32 v12, $0.0e+00;
	v10 =	vadd.f32 v15, v10  }
0x1eb: {  	vm1 =	vge.f32 v13, $0.0e+00;
	v11 =	vadd.f32 v14, v11;
	v16 =	vsel vm0, $0x3F000000, v0  }
0x1ec: {  	v17 =	vsel vm1, $0x3F000000, v0;
	v60 =	vadd.f32 v16, v12;
	v10 =	vtrunc.f32 v10  }
0x1ed: {  	v61 =	vadd.f32 v17, v13;
	v11 =	vtrunc.f32 v11;
	v10 =	vcvt.f32.s32 v10  }
0x1ee: {  	v11 =	vcvt.f32.s32 v11;
	v12 =	vtrunc.f32 v60  }
0x1ef: {  	v13 =	vtrunc.f32 v61;
	v12 =	vcvt.f32.s32 v12  }
0x1f0: {  	v13 =	vcvt.f32.s32 v13;
	v10 =	vand.u32 $0xFFFF, v10;
	v11 =	vshll.u32 v11, $0x10  }
0x1f1: {  	v10 =	vor.u32 v10, v11  }
0x1f2: {  	v12 =	vand.u32 $0xFFFF, v12;
	v13 =	vshll.u32 v13, $0x10;
	[tilespmem:s28+$0xFFFFFFF0] =	vst v10  }
0x1f3: {  	s23 =	sadd.s32 $0x80, s23;
	v12 =	vor.u32 v12, v13;
	v10 =	vld [tilespmem:s26+$0xFFFFFF80]  }
0x1f4: {  	v18 =	vld [tilespmem:s26+$0xFFFFFFC0];
	[tilespmem:s23+$0x0] =	vst v12  }
0x1f5: {  	v12 =	vld [tilespmem:s26+$0x10];
	_ =	sdelay $0x3  }
0x1f6: {  	v10 =	vmul.f32 v10, v1  }
0x1f7: {  	v63 =	vmul.f32 v12, v1;
	v12 =	vmul.f32 v18, v1;
	_ =	sdelay $0x1  }
0x1f8: {  	vm10 =	vge.f32 v10, $0.0e+00;
	vm11 =	vge.f32 v12, $0.0e+00  }
0x1f9: {  	v21 =	vsel vm10, $0x3F000000, v0;
	v22 =	vsel vm11, $0x3F000000, v0  }
0x1fa: {  	v62 =	vld [tilespmem:s26+$0x50];
	v10 =	vadd.f32 v21, v10;
	v12 =	vadd.f32 v22, v12;
	_ =	sdelay $0x1  }
0x1fb: {  	v10 =	vtrunc.f32 v10;
	v12 =	vtrunc.f32 v12  }
0x1fc: {  	v10 =	vcvt.f32.s32 v10;
	v12 =	vcvt.f32.s32 v12;
	_ =	sdelay $0x1  }
0x1fd: {  	v13 =	vmul.f32 v62, v1;
	v10 =	vand.u32 $0xFFFF, v10;
	v12 =	vshll.u32 v12, $0x10  }
0x1fe: {  	vm8 =	vge.f32 v63, $0.0e+00;
	v10 =	vor.u32 v10, v12  }
0x1ff: {  	vm9 =	vge.f32 v13, $0.0e+00;
	v19 =	vsel vm8, $0x3F000000, v0;
	[tilespmem:s23+$0xFFFFFFC0] =	vst v10  }
0x200: {  	v20 =	vsel vm9, $0x3F000000, v0;
	v11 =	vadd.f32 v19, v63;
	v10 =	vld [tilespmem:s26+$0xFFFFFF90]  }
0x201: {  	v13 =	vadd.f32 v20, v13;
	v24 =	vld [tilespmem:s26+$0xFFFFFFD0]  }
0x202: {  	v11 =	vtrunc.f32 v11  }
0x203: {  	v13 =	vtrunc.f32 v13;
	v11 =	vcvt.f32.s32 v11  }
0x204: {  	v13 =	vcvt.f32.s32 v13  }
0x205: {  	v11 =	vand.u32 $0xFFFF, v11  }
0x206: {  	v13 =	vshll.u32 v13, $0x10;
	v10 =	vmul.f32 v10, v1;
	v12 =	vmul.f32 v24, v1  }
0x207: {  	v11 =	vor.u32 v11, v13  }
0x208: {  	[tilespmem:s23+$0x10] =	vst v11;
	vm14 =	vge.f32 v10, $0.0e+00;
	vm15 =	vge.f32 v12, $0.0e+00  }
0x209: {  	v11 =	vld [tilespmem:s26+$0x20];
	v27 =	vsel vm14, $0x3F000000, v0;
	v28 =	vsel vm15, $0x3F000000, v0  }
0x20a: {  	v23 =	vld [tilespmem:s26+$0x60];
	v10 =	vadd.f32 v27, v10;
	v12 =	vadd.f32 v28, v12;
	_ =	sdelay $0x1  }
0x20b: {  	v10 =	vtrunc.f32 v10;
	v12 =	vtrunc.f32 v12  }
0x20c: {  	v10 =	vcvt.f32.s32 v10;
	v12 =	vcvt.f32.s32 v12  }
0x20d: {  	v6 =	vmul.f32 v6, v1;
	v11 =	vmul.f32 v11, v1  }
0x20e: {  	v13 =	vmul.f32 v23, v1;
	v10 =	vand.u32 $0xFFFF, v10;
	v12 =	vshll.u32 v12, $0x10  }
0x20f: {  	vm6 =	vge.f32 v7, $0.0e+00;
	vm12 =	vge.f32 v11, $0.0e+00;
	v10 =	vor.u32 v10, v12  }
0x210: {  	v9 =	vmul.f32 v9, v1;
	vm13 =	vge.f32 v13, $0.0e+00;
	v25 =	vsel vm12, $0x3F000000, v0;
	[tilespmem:s23+$0xFFFFFFD0] =	vst v10  }
0x211: {  	v8 =	vmul.f32 v8, v1;
	v26 =	vsel vm13, $0x3F000000, v0;
	v11 =	vadd.f32 v25, v11;
	v10 =	vld [tilespmem:s25+$0xFFFFFFA0]  }
0x212: {  	v41 =	vsel vm6, $0x3F000000, v0;
	vm4 =	vge.f32 v9, $0.0e+00;
	v13 =	vadd.f32 v26, v13;
	v29 =	vld [tilespmem:s25+$0xFFFFFFE0]  }
0x213: {  	v30 =	vsel vm4, $0x3F000000, v0;
	vm5 =	vge.f32 v8, $0.0e+00;
	v11 =	vtrunc.f32 v11  }
0x214: {  	v9 =	vadd.f32 v30, v9;
	v13 =	vtrunc.f32 v13;
	v11 =	vcvt.f32.s32 v11  }
0x215: {  	v44 =	vadd.f32 v41, v7;
	v32 =	vsel vm5, $0x3F000000, v0;
	v13 =	vcvt.f32.s32 v13  }
0x216: {  	v8 =	vadd.f32 v32, v8;
	v9 =	vtrunc.f32 v9;
	v11 =	vand.u32 $0xFFFF, v11  }
0x217: {  	v13 =	vshll.u32 v13, $0x10;
	v10 =	vmul.f32 v10, v1;
	v12 =	vmul.f32 v29, v1  }
0x218: {  	v8 =	vtrunc.f32 v8;
	v9 =	vcvt.f32.s32 v9;
	v11 =	vor.u32 v11, v13  }
0x219: {  	v8 =	vcvt.f32.s32 v8;
	[tilespmem:s23+$0x20] =	vst v11;
	vm8 =	vge.f32 v10, $0.0e+00;
	vm9 =	vge.f32 v12, $0.0e+00  }
0x21a: {  	v9 =	vand.u32 $0xFFFF, v9;
	v11 =	vld [tilespmem:s26+$0x30];
	v34 =	vsel vm8, $0x3F000000, v0;
	v35 =	vsel vm9, $0x3F000000, v0  }
0x21b: {  	v8 =	vshll.u32 v8, $0x10;
	v31 =	vld [tilespmem:s26+$0x70];
	v10 =	vadd.f32 v34, v10;
	v12 =	vadd.f32 v35, v12  }
0x21c: {  	v5 =	vcvt.f32.s32 v5;
	v7 =	vtrunc.f32 v44;
	v8 =	vor.u32 v9, v8  }
0x21d: {  	[tilespmem:s22+$0xFFFFFFE0] =	vst v8;
	v37 =	vtrunc.f32 v10;
	v38 =	vtrunc.f32 v12  }
0x21e: {  	v43 =	vld [tilespmem:s21+$0xFFFFFFB0];
	v39 =	vcvt.f32.s32 v37;
	v40 =	vcvt.f32.s32 v38  }
0x21f: {  	v7 =	vcvt.f32.s32 v7;
	v46 =	vld [tilespmem:s21+$0xFFFFFFF0];
	v11 =	vmul.f32 v11, v1  }
0x220: {  	v14 =	vmul.f32 v31, v1;
	v8 =	vand.u32 $0xFFFF, v39;
	v9 =	vshll.u32 v40, $0x10  }
0x221: {  	vm11 =	vge.f32 v6, $0.0e+00;
	vm7 =	vge.f32 v11, $0.0e+00;
	v8 =	vor.u32 v8, v9  }
0x222: {  	v51 =	vsel vm11, $0x3F000000, v0;
	vm10 =	vge.f32 v14, $0.0e+00;
	v33 =	vsel vm7, $0x3F000000, v0;
	[tilespmem:s23+$0xFFFFFFE0] =	vst v8  }
0x223: {  	v52 =	vadd.f32 v51, v6;
	v36 =	vsel vm10, $0x3F000000, v0;
	v11 =	vadd.f32 v33, v11;
	v48 =	vld [tilespmem:s25+$0xFFFFFFB0]  }
0x224: {  	v49 =	vmul.f32 v43, v1;
	v54 =	vmul.f32 v46, v1;
	v42 =	vadd.f32 v36, v14;
	v50 =	vld [tilespmem:s25+$0xFFFFFFF0]  }
0x225: {  	v2 =	vor.u32 v2, v4;
	v4 =	vtrunc.f32 v52;
	v11 =	vtrunc.f32 v11  }
0x226: {  	v5 =	vshll.u32 v5, $0x10;
	v12 =	vtrunc.f32 v42;
	v11 =	vcvt.f32.s32 v11  }
0x227: {  	v4 =	vcvt.f32.s32 v4;
	vm12 =	vge.f32 v49, $0.0e+00;
	v45 =	vcvt.f32.s32 v12  }
0x228: {  	vm13 =	vge.f32 v54, $0.0e+00;
	v53 =	vsel vm12, $0x3F000000, v0;
	v47 =	vand.u32 $0xFFFF, v11  }
0x229: {  	v9 =	vshll.u32 v45, $0x10;
	v55 =	vmul.f32 v48, v1;
	v56 =	vmul.f32 v50, v1  }
0x22a: {  	v57 =	vsel vm13, $0x3F000000, v0;
	v6 =	vadd.f32 v53, v49;
	v8 =	vor.u32 v47, v9  }
0x22b: {  	v9 =	vadd.f32 v57, v54;
	vm14 =	vge.f32 v55, $0.0e+00;
	vm15 =	vge.f32 v56, $0.0e+00  }
0x22c: {  	v6 =	vtrunc.f32 v6;
	v58 =	vsel vm14, $0x3F000000, v0;
	v59 =	vsel vm15, $0x3F000000, v0  }
0x22d: {  	v9 =	vtrunc.f32 v9;
	v10 =	vadd.f32 v58, v55;
	v11 =	vadd.f32 v59, v56  }
0x22e: {  	v3 =	vor.u32 v3, v5;
	v6 =	vcvt.f32.s32 v6;
	v60 =	vcvt.f32.s32 v9  }
0x22f: {  	[tilespmem:s18+$0xFFFFFFF0] =	vst v2;
	v7 =	vand.u32 $0xFFFF, v7;
	v10 =	vtrunc.f32 v10;
	v61 =	vtrunc.f32 v11  }
0x230: {  	v2 =	vshll.u32 v4, $0x10;
	[tilespmem:s23+$0x30] =	vst v8;
	v62 =	vcvt.f32.s32 v10;
	v8 =	vcvt.f32.s32 v61  }
0x231: {  	[tilespmem:s19+$0xFFFFFFF0] =	vst v3;
	v2 =	vor.u32 v7, v2;
	v3 =	vand.u32 $0xFFFF, v6;
	v5 =	vshll.u32 v60, $0x10  }
0x232: {  	[tilespmem:s20+$0xFFFFFFF0] =	vst v2;
	v3 =	vor.u32 v3, v5;
	v2 =	vand.u32 $0xFFFF, v62;
	v63 =	vshll.u32 v8, $0x10  }
0x233: {  	s17 =	sshll.u32 s17, $0x3;
	[tilespmem:s22+$0xFFFFFFF0] =	vst v3;
	v2 =	vor.u32 v2, v63  }
0x234: {  	s31 =	sadd.s32 s6, s17;
	[tilespmem:s23+$0xFFFFFFF0] =	vst v2  }
0x235: {  	[hbm4b:s31+s2] =	stream.linear.scatter [tilespmem:s13], [sflag:$0x1], $0x1000, $0x38;
	[tilespmem:$0x6080] =	vst v63  }
0x236: {  	s16 =	sadd.s32 $0x1, s16;
	_ =	swait.ge [sflag:s11], $0x1000  }
0x237: {  	p0 =	sne.s32 s16, $0x5;
	[sflag:s11] =	ssyncset.done $0x0  }
.Ltmp1:
0x238: {  	s17 =	sadd.s32 s7, s17;
	[sflag:s11] =	ssyncadd.s32 $0xFFFFF000;
	(pc) =	sbr.rel @p0 .LBB2_2-.Ltmp1, $4  }
0x239: {  	[hbm4b:s17+s2] =	stream.linear.scatter [tilespmem:s14], [sflag:$0x1], $0x1000, $0x38;
	[tilespmem:$0x6080] =	vst v63  }
0x23a: {  	_ =	swait.ge [sflag:s11], $0x1000  }
0x23b: {  	[sflag:s11] =	ssyncset.done $0x0  }
0x23c: {  	[sflag:s11] =	ssyncadd.s32 $0xFFFFF000  }
0x23d: {  	s15 =	sadd.s32 $0x1, s15  }
0x23e: {  	p0 =	sne.s32 s15, s9  }
.Ltmp2:
0x23f: {  	_ = 	snop;
	(pc) =	sbr.rel @p0 .LBB2_1-.Ltmp2, $1  }
0x240: {  	_ =	sdelay $0x3  }
0x241: {  	_ =	sfence.sel $0x180000  }
0x242: {  	[bflag:$0x0] =	sbarrier.arrive $0xFFFF  }
0x243: {  	p0 =	sne.s32 s3, $0x0;
	_ =	strace $0x90000047  }
0x244: {  	s0 =	sadd.s32 @!p0 $0x100000, s0;
	[bflag:$0x2] =	sbarrier.arrive $0xFFFF  }
0x245: {  	[sflag:s0] =	ssyncadd.tile.s32 @!p0 $0x1;
	_ =	shalt  }
.Lfunc_end2:
_tile_overlayer_lowered:
.L_overlay_start_2:
0x246: {  	(tag) =	ssettag $0x2  }
0x247: {  	s0 =	rddreg [dreg:$0x0];
	s2 =	stileid.u32  }
0x248: {  	s1 =	rddreg [dreg:$0x1];
	p0 =	sne.s32 s2, $0x0  }
0x249: {  	s3 =	rddreg [dreg:$0x2];
	[bflag:$0x3] =	sbarrier.arrive $0xFFFF;
	s2 =	simm.s32 @!p0 $0x1C01  }
0x24a: {  	[timem:s3], [sflag:s2] =	dma.local @!p0 [hbm:s0], s1  }
0x24b: {  	s0 =	simm.s32 @!p0 $0x1  }
0x24c: {  	_ =	swait.ge @!p0 [sflag:s0], s1  }
0x24d: {  	s1 =	ssub.s32 @!p0 $0x0, s1;
	[sflag:s0] =	ssyncset.done @!p0 $0x0  }
0x24e: {  	[sflag:s0] =	ssyncadd.s32 @!p0 s1  }
0x24f: {  	[bflag:$0x3] =	sbarrier.arrive $0xFFFF  }
0x250: {  	_ =	shalt  }

// kernel: kernel.9.cloned.1.call-start
scs
__scs_entry_jumppad:
0x0: {  	(pc) =	sbr.rel $0x88, $3  }
0x1: {  	(tag) =	ssettag $0x0;
	lr =	simm.s32 $0x1  }
0x2: {  	[smem:$0x3F97] =	sst lr;
	_ =	strace $0xD0000000  }
0x3: {  	_ = 	snop  }
0x4: {  	_ = 	snop  }
0x5: {  	_ = 	snop  }
0x6: {  	_ = 	snop  }
0x7: {  	_ = 	snop  }
__scs_overlays_trampoline_lowered:
0x8: {  	[smem:$0x3FA6] =	sst s0  }
0x9: {  	[smem:$0x3FA7] =	sst s1  }
0xa: {  	[smem:$0x3FA8] =	sst s2  }
0xb: {  	[smem:$0x3FA9] =	sst s3  }
0xc: {  	[smem:$0x3FAA] =	sst s4  }
0xd: {  	[smem:$0x3FAB] =	sst s5  }
0xe: {  	[smem:$0x3FAC] =	sst s6  }
0xf: {  	[smem:$0x3FAD] =	sst s7  }
0x10: {  	[smem:$0x3FAE] =	sst s8  }
0x11: {  	[smem:$0x3FAF] =	sst s9;
	s0 =	simm.s32 @!p0 $0x0  }
0x12: {  	s1 =	sld [smem:$0x3F95];
	s0 =	simm.s32 @p0 $0x1  }
0x13: {  	[smem:$0x3FB0] =	sst s0;
	s0 =	simm.s32 @!p1 $0x0  }
0x14: {  	s2 =	sld [smem:$0x3F94];
	s0 =	simm.s32 @p1 $0x1  }
0x15: {  	[smem:$0x3FB1] =	sst s0;
	s0 =	simm.s32 @!p2 $0x0  }
0x16: {  	s3 =	sld [smem:$0x3FDB];
	s0 =	simm.s32 @p2 $0x1  }
0x17: {  	s4 =	simm.s32 $0x1BF5;
	[smem:$0x3FB3] =	sst s0  }
0x18: {  	s0 =	sld [smem:$0x3F96];
	_ =	swait.ge [sflag:s4], $0x0  }
0x19: {  	s7 =	sld [smem:$0x3F97]  }
0x1a: {  	s8 =	sadd.s32 $0xFFFFE003, lr  }
0x1b: {  	s9 =	sadd.s32 $0xFFFFFEF7, lr;
	s5 =	simm.s32 $0xFFFFFFFF;
	p2 =	slt.u32 s8, $0xFFFFF086  }
0x1c: {  	p1 =	slt.u32 s9, $0xF7A;
	s5 =	simm.s32 @!p2 $0x0  }
0x1d: {  	s5 =	simm.s32 @p1 $0x1;
	p0 =	seq.s32 s7, s2  }
0x1e: {  	s7 =	smul.u32 @!p0 $0xF7A, s2;
	p2 =	seq.s32 @!p0 s5, $0x0  }
0x1f: {  	s9 =	smul.u32 $0xF7A, s1;
	s8 =	simm.s32 @!p0 $0x1BF5;
	p2 =	por !p2, p0  }
0x20: {  	[sflag:s8] =	ssyncset.s32 @!p0 $0xFFFFF086;
	s6 =	sadd.s32 @!p0 s3, s7;
	s7 =	simm.s32 @!p0 $0x108  }
0x21: {  	s3 =	sadd.s32 s3, s9;
	s6 =	sadd.s32 @!p0 $0x88, s6;
	s7 =	simm.s32 @p2 $0x1082  }
0x22: {  	[simem:s7], [sflag:s8] =	dma.local @!p0 [hbm:s6], $0xF7A  }
0x23: {  	s9 =	sor.u32 $0xD0000000, s2;
	s6 =	simm.s32 $0x108;
	_ =	swait.ge @!p0 [sflag:s8], $0x0  }
0x24: {  	s3 =	sadd.s32 $0x88, s3;
	s6 =	simm.s32 @!p1 $0x1082;
	[sflag:s4] =	ssyncset.s32 $0xFFFFF086  }
0x25: {  	[simem:s6], [sflag:s4] =	dma.local [hbm:s3], $0xF7A  }
0x26: {  	[smem:$0x3F97] =	sst s1;
	(tag) =	ssettag s2;
	_ =	strace s9  }
0x27: {  	s1 =	sld [smem:$0x3FA7]  }
0x28: {  	s2 =	sld [smem:$0x3FA8]  }
0x29: {  	s4 =	sld [smem:$0x3FAA]  }
0x2a: {  	p0 =	seq.s32 s5, $0x0;
	s5 =	sld [smem:$0x3FAB]  }
0x2b: {  	s6 =	sld [smem:$0x3FAC]  }
0x2c: {  	s7 =	sld [smem:$0x3FAD]  }
0x2d: {  	s3 =	simm.s32 $0x108;
	s8 =	sld [smem:$0x3FAE]  }
0x2e: {  	s3 =	simm.s32 @!p0 $0x1082;
	s9 =	sld [smem:$0x3FAF]  }
0x2f: {  	lr =	sadd.s32 s0, s3;
	s0 =	sld [smem:$0x3FA6]  }
0x30: {  	s3 =	sld [smem:$0x3FA9]  }
0x31: {  	[smem:$0x3FB2] =	sst s10  }
0x32: {  	s10 =	sld [smem:$0x3FB0];
	_ =	sdelay $0x3  }
0x33: {  	p0 =	seq.s32 s10, $0x1;
	s10 =	sld [smem:$0x3FB2];
	_ =	sdelay $0x3  }
0x34: {  	[smem:$0x3FB2] =	sst s10  }
0x35: {  	s10 =	sld [smem:$0x3FB1];
	_ =	sdelay $0x3  }
0x36: {  	p1 =	seq.s32 s10, $0x1;
	s10 =	sld [smem:$0x3FB2];
	_ =	sdelay $0x3  }
0x37: {  	[smem:$0x3FB2] =	sst s10  }
0x38: {  	s10 =	sld [smem:$0x3FB3]  }
0x39: {  	_ = 	snop;
	(pc) =	sbr.ind lr, $3  }
0x3a: {  	_ = 	snop  }
0x3b: {  	_ = 	snop  }
0x3c: {  	p2 =	seq.s32 s10, $0x1;
	s10 =	sld [smem:$0x3FB2]  }
0x3d: {  	_ =	shalt  }
0x3e: {  	_ =	shalt  }
0x3f: {  	_ =	shalt  }
0x40: {  	_ =	shalt  }
0x41: {  	_ =	shalt  }
0x42: {  	_ =	shalt  }
0x43: {  	_ =	shalt  }
0x44: {  	_ =	shalt  }
0x45: {  	_ =	shalt  }
0x46: {  	_ =	shalt  }
0x47: {  	_ =	shalt  }
0x48: {  	_ =	shalt  }
0x49: {  	_ =	shalt  }
0x4a: {  	_ =	shalt  }
0x4b: {  	_ =	shalt  }
0x4c: {  	_ =	shalt  }
0x4d: {  	_ =	shalt  }
0x4e: {  	_ =	shalt  }
0x4f: {  	_ =	shalt  }
0x50: {  	_ =	shalt  }
0x51: {  	_ =	shalt  }
0x52: {  	_ =	shalt  }
0x53: {  	_ =	shalt  }
0x54: {  	_ =	shalt  }
0x55: {  	_ =	shalt  }
0x56: {  	_ =	shalt  }
0x57: {  	_ =	shalt  }
0x58: {  	_ =	shalt  }
0x59: {  	_ =	shalt  }
0x5a: {  	_ =	shalt  }
0x5b: {  	_ =	shalt  }
0x5c: {  	_ =	shalt  }
0x5d: {  	_ =	shalt  }
0x5e: {  	_ =	shalt  }
0x5f: {  	_ =	shalt  }
0x60: {  	_ =	shalt  }
0x61: {  	_ =	shalt  }
0x62: {  	_ =	shalt  }
0x63: {  	_ =	shalt  }
0x64: {  	_ =	shalt  }
0x65: {  	_ =	shalt  }
0x66: {  	_ =	shalt  }
0x67: {  	_ =	shalt  }
0x68: {  	_ =	shalt  }
0x69: {  	_ =	shalt  }
0x6a: {  	_ =	shalt  }
0x6b: {  	_ =	shalt  }
0x6c: {  	_ =	shalt  }
0x6d: {  	_ =	shalt  }
0x6e: {  	_ =	shalt  }
0x6f: {  	_ =	shalt  }
0x70: {  	_ =	shalt  }
0x71: {  	_ =	shalt  }
0x72: {  	_ =	shalt  }
0x73: {  	_ =	shalt  }
0x74: {  	_ =	shalt  }
0x75: {  	_ =	shalt  }
0x76: {  	_ =	shalt  }
0x77: {  	_ =	shalt  }
0x78: {  	_ =	shalt  }
0x79: {  	_ =	shalt  }
0x7a: {  	_ =	shalt  }
0x7b: {  	_ =	shalt  }
0x7c: {  	_ =	shalt  }
0x7d: {  	_ =	shalt  }
0x7e: {  	_ =	shalt  }
0x7f: {  	_ =	shalt  }
0x80: {  	_ =	shalt  }
0x81: {  	_ =	shalt  }
0x82: {  	_ =	shalt  }
0x83: {  	_ =	shalt  }
0x84: {  	_ =	shalt  }
0x85: {  	_ =	shalt  }
0x86: {  	_ =	shalt  }
0x87: {  	_ =	shalt  }
.Lfunc_end0:
.L_simem_size_0:
called_computation.1_lowered:
.L_overlay_start_0:
0x88: {  	s2 =	sld [smem:$0x3FD9]  }
0x89: {  	s3 =	sld [smem:$0x3FFE];
	_ =	sdelay $0x1  }
0x8a: {  	s1 =	srdreg.scid  }
0x8b: {  	s0 =	sand.u32 $0x1, s1  }
0x8c: {  	s14 =	sshll.u32 s0, $0xA;
	s2 =	sadd.s32 s3, s2  }
0x8d: {  	s2 =	sadd.s32 s2, s14  }
0x8e: {  	[smem:$0x3FBE] =	sst s2  }
0x8f: {  	_ = 	snop  }
0x90: {  	s2 =	sld [smem:$0x3FD0];
	_ =	sdelay $0x2  }
0x91: {  	s4 =	simm.s32 $0xA;
	s5 =	simm.s32 $0x10;
	s15 =	sld [smem:$0x3FC1]  }
0x92: {  	[smem:s5], [sflag:s4] =	dma.local [hbm:s2], $0x1  }
0x93: {  	_ =	swait.eq [sflag:s4], $0x1  }
0x94: {  	[sflag:s4] =	ssyncset.done $0x0  }
0x95: {  	[sflag:s4] =	ssyncadd.s32 $0xFFFFFFFF  }
0x96: {  	s16 =	sld [smem:$0x11];
	(tm) =	ssettm $0x1  }
0x97: {  	s17 =	sld [smem:$0x3FFB];
	_ =	sdelay $0x3  }
0x98: {  	_ =	strace s17  }
0x99: {  	s4 =	sld [smem:$0x3FFC];
	_ =	sdelay $0x3  }
0x9a: {  	_ =	strace s4  }
0x9b: {  	s4 =	sld [smem:$0x3FFD];
	_ =	sdelay $0x3  }
0x9c: {  	_ =	strace s4  }
0x9d: {  	_ =	strace $0x8FFFFFFF  }
0x9e: {  	s18 =	sld [smem:$0x3FDB];
	_ =	sdelay $0x1  }
0x9f: {  	s19 =	simm.s32 $_scs_section_size  }
0xa0: {  	s6 =	simm.s32 $_size__tile_overlayer_lowered;
	s7 =	simm.s32 $_tile_overlayer_lowered  }
0xa1: {  	s22 =	simm.s32 $0x1BFF;
	s21 =	sshll.u32 s7, $0x1;
	s4 =	sadd.s32 s19, s18  }
0xa2: {  	s8 =	simm.s32 $0x0;
	s20 =	sshll.u32 s6, $0x1;
	s6 =	sadd.s32 s21, s4  }
0xa3: {  	[timem:s8], [sflag:s22] =	dma.local [hbm:s6], s20  }
0xa4: {  	_ =	swait.ge [sflag:s22], s20  }
0xa5: {  	s5 =	ssub.s32 $0x0, s20;
	[sflag:s22] =	ssyncset.done $0x0  }
0xa6: {  	[sflag:s22] =	ssyncadd.s32 s5;
	_ =	sdelay $0x1  }
0xa7: {  	s23 =	simm.s32 $0x1B8B  }
0xa8: {  	_ =	swait.ge [sflag:s23], $0x1  }
0xa9: {  	[sflag:s23] =	ssyncset.done $0x0  }
0xaa: {  	s25 =	simm.s32 $0x1B8E;
	s24 =	sld [smem:$0x3FFE];
	[sflag:s23] =	ssyncadd.s32 $0xFFFFFFFF  }
0xab: {  	s26 =	simm.s32 $execute0_lowered;
	[smem:$0x3FD2] =	sst s25  }
0xac: {  	s6 =	sshll.u32 s26, $0x1;
	_ =	strace $0x80000049;
	[dreg:$0x1] =	wrdreg $0xFFFFFFFF  }
0xad: {  	s28 =	simm.s32 $_size_execute0_lowered;
	s4 =	sadd.s32 s4, s6;
	[dreg:$0x0] =	wrdreg $0x0  }
0xae: {  	s6 =	sshll.u32 s28, $0x1;
	[dreg:$0x2] =	wrdreg s4  }
0xaf: {  	[dreg:$0x3] =	wrdreg s6  }
0xb0: {  	[dreg:$0x4] =	wrdreg $0xC0  }
0xb1: {  	_ =	task [dreg:s8], $0x5FFFF  }
0xb2: {  	[dreg:$0x1] =	wrdreg $0xFFFFFFFF  }
0xb3: {  	[dreg:$0x0] =	wrdreg $0x60  }
0xb4: {  	[dreg:$0x2] =	wrdreg s24  }
0xb5: {  	[dreg:$0x3] =	wrdreg s15  }
0xb6: {  	[dreg:$0x4] =	wrdreg s16  }
0xb7: {  	[dreg:$0x5] =	wrdreg $0x9  }
0xb8: {  	_ =	task.clear_ibuf [dreg:s8], $0x6FFFF;
	_ =	strace $0x90000049  }
0xb9: {  	s29 =	simm.s32 $0x9;
	_ =	strace $0x8000004B  }
0xba: {  	_ =	swait.ge [sflag:s29], $0x1  }
0xbb: {  	[sflag:s29] =	ssyncadd.s32 $0xFFFFFFFF  }
0xbc: {  	_ =	strace $0x9000004B  }
0xbd: {  	_ =	sfence  }
0xbe: {  	s30 =	sld [smem:$0x0];
	_ =	sdelay $0x2  }
0xbf: {  	s31 =	sshll.u32 s1, $0xD;
	s1 =	sshrl.u32 s1, $0x2  }
0xc0: {  	s3 =	sand.u32 $0x4000, s31;
	s1 =	sadd.s32 s1, s30  }
0xc1: {  	s0 =	sor.u32 s3, s0;
	s1 =	sshll.u32 s1, $0x11  }
0xc2: {  	s0 =	sor.u32 s1, s0  }
0xc3: {  	s0 =	sadd.s32 $0x8F2B, s0  }
0xc4: {  	[sflag:s0] =	ssyncadd.remote.s32 $0x1  }
0xc5: {  	_ =	sfence.sel $0xFFFF  }
0xc6: {  	[dreg:$0x0] =	wrdreg $0xFFFFFFFF;
	(pc) =	sbr.abs _section_cstart, $3  }
0xc7: {  	[dreg:$0x1] =	wrdreg $0xFFFFFFFF  }
0xc8: {  	_ =	task.clear_ibuf [dreg:s8], $0x2FFFF;
	_ =	strace $0x9FFFFFFF  }
0xc9: {  	(tm) =	ssettm $0x7FFFFFFF  }
tec
execute0_lowered:
.L_overlay_start_1:
0x0: {  	(tag) =	ssettag $0x1  }
0x1: {  	s0 =	rddreg [dreg:$0x0];
	s3 =	simm.s32 $0x0  }
0x2: {  	s1 =	srdreg.scid;
	s2 =	stileid.u32;
	s28 =	simm.s32 $0x180  }
0x3: {  	s29 =	simm.s32 $0x4;
	s30 =	simm.s32 $0x1;
	s31 =	simm.s32 $0x2200  }
0x4: {  	[smem:$0x7FF] =	sst s3;
	s5 =	sadd.s32 $0x51800, s0;
	s6 =	sadd.s32 $0x65800, s0  }
0x5: {  	s7 =	sadd.s32 $0x83800, s0;
	s1 =	sand.u32 $0x1, s1;
	s2 =	sshll.u32 s2, $0x1  }
0x6: {  	s8 =	sadd.s32 $0x79800, s0;
	s9 =	sadd.s32 $0x8D800, s0;
	s17 =	sadd.s32 $0x8F800, s0  }
0x7: {  	s0 =	simm.s32 $0x6200;
	s4 =	ssub.s32 $0x2, s1;
	s1 =	sor.u32 s1, s2  }
0x8: {  	_ =	strace $0x8000004A;
	s22 =	sshrl.u32 s4, $0x1;
	s10 =	sshll.u32 s1, $0x4  }
0x9: {  	s16 =	sshll.u32 s1, $0x8;
	s1 =	simm.s32 $0x2;
	s2 =	ssub.s32 s4, s22  }
0xa: {  	s23 =	sadd.s32 s7, s10;
	s24 =	sor.u32 $0x200, s10;
	s11 =	sadd.s32 s8, s10  }
0xb: {  	s14 =	sor.u32 $0x400, s10;
	s15 =	sor.u32 $0x600, s10;
	[dreg:$0x4] =	wrdreg s23  }
0xc: {  	s22 =	simm.s32 $0x100;
	[dreg:$0x5] =	wrdreg s11;
	s25 =	sadd.s32 s7, s24  }
0xd: {  	s10 =	simm.s32 $0x0;
	s4 =	sadd.s32 s8, s24;
	[dreg:$0x6] =	wrdreg s25  }
0xe: {  	s26 =	smax.u32 s2, $0x1;
	s23 =	simm.s32 $0x3;
	[dreg:$0x7] =	wrdreg s4  }
0xf: {  	s24 =	simm.s32 $0x80;
	s2 =	simm.s32 $0x8A00;
	[dreg:$0x8] =	wrdreg s26  }
0x10: {  	s25 =	simm.s32 $0x200;
	s26 =	simm.s32 $0x4200;
	s4 =	simm.s32 $0x8200  }
.LBB2_1:
0x11: {  	s11 =	rddreg [dreg:$0x1];
	s12 =	simm.s32 $0x9200;
	s20 =	simm.s32 $0x7  }
0x12: {  	[tilespmem:s12], [sflag:$0x7] =	stream.linear.gather [hbm4b:s11+s3], $0x80, $0x38;
	[tilespmem:$0x9300] =	vst v63  }
0x13: {  	_ =	swait.ge [sflag:s20], $0x80  }
0x14: {  	[sflag:s20] =	ssyncset.done $0x0  }
0x15: {  	[sflag:s20] =	ssyncadd.s32 $0xFFFFFF80  }
0x16: {  	s13 =	simm.s32 $0x9280;
	s21 =	rddreg [dreg:$0x2]  }
0x17: {  	[tilespmem:s13], [sflag:$0x7] =	stream.linear.gather [hbm4b:s21+s3], $0x80, $0x38;
	[tilespmem:$0x9300] =	vst v63  }
0x18: {  	_ =	swait.ge [sflag:s20], $0x80  }
0x19: {  	[sflag:s20] =	ssyncset.done $0x0  }
0x1a: {  	[sflag:s20] =	ssyncadd.s32 $0xFFFFFF80  }
0x1b: {  	v0 =	vld [tilespmem:$0x9280]  }
0x1c: {  	v1 =	vld [tilespmem:$0x9200]  }
0x1d: {  	v2 =	vld [tilespmem:$0x9210]  }
0x1e: {  	v3 =	vld [tilespmem:$0x9220]  }
0x1f: {  	v4 =	vld [tilespmem:$0x9230]  }
0x20: {  	v5 =	vld [tilespmem:$0x9240]  }
0x21: {  	v6 =	vld [tilespmem:$0x9250]  }
0x22: {  	s18 =	rddreg [dreg:$0x4];
	v7 =	vld [tilespmem:$0x9260]  }
0x23: {  	v8 =	vld [tilespmem:$0x9270];
	[tilespmem:s3], [sflag:$0x3] =	stream.linear.gather [hbm4b:s18+s3], $0x80, $0x38  }
0x24: {  	s19 =	rddreg [dreg:$0x5]  }
0x25: {  	[tilespmem:s22], [sflag:$0x3] =	stream.linear.gather [hbm4b:s19+s3], $0x80, $0x38;
	[tilespmem:$0x9300] =	vst v63  }
0x26: {  	_ =	swait.ge [sflag:s23], $0x80  }
0x27: {  	[sflag:s23] =	ssyncset.done $0x0  }
0x28: {  	[sflag:s23] =	ssyncadd.s32 $0xFFFFFF80  }
0x29: {  	v9 =	vmul.f32 $3.125000150e-05, v0;
	_ =	swait.ge [sflag:s23], $0x80  }
0x2a: {  	[sflag:s23] =	ssyncset.done $0x0  }
0x2b: {  	v0 =	vmul.f32 v9, v1;
	[sflag:s23] =	ssyncadd.s32 $0xFFFFFF80  }
0x2c: {  	v57 =	vmul.f32 v2, v9;
	[tilespmem:s25], [sflag:$0x1] =	stream.indirect.gather [hbm4b:s5+s24], $0x40, s3, s24, $0xb8;
	[tilespmem:$0x9300] =	vst v63  }
0x2d: {  	v58 =	vmul.f32 v3, v9;
	[tilespmem:$0x1FF80] =	vst v0  }
0x2e: {  	v59 =	vmul.f32 v4, v9;
	[tilespmem:$0x1FF90] =	vst v57  }
0x2f: {  	v60 =	vmul.f32 v5, v9;
	[tilespmem:$0x1FFA0] =	vst v58  }
0x30: {  	v61 =	vmul.f32 v6, v9;
	[tilespmem:$0x1FFB0] =	vst v59  }
0x31: {  	[tilespmem:$0x1FFC0] =	vst v60  }
0x32: {  	v62 =	vmul.f32 v7, v9;
	[tilespmem:$0x1FFD0] =	vst v61  }
0x33: {  	[tilespmem:s26], [sflag:$0x1] =	stream.indirect.gather [hbm4b:s6+s24], $0x40, s22, s24, $0xb8;
	[tilespmem:$0x9300] =	vst v63  }
0x34: {  	s20 =	rddreg [dreg:$0x6];
	v63 =	vmul.f32 v8, v9;
	[tilespmem:$0x1FFE0] =	vst v62  }
0x35: {  	[tilespmem:s24], [sflag:$0x4] =	stream.linear.gather [hbm4b:s20+s3], $0x80, $0x38;
	[tilespmem:$0x9300] =	vst v63  }
0x36: {  	s11 =	simm.s32 $0x0;
	s21 =	rddreg [dreg:$0x7];
	[tilespmem:$0x1FFF0] =	vst v63  }
0x37: {  	[tilespmem:s28], [sflag:$0x4] =	stream.linear.gather [hbm4b:s21+s3], $0x80, $0x38;
	[tilespmem:$0x9300] =	vst v63  }
.LBB2_2:
0x38: {  	_ =	swait.ge [sflag:s29], $0x80  }
0x39: {  	[sflag:s29] =	ssyncset.done $0x0  }
0x3a: {  	[sflag:s29] =	ssyncadd.s32 $0xFFFFFF80  }
0x3b: {  	_ =	swait.ge [sflag:s29], $0x80  }
0x3c: {  	[sflag:s29] =	ssyncset.done $0x0  }
0x3d: {  	[sflag:s29] =	ssyncadd.s32 $0xFFFFFF80  }
0x3e: {  	_ =	swait.ge [sflag:s30], $0x2000  }
0x3f: {  	[sflag:s30] =	ssyncset.done $0x0  }
0x40: {  	[sflag:s30] =	ssyncadd.s32 $0xFFFFE000  }
0x41: {  	s12 =	sshll.u32 s11, $0x1;
	_ =	swait.ge [sflag:s30], $0x2000  }
0x42: {  	s13 =	smin.u32 s12, $0x4D;
	[sflag:s30] =	ssyncset.done $0x0  }
0x43: {  	s13 =	sshll.u32 s13, $0x9;
	[sflag:s30] =	ssyncadd.s32 $0xFFFFE000  }
0x44: {  	[tilespmem:s31], [sflag:$0x2] =	stream.indirect.gather [hbm4b:s5+s24], $0x40, s24, s24, $0xb8;
	[tilespmem:$0x9300] =	vst v63  }
0x45: {  	s13 =	sadd.s32 s14, s13  }
0x46: {  	[tilespmem:s0], [sflag:$0x2] =	stream.indirect.gather [hbm4b:s6+s24], $0x40, s28, s24, $0xb8;
	[tilespmem:$0x9300] =	vst v63  }
0x47: {  	s18 =	sadd.s32 s7, s13  }
0x48: {  	[tilespmem:s3], [sflag:$0x3] =	stream.linear.gather [hbm4b:s18+s3], $0x80, $0x38;
	[tilespmem:$0x9300] =	vst v63  }
0x49: {  	p0 =	seq.s32 s11, $0x0;
	s13 =	sadd.s32 s8, s13  }
0x4a: {  	[tilespmem:s22], [sflag:$0x3] =	stream.linear.gather [hbm4b:s13+s3], $0x80, $0x38;
	[tilespmem:$0x9300] =	vst v63  }
0x4b: {  	s13 =	simm.s32 @!p0 $0x5  }
0x4c: {  	_ =	swait.ge @!p0 [sflag:s13], $0x800  }
0x4d: {  	[sflag:s13] =	ssyncset.done @!p0 $0x0  }
0x4e: {  	s19 =	simm.s32 $0x280;
	[sflag:s13] =	ssyncadd.s32 @!p0 $0xFFFFF800  }
0x4f: {  	s20 =	simm.s32 $0x4280;
	v8 =	vld [tilespmem:s19+$0x40]  }
0x50: {  	v9 =	vld [tilespmem:s20+$0x40]  }
0x51: {  	v11 =	vld [tilespmem:s19+$0x50]  }
0x52: {  	v12 =	vld [tilespmem:s20+$0x50]  }
0x53: {  	v13 =	vld [tilespmem:s19+$0x60]  }
0x54: {  	v14 =	vld [tilespmem:s20+$0x60]  }
0x55: {  	v15 =	vld [tilespmem:s19+$0x70]  }
0x56: {  	v16 =	vld [tilespmem:s20+$0x70]  }
0x57: {  	v10 =	vld [tilespmem:s20+$0xFFFFFF80]  }
0x58: {  	v60 =	vld [tilespmem:s19+$0xFFFFFFD0]  }
0x59: {  	v61 =	vld [tilespmem:s20+$0xFFFFFFE0]  }
0x5a: {  	v62 =	vld [tilespmem:s19+$0xFFFFFFF0]  }
0x5b: {  	v63 =	vld [tilespmem:s20+$0xFFFFFFF0]  }
0x5c: {  	v31 =	vld [tilespmem:s19+$0x0]  }
0x5d: {  	v33 =	vld [tilespmem:s20+$0x0]  }
0x5e: {  	v35 =	vld [tilespmem:s19+$0x10]  }
0x5f: {  	v37 =	vld [tilespmem:s19+$0xFFFFFF80];
	v17 =	vshra.s32 v8, $0x10;
	v18 =	vshra.s32 v9, $0x10  }
0x60: {  	v39 =	vld [tilespmem:s20+$0x10];
	v19 =	vshra.s32 v11, $0x10;
	v20 =	vshra.s32 v12, $0x10;
	v21 =	vshra.s32 v13, $0x10  }
0x61: {  	v41 =	vld [tilespmem:s19+$0x20];
	v22 =	vshra.s32 v14, $0x10;
	v8 =	vshll.u32 v8, $0x10;
	v23 =	vshra.s32 v15, $0x10  }
0x62: {  	v43 =	vld [tilespmem:s20+$0x20];
	v24 =	vshra.s32 v16, $0x10;
	v9 =	vshll.u32 v9, $0x10;
	v25 =	vshll.u32 v11, $0x10  }
0x63: {  	v44 =	vld [tilespmem:s20+$0x30];
	v26 =	vshll.u32 v12, $0x10;
	v13 =	vshll.u32 v13, $0x10;
	v14 =	vshll.u32 v14, $0x10  }
0x64: {  	v15 =	vshll.u32 v15, $0x10;
	v16 =	vshll.u32 v16, $0x10;
	v32 =	vshll.u32 v10, $0x10  }
0x65: {  	v45 =	vshll.u32 v60, $0x10;
	v46 =	vshll.u32 v37, $0x10;
	v47 =	vshll.u32 v61, $0x10  }
0x66: {  	v48 =	vshll.u32 v62, $0x10;
	v49 =	vshll.u32 v63, $0x10;
	v50 =	vshll.u32 v31, $0x10  }
0x67: {  	v51 =	vshll.u32 v33, $0x10;
	v52 =	vshll.u32 v35, $0x10;
	v53 =	vshll.u32 v39, $0x10  }
0x68: {  	v54 =	vshll.u32 v41, $0x10;
	v55 =	vshll.u32 v43, $0x10;
	v57 =	vshll.u32 v44, $0x10  }
0x69: {  	v58 =	vshra.s32 v37, $0x10;
	v60 =	vshra.s32 v60, $0x10;
	v61 =	vshra.s32 v61, $0x10  }
0x6a: {  	v62 =	vshra.s32 v62, $0x10;
	v63 =	vshra.s32 v63, $0x10;
	v43 =	vshra.s32 v43, $0x10  }
0x6b: {  	v44 =	vshra.s32 v44, $0x10;
	v17 =	vadd.s32 v17, v18;
	v18 =	vadd.s32 v19, v20  }
0x6c: {  	v8 =	vshra.s32 v8, $0x10;
	v20 =	vadd.s32 v21, v22;
	v22 =	vadd.s32 v23, v24  }
0x6d: {  	v9 =	vshra.s32 v9, $0x10;
	v23 =	vshra.s32 v25, $0x10;
	v25 =	vshra.s32 v26, $0x10  }
0x6e: {  	v13 =	vshra.s32 v13, $0x10;
	v14 =	vshra.s32 v14, $0x10;
	v15 =	vshra.s32 v15, $0x10  }
0x6f: {  	v16 =	vshra.s32 v16, $0x10;
	v46 =	vshra.s32 v46, $0x10;
	v32 =	vshra.s32 v32, $0x10  }
0x70: {  	v45 =	vshra.s32 v45, $0x10;
	v47 =	vshra.s32 v47, $0x10;
	v48 =	vshra.s32 v48, $0x10  }
0x71: {  	v49 =	vshra.s32 v49, $0x10;
	v50 =	vshra.s32 v50, $0x10;
	v51 =	vshra.s32 v51, $0x10  }
0x72: {  	v52 =	vshra.s32 v52, $0x10;
	v53 =	vshra.s32 v53, $0x10;
	v54 =	vshra.s32 v54, $0x10  }
0x73: {  	v55 =	vshra.s32 v55, $0x10;
	v57 =	vshra.s32 v57, $0x10;
	v26 =	vshra.s32 v10, $0x10  }
0x74: {  	v10 =	vshra.s32 v39, $0x10;
	vm0 =	vgt.s32 v17, $0x0;
	vm1 =	vgt.s32 v18, $0x0  }
0x75: {  	v8 =	vadd.s32 v8, v9;
	vm14 =	vgt.s32 v20, $0x0;
	vm15 =	vgt.s32 v22, $0x0  }
0x76: {  	v4 =	vld [tilespmem:$0x1FFC0];
	v23 =	vadd.s32 v23, v25;
	v13 =	vadd.s32 v13, v14;
	v14 =	vadd.s32 v15, v16  }
0x77: {  	v5 =	vld [tilespmem:$0x1FFD0];
	v37 =	vadd.s32 v46, v32;
	v32 =	vadd.s32 v58, v26;
	v9 =	vnsel vm0, $0x0, v17  }
0x78: {  	v6 =	vld [tilespmem:$0x1FFE0];
	v18 =	vnsel vm1, $0x0, v18;
	v16 =	vnsel vm14, $0x0, v20;
	vm4 =	vgt.s32 v8, $0x0  }
0x79: {  	v11 =	vld [tilespmem:s19+$0xFFFFFF90];
	v20 =	vnsel vm15, $0x0, v22;
	vm5 =	vgt.s32 v23, $0x0;
	vm6 =	vgt.s32 v13, $0x0  }
0x7a: {  	v12 =	vld [tilespmem:s20+$0xFFFFFF90];
	vm7 =	vgt.s32 v14, $0x0;
	vm8 =	vgt.s32 v37, $0x0;
	v9 =	vcvt.s32.f32 v9  }
0x7b: {  	v7 =	vld [tilespmem:$0x1FFF0];
	v18 =	vcvt.s32.f32 v18;
	v8 =	vnsel vm4, $0x0, v8;
	v16 =	vcvt.s32.f32 v16  }
0x7c: {  	v19 =	vld [tilespmem:s19+$0xFFFFFFA0];
	v23 =	vnsel vm5, $0x0, v23;
	v20 =	vcvt.s32.f32 v20;
	v13 =	vnsel vm6, $0x0, v13  }
0x7d: {  	v21 =	vld [tilespmem:s20+$0xFFFFFFA0];
	v14 =	vnsel vm7, $0x0, v14;
	v8 =	vcvt.s32.f32 v8;
	v23 =	vcvt.s32.f32 v23  }
0x7e: {  	v24 =	vld [tilespmem:s19+$0xFFFFFFB0];
	vm6 =	vgt.s32 v32, $0x0;
	v13 =	vcvt.s32.f32 v13;
	v14 =	vcvt.s32.f32 v14  }
0x7f: {  	v0 =	vld [tilespmem:$0x1FF80];
	v34 =	vshll.u32 v11, $0x10;
	v36 =	vshll.u32 v12, $0x10;
	v25 =	vshra.s32 v11, $0x10  }
0x80: {  	v1 =	vld [tilespmem:$0x1FF90];
	v29 =	vshra.s32 v12, $0x10;
	v12 =	vshra.s32 v33, $0x10;
	v11 =	vshra.s32 v41, $0x10  }
0x81: {  	v2 =	vld [tilespmem:$0x1FFA0];
	v33 =	vadd.s32 v50, v51;
	v9 =	vmul.f32 v9, v4;
	v18 =	vmul.f32 v18, v5  }
0x82: {  	v3 =	vld [tilespmem:$0x1FFB0];
	v32 =	vnsel vm6, $0x0, v32;
	v16 =	vmul.f32 v16, v6;
	v20 =	vmul.f32 v20, v7  }
0x83: {  	v38 =	vshll.u32 v19, $0x10;
	v40 =	vshll.u32 v21, $0x10;
	v42 =	vshll.u32 v24, $0x10  }
0x84: {  	v34 =	vshra.s32 v34, $0x10;
	v36 =	vshra.s32 v36, $0x10;
	v19 =	vshra.s32 v19, $0x10  }
0x85: {  	v21 =	vshra.s32 v21, $0x10;
	v24 =	vshra.s32 v24, $0x10;
	v32 =	vcvt.s32.f32 v32  }
0x86: {  	v59 =	vld [tilespmem:s20+$0xFFFFFFB0];
	v29 =	vadd.s32 v25, v29;
	v8 =	vmul.f32 v8, v0;
	v23 =	vmul.f32 v23, v1  }
0x87: {  	v27 =	vld [tilespmem:s19+$0xFFFFFFC0];
	vm4 =	vgt.s32 v33, $0x0;
	v13 =	vmul.f32 v13, v2;
	v14 =	vmul.f32 v14, v3  }
0x88: {  	v17 =	vld [tilespmem:s20+$0xFFFFFFC0];
	v38 =	vshra.s32 v38, $0x10;
	v40 =	vshra.s32 v40, $0x10;
	v42 =	vshra.s32 v42, $0x10  }
0x89: {  	v41 =	vadd.s32 v34, v36;
	v26 =	vadd.s32 v19, v21;
	v33 =	vnsel vm4, $0x0, v33  }
0x8a: {  	v40 =	vadd.s32 v38, v40;
	vm9 =	vgt.s32 v41, $0x0;
	v33 =	vcvt.s32.f32 v33  }
0x8b: {  	v32 =	vmul.f32 v32, v4;
	v8 =	vadd.f32 v8, v9;
	v9 =	vadd.f32 v23, v18  }
0x8c: {  	v18 =	vshll.u32 v59, $0x10;
	v13 =	vadd.f32 v13, v16;
	v14 =	vadd.f32 v14, v20  }
0x8d: {  	v15 =	vld [tilespmem:s20+$0xFFFFFFD0];
	v20 =	vshll.u32 v27, $0x10;
	v23 =	vshll.u32 v17, $0x10;
	v8 =	vadd.f32 v9, v8  }
0x8e: {  	v22 =	vld [tilespmem:s19+$0xFFFFFFE0];
	v59 =	vshra.s32 v59, $0x10;
	v27 =	vshra.s32 v27, $0x10;
	v17 =	vshra.s32 v17, $0x10  }
0x8f: {  	v16 =	vld [tilespmem:s19+$0x30];
	vm10 =	vgt.s32 v40, $0x0;
	v18 =	vshra.s32 v18, $0x10;
	[tilespmem:$0x1FF30] =	vst v8;
	v8 =	vadd.f32 v14, v13  }
0x90: {  	v20 =	vshra.s32 v20, $0x10;
	v23 =	vshra.s32 v23, $0x10;
	v27 =	vadd.s32 v27, v17  }
0x91: {  	s21 =	simm.s32 $0x380;
	v38 =	vadd.s32 v42, v18;
	v39 =	vadd.s32 v20, v23;
	v18 =	vadd.s32 v24, v59;
	[tilespmem:$0x1FF40] =	vst v8  }
0x92: {  	s13 =	simm.s32 $0x4380;
	vm11 =	vgt.s32 v38, $0x0;
	vm12 =	vgt.s32 v39, $0x0;
	v13 =	vshll.u32 v15, $0x10;
	v9 =	vld [tilespmem:s21+$0x40]  }
0x93: {  	v14 =	vshll.u32 v22, $0x10;
	v15 =	vshra.s32 v15, $0x10;
	v22 =	vshra.s32 v22, $0x10;
	v8 =	vld [tilespmem:s13+$0x40]  }
0x94: {  	v56 =	vshll.u32 v16, $0x10;
	v28 =	vshra.s32 v13, $0x10;
	v30 =	vshra.s32 v14, $0x10;
	v46 =	vld [tilespmem:s21+$0x50]  }
0x95: {  	v14 =	vshra.s32 v31, $0x10;
	v13 =	vshra.s32 v35, $0x10;
	v16 =	vshra.s32 v16, $0x10;
	v42 =	vld [tilespmem:s13+$0x50]  }
0x96: {  	v35 =	vadd.s32 v48, v49;
	v31 =	vadd.s32 v52, v53;
	v15 =	vadd.s32 v60, v15;
	v20 =	vld [tilespmem:s21+$0x60]  }
0x97: {  	v56 =	vshra.s32 v56, $0x10;
	v36 =	vadd.s32 v45, v28;
	v34 =	vadd.s32 v30, v47;
	v23 =	vld [tilespmem:s13+$0x60]  }
0x98: {  	v30 =	vadd.s32 v54, v55;
	v12 =	vadd.s32 v14, v12;
	v10 =	vadd.s32 v13, v10;
	v45 =	vld [tilespmem:s21+$0x70];
	[tilespmem:$0x1FE50] =	vst v18  }
0x99: {  	vm15 =	vgt.s32 v35, $0x0;
	vm5 =	vgt.s32 v31, $0x0;
	v21 =	vld [tilespmem:s13+$0x70];
	[tilespmem:$0x1FE60] =	vst v15;
	v15 =	vadd.s32 v22, v61  }
0x9a: {  	v28 =	vadd.s32 v56, v57;
	vm13 =	vgt.s32 v36, $0x0;
	[tilespmem:$0x1FE70] =	vst v15;
	v15 =	vadd.s32 v62, v63  }
0x9b: {  	vm14 =	vgt.s32 v34, $0x0;
	v35 =	vnsel vm15, $0x0, v35;
	v31 =	vnsel vm5, $0x0, v31;
	v50 =	vld [tilespmem:s13+$0xFFFFFF80];
	[tilespmem:$0x1FE80] =	vst v15  }
0x9c: {  	vm7 =	vgt.s32 v30, $0x0;
	v36 =	vnsel vm13, $0x0, v36;
	v34 =	vnsel vm14, $0x0, v34;
	[tilespmem:$0x1FE90] =	vst v12  }
0x9d: {  	v35 =	vcvt.s32.f32 v35;
	v36 =	vcvt.s32.f32 v36;
	[tilespmem:$0x1FEA0] =	vst v10;
	v10 =	vadd.s32 v11, v43  }
0x9e: {  	v31 =	vcvt.s32.f32 v31;
	v34 =	vcvt.s32.f32 v34;
	v25 =	vld [tilespmem:s21+$0xFFFFFF90];
	[tilespmem:$0x1FEB0] =	vst v10;
	v10 =	vadd.s32 v16, v44  }
0x9f: {  	v30 =	vnsel vm7, $0x0, v30;
	v35 =	vmul.f32 v35, v3;
	v36 =	vmul.f32 v36, v1;
	[tilespmem:$0x1FEC0] =	vst v10  }
0xa0: {  	v34 =	vmul.f32 v34, v2;
	v15 =	vshra.s32 v9, $0x10;
	v16 =	vshra.s32 v8, $0x10;
	v24 =	vld [tilespmem:s13+$0xFFFFFF90]  }
0xa1: {  	v17 =	vshra.s32 v46, $0x10;
	v22 =	vshra.s32 v42, $0x10;
	v52 =	vshra.s32 v20, $0x10;
	v56 =	vld [tilespmem:s21+$0xFFFFFFA0]  }
0xa2: {  	v53 =	vshra.s32 v23, $0x10;
	v9 =	vshll.u32 v9, $0x10;
	v54 =	vshra.s32 v45, $0x10;
	v57 =	vld [tilespmem:s13+$0xFFFFFFA0]  }
0xa3: {  	v8 =	vshll.u32 v8, $0x10;
	v46 =	vshll.u32 v46, $0x10;
	v42 =	vshll.u32 v42, $0x10;
	v58 =	vld [tilespmem:s21+$0xFFFFFFB0]  }
0xa4: {  	v20 =	vshll.u32 v20, $0x10;
	v23 =	vshll.u32 v23, $0x10;
	v59 =	vld [tilespmem:s13+$0xFFFFFFB0];
	v10 =	vadd.s32 v15, v16  }
0xa5: {  	v45 =	vshll.u32 v45, $0x10;
	v55 =	vshra.s32 v21, $0x10;
	v63 =	vld [tilespmem:s21+$0xFFFFFFC0];
	[tilespmem:$0x1FED0] =	vst v10;
	v10 =	vadd.s32 v17, v22  }
0xa6: {  	v21 =	vshll.u32 v21, $0x10;
	v9 =	vshra.s32 v9, $0x10;
	[tilespmem:$0x1FEE0] =	vst v10;
	v10 =	vadd.s32 v52, v53  }
0xa7: {  	v8 =	vshra.s32 v8, $0x10;
	v43 =	vshra.s32 v46, $0x10;
	v15 =	vld [tilespmem:s13+$0xFFFFFFC0];
	[tilespmem:$0x1FEF0] =	vst v10;
	v10 =	vadd.s32 v54, v55  }
0xa8: {  	v42 =	vshra.s32 v42, $0x10;
	v20 =	vshra.s32 v20, $0x10;
	v48 =	vshra.s32 v23, $0x10;
	[tilespmem:$0x1FF00] =	vst v10  }
0xa9: {  	v45 =	vshra.s32 v45, $0x10;
	v49 =	vshra.s32 v21, $0x10;
	v61 =	vadd.s32 v9, v8;
	v22 =	vld [tilespmem:s21+$0xFFFFFFD0]  }
0xaa: {  	v62 =	vadd.s32 v43, v42;
	v9 =	vshll.u32 v50, $0x10;
	v42 =	vshll.u32 v25, $0x10;
	v44 =	vld [tilespmem:s13+$0xFFFFFFD0]  }
0xab: {  	v8 =	vadd.s32 v20, v48;
	v9 =	vshra.s32 v9, $0x10;
	v42 =	vshra.s32 v42, $0x10;
	v53 =	vld [tilespmem:s21+$0xFFFFFF80]  }
0xac: {  	v60 =	vld [tilespmem:s21+$0xFFFFFFE0];
	[tilespmem:$0x1FF10] =	vst v8;
	v8 =	vadd.s32 v45, v49;
	v43 =	vshll.u32 v24, $0x10;
	v45 =	vshll.u32 v56, $0x10  }
0xad: {  	v46 =	vshll.u32 v57, $0x10;
	v47 =	vshll.u32 v58, $0x10;
	v48 =	vshll.u32 v59, $0x10;
	[tilespmem:$0x1FF20] =	vst v8  }
0xae: {  	v49 =	vshll.u32 v63, $0x10;
	v8 =	vshra.s32 v43, $0x10;
	v10 =	vshra.s32 v45, $0x10;
	v20 =	vld [tilespmem:s13+$0xFFFFFFE0]  }
0xaf: {  	v46 =	vshra.s32 v46, $0x10;
	v47 =	vshra.s32 v47, $0x10;
	v48 =	vshra.s32 v48, $0x10;
	v55 =	vld [tilespmem:s21+$0xFFFFFFF0]  }
0xb0: {  	v18 =	vld [tilespmem:s13+$0xFFFFFFF0];
	v45 =	vadd.s32 v42, v8;
	v23 =	vadd.s32 v10, v46;
	v42 =	vadd.s32 v47, v48  }
0xb1: {  	v17 =	vld [tilespmem:s21+$0x10];
	v48 =	vshra.s32 v49, $0x10;
	v51 =	vshll.u32 v15, $0x10;
	v15 =	vshra.s32 v15, $0x10  }
0xb2: {  	v47 =	vld [tilespmem:s13+$0x10];
	v49 =	vshra.s32 v51, $0x10;
	v52 =	vshll.u32 v22, $0x10;
	v54 =	vshll.u32 v53, $0x10  }
0xb3: {  	v19 =	vld [tilespmem:s21+$0x0];
	v11 =	vshll.u32 v44, $0x10;
	v12 =	vshll.u32 v60, $0x10;
	v48 =	vadd.s32 v48, v49  }
0xb4: {  	v16 =	vld [tilespmem:s13+$0x0];
	v54 =	vshra.s32 v54, $0x10;
	v51 =	vshra.s32 v52, $0x10;
	v11 =	vshra.s32 v11, $0x10  }
0xb5: {  	v14 =	vld [tilespmem:s21+$0x20];
	v52 =	vshra.s32 v12, $0x10;
	v43 =	vadd.s32 v54, v9;
	v46 =	vshll.u32 v20, $0x10  }
0xb6: {  	v13 =	vld [tilespmem:s13+$0x20];
	v21 =	vadd.s32 v51, v11;
	v49 =	vshll.u32 v55, $0x10;
	v51 =	vshll.u32 v18, $0x10  }
0xb7: {  	v12 =	vld [tilespmem:s21+$0x30];
	v8 =	vshll.u32 v17, $0x10;
	v9 =	vshll.u32 v47, $0x10;
	v20 =	vshra.s32 v20, $0x10  }
0xb8: {  	v11 =	vld [tilespmem:s13+$0x30];
	v18 =	vshra.s32 v18, $0x10;
	v17 =	vshra.s32 v17, $0x10;
	[tilespmem:$0x1FF50] =	vst v33;
	v33 =	vcvt.s32.f32 v30  }
0xb9: {  	v46 =	vshra.s32 v46, $0x10;
	v49 =	vshra.s32 v49, $0x10;
	v51 =	vshra.s32 v51, $0x10  }
0xba: {  	v10 =	vshra.s32 v8, $0x10;
	v8 =	vshra.s32 v9, $0x10;
	v46 =	vadd.s32 v52, v46  }
0xbb: {  	v52 =	vshll.u32 v19, $0x10;
	v9 =	vadd.s32 v49, v51;
	v49 =	vadd.s32 v10, v8  }
0xbc: {  	v8 =	vshra.s32 v53, $0x10;
	v10 =	vshra.s32 v50, $0x10;
	v19 =	vshra.s32 v19, $0x10  }
0xbd: {  	v54 =	vshra.s32 v52, $0x10;
	v52 =	vshll.u32 v16, $0x10;
	v50 =	vadd.s32 v8, v10  }
0xbe: {  	v10 =	vshll.u32 v13, $0x10;
	v16 =	vshra.s32 v16, $0x10;
	v13 =	vshra.s32 v13, $0x10  }
0xbf: {  	v52 =	vshra.s32 v52, $0x10;
	v10 =	vshra.s32 v10, $0x10;
	v16 =	vadd.s32 v19, v16  }
0xc0: {  	v51 =	vadd.s32 v54, v52;
	v52 =	vshll.u32 v14, $0x10;
	v54 =	vshll.u32 v11, $0x10  }
0xc1: {  	v14 =	vshra.s32 v14, $0x10;
	v11 =	vshra.s32 v11, $0x10;
	v8 =	vshra.s32 v52, $0x10  }
0xc2: {  	v52 =	vshll.u32 v12, $0x10;
	v13 =	vadd.s32 v14, v13;
	v12 =	vshra.s32 v12, $0x10  }
0xc3: {  	v53 =	vadd.s32 v8, v10;
	v8 =	vshra.s32 v52, $0x10;
	v10 =	vshra.s32 v54, $0x10  }
0xc4: {  	v11 =	vadd.s32 v12, v11;
	v54 =	vadd.s32 v8, v10;
	v8 =	vshra.s32 v25, $0x10  }
0xc5: {  	v10 =	vshra.s32 v24, $0x10;
	v24 =	vshra.s32 v57, $0x10;
	v25 =	vnsel vm12, $0x0, v39  }
0xc6: {  	vm12 =	vgt.s32 v27, $0x0;
	v8 =	vadd.s32 v8, v10;
	v10 =	vshra.s32 v56, $0x10  }
0xc7: {  	v52 =	vld [tilespmem:$0x1FE70];
	v27 =	vnsel vm12, $0x0, v27;
	v25 =	vcvt.s32.f32 v25;
	vm12 =	vgt.s32 v61, $0x0  }
0xc8: {  	v56 =	vadd.s32 v10, v24;
	v10 =	vshra.s32 v58, $0x10;
	v24 =	vshra.s32 v59, $0x10  }
0xc9: {  	v27 =	vcvt.s32.f32 v27;
	v57 =	vadd.s32 v10, v24;
	v10 =	vshra.s32 v63, $0x10  }
0xca: {  	v24 =	vnsel vm11, $0x0, v38;
	v63 =	vshra.s32 v60, $0x10;
	v25 =	vmul.f32 v25, v0  }
0xcb: {  	v58 =	vadd.s32 v10, v15;
	v10 =	vshra.s32 v22, $0x10;
	v15 =	vshra.s32 v44, $0x10  }
0xcc: {  	[tilespmem:$0x1FF60] =	vst v31;
	v31 =	vld [tilespmem:$0x1FF10];
	v22 =	vnsel vm10, $0x0, v40;
	vm10 =	vgt.s32 v26, $0x0;
	vm14 =	vgt.s32 v52, $0x0  }
0xcd: {  	v20 =	vadd.s32 v63, v20;
	v63 =	vshra.s32 v47, $0x10;
	v24 =	vcvt.s32.f32 v24  }
0xce: {  	v60 =	vld [tilespmem:$0x1FEA0];
	v59 =	vadd.s32 v10, v15;
	v10 =	vnsel vm8, $0x0, v37;
	v15 =	vnsel vm9, $0x0, v41  }
0xcf: {  	v44 =	vld [tilespmem:$0x1FE60];
	vm8 =	vgt.s32 v28, $0x0;
	vm9 =	vgt.s32 v29, $0x0;
	v26 =	vnsel vm10, $0x0, v26  }
0xd0: {  	v47 =	vld [tilespmem:$0x1FEB0];
	v39 =	vnsel vm14, $0x0, v52;
	v17 =	vadd.s32 v17, v63;
	v22 =	vcvt.s32.f32 v22  }
0xd1: {  	v41 =	vld [tilespmem:$0x1FE50];
	vm14 =	vgt.s32 v31, $0x0;
	v10 =	vcvt.s32.f32 v10;
	v15 =	vcvt.s32.f32 v15  }
0xd2: {  	v52 =	vld [tilespmem:$0x1FE80];
	v28 =	vnsel vm8, $0x0, v28;
	v26 =	vcvt.s32.f32 v26;
	v39 =	vcvt.s32.f32 v39  }
0xd3: {  	v63 =	vld [tilespmem:$0x1FEF0];
	v29 =	vnsel vm9, $0x0, v29;
	v24 =	vmul.f32 v24, v3;
	v28 =	vcvt.s32.f32 v28  }
0xd4: {  	v29 =	vcvt.s32.f32 v29;
	v22 =	vmul.f32 v22, v2;
	vm5 =	vgt.s32 v60, $0x0  }
0xd5: {  	v10 =	vmul.f32 v10, v0;
	v15 =	vmul.f32 v15, v1;
	vm13 =	vgt.s32 v44, $0x0  }
0xd6: {  	v30 =	vld [tilespmem:$0x1FF20];
	v14 =	vnsel vm5, $0x0, v60;
	vm6 =	vgt.s32 v47, $0x0;
	vm5 =	vgt.s32 v45, $0x0  }
0xd7: {  	v60 =	vld [tilespmem:$0x1FEE0];
	vm11 =	vgt.s32 v41, $0x0;
	v38 =	vnsel vm13, $0x0, v44;
	v44 =	vshra.s32 v55, $0x10  }
0xd8: {  	vm15 =	vgt.s32 v52, $0x0;
	v55 =	vld [tilespmem:$0x1FE90];
	v12 =	vnsel vm6, $0x0, v47;
	vm10 =	vgt.s32 v63, $0x0  }
0xd9: {  	vm13 =	vgt.s32 v62, $0x0;
	v45 =	vnsel vm5, $0x0, v45;
	v19 =	vnsel vm15, $0x0, v52;
	v52 =	vld [tilespmem:$0x1FEC0]  }
0xda: {  	vm6 =	vgt.s32 v23, $0x0;
	v14 =	vcvt.s32.f32 v14;
	vm5 =	vgt.s32 v8, $0x0  }
0xdb: {  	v32 =	vadd.f32 v10, v32;
	v37 =	vnsel vm11, $0x0, v41;
	v18 =	vadd.s32 v44, v18  }
0xdc: {  	vm15 =	vgt.s32 v30, $0x0;
	v38 =	vcvt.s32.f32 v38;
	v12 =	vcvt.s32.f32 v12  }
0xdd: {  	v37 =	vcvt.s32.f32 v37;
	vm9 =	vgt.s32 v60, $0x0;
	vm4 =	vgt.s32 v55, $0x0  }
0xde: {  	v47 =	vnsel vm9, $0x0, v60;
	vm9 =	vgt.s32 v21, $0x0;
	vm7 =	vgt.s32 v52, $0x0  }
0xdf: {  	v40 =	vnsel vm4, $0x0, v55;
	vm4 =	vgt.s32 v43, $0x0;
	v41 =	vnsel vm7, $0x0, v52  }
0xe0: {  	v52 =	vnsel vm10, $0x0, v63;
	v63 =	vnsel vm15, $0x0, v30;
	v30 =	vnsel vm4, $0x0, v43  }
0xe1: {  	v43 =	vnsel vm6, $0x0, v23;
	vm7 =	vgt.s32 v42, $0x0;
	vm10 =	vgt.s32 v46, $0x0  }
0xe2: {  	v55 =	vld [tilespmem:$0x1FED0];
	v40 =	vcvt.s32.f32 v40;
	vm15 =	vgt.s32 v53, $0x0;
	vm4 =	vgt.s32 v54, $0x0  }
0xe3: {  	v60 =	vld [tilespmem:$0x1FF00];
	vm6 =	vgt.s32 v56, $0x0;
	v42 =	vnsel vm7, $0x0, v42;
	v46 =	vnsel vm10, $0x0, v46  }
0xe4: {  	v53 =	vnsel vm15, $0x0, v53;
	v41 =	vcvt.s32.f32 v41;
	v54 =	vnsel vm4, $0x0, v54  }
0xe5: {  	[tilespmem:$0x1FF70] =	vst v30;
	v30 =	vnsel vm5, $0x0, v8;
	v56 =	vnsel vm6, $0x0, v56;
	vm7 =	vgt.s32 v57, $0x0  }
0xe6: {  	vm10 =	vgt.s32 v20, $0x0;
	vm15 =	vgt.s32 v11, $0x0;
	v10 =	vcvt.s32.f32 v52  }
0xe7: {  	v52 =	vcvt.s32.f32 v63;
	v42 =	vcvt.s32.f32 v42;
	vm8 =	vgt.s32 v55, $0x0  }
0xe8: {  	vm11 =	vgt.s32 v60, $0x0;
	v10 =	vmul.f32 v10, v6;
	v44 =	vnsel vm8, $0x0, v55  }
0xe9: {  	v55 =	vnsel vm11, $0x0, v60;
	v60 =	vnsel vm12, $0x0, v61;
	v61 =	vnsel vm13, $0x0, v62  }
0xea: {  	v62 =	vnsel vm14, $0x0, v31;
	vm8 =	vgt.s32 v48, $0x0;
	v31 =	vnsel vm9, $0x0, v21  }
0xeb: {  	vm11 =	vgt.s32 v9, $0x0;
	v21 =	vcvt.s32.f32 v19;
	vm12 =	vgt.s32 v51, $0x0  }
0xec: {  	vm13 =	vgt.s32 v49, $0x0;
	vm14 =	vgt.s32 v50, $0x0;
	v23 =	vnsel vm11, $0x0, v9  }
0xed: {  	v51 =	vnsel vm12, $0x0, v51;
	v49 =	vnsel vm13, $0x0, v49;
	v50 =	vnsel vm14, $0x0, v50  }
0xee: {  	vm11 =	vgt.s32 v18, $0x0;
	vm12 =	vgt.s32 v16, $0x0;
	vm13 =	vgt.s32 v17, $0x0  }
0xef: {  	vm14 =	vgt.s32 v13, $0x0;
	v19 =	vnsel vm11, $0x0, v18;
	v18 =	vnsel vm12, $0x0, v16  }
0xf0: {  	v16 =	vmul.f32 v29, v5;
	v29 =	vnsel vm13, $0x0, v17;
	v17 =	vmul.f32 v26, v6;
	v26 =	vld [tilespmem:$0x1FF30]  }
0xf1: {  	v48 =	vnsel vm8, $0x0, v48;
	v8 =	vnsel vm14, $0x0, v13;
	v13 =	vmul.f32 v27, v4;
	v27 =	vld [tilespmem:$0x1FF40]  }
0xf2: {  	vm8 =	vgt.s32 v58, $0x0;
	v9 =	vnsel vm15, $0x0, v11;
	v11 =	vmul.f32 v37, v7  }
0xf3: {  	v58 =	vnsel vm8, $0x0, v58;
	v15 =	vadd.f32 v15, v16;
	v16 =	vcvt.s32.f32 v60  }
0xf4: {  	v21 =	vmul.f32 v21, v7;
	v17 =	vadd.f32 v22, v17;
	v22 =	vcvt.s32.f32 v62  }
0xf5: {  	v60 =	vadd.f32 v25, v13;
	v25 =	vld [tilespmem:$0x1FF60];
	v62 =	vmul.f32 v41, v7;
	v16 =	vmul.f32 v16, v0  }
0xf6: {  	v37 =	vadd.f32 v27, v26;
	v26 =	vcvt.s32.f32 v44;
	v27 =	vcvt.s32.f32 v47  }
0xf7: {  	v63 =	vld [tilespmem:$0x1FF70];
	v44 =	vcvt.s32.f32 v55;
	v47 =	vcvt.s32.f32 v61;
	v55 =	vadd.f32 v24, v11  }
0xf8: {  	v61 =	vadd.f32 v15, v32;
	v15 =	vcvt.s32.f32 v58;
	v11 =	vmul.f32 v26, v4  }
0xf9: {  	v57 =	vnsel vm7, $0x0, v57;
	v13 =	vmul.f32 v27, v5;
	v24 =	vmul.f32 v47, v1  }
0xfa: {  	v20 =	vnsel vm10, $0x0, v20;
	v25 =	vmul.f32 v25, v1;
	v26 =	vmul.f32 v28, v3  }
0xfb: {  	vm9 =	vgt.s32 v59, $0x0;
	v27 =	vmul.f32 v39, v6;
	v28 =	vmul.f32 v12, v6  }
0xfc: {  	v21 =	vadd.f32 v35, v21;
	v39 =	vcvt.s32.f32 v63;
	v12 =	vcvt.s32.f32 v31  }
0xfd: {  	v11 =	vadd.f32 v16, v11;
	v16 =	vmul.f32 v22, v2;
	v13 =	vadd.f32 v24, v13  }
0xfe: {  	v22 =	vmul.f32 v44, v7;
	v24 =	vmul.f32 v52, v3;
	v34 =	vadd.f32 v34, v27  }
0xff: {  	v27 =	vcvt.s32.f32 v51;
	v32 =	vmul.f32 v39, v0;
	v10 =	vadd.f32 v16, v10  }
0x100: {  	v22 =	vadd.f32 v24, v22;
	v24 =	vmul.f32 v33, v2;
	v11 =	vadd.f32 v13, v11  }
0x101: {  	v13 =	vmul.f32 v38, v5;
	v38 =	vadd.f32 v26, v62;
	v26 =	vcvt.s32.f32 v56  }
0x102: {  	v63 =	vadd.f32 v21, v34;
	v21 =	vcvt.s32.f32 v9;
	v10 =	vadd.f32 v22, v10  }
0x103: {  	v22 =	vmul.f32 v40, v4;
	v33 =	vadd.f32 v36, v13;
	v13 =	vmul.f32 v14, v5  }
0x104: {  	v59 =	vnsel vm9, $0x0, v59;
	v40 =	vcvt.s32.f32 v45;
	v4 =	vcvt.s32.f32 v43  }
0x105: {  	v16 =	vld [tilespmem:$0x1FF50];
	v5 =	vcvt.s32.f32 v48;
	v14 =	vcvt.s32.f32 v46;
	v52 =	vadd.f32 v24, v28  }
0x106: {  	v28 =	vcvt.s32.f32 v53;
	v24 =	vcvt.s32.f32 v54;
	v36 =	vadd.f32 v10, v11  }
0x107: {  	v31 =	vadd.f32 v25, v13;
	v10 =	vcvt.s32.f32 v23;
	v11 =	vcvt.s32.f32 v49  }
0x108: {  	v23 =	vcvt.s32.f32 v50;
	v25 =	vcvt.s32.f32 v30;
	v30 =	vadd.f32 v55, v17  }
0x109: {  	v13 =	vcvt.s32.f32 v57;
	v62 =	vadd.f32 v33, v60;
	v17 =	vcvt.s32.f32 v19  }
0x10a: {  	v19 =	vcvt.s32.f32 v29;
	v35 =	vadd.f32 v38, v52;
	v16 =	vmul.f32 v16, v0  }
0x10b: {  	v33 =	vmul.f32 v40, v1;
	v29 =	vmul.f32 v5, v0;
	v9 =	vadd.f32 v63, v62  }
0x10c: {  	s19 =	simm.s32 $0x8220;
	v48 =	vadd.f32 v16, v22;
	v16 =	vcvt.s32.f32 v59;
	v22 =	vcvt.s32.f32 v20  }
0x10d: {  	s18 =	simm.s32 $0x8260;
	[tilespmem:s19+$0x10] =	vst v37;
	v20 =	vcvt.s32.f32 v18;
	v18 =	vcvt.s32.f32 v8;
	v8 =	vadd.f32 v30, v61  }
0x10e: {  	s20 =	simm.s32 $0x480;
	s21 =	simm.s32 $0x4;
	[tilespmem:s18+$0x10] =	vst v36;
	v30 =	vmul.f32 v42, v3;
	v34 =	vadd.f32 v31, v48;
	v31 =	vmul.f32 v4, v2  }
.LBB2_3:
0x10f: {  	v36 =	vld [tilespmem:s20+$0x40]  }
0x110: {  	v4 =	vld [tilespmem:$0x1FF90]  }
0x111: {  	v5 =	vld [tilespmem:$0x1FFA0]  }
0x112: {  	v7 =	vld [tilespmem:$0x1FFB0]  }
0x113: {  	v6 =	vld [tilespmem:$0x1FF80]  }
0x114: {  	v38 =	vld [tilespmem:s20+$0x50]  }
0x115: {  	v0 =	vld [tilespmem:$0x1FFC0]  }
0x116: {  	v39 =	vld [tilespmem:s20+$0x60]  }
0x117: {  	v3 =	vld [tilespmem:$0x1FFF0]  }
0x118: {  	s13 =	sadd.s32 $0x100, s13;
	v41 =	vld [tilespmem:s20+$0x70];
	v37 =	vmul.f32 v12, v4;
	v12 =	vmul.f32 v14, v5  }
0x119: {  	v57 =	vld [tilespmem:s13+$0x40];
	v14 =	vmul.f32 v10, v7;
	v10 =	vmul.f32 v27, v6  }
0x11a: {  	v58 =	vld [tilespmem:s13+$0x50];
	v11 =	vmul.f32 v11, v4;
	v1 =	vmul.f32 v28, v5  }
0x11b: {  	v40 =	vld [tilespmem:s13+$0x60];
	v23 =	vmul.f32 v23, v0;
	v59 =	vmul.f32 v24, v7  }
0x11c: {  	v34 =	vadd.f32 v35, v34;
	v42 =	vld [tilespmem:s13+$0x70];
	v27 =	vmul.f32 v13, v3;
	v28 =	vmul.f32 v15, v0  }
0x11d: {  	v13 =	vmul.f32 v21, v3;
	v61 =	vshra.s32 v36, $0x10;
	v44 =	vshra.s32 v38, $0x10  }
0x11e: {  	v46 =	vshra.s32 v39, $0x10;
	v36 =	vshll.u32 v36, $0x10;
	v48 =	vshra.s32 v41, $0x10  }
0x11f: {  	v38 =	vshll.u32 v38, $0x10;
	v39 =	vshll.u32 v39, $0x10;
	v41 =	vshll.u32 v41, $0x10  }
0x120: {  	v43 =	vshra.s32 v57, $0x10;
	v45 =	vshra.s32 v58, $0x10;
	v47 =	vshra.s32 v40, $0x10  }
0x121: {  	v49 =	vshra.s32 v42, $0x10;
	v50 =	vshll.u32 v57, $0x10;
	v51 =	vshll.u32 v58, $0x10  }
0x122: {  	v40 =	vshll.u32 v40, $0x10;
	v42 =	vshll.u32 v42, $0x10;
	v62 =	vshra.s32 v36, $0x10  }
0x123: {  	v55 =	vshra.s32 v38, $0x10;
	v57 =	vshra.s32 v39, $0x10;
	v41 =	vshra.s32 v41, $0x10  }
0x124: {  	v43 =	vadd.s32 v61, v43;
	v44 =	vadd.s32 v44, v45;
	v46 =	vadd.s32 v46, v47  }
0x125: {  	v63 =	vadd.s32 v48, v49;
	v54 =	vshra.s32 v50, $0x10;
	v56 =	vshra.s32 v51, $0x10  }
0x126: {  	v40 =	vshra.s32 v40, $0x10;
	vm0 =	vgt.s32 v43, $0x0;
	vm1 =	vgt.s32 v44, $0x0  }
0x127: {  	v45 =	vadd.s32 v62, v54;
	vm2 =	vgt.s32 v46, $0x0;
	vm3 =	vgt.s32 v63, $0x0  }
0x128: {  	[tilespmem:$0x1FE30] =	vst v59;
	v58 =	vadd.s32 v55, v56;
	v59 =	vadd.s32 v57, v40;
	v43 =	vnsel vm0, $0x0, v43  }
0x129: {  	[tilespmem:$0x1FE20] =	vst v1;
	v1 =	vld [tilespmem:$0x1FFD0];
	v44 =	vnsel vm1, $0x0, v44;
	v46 =	vnsel vm2, $0x0, v46;
	vm13 =	vgt.s32 v45, $0x0  }
0x12a: {  	v2 =	vld [tilespmem:$0x1FFE0];
	[tilespmem:s19+$0xFFFFFFF0] =	vst v9;
	vm14 =	vgt.s32 v58, $0x0;
	v47 =	vnsel vm3, $0x0, v63;
	v61 =	vcvt.s32.f32 v43  }
0x12b: {  	v38 =	vld [tilespmem:s13+$0xFFFFFFE0];
	vm15 =	vgt.s32 v59, $0x0;
	v44 =	vcvt.s32.f32 v44;
	v46 =	vcvt.s32.f32 v46  }
0x12c: {  	v47 =	vcvt.s32.f32 v47;
	v45 =	vnsel vm13, $0x0, v45;
	v48 =	vnsel vm14, $0x0, v58  }
0x12d: {  	[tilespmem:s19+$0x0] =	vst v34;
	v49 =	vnsel vm15, $0x0, v59;
	v45 =	vcvt.s32.f32 v45;
	v48 =	vcvt.s32.f32 v48  }
0x12e: {  	[tilespmem:s19+$0xFFFFFFE0] =	vst v8;
	v52 =	vld [tilespmem:s13+$0x10];
	v8 =	vadd.f32 v32, v23;
	v49 =	vcvt.s32.f32 v49;
	v24 =	vmul.f32 v25, v1  }
0x12f: {  	v42 =	vshra.s32 v42, $0x10;
	v55 =	vld [tilespmem:s13+$0x20];
	v25 =	vmul.f32 v26, v2;
	v60 =	vmul.f32 v16, v1  }
0x130: {  	[tilespmem:$0x1FE40] =	vst v8;
	v8 =	vshll.u32 v38, $0x10;
	v23 =	vmul.f32 v19, v1;
	v51 =	vmul.f32 v61, v0  }
0x131: {  	v38 =	vshra.s32 v38, $0x10;
	v44 =	vmul.f32 v44, v1;
	v46 =	vmul.f32 v46, v2  }
0x132: {  	v39 =	vld [tilespmem:s20+$0xFFFFFFF0];
	v47 =	vmul.f32 v47, v3;
	v8 =	vshra.s32 v8, $0x10;
	v45 =	vmul.f32 v45, v6  }
0x133: {  	v21 =	vmovc v6;
	v40 =	vld [tilespmem:s13+$0xFFFFFFF0];
	v48 =	vmul.f32 v48, v4;
	v49 =	vmul.f32 v49, v5;
	v6 =	vshll.u32 v52, $0x10  }
0x134: {  	v35 =	vld [tilespmem:s20+$0xFFFFFFD0];
	v1 =	vshll.u32 v55, $0x10;
	v52 =	vshra.s32 v52, $0x10;
	v55 =	vshra.s32 v55, $0x10  }
0x135: {  	v53 =	vld [tilespmem:s20+$0x20];
	v15 =	vadd.f32 v33, v24;
	v24 =	vmul.f32 v22, v2;
	v16 =	vadd.f32 v31, v25  }
0x136: {  	v32 =	vld [tilespmem:s13+$0xFFFFFFB0];
	v25 =	vmul.f32 v17, v3;
	v22 =	vmul.f32 v20, v0;
	v17 =	vadd.f32 v30, v27  }
0x137: {  	v43 =	vld [tilespmem:s20+$0x10];
	v20 =	vmul.f32 v18, v2;
	v18 =	vadd.f32 v29, v28;
	v19 =	vadd.f32 v37, v60  }
0x138: {  	v26 =	vld [tilespmem:s13+$0xFFFFFF80];
	v60 =	vadd.s32 v41, v42;
	v2 =	vshll.u32 v39, $0x10;
	v3 =	vshll.u32 v40, $0x10  }
0x139: {  	v27 =	vld [tilespmem:s20+$0xFFFFFF90];
	v6 =	vshra.s32 v6, $0x10;
	v1 =	vshra.s32 v1, $0x10;
	v39 =	vshra.s32 v39, $0x10  }
0x13a: {  	v28 =	vld [tilespmem:s13+$0xFFFFFF90];
	v40 =	vshra.s32 v40, $0x10;
	vm6 =	vgt.s32 v60, $0x0;
	v45 =	vadd.f32 v45, v51  }
0x13b: {  	v29 =	vld [tilespmem:s20+$0xFFFFFFA0];
	v44 =	vadd.f32 v48, v44;
	v48 =	vshll.u32 v32, $0x10;
	v46 =	vadd.f32 v49, v46  }
0x13c: {  	v30 =	vld [tilespmem:s13+$0xFFFFFFA0];
	v51 =	vshll.u32 v35, $0x10;
	v5 =	vshll.u32 v43, $0x10;
	v2 =	vshra.s32 v2, $0x10  }
0x13d: {  	v31 =	vld [tilespmem:s20+$0xFFFFFFB0];
	v3 =	vshra.s32 v3, $0x10;
	v32 =	vshra.s32 v32, $0x10;
	v35 =	vshra.s32 v35, $0x10  }
0x13e: {  	v33 =	vld [tilespmem:s20+$0xFFFFFFC0];
	v43 =	vshra.s32 v43, $0x10;
	v50 =	vnsel vm6, $0x0, v60;
	v48 =	vshra.s32 v48, $0x10  }
0x13f: {  	v42 =	vld [tilespmem:s13+$0x0];
	v51 =	vshra.s32 v51, $0x10;
	v5 =	vshra.s32 v5, $0x10;
	v2 =	vadd.s32 v2, v3  }
0x140: {  	v54 =	vshll.u32 v26, $0x10;
	v50 =	vcvt.s32.f32 v50;
	v44 =	vadd.f32 v44, v45  }
0x141: {  	v26 =	vshra.s32 v26, $0x10;
	v54 =	vshra.s32 v54, $0x10;
	v56 =	vshll.u32 v27, $0x10  }
0x142: {  	v58 =	vshll.u32 v28, $0x10;
	v61 =	vshll.u32 v29, $0x10;
	v62 =	vshll.u32 v30, $0x10  }
0x143: {  	v50 =	vmul.f32 v50, v7;
	v63 =	vshll.u32 v31, $0x10;
	v49 =	vshll.u32 v33, $0x10  }
0x144: {  	v34 =	vld [tilespmem:s13+$0xFFFFFFC0];
	v4 =	vshll.u32 v42, $0x10;
	v7 =	vshll.u32 v53, $0x10;
	v27 =	vshra.s32 v27, $0x10  }
0x145: {  	v60 =	vld [tilespmem:s20+$0xFFFFFF80];
	v28 =	vshra.s32 v28, $0x10;
	v29 =	vshra.s32 v29, $0x10;
	v30 =	vshra.s32 v30, $0x10  }
0x146: {  	v31 =	vshra.s32 v31, $0x10;
	v33 =	vshra.s32 v33, $0x10;
	v42 =	vshra.s32 v42, $0x10  }
0x147: {  	v53 =	vshra.s32 v53, $0x10;
	v56 =	vshra.s32 v56, $0x10;
	v58 =	vshra.s32 v58, $0x10  }
0x148: {  	v36 =	vld [tilespmem:s13+$0xFFFFFFD0];
	v61 =	vshra.s32 v61, $0x10;
	v62 =	vshra.s32 v62, $0x10;
	v63 =	vshra.s32 v63, $0x10  }
0x149: {  	v59 =	vld [tilespmem:s13+$0x30];
	v49 =	vshra.s32 v49, $0x10;
	v4 =	vshra.s32 v4, $0x10;
	v7 =	vshra.s32 v7, $0x10  }
0x14a: {  	v41 =	vld [tilespmem:s20+$0x0];
	v47 =	vadd.f32 v50, v47;
	v50 =	vshll.u32 v34, $0x10;
	v0 =	vshll.u32 v60, $0x10  }
0x14b: {  	v60 =	vshra.s32 v60, $0x10;
	v34 =	vshra.s32 v34, $0x10;
	v56 =	vadd.s32 v56, v58  }
0x14c: {  	v57 =	vld [tilespmem:s20+$0x30];
	v62 =	vadd.s32 v61, v62;
	v48 =	vadd.s32 v63, v48;
	v1 =	vadd.s32 v7, v1  }
0x14d: {  	v7 =	vadd.s32 v29, v30;
	v30 =	vadd.s32 v39, v40;
	v45 =	vadd.f32 v47, v46  }
0x14e: {  	v9 =	vshra.s32 v0, $0x10;
	v0 =	vshll.u32 v59, $0x10;
	v63 =	vadd.s32 v60, v26  }
0x14f: {  	v46 =	vshll.u32 v36, $0x10;
	v44 =	vadd.f32 v45, v44;
	v45 =	vshll.u32 v41, $0x10  }
0x150: {  	s19 =	smov.u32 s18;
	s18 =	sadd.s32 $0x40, s18;
	v0 =	vshra.s32 v0, $0x10;
	v36 =	vshra.s32 v36, $0x10;
	v45 =	vshra.s32 v45, $0x10  }
0x151: {  	[tilespmem:s18+$0x10] =	vst v44;
	v44 =	vshll.u32 v57, $0x10;
	v3 =	vadd.s32 v45, v4;
	v4 =	vadd.s32 v5, v6  }
0x152: {  	v6 =	vadd.s32 v27, v28;
	v27 =	vadd.s32 v33, v34;
	v44 =	vshra.s32 v44, $0x10  }
0x153: {  	vm0 =	vgt.s32 v27, $0x0;
	v0 =	vadd.s32 v44, v0;
	v44 =	vimm.s32 $0x0  }
0x154: {  	v26 =	vadd.s32 v31, v32;
	v28 =	vadd.s32 v35, v36;
	v35 =	vsel vm0, $0xFFFFFFFF, v44  }
0x155: {  	v37 =	vld [tilespmem:s20+$0xFFFFFFE0];
	v58 =	vadd.f32 v17, v16;
	vm10 =	vgt.s32 v63, $0x0;
	vm15 =	vgt.s32 v26, $0x0;
	[tilespmem:$0x1FDA0] =	vst v35  }
0x156: {  	v50 =	vshra.s32 v50, $0x10;
	v5 =	vnsel vm10, $0x0, v63;
	v63 =	vnsel vm15, $0x0, v26;
	v26 =	vld [tilespmem:$0x1FDA0]  }
0x157: {  	v32 =	vadd.s32 v43, v52;
	v43 =	vimm.s32 $0x0;
	vm1 =	vgt.s32 v56, $0x0  }
0x158: {  	vm2 =	vgt.s32 v62, $0x0;
	v45 =	vimm.s32 $0x0;
	vm0 =	vgt.s32 v28, $0x0  }
0x159: {  	vm3 =	vgt.s32 v48, $0x0;
	vm11 =	vgt.s32 v1, $0x0;
	v35 =	vsel vm0, $0xFFFFFFFF, v45  }
0x15a: {  	vm14 =	vgt.s32 v7, $0x0;
	v47 =	vshll.u32 v37, $0x10;
	vm8 =	vgt.s32 v3, $0x0;
	[tilespmem:$0x1FDB0] =	vst v35  }
0x15b: {  	v37 =	vshra.s32 v37, $0x10;
	v3 =	vnsel vm8, $0x0, v3;
	vm8 =	vnez.u8 v26;
	v26 =	vld [tilespmem:$0x1FDB0]  }
0x15c: {  	v52 =	vimm.s32 $0x0;
	v47 =	vshra.s32 v47, $0x10;
	v29 =	vadd.s32 v37, v38  }
0x15d: {  	v8 =	vadd.s32 v47, v8;
	v47 =	vimm.s32 $0x0;
	vm0 =	vgt.s32 v29, $0x0  }
0x15e: {  	v9 =	vadd.s32 v9, v54;
	v54 =	vshra.s32 v57, $0x10;
	v35 =	vsel vm0, $0xFFFFFFFF, v47  }
0x15f: {  	v49 =	vadd.s32 v49, v50;
	v50 =	vimm.s32 $0x0;
	vm9 =	vgt.s32 v4, $0x0;
	[tilespmem:$0x1FDC0] =	vst v35  }
0x160: {  	v60 =	vnsel vm3, $0x0, v48;
	v4 =	vnsel vm9, $0x0, v4;
	vm9 =	vnez.u8 v26;
	v26 =	vld [tilespmem:$0x1FDC0]  }
0x161: {  	v1 =	vnsel vm11, $0x0, v1;
	v7 =	vnsel vm14, $0x0, v7;
	v46 =	vshra.s32 v46, $0x10  }
0x162: {  	vm7 =	vgt.s32 v9, $0x0;
	vm4 =	vgt.s32 v49, $0x0;
	vm0 =	vgt.s32 v30, $0x0  }
0x163: {  	v37 =	vcvt.s32.f32 v60;
	v41 =	vshra.s32 v41, $0x10;
	v35 =	vsel vm0, $0xFFFFFFFF, v50  }
0x164: {  	v46 =	vadd.s32 v51, v46;
	v51 =	vimm.s32 $0x0;
	v61 =	vnsel vm4, $0x0, v49;
	[tilespmem:$0x1FDD0] =	vst v35  }
0x165: {  	v31 =	vadd.s32 v41, v42;
	vm5 =	vgt.s32 v46, $0x0;
	vm10 =	vnez.u8 v26;
	v26 =	vld [tilespmem:$0x1FDD0]  }
0x166: {  	vm6 =	vgt.s32 v8, $0x0;
	v38 =	vcvt.s32.f32 v61;
	v57 =	vshra.s32 v59, $0x10  }
0x167: {  	v33 =	vsel vm7, $0xFFFFFFFF, v43;
	vm7 =	vgt.s32 v2, $0x0;
	vm0 =	vgt.s32 v31, $0x0  }
0x168: {  	v59 =	vnsel vm2, $0x0, v62;
	v62 =	vnsel vm5, $0x0, v46;
	[tilespmem:$0x1FD90] =	vst v33;
	v35 =	vsel vm0, $0xFFFFFFFF, v51  }
0x169: {  	v8 =	vnsel vm6, $0x0, v8;
	v33 =	vadd.s32 v53, v55;
	v34 =	vadd.s32 v54, v57;
	v53 =	vld [tilespmem:$0x1FD90];
	[tilespmem:$0x1FDE0] =	vst v35  }
0x16a: {  	vm13 =	vgt.s32 v6, $0x0;
	v54 =	vimm.s32 $0x0;
	vm11 =	vnez.u8 v26;
	v26 =	vld [tilespmem:$0x1FDE0]  }
0x16b: {  	v55 =	vimm.s32 $0x0;
	v57 =	vnsel vm1, $0x0, v56;
	v2 =	vnsel vm7, $0x0, v2  }
0x16c: {  	v36 =	vcvt.s32.f32 v59;
	v59 =	vadd.f32 v19, v18;
	vm0 =	vgt.s32 v32, $0x0  }
0x16d: {  	v6 =	vnsel vm13, $0x0, v6;
	vm12 =	vgt.s32 v0, $0x0;
	v35 =	vsel vm0, $0xFFFFFFFF, v52  }
0x16e: {  	v56 =	vld [tilespmem:$0x1FE30];
	v0 =	vnsel vm12, $0x0, v0;
	v51 =	vcvt.s32.f32 v57;
	vm0 =	vnez.u8 v53;
	[tilespmem:$0x1FDF0] =	vst v35  }
0x16f: {  	v52 =	vadd.f32 v12, v24;
	v53 =	vadd.f32 v14, v25;
	vm12 =	vnez.u8 v26;
	v26 =	vld [tilespmem:$0x1FDF0]  }
0x170: {  	v12 =	vcvt.s32.f32 v62;
	v9 =	vnsel vm0, $0x0, v9;
	vm0 =	vgt.s32 v33, $0x0  }
0x171: {  	v14 =	vcvt.s32.f32 v8;
	v35 =	vsel vm0, $0xFFFFFFFF, v54;
	vm0 =	vgt.s32 v34, $0x0  }
0x172: {  	v8 =	vadd.f32 v10, v22;
	v10 =	vcvt.s32.f32 v2;
	[tilespmem:$0x1FE00] =	vst v35;
	v35 =	vsel vm0, $0xFFFFFFFF, v55;
	v55 =	vld [tilespmem:$0x1FE20]  }
0x173: {  	v57 =	vld [tilespmem:$0x1FE40];
	v24 =	vcvt.s32.f32 v0;
	v0 =	vadd.f32 v56, v13;
	v25 =	vcvt.s32.f32 v6  }
0x174: {  	v13 =	vcvt.s32.f32 v63;
	v9 =	vcvt.s32.f32 v9;
	vm13 =	vnez.u8 v26;
	v26 =	vld [tilespmem:$0x1FE00]  }
0x175: {  	v54 =	vadd.f32 v11, v23;
	v11 =	vcvt.s32.f32 v4;
	v23 =	vcvt.s32.f32 v5  }
0x176: {  	v63 =	vld [tilespmem:$0x1FFB0];
	v6 =	vadd.f32 v53, v52;
	v48 =	vnsel vm8, $0x0, v27;
	v27 =	vcvt.s32.f32 v3  }
0x177: {  	v62 =	vld [tilespmem:$0x1FFA0];
	v49 =	vnsel vm9, $0x0, v28;
	v28 =	vcvt.s32.f32 v1;
	v1 =	vadd.f32 v55, v20  }
0x178: {  	[tilespmem:$0x1FE10] =	vst v35;
	v3 =	vadd.f32 v15, v57;
	v15 =	vcvt.s32.f32 v48;
	v16 =	vcvt.s32.f32 v49  }
0x179: {  	v60 =	vmovc v21;
	v35 =	vadd.f32 v0, v1;
	v29 =	vnsel vm10, $0x0, v29;
	vm14 =	vnez.u8 v26;
	v26 =	vld [tilespmem:$0x1FE10]  }
0x17a: {  	s21 =	sadd.s32 $0x4, s21;
	v61 =	vld [tilespmem:$0x1FF90];
	v22 =	vcvt.s32.f32 v29;
	v29 =	vmul.f32 v38, v60;
	v30 =	vnsel vm11, $0x0, v30  }
0x17b: {  	p1 =	slt.u32 s21, $0x7C;
	v17 =	vcvt.s32.f32 v30;
	v30 =	vmul.f32 v37, v63;
	v31 =	vnsel vm12, $0x0, v31  }
.Ltmp0:
0x17c: {  	v20 =	vcvt.s32.f32 v31;
	v31 =	vmul.f32 v36, v62;
	v32 =	vnsel vm13, $0x0, v32;
	(pc) =	sbr.rel @p1 .LBB2_3-.Ltmp0, $4  }
0x17d: {  	v19 =	vcvt.s32.f32 v32;
	v32 =	vmul.f32 v9, v21;
	v33 =	vnsel vm14, $0x0, v33  }
0x17e: {  	v9 =	vadd.f32 v6, v59;
	v18 =	vcvt.s32.f32 v33;
	vm15 =	vnez.u8 v26  }
0x17f: {  	v33 =	vmul.f32 v51, v61;
	v26 =	vcvt.s32.f32 v7;
	v50 =	vnsel vm15, $0x0, v34  }
0x180: {  	s20 =	sadd.s32 $0x100, s20;
	v34 =	vadd.f32 v54, v8;
	v8 =	vadd.f32 v58, v3;
	v21 =	vcvt.s32.f32 v50  }
0x181: {  	v37 =	vld [tilespmem:$0x1FFA0]  }
0x182: {  	v36 =	vld [tilespmem:$0x1FFB0];
	_ =	sdelay $0x2  }
0x183: {  	v38 =	vld [tilespmem:$0x1FF90]  }
0x184: {  	v5 =	vmul.f32 v28, v37;
	v28 =	vld [tilespmem:$0x1FFC0]  }
0x185: {  	v7 =	vmul.f32 v24, v36;
	v24 =	vld [tilespmem:$0x1FFD0]  }
0x186: {  	v39 =	vld [tilespmem:$0x1FF80];
	_ =	sdelay $0x1  }
0x187: {  	v0 =	vmul.f32 v12, v38;
	v1 =	vmul.f32 v14, v37  }
0x188: {  	v2 =	vmul.f32 v10, v36;
	v4 =	vmul.f32 v11, v38  }
0x189: {  	v6 =	vmul.f32 v23, v28;
	v11 =	vmul.f32 v25, v24;
	v25 =	vld [tilespmem:$0x1FFE0]  }
0x18a: {  	v3 =	vmul.f32 v27, v39;
	v10 =	vadd.f32 v35, v34;
	v23 =	vld [tilespmem:$0x1FFF0];
	v14 =	vmul.f32 v15, v28  }
0x18b: {  	v15 =	vmul.f32 v16, v24;
	v20 =	vmul.f32 v20, v28;
	v6 =	vadd.f32 v32, v6  }
0x18c: {  	v19 =	vmul.f32 v19, v24;
	v11 =	vadd.f32 v33, v11;
	v14 =	vadd.f32 v29, v14  }
0x18d: {  	v0 =	vadd.f32 v0, v15;
	v3 =	vadd.f32 v3, v20  }
0x18e: {  	v4 =	vadd.f32 v4, v19;
	v6 =	vadd.f32 v11, v6;
	v12 =	vmul.f32 v26, v25  }
0x18f: {  	v0 =	vadd.f32 v0, v14;
	v13 =	vmul.f32 v13, v23;
	v16 =	vmul.f32 v22, v25  }
0x190: {  	v17 =	vmul.f32 v17, v23;
	v18 =	vmul.f32 v18, v25;
	v12 =	vadd.f32 v31, v12  }
0x191: {  	v15 =	vmul.f32 v21, v23;
	v13 =	vadd.f32 v30, v13;
	v1 =	vadd.f32 v1, v16  }
0x192: {  	v2 =	vadd.f32 v2, v17;
	v5 =	vadd.f32 v5, v18  }
0x193: {  	v7 =	vadd.f32 v7, v15;
	v11 =	vadd.f32 v13, v12  }
0x194: {  	[tilespmem:s19+$0xFFFFFFE0] =	vst v8;
	v41 =	vadd.f32 v4, v3;
	v1 =	vadd.f32 v2, v1  }
0x195: {  	[tilespmem:s19+$0xFFFFFFF0] =	vst v9;
	v42 =	vadd.f32 v7, v5;
	v43 =	vadd.f32 v11, v6  }
0x196: {  	[tilespmem:s19+$0x0] =	vst v10;
	v0 =	vadd.f32 v1, v0  }
0x197: {  	s13 =	sshll.u32 s11, $0xE;
	v44 =	vadd.f32 v42, v41;
	[tilespmem:s18+$0xFFFFFFE0] =	vst v43  }
0x198: {  	s13 =	sor.u32 s16, s13;
	[tilespmem:s18+$0xFFFFFFF0] =	vst v0  }
0x199: {  	s20 =	sadd.s32 s9, s13;
	[tilespmem:s18+$0x0] =	vst v44  }
0x19a: {  	[hbm4b:s20+s3] =	stream.linear.scatter [tilespmem:s4], [sflag:$0x5], $0x800, $0x38;
	[tilespmem:$0x9300] =	vst v63  }
0x19b: {  	_ =	swait.ge [sflag:s23], $0x80  }
0x19c: {  	[sflag:s23] =	ssyncset.done $0x0  }
0x19d: {  	[sflag:s23] =	ssyncadd.s32 $0xFFFFFF80  }
0x19e: {  	_ =	swait.ge [sflag:s23], $0x80  }
0x19f: {  	[sflag:s23] =	ssyncset.done $0x0  }
0x1a0: {  	[sflag:s23] =	ssyncadd.s32 $0xFFFFFF80  }
0x1a1: {  	_ =	swait.ge [sflag:s1], $0x2000  }
0x1a2: {  	[sflag:s1] =	ssyncset.done $0x0  }
0x1a3: {  	[sflag:s1] =	ssyncadd.s32 $0xFFFFE000  }
0x1a4: {  	_ =	swait.ge [sflag:s1], $0x2000  }
0x1a5: {  	s12 =	smin.u32 s12, $0x4C;
	[sflag:s1] =	ssyncset.done $0x0  }
0x1a6: {  	s12 =	sshll.u32 s12, $0x9;
	[sflag:s1] =	ssyncadd.s32 $0xFFFFE000  }
0x1a7: {  	[tilespmem:s25], [sflag:$0x1] =	stream.indirect.gather [hbm4b:s5+s24], $0x40, s3, s24, $0xb8;
	[tilespmem:$0x9300] =	vst v63  }
0x1a8: {  	s12 =	sadd.s32 s15, s12  }
0x1a9: {  	[tilespmem:s26], [sflag:$0x1] =	stream.indirect.gather [hbm4b:s6+s24], $0x40, s22, s24, $0xb8;
	[tilespmem:$0x9300] =	vst v63  }
0x1aa: {  	s21 =	sadd.s32 s7, s12  }
0x1ab: {  	[tilespmem:s24], [sflag:$0x4] =	stream.linear.gather [hbm4b:s21+s3], $0x80, $0x38;
	[tilespmem:$0x9300] =	vst v63  }
0x1ac: {  	s12 =	sadd.s32 s8, s12  }
0x1ad: {  	[tilespmem:s28], [sflag:$0x4] =	stream.linear.gather [hbm4b:s12+s3], $0x80, $0x38;
	[tilespmem:$0x9300] =	vst v63  }
0x1ae: {  	s12 =	simm.s32 @!p0 $0x6  }
0x1af: {  	_ =	swait.ge @!p0 [sflag:s12], $0x800  }
0x1b0: {  	[sflag:s12] =	ssyncset.done @!p0 $0x0  }
0x1b1: {  	s19 =	simm.s32 $0x22F0;
	[sflag:s12] =	ssyncadd.s32 @!p0 $0xFFFFF800  }
0x1b2: {  	s20 =	simm.s32 $0x62F0;
	v45 =	vld [tilespmem:s19+$0xFFFFFFD0]  }
0x1b3: {  	v46 =	vld [tilespmem:s20+$0xFFFFFFD0]  }
0x1b4: {  	v47 =	vld [tilespmem:s19+$0xFFFFFFE0]  }
0x1b5: {  	v48 =	vld [tilespmem:s20+$0xFFFFFFE0]  }
0x1b6: {  	v49 =	vld [tilespmem:s19+$0xFFFFFFF0]  }
0x1b7: {  	v50 =	vld [tilespmem:s20+$0xFFFFFFF0]  }
0x1b8: {  	v6 =	vld [tilespmem:s19+$0x0]  }
0x1b9: {  	v7 =	vld [tilespmem:s20+$0x0]  }
0x1ba: {  	v10 =	vld [tilespmem:s20+$0xFFFFFF10]  }
0x1bb: {  	v11 =	vld [tilespmem:s19+$0xFFFFFF20]  }
0x1bc: {  	v12 =	vld [tilespmem:s20+$0xFFFFFF20]  }
0x1bd: {  	v20 =	vld [tilespmem:s20+$0xFFFFFF50]  }
0x1be: {  	v21 =	vld [tilespmem:s19+$0xFFFFFF60]  }
0x1bf: {  	v22 =	vld [tilespmem:s19+$0xFFFFFF80]  }
0x1c0: {  	v30 =	vmov v23;
	v23 =	vld [tilespmem:s20+$0xFFFFFF80];
	v8 =	vshra.s32 v45, $0x10;
	v9 =	vshra.s32 v46, $0x10  }
0x1c1: {  	v40 =	vmovc v24;
	v24 =	vld [tilespmem:s19+$0xFFFFFF90];
	v13 =	vshra.s32 v47, $0x10;
	v14 =	vshra.s32 v48, $0x10;
	v15 =	vshra.s32 v49, $0x10  }
0x1c2: {  	v26 =	vld [tilespmem:s20+$0xFFFFFF90];
	v16 =	vshra.s32 v50, $0x10;
	v0 =	vshll.u32 v45, $0x10;
	v17 =	vshra.s32 v6, $0x10  }
0x1c3: {  	v32 =	vld [tilespmem:s20+$0xFFFFFFA0];
	v18 =	vshra.s32 v7, $0x10;
	v1 =	vshll.u32 v46, $0x10;
	v2 =	vshll.u32 v47, $0x10  }
0x1c4: {  	v34 =	vld [tilespmem:s19+$0xFFFFFFB0];
	v3 =	vshll.u32 v48, $0x10;
	v4 =	vshll.u32 v49, $0x10;
	v5 =	vshll.u32 v50, $0x10  }
0x1c5: {  	v31 =	vmovc v25;
	v6 =	vshll.u32 v6, $0x10;
	v7 =	vshll.u32 v7, $0x10;
	v25 =	vshll.u32 v10, $0x10  }
0x1c6: {  	v27 =	vshll.u32 v11, $0x10;
	v29 =	vshll.u32 v12, $0x10;
	v57 =	vshll.u32 v20, $0x10  }
0x1c7: {  	v58 =	vshll.u32 v21, $0x10;
	v63 =	vshll.u32 v22, $0x10;
	v41 =	vshll.u32 v23, $0x10  }
0x1c8: {  	v42 =	vshll.u32 v24, $0x10;
	v43 =	vshll.u32 v26, $0x10;
	v45 =	vshll.u32 v32, $0x10  }
0x1c9: {  	v46 =	vshll.u32 v34, $0x10;
	v10 =	vshra.s32 v10, $0x10;
	v11 =	vshra.s32 v11, $0x10  }
0x1ca: {  	v12 =	vshra.s32 v12, $0x10;
	v20 =	vshra.s32 v20, $0x10;
	v21 =	vshra.s32 v21, $0x10  }
0x1cb: {  	v22 =	vshra.s32 v22, $0x10;
	v23 =	vshra.s32 v23, $0x10;
	v8 =	vadd.s32 v8, v9  }
0x1cc: {  	v9 =	vadd.s32 v13, v14;
	v0 =	vshra.s32 v0, $0x10;
	v14 =	vadd.s32 v15, v16  }
0x1cd: {  	v16 =	vadd.s32 v17, v18;
	v1 =	vshra.s32 v1, $0x10;
	v2 =	vshra.s32 v2, $0x10  }
0x1ce: {  	v3 =	vshra.s32 v3, $0x10;
	v4 =	vshra.s32 v4, $0x10;
	v5 =	vshra.s32 v5, $0x10  }
0x1cf: {  	v6 =	vshra.s32 v6, $0x10;
	v7 =	vshra.s32 v7, $0x10;
	v25 =	vshra.s32 v25, $0x10  }
0x1d0: {  	v27 =	vshra.s32 v27, $0x10;
	v29 =	vshra.s32 v29, $0x10;
	v50 =	vshra.s32 v57, $0x10  }
0x1d1: {  	v42 =	vshra.s32 v42, $0x10;
	v43 =	vshra.s32 v43, $0x10;
	v45 =	vshra.s32 v45, $0x10  }
0x1d2: {  	v46 =	vshra.s32 v46, $0x10;
	v57 =	vshra.s32 v32, $0x10;
	vm0 =	vgt.s32 v8, $0x0  }
0x1d3: {  	vm1 =	vgt.s32 v9, $0x0;
	v0 =	vadd.s32 v0, v1;
	vm14 =	vgt.s32 v14, $0x0  }
0x1d4: {  	vm15 =	vgt.s32 v16, $0x0;
	v2 =	vadd.s32 v2, v3;
	v52 =	vadd.s32 v4, v5  }
0x1d5: {  	v53 =	vadd.s32 v6, v7;
	v51 =	vnsel vm0, $0x0, v8;
	v8 =	vnsel vm1, $0x0, v9  }
0x1d6: {  	v6 =	vnsel vm14, $0x0, v14;
	vm4 =	vgt.s32 v0, $0x0;
	v7 =	vnsel vm15, $0x0, v16  }
0x1d7: {  	vm5 =	vgt.s32 v2, $0x0;
	vm6 =	vgt.s32 v52, $0x0;
	vm7 =	vgt.s32 v53, $0x0  }
0x1d8: {  	v13 =	vld [tilespmem:s19+$0xFFFFFF30];
	v1 =	vcvt.s32.f32 v51;
	v8 =	vcvt.s32.f32 v8;
	v0 =	vnsel vm4, $0x0, v0  }
0x1d9: {  	v15 =	vld [tilespmem:s20+$0xFFFFFF30];
	v6 =	vcvt.s32.f32 v6;
	v2 =	vnsel vm5, $0x0, v2;
	v7 =	vcvt.s32.f32 v7  }
0x1da: {  	v17 =	vld [tilespmem:s19+$0xFFFFFF40];
	v3 =	vnsel vm6, $0x0, v52;
	v4 =	vnsel vm7, $0x0, v53;
	v51 =	vshra.s32 v58, $0x10  }
0x1db: {  	v18 =	vld [tilespmem:s20+$0xFFFFFF40];
	v52 =	vshra.s32 v41, $0x10;
	v53 =	vshra.s32 v24, $0x10;
	v58 =	vshra.s32 v34, $0x10  }
0x1dc: {  	v41 =	vadd.s32 v27, v29;
	v0 =	vcvt.s32.f32 v0;
	v2 =	vcvt.s32.f32 v2  }
0x1dd: {  	v29 =	vadd.s32 v11, v12;
	v3 =	vcvt.s32.f32 v3;
	v4 =	vcvt.s32.f32 v4  }
0x1de: {  	v5 =	vld [tilespmem:s20+$0xFFFFFF60];
	vm9 =	vgt.s32 v41, $0x0;
	v1 =	vmul.f32 v1, v28;
	v8 =	vmul.f32 v8, v40  }
0x1df: {  	v6 =	vmul.f32 v6, v31;
	v7 =	vmul.f32 v7, v30;
	v31 =	vshll.u32 v13, $0x10  }
0x1e0: {  	v54 =	vshll.u32 v15, $0x10;
	v55 =	vshll.u32 v17, $0x10;
	v56 =	vshll.u32 v18, $0x10  }
0x1e1: {  	v14 =	vld [tilespmem:s19+$0xFFFFFF70];
	v13 =	vshra.s32 v13, $0x10;
	v15 =	vshra.s32 v15, $0x10;
	v17 =	vshra.s32 v17, $0x10  }
0x1e2: {  	v16 =	vld [tilespmem:s20+$0xFFFFFF70];
	v18 =	vshra.s32 v18, $0x10;
	v0 =	vmul.f32 v0, v39;
	v2 =	vmul.f32 v2, v38  }
0x1e3: {  	v3 =	vmul.f32 v3, v37;
	v4 =	vmul.f32 v4, v36;
	v60 =	vshll.u32 v5, $0x10  }
0x1e4: {  	v19 =	vld [tilespmem:s19+$0xFFFFFF50];
	v31 =	vshra.s32 v31, $0x10;
	v33 =	vshra.s32 v54, $0x10;
	v35 =	vshra.s32 v55, $0x10  }
0x1e5: {  	v36 =	vshra.s32 v56, $0x10;
	v5 =	vshra.s32 v5, $0x10;
	v54 =	vshra.s32 v26, $0x10  }
0x1e6: {  	v30 =	vld [tilespmem:s19+$0xFFFFFF10];
	v26 =	vadd.s32 v13, v15;
	v24 =	vadd.s32 v17, v18;
	v61 =	vshll.u32 v14, $0x10  }
0x1e7: {  	v28 =	vld [tilespmem:s19+$0xFFFFFFA0];
	v62 =	vshll.u32 v16, $0x10;
	v14 =	vshra.s32 v14, $0x10;
	v0 =	vadd.f32 v0, v1  }
0x1e8: {  	v16 =	vshra.s32 v16, $0x10;
	v2 =	vadd.f32 v2, v8;
	v3 =	vadd.f32 v3, v6  }
0x1e9: {  	v38 =	vld [tilespmem:s20+$0xFFFFFFC0];
	v4 =	vadd.f32 v4, v7;
	v7 =	vshll.u32 v19, $0x10;
	v19 =	vshra.s32 v19, $0x10  }
0x1ea: {  	v18 =	vadd.s32 v14, v16;
	v7 =	vshra.s32 v7, $0x10;
	v27 =	vadd.s32 v19, v20  }
0x1eb: {  	v40 =	vshll.u32 v30, $0x10;
	v0 =	vadd.f32 v2, v0;
	v59 =	vadd.f32 v4, v3  }
0x1ec: {  	v44 =	vshll.u32 v28, $0x10;
	v2 =	vshra.s32 v61, $0x10;
	v3 =	vshra.s32 v62, $0x10  }
0x1ed: {  	v4 =	vshra.s32 v63, $0x10;
	v30 =	vshra.s32 v30, $0x10;
	v55 =	vshra.s32 v28, $0x10  }
0x1ee: {  	v1 =	vld [tilespmem:s20+$0xFFFFFFB0];
	v39 =	vadd.s32 v7, v50;
	v40 =	vshra.s32 v40, $0x10;
	v49 =	vshll.u32 v38, $0x10  }
0x1ef: {  	v6 =	vld [tilespmem:s19+$0xFFFFFFC0];
	v44 =	vshra.s32 v44, $0x10;
	v34 =	vadd.s32 v2, v3;
	v32 =	vadd.s32 v30, v10  }
0x1f0: {  	vm12 =	vgt.s32 v39, $0x0;
	[tilespmem:$0x1FD50] =	vst v0;
	v0 =	vshra.s32 v60, $0x10;
	v49 =	vshra.s32 v49, $0x10  }
0x1f1: {  	v37 =	vadd.s32 v40, v25;
	v60 =	vshra.s32 v38, $0x10;
	v40 =	vadd.s32 v31, v33  }
0x1f2: {  	v38 =	vadd.s32 v35, v36;
	v35 =	vadd.s32 v4, v52;
	v33 =	vadd.s32 v42, v43  }
0x1f3: {  	v31 =	vadd.s32 v44, v45;
	v25 =	vadd.s32 v21, v5;
	vm14 =	vgt.s32 v34, $0x0  }
0x1f4: {  	vm6 =	vgt.s32 v32, $0x0;
	v47 =	vshll.u32 v1, $0x10;
	v48 =	vshll.u32 v6, $0x10  }
0x1f5: {  	v1 =	vshra.s32 v1, $0x10;
	v6 =	vshra.s32 v6, $0x10;
	v36 =	vadd.s32 v51, v0  }
0x1f6: {  	vm8 =	vgt.s32 v37, $0x0;
	vm10 =	vgt.s32 v40, $0x0;
	vm11 =	vgt.s32 v38, $0x0  }
0x1f7: {  	s21 =	simm.s32 $0x23F0;
	[tilespmem:$0x1FD60] =	vst v59;
	vm15 =	vgt.s32 v35, $0x0;
	v34 =	vnsel vm14, $0x0, v34;
	vm4 =	vgt.s32 v33, $0x0  }
0x1f8: {  	s12 =	simm.s32 $0x63F0;
	v56 =	vld [tilespmem:s21+$0xFFFFFFD0];
	vm5 =	vgt.s32 v31, $0x0;
	v32 =	vnsel vm6, $0x0, v32;
	vm14 =	vgt.s32 v18, $0x0  }
0x1f9: {  	v59 =	vld [tilespmem:s12+$0xFFFFFFD0];
	v47 =	vshra.s32 v47, $0x10;
	v48 =	vshra.s32 v48, $0x10;
	v1 =	vadd.s32 v58, v1  }
0x1fa: {  	v61 =	vld [tilespmem:s21+$0xFFFFFFE0];
	vm13 =	vgt.s32 v36, $0x0;
	v35 =	vnsel vm15, $0x0, v35;
	v33 =	vnsel vm4, $0x0, v33  }
0x1fb: {  	v62 =	vld [tilespmem:s12+$0xFFFFFFE0];
	v31 =	vnsel vm5, $0x0, v31;
	v18 =	vnsel vm14, $0x0, v18;
	v34 =	vcvt.s32.f32 v34  }
0x1fc: {  	v0 =	vld [tilespmem:s21+$0xFFFFFFF0];
	v32 =	vcvt.s32.f32 v32;
	v30 =	vadd.s32 v46, v47;
	v28 =	vadd.s32 v48, v49  }
0x1fd: {  	v2 =	vld [tilespmem:s12+$0xFFFFFFF0];
	v46 =	vadd.s32 v22, v23;
	v47 =	vadd.s32 v53, v54;
	v48 =	vadd.s32 v55, v57  }
0x1fe: {  	v3 =	vld [tilespmem:s21+$0x0];
	v49 =	vadd.s32 v6, v60;
	v36 =	vnsel vm13, $0x0, v36;
	v35 =	vcvt.s32.f32 v35  }
0x1ff: {  	v4 =	vld [tilespmem:s12+$0x0];
	vm13 =	vgt.s32 v25, $0x0;
	v33 =	vcvt.s32.f32 v33;
	v18 =	vcvt.s32.f32 v18  }
0x200: {  	v8 =	vld [tilespmem:s12+$0xFFFFFF10];
	[tilespmem:$0x1FCF0] =	vst v46;
	vm7 =	vgt.s32 v30, $0x0;
	v25 =	vnsel vm13, $0x0, v25;
	v36 =	vcvt.s32.f32 v36  }
0x201: {  	[tilespmem:$0x1FD00] =	vst v47;
	v30 =	vnsel vm7, $0x0, v30;
	v6 =	vshra.s32 v56, $0x10;
	v15 =	vshra.s32 v59, $0x10  }
0x202: {  	[tilespmem:$0x1FD10] =	vst v48;
	v16 =	vshra.s32 v61, $0x10;
	v17 =	vshra.s32 v62, $0x10;
	v20 =	vshra.s32 v0, $0x10  }
0x203: {  	v14 =	vld [tilespmem:s21+$0xFFFFFF20];
	[tilespmem:$0x1FD20] =	vst v1;
	v21 =	vshra.s32 v2, $0x10;
	v22 =	vshll.u32 v56, $0x10;
	v23 =	vshra.s32 v3, $0x10  }
0x204: {  	[tilespmem:$0x1FD30] =	vst v49;
	v50 =	vshra.s32 v4, $0x10;
	v51 =	vshll.u32 v59, $0x10;
	v52 =	vshll.u32 v61, $0x10  }
0x205: {  	v12 =	vld [tilespmem:s12+$0xFFFFFF20];
	v53 =	vshll.u32 v62, $0x10;
	v0 =	vshll.u32 v0, $0x10;
	v2 =	vshll.u32 v2, $0x10  }
0x206: {  	v57 =	vld [tilespmem:s21+$0xFFFFFF30];
	v3 =	vshll.u32 v3, $0x10;
	v4 =	vshll.u32 v4, $0x10;
	v19 =	vadd.s32 v6, v15  }
0x207: {  	v58 =	vld [tilespmem:s12+$0xFFFFFF30];
	v16 =	vadd.s32 v16, v17;
	v22 =	vshra.s32 v22, $0x10;
	v17 =	vadd.s32 v20, v21  }
0x208: {  	v63 =	vld [tilespmem:s21+$0xFFFFFF40];
	v54 =	vadd.s32 v23, v50;
	v20 =	vshra.s32 v51, $0x10;
	v21 =	vshra.s32 v52, $0x10  }
0x209: {  	v59 =	vld [tilespmem:s12+$0xFFFFFF40];
	v55 =	vshra.s32 v53, $0x10;
	v56 =	vshra.s32 v0, $0x10;
	v2 =	vshra.s32 v2, $0x10  }
0x20a: {  	v61 =	vld [tilespmem:s21+$0xFFFFFF50];
	v3 =	vshra.s32 v3, $0x10;
	v4 =	vshra.s32 v4, $0x10;
	v15 =	vadd.s32 v22, v20  }
0x20b: {  	v6 =	vld [tilespmem:s12+$0xFFFFFF50];
	[tilespmem:$0x1FD40] =	vst v54;
	v22 =	vadd.s32 v21, v55;
	v21 =	vadd.s32 v56, v2;
	v2 =	vshll.u32 v8, $0x10  }
0x20c: {  	v25 =	vcvt.s32.f32 v25;
	v20 =	vadd.s32 v3, v4;
	v62 =	vld [tilespmem:s21+$0xFFFFFF60];
	v2 =	vshra.s32 v2, $0x10  }
0x20d: {  	v23 =	vld [tilespmem:s12+$0xFFFFFF60];
	vm13 =	vgt.s32 v22, $0x0;
	vm14 =	vgt.s32 v21, $0x0;
	v3 =	vshll.u32 v14, $0x10  }
0x20e: {  	v50 =	vld [tilespmem:s21+$0xFFFFFF10];
	v22 =	vnsel vm13, $0x0, v22;
	v21 =	vnsel vm14, $0x0, v21;
	v4 =	vshll.u32 v12, $0x10  }
0x20f: {  	v60 =	vld [tilespmem:s21+$0xFFFFFF70];
	v42 =	vshll.u32 v57, $0x10;
	v43 =	vshll.u32 v58, $0x10;
	v44 =	vshll.u32 v63, $0x10  }
0x210: {  	v13 =	vld [tilespmem:s12+$0xFFFFFF70];
	v45 =	vshll.u32 v59, $0x10;
	v46 =	vshll.u32 v61, $0x10;
	v3 =	vshra.s32 v3, $0x10  }
0x211: {  	v57 =	vshra.s32 v57, $0x10;
	v22 =	vcvt.s32.f32 v22;
	v47 =	vshll.u32 v6, $0x10  }
0x212: {  	v54 =	vld [tilespmem:s12+$0xFFFFFF80];
	v4 =	vshra.s32 v4, $0x10;
	v42 =	vshra.s32 v42, $0x10;
	v5 =	vshra.s32 v43, $0x10  }
0x213: {  	v0 =	vshra.s32 v45, $0x10;
	v6 =	vshra.s32 v6, $0x10;
	v45 =	vadd.s32 v3, v4  }
0x214: {  	v51 =	vld [tilespmem:s21+$0xFFFFFF80];
	v9 =	vshra.s32 v47, $0x10;
	v48 =	vshll.u32 v62, $0x10;
	v1 =	vshll.u32 v50, $0x10  }
0x215: {  	v7 =	vld [tilespmem:s12+$0xFFFFFFA0];
	v52 =	vshll.u32 v23, $0x10;
	v53 =	vshll.u32 v60, $0x10;
	v3 =	vshll.u32 v13, $0x10  }
0x216: {  	v55 =	vld [tilespmem:s21+$0xFFFFFF90];
	v13 =	vshra.s32 v13, $0x10;
	v49 =	vshra.s32 v1, $0x10;
	v47 =	vshra.s32 v52, $0x10  }
0x217: {  	v10 =	vld [tilespmem:s21+$0xFFFFFFA0];
	v56 =	vshra.s32 v53, $0x10;
	v3 =	vshra.s32 v3, $0x10;
	v52 =	vshll.u32 v54, $0x10  }
0x218: {  	v43 =	vadd.s32 v49, v2;
	v2 =	vshra.s32 v44, $0x10;
	v44 =	vadd.s32 v42, v5  }
0x219: {  	v4 =	vld [tilespmem:s21+$0xFFFFFFC0];
	v42 =	vadd.s32 v2, v0;
	v2 =	vshra.s32 v46, $0x10;
	v46 =	vshra.s32 v48, $0x10  }
0x21a: {  	v49 =	vld [tilespmem:s12+$0xFFFFFF90];
	v0 =	vshll.u32 v7, $0x10;
	v7 =	vshra.s32 v7, $0x10;
	v48 =	vadd.s32 v2, v9  }
0x21b: {  	v53 =	vld [tilespmem:s21+$0xFFFFFFB0];
	v47 =	vadd.s32 v46, v47;
	v46 =	vadd.s32 v56, v3;
	v2 =	vshll.u32 v51, $0x10  }
0x21c: {  	v5 =	vld [tilespmem:s12+$0xFFFFFFC0];
	v9 =	vshll.u32 v55, $0x10;
	v3 =	vshra.s32 v52, $0x10;
	v52 =	vshll.u32 v10, $0x10  }
0x21d: {  	v56 =	vld [tilespmem:s12+$0xFFFFFFB0];
	v0 =	vshra.s32 v0, $0x10;
	v10 =	vshra.s32 v10, $0x10;
	[tilespmem:$0x1FD70] =	vst v33;
	v33 =	vcvt.s32.f32 v31  }
0x21e: {  	v31 =	vcvt.s32.f32 v30;
	v2 =	vshra.s32 v2, $0x10;
	v9 =	vshra.s32 v9, $0x10  }
0x21f: {  	v1 =	vshra.s32 v52, $0x10;
	v7 =	vadd.s32 v10, v7;
	v11 =	vshll.u32 v49, $0x10  }
0x220: {  	v52 =	vadd.s32 v2, v3;
	v2 =	vshll.u32 v53, $0x10;
	v11 =	vshra.s32 v11, $0x10  }
0x221: {  	v3 =	vshll.u32 v5, $0x10;
	v5 =	vshra.s32 v5, $0x10;
	v9 =	vadd.s32 v9, v11  }
0x222: {  	v11 =	vadd.s32 v1, v0;
	v0 =	vshra.s32 v50, $0x10;
	v50 =	vshra.s32 v8, $0x10  }
0x223: {  	v1 =	vshll.u32 v56, $0x10;
	v8 =	vshra.s32 v58, $0x10;
	v50 =	vadd.s32 v0, v50  }
0x224: {  	v0 =	vshra.s32 v2, $0x10;
	v1 =	vshra.s32 v1, $0x10;
	v2 =	vshll.u32 v4, $0x10  }
0x225: {  	v4 =	vshra.s32 v4, $0x10;
	vm13 =	vgt.s32 v11, $0x0;
	v0 =	vadd.s32 v0, v1  }
0x226: {  	v1 =	vshra.s32 v2, $0x10;
	v2 =	vshra.s32 v3, $0x10;
	v4 =	vadd.s32 v4, v5  }
0x227: {  	v11 =	vnsel vm13, $0x0, v11;
	vm14 =	vgt.s32 v50, $0x0;
	vm13 =	vgt.s32 v7, $0x0  }
0x228: {  	v3 =	vadd.s32 v1, v2;
	v1 =	vshra.s32 v14, $0x10;
	v2 =	vshra.s32 v12, $0x10  }
0x229: {  	v12 =	vshra.s32 v59, $0x10;
	v14 =	vnsel vm11, $0x0, v38;
	vm11 =	vgt.s32 v24, $0x0  }
0x22a: {  	v50 =	vnsel vm14, $0x0, v50;
	v7 =	vnsel vm13, $0x0, v7;
	v11 =	vcvt.s32.f32 v11  }
0x22b: {  	v2 =	vadd.s32 v1, v2;
	v1 =	vadd.s32 v57, v8;
	v8 =	vshra.s32 v63, $0x10  }
0x22c: {  	v24 =	vnsel vm11, $0x0, v24;
	v63 =	vshra.s32 v51, $0x10;
	v51 =	vshra.s32 v54, $0x10  }
0x22d: {  	v14 =	vcvt.s32.f32 v14;
	v57 =	vadd.s32 v8, v12;
	v8 =	vshra.s32 v61, $0x10  }
0x22e: {  	v12 =	vnsel vm10, $0x0, v40;
	vm10 =	vgt.s32 v26, $0x0;
	v61 =	vshra.s32 v49, $0x10  }
0x22f: {  	v24 =	vcvt.s32.f32 v24;
	v58 =	vadd.s32 v8, v6;
	v6 =	vshra.s32 v62, $0x10  }
0x230: {  	v8 =	vshra.s32 v23, $0x10;
	v23 =	vnsel vm12, $0x0, v39;
	v26 =	vnsel vm10, $0x0, v26  }
0x231: {  	vm12 =	vgt.s32 v27, $0x0;
	v62 =	vshra.s32 v60, $0x10;
	v60 =	vshra.s32 v55, $0x10  }
0x232: {  	v55 =	vshra.s32 v56, $0x10;
	v12 =	vcvt.s32.f32 v12;
	vm10 =	vgt.s32 v17, $0x0  }
0x233: {  	v59 =	vadd.s32 v6, v8;
	v6 =	vnsel vm8, $0x0, v37;
	v8 =	vnsel vm9, $0x0, v41  }
0x234: {  	vm8 =	vgt.s32 v28, $0x0;
	vm9 =	vgt.s32 v29, $0x0;
	v27 =	vnsel vm12, $0x0, v27  }
0x235: {  	v13 =	vadd.s32 v62, v13;
	v37 =	vadd.s32 v63, v51;
	v38 =	vadd.s32 v60, v61  }
0x236: {  	v54 =	vld [tilespmem:$0x1FCF0];
	v23 =	vcvt.s32.f32 v23;
	v17 =	vnsel vm10, $0x0, v17;
	vm12 =	vgt.s32 v15, $0x0  }
0x237: {  	v26 =	vcvt.s32.f32 v26;
	vm10 =	vgt.s32 v46, $0x0;
	v28 =	vnsel vm8, $0x0, v28  }
0x238: {  	v29 =	vnsel vm9, $0x0, v29;
	v6 =	vcvt.s32.f32 v6;
	v8 =	vcvt.s32.f32 v8  }
0x239: {  	vm8 =	vgt.s32 v19, $0x0;
	vm9 =	vgt.s32 v16, $0x0;
	v15 =	vnsel vm12, $0x0, v15  }
0x23a: {  	v27 =	vcvt.s32.f32 v27;
	v46 =	vnsel vm10, $0x0, v46;
	vm12 =	vgt.s32 v9, $0x0  }
0x23b: {  	vm10 =	vgt.s32 v13, $0x0;
	v17 =	vcvt.s32.f32 v17;
	vm15 =	vgt.s32 v54, $0x0  }
0x23c: {  	v19 =	vnsel vm8, $0x0, v19;
	v16 =	vnsel vm9, $0x0, v16;
	v30 =	vcvt.s32.f32 v28  }
0x23d: {  	v62 =	vld [tilespmem:$0x1FD00];
	v29 =	vcvt.s32.f32 v29;
	vm8 =	vgt.s32 v48, $0x0;
	vm9 =	vgt.s32 v47, $0x0  }
0x23e: {  	v63 =	vld [tilespmem:$0x1FD10];
	v15 =	vcvt.s32.f32 v15;
	v39 =	vnsel vm15, $0x0, v54;
	v54 =	vshra.s32 v53, $0x10  }
0x23f: {  	v60 =	vld [tilespmem:$0x1FD20];
	vm15 =	vgt.s32 v20, $0x0;
	v48 =	vnsel vm8, $0x0, v48;
	v47 =	vnsel vm9, $0x0, v47  }
0x240: {  	vm8 =	vgt.s32 v58, $0x0;
	vm9 =	vgt.s32 v59, $0x0;
	v19 =	vcvt.s32.f32 v19  }
0x241: {  	v16 =	vcvt.s32.f32 v16;
	v10 =	vadd.s32 v54, v55;
	v20 =	vnsel vm15, $0x0, v20  }
0x242: {  	v39 =	vcvt.s32.f32 v39;
	vm15 =	vgt.s32 v0, $0x0;
	v54 =	vnsel vm8, $0x0, v58  }
0x243: {  	v55 =	vnsel vm9, $0x0, v59;
	vm4 =	vgt.s32 v62, $0x0;
	vm5 =	vgt.s32 v63, $0x0  }
0x244: {  	vm6 =	vgt.s32 v60, $0x0;
	vm14 =	vgt.s32 v10, $0x0;
	v20 =	vcvt.s32.f32 v20  }
0x245: {  	v59 =	vld [tilespmem:$0x1FFC0];
	v40 =	vnsel vm4, $0x0, v62;
	v56 =	vnsel vm5, $0x0, v63;
	v61 =	vnsel vm6, $0x0, v60  }
0x246: {  	v62 =	vld [tilespmem:$0x1FD30];
	vm4 =	vgt.s32 v43, $0x0;
	vm5 =	vgt.s32 v45, $0x0;
	vm6 =	vgt.s32 v44, $0x0  }
0x247: {  	v60 =	vld [tilespmem:$0x1FF80];
	v28 =	vnsel vm4, $0x0, v43;
	v45 =	vnsel vm5, $0x0, v45;
	v44 =	vnsel vm6, $0x0, v44  }
0x248: {  	v63 =	vld [tilespmem:$0x1FD40];
	v40 =	vcvt.s32.f32 v40;
	v43 =	vnsel vm12, $0x0, v9;
	v41 =	vcvt.s32.f32 v56  }
0x249: {  	v5 =	vcvt.s32.f32 v61;
	vm4 =	vgt.s32 v3, $0x0;
	vm5 =	vgt.s32 v2, $0x0  }
0x24a: {  	vm6 =	vgt.s32 v1, $0x0;
	v56 =	vld [tilespmem:$0x1FFA0];
	vm12 =	vgt.s32 v38, $0x0;
	[tilespmem:$0x1FD80] =	vst v28;
	v28 =	vnsel vm15, $0x0, v0  }
0x24b: {  	v61 =	vld [tilespmem:$0x1FFB0];
	v9 =	vnsel vm5, $0x0, v2;
	v2 =	vnsel vm6, $0x0, v1;
	vm15 =	vgt.s32 v4, $0x0  }
0x24c: {  	v32 =	vmul.f32 v32, v59;
	vm7 =	vgt.s32 v62, $0x0;
	v1 =	vmul.f32 v23, v60;
	v23 =	vld [tilespmem:$0x1FFE0]  }
0x24d: {  	v4 =	vnsel vm15, $0x0, v4;
	vm11 =	vgt.s32 v63, $0x0;
	v49 =	vnsel vm7, $0x0, v62;
	v62 =	vld [tilespmem:$0x1FF90]  }
0x24e: {  	v28 =	vcvt.s32.f32 v28;
	v6 =	vmul.f32 v6, v60;
	v51 =	vnsel vm11, $0x0, v63;
	v63 =	vld [tilespmem:$0x1FFD0]  }
0x24f: {  	vm7 =	vgt.s32 v42, $0x0;
	vm11 =	vgt.s32 v52, $0x0;
	v12 =	vmul.f32 v12, v56  }
0x250: {  	v14 =	vmul.f32 v14, v61;
	v34 =	vmul.f32 v34, v56;
	v58 =	vmovc v56;
	v56 =	vnsel vm10, $0x0, v13  }
0x251: {  	v13 =	vmul.f32 v35, v61;
	v42 =	vnsel vm7, $0x0, v42;
	v0 =	vmul.f32 v26, v23;
	v26 =	vld [tilespmem:$0x1FFF0]  }
0x252: {  	v52 =	vnsel vm11, $0x0, v52;
	v49 =	vcvt.s32.f32 v49;
	vm7 =	vgt.s32 v57, $0x0  }
0x253: {  	vm11 =	vgt.s32 v37, $0x0;
	v8 =	vmul.f32 v8, v62;
	v29 =	vmul.f32 v29, v63  }
0x254: {  	v35 =	vnsel vm11, $0x0, v37;
	v37 =	vnsel vm12, $0x0, v38;
	v18 =	vmul.f32 v18, v23  }
0x255: {  	v8 =	vadd.f32 v8, v29;
	v29 =	vadd.f32 v12, v0;
	v12 =	vcvt.s32.f32 v21  }
0x256: {  	v38 =	vnsel vm14, $0x0, v10;
	v36 =	vmul.f32 v36, v62;
	v10 =	vmul.f32 v24, v26  }
0x257: {  	v53 =	vnsel vm7, $0x0, v57;
	v24 =	vmul.f32 v27, v59;
	v12 =	vmul.f32 v12, v58  }
0x258: {  	v57 =	vld [tilespmem:$0x1FD60];
	v21 =	vadd.f32 v14, v10;
	v10 =	vmul.f32 v19, v59;
	v14 =	vmul.f32 v15, v60  }
0x259: {  	v6 =	vadd.f32 v6, v32;
	v27 =	vld [tilespmem:$0x1FD50];
	v15 =	vmul.f32 v16, v63;
	v16 =	vmul.f32 v22, v62  }
0x25a: {  	v22 =	vmul.f32 v30, v61;
	v10 =	vadd.f32 v14, v10;
	v14 =	vmul.f32 v17, v23  }
0x25b: {  	v32 =	vld [tilespmem:$0x1FD70];
	v19 =	vadd.f32 v1, v24;
	v17 =	vmul.f32 v20, v61;
	v20 =	vmul.f32 v33, v62  }
0x25c: {  	v15 =	vadd.f32 v16, v15;
	v24 =	vmovc v23;
	v23 =	vmul.f32 v40, v59;
	v33 =	vcvt.s32.f32 v45  }
0x25d: {  	v40 =	vcvt.s32.f32 v42;
	v45 =	vcvt.s32.f32 v48;
	v59 =	vadd.f32 v21, v29  }
0x25e: {  	v21 =	vcvt.s32.f32 v4;
	v57 =	vadd.f32 v57, v27;
	v27 =	vcvt.s32.f32 v51  }
0x25f: {  	v5 =	vmul.f32 v5, v24;
	v24 =	vmul.f32 v49, v26;
	v12 =	vadd.f32 v12, v14  }
0x260: {  	v14 =	vmul.f32 v32, v60;
	v10 =	vadd.f32 v15, v10;
	v15 =	vmul.f32 v25, v63  }
0x261: {  	v3 =	vnsel vm4, $0x0, v3;
	v25 =	vcvt.s32.f32 v9;
	v33 =	vmul.f32 v33, v62  }
0x262: {  	v18 =	vadd.f32 v34, v18;
	v29 =	vmul.f32 v45, v60;
	v16 =	vmul.f32 v27, v26  }
0x263: {  	v27 =	vcvt.s32.f32 v43;
	v51 =	vadd.f32 v22, v24;
	v24 =	vcvt.s32.f32 v3  }
0x264: {  	v22 =	vcvt.s32.f32 v56;
	v30 =	vadd.f32 v36, v15;
	v15 =	vmul.f32 v41, v63  }
0x265: {  	v48 =	vadd.f32 v14, v23;
	v14 =	vcvt.s32.f32 v46;
	v23 =	vcvt.s32.f32 v50  }
0x266: {  	v41 =	vld [tilespmem:$0x1FD80];
	v16 =	vadd.f32 v17, v16;
	v17 =	vmul.f32 v31, v58;
	v49 =	vadd.f32 v20, v15  }
0x267: {  	v15 =	vcvt.s32.f32 v54;
	v63 =	vadd.f32 v30, v19;
	v20 =	vcvt.s32.f32 v37  }
0x268: {  	v19 =	vcvt.s32.f32 v7;
	v30 =	vmul.f32 v40, v61;
	v12 =	vadd.f32 v16, v12  }
0x269: {  	v16 =	vmul.f32 v39, v26;
	v39 =	vcvt.s32.f32 v44;
	v5 =	vadd.f32 v17, v5  }
0x26a: {  	v26 =	vcvt.s32.f32 v2;
	v17 =	vcvt.s32.f32 v35;
	v34 =	vadd.f32 v49, v48  }
0x26b: {  	v36 =	vadd.f32 v12, v10;
	v31 =	vcvt.s32.f32 v41;
	v32 =	vadd.f32 v13, v16  }
0x26c: {  	v12 =	vcvt.s32.f32 v47;
	v10 =	vcvt.s32.f32 v52;
	v52 =	vadd.f32 v8, v6  }
0x26d: {  	s19 =	simm.s32 $0x8A30;
	v13 =	vcvt.s32.f32 v53;
	v16 =	vcvt.s32.f32 v55;
	v6 =	vadd.f32 v32, v18  }
0x26e: {  	s18 =	simm.s32 $0x8A70;
	[tilespmem:s19+$0x0] =	vst v57;
	v35 =	vadd.f32 v51, v5;
	v18 =	vcvt.s32.f32 v38;
	v32 =	vmul.f32 v31, v60  }
0x26f: {  	s20 =	simm.s32 $0x24F0;
	s21 =	simm.s32 $0x4;
	v8 =	vadd.f32 v59, v52;
	v31 =	vmul.f32 v39, v58;
	[tilespmem:s18+$0x0] =	vst v36;
	v9 =	vadd.f32 v6, v63  }
.LBB2_5:
0x270: {  	v0 =	vld [tilespmem:s20+$0xFFFFFFD0]  }
0x271: {  	v54 =	vld [tilespmem:$0x1FF90]  }
0x272: {  	v55 =	vld [tilespmem:$0x1FFA0]  }
0x273: {  	v57 =	vld [tilespmem:$0x1FFB0]  }
0x274: {  	v56 =	vld [tilespmem:$0x1FF80]  }
0x275: {  	v52 =	vld [tilespmem:$0x1FFE0]  }
0x276: {  	v53 =	vld [tilespmem:$0x1FFF0]  }
0x277: {  	s12 =	sadd.s32 $0x100, s12;
	v48 =	vld [tilespmem:s20+$0x0]  }
0x278: {  	v3 =	vld [tilespmem:s12+$0xFFFFFFD0]  }
0x279: {  	[tilespmem:s19+$0xFFFFFFD0] =	vst v8;
	v8 =	vld [tilespmem:$0x1FFC0];
	v1 =	vmul.f32 v12, v54;
	v12 =	vmul.f32 v14, v55  }
0x27a: {  	[tilespmem:s19+$0xFFFFFFE0] =	vst v9;
	v9 =	vld [tilespmem:$0x1FFD0];
	v14 =	vmul.f32 v10, v57;
	v10 =	vmul.f32 v27, v56  }
0x27b: {  	v44 =	vld [tilespmem:s12+$0xFFFFFFE0];
	v11 =	vmul.f32 v11, v54;
	v5 =	vmul.f32 v28, v55  }
0x27c: {  	v46 =	vld [tilespmem:s12+$0xFFFFFFF0];
	v6 =	vmul.f32 v24, v57;
	v27 =	vmul.f32 v13, v53  }
0x27d: {  	v2 =	vadd.f32 v35, v34;
	v36 =	vld [tilespmem:s12+$0x0];
	v24 =	vmul.f32 v22, v52;
	v13 =	vmul.f32 v21, v53  }
0x27e: {  	v49 =	vshra.s32 v0, $0x10;
	v0 =	vshll.u32 v0, $0x10;
	v45 =	vmul.f32 v23, v8  }
0x27f: {  	v40 =	vshra.s32 v48, $0x10;
	v7 =	vmul.f32 v25, v9;
	v23 =	vmul.f32 v26, v52  }
0x280: {  	v43 =	vshll.u32 v48, $0x10;
	v47 =	vmul.f32 v15, v8;
	v25 =	vmul.f32 v17, v53  }
0x281: {  	v22 =	vmul.f32 v20, v8;
	v20 =	vmul.f32 v18, v52;
	v50 =	vshra.s32 v3, $0x10  }
0x282: {  	v37 =	vshra.s32 v44, $0x10;
	v39 =	vshra.s32 v46, $0x10;
	v41 =	vshra.s32 v36, $0x10  }
0x283: {  	[tilespmem:s19+$0xFFFFFFF0] =	vst v2;
	v3 =	vshll.u32 v3, $0x10;
	v2 =	vshll.u32 v44, $0x10;
	v42 =	vshll.u32 v46, $0x10  }
0x284: {  	v4 =	vld [tilespmem:s20+$0xFFFFFFE0];
	v0 =	vshra.s32 v0, $0x10;
	v59 =	vshra.s32 v43, $0x10;
	v17 =	vadd.f32 v30, v27  }
0x285: {  	v3 =	vshra.s32 v3, $0x10;
	v2 =	vshra.s32 v2, $0x10;
	v58 =	vshra.s32 v42, $0x10  }
0x286: {  	v28 =	vld [tilespmem:s12+$0xFFFFFF20];
	[tilespmem:$0x1FCC0] =	vst v5;
	v5 =	vadd.f32 v32, v45;
	v15 =	vadd.f32 v33, v7;
	v7 =	vmul.f32 v16, v9  }
0x287: {  	v16 =	vadd.f32 v31, v23;
	v23 =	vmul.f32 v19, v9;
	v45 =	vadd.s32 v40, v41  }
0x288: {  	v26 =	vld [tilespmem:s12+$0xFFFFFF10];
	v18 =	vadd.f32 v29, v47;
	v0 =	vadd.s32 v0, v3;
	vm3 =	vgt.s32 v45, $0x0  }
0x289: {  	[tilespmem:$0x1FCD0] =	vst v6;
	v6 =	vld [tilespmem:s20+$0xFFFFFFF0];
	vm13 =	vgt.s32 v0, $0x0;
	v19 =	vadd.f32 v1, v7;
	v7 =	vshra.s32 v4, $0x10  }
0x28a: {  	v4 =	vshll.u32 v4, $0x10;
	v1 =	vadd.s32 v49, v50;
	v0 =	vnsel vm13, $0x0, v0  }
0x28b: {  	v27 =	vld [tilespmem:s20+$0xFFFFFF20];
	v50 =	vshll.u32 v28, $0x10;
	v28 =	vshra.s32 v28, $0x10;
	v51 =	vadd.s32 v7, v37  }
0x28c: {  	v7 =	vshll.u32 v36, $0x10;
	v4 =	vshra.s32 v4, $0x10;
	vm0 =	vgt.s32 v1, $0x0  }
0x28d: {  	v0 =	vcvt.s32.f32 v0;
	v46 =	vshll.u32 v26, $0x10;
	v50 =	vshra.s32 v50, $0x10  }
0x28e: {  	v26 =	vshra.s32 v26, $0x10;
	v38 =	vshra.s32 v6, $0x10;
	v6 =	vshll.u32 v6, $0x10  }
0x28f: {  	v40 =	vld [tilespmem:s12+$0xFFFFFF80];
	vm1 =	vgt.s32 v51, $0x0;
	v7 =	vshra.s32 v7, $0x10;
	v2 =	vadd.s32 v4, v2  }
0x290: {  	v1 =	vnsel vm0, $0x0, v1;
	v48 =	vshll.u32 v27, $0x10;
	v46 =	vshra.s32 v46, $0x10  }
0x291: {  	v27 =	vshra.s32 v27, $0x10;
	v44 =	vadd.s32 v38, v39;
	v6 =	vshra.s32 v6, $0x10  }
0x292: {  	[tilespmem:$0x1FCE0] =	vst v5;
	v61 =	vadd.s32 v59, v7;
	v5 =	vnsel vm1, $0x0, v51;
	vm14 =	vgt.s32 v2, $0x0  }
0x293: {  	v7 =	vnsel vm3, $0x0, v45;
	v1 =	vcvt.s32.f32 v1;
	v0 =	vmul.f32 v0, v56  }
0x294: {  	v43 =	vld [tilespmem:s20+$0xFFFFFFA0];
	v59 =	vshll.u32 v40, $0x10;
	v48 =	vshra.s32 v48, $0x10;
	v40 =	vshra.s32 v40, $0x10  }
0x295: {  	v32 =	vld [tilespmem:s12+$0xFFFFFF40];
	v27 =	vadd.s32 v27, v28;
	vm2 =	vgt.s32 v44, $0x0;
	v60 =	vadd.s32 v6, v58  }
0x296: {  	v5 =	vcvt.s32.f32 v5;
	vm6 =	vgt.s32 v61, $0x0;
	v7 =	vcvt.s32.f32 v7  }
0x297: {  	v2 =	vnsel vm14, $0x0, v2;
	v59 =	vshra.s32 v59, $0x10;
	v48 =	vadd.s32 v48, v50  }
0x298: {  	v29 =	vld [tilespmem:s20+$0xFFFFFF30];
	vm13 =	vgt.s32 v27, $0x0;
	v6 =	vnsel vm2, $0x0, v44;
	vm15 =	vgt.s32 v60, $0x0  }
0x299: {  	v42 =	vld [tilespmem:s12+$0xFFFFFF90];
	v2 =	vcvt.s32.f32 v2;
	v4 =	vnsel vm6, $0x0, v61;
	v1 =	vmul.f32 v1, v8  }
0x29a: {  	v8 =	vshll.u32 v32, $0x10;
	v61 =	vshll.u32 v43, $0x10;
	v32 =	vshra.s32 v32, $0x10  }
0x29b: {  	v30 =	vld [tilespmem:s12+$0xFFFFFF30];
	v43 =	vshra.s32 v43, $0x10;
	vm1 =	vgt.s32 v48, $0x0;
	v50 =	vnsel vm13, $0x0, v27  }
0x29c: {  	v47 =	vld [tilespmem:s12+$0xFFFFFFB0];
	v6 =	vcvt.s32.f32 v6;
	v3 =	vnsel vm15, $0x0, v60;
	v4 =	vcvt.s32.f32 v4  }
0x29d: {  	v5 =	vmul.f32 v5, v9;
	v7 =	vmul.f32 v7, v53;
	v53 =	vshll.u32 v29, $0x10  }
0x29e: {  	v38 =	vld [tilespmem:s12+$0xFFFFFF70];
	v60 =	vshll.u32 v42, $0x10;
	v8 =	vshra.s32 v8, $0x10;
	v61 =	vshra.s32 v61, $0x10  }
0x29f: {  	v39 =	vld [tilespmem:s20+$0xFFFFFF80];
	v29 =	vshra.s32 v29, $0x10;
	v42 =	vshra.s32 v42, $0x10;
	v48 =	vnsel vm1, $0x0, v48  }
0x2a0: {  	v31 =	vld [tilespmem:s20+$0xFFFFFF40];
	v3 =	vcvt.s32.f32 v3;
	v2 =	vmul.f32 v2, v54;
	v54 =	vshll.u32 v30, $0x10  }
0x2a1: {  	v33 =	vld [tilespmem:s20+$0xFFFFFF50];
	v0 =	vadd.f32 v0, v1;
	v1 =	vshll.u32 v47, $0x10;
	v53 =	vshra.s32 v53, $0x10  }
0x2a2: {  	v41 =	vld [tilespmem:s20+$0xFFFFFF90];
	v60 =	vshra.s32 v60, $0x10;
	v30 =	vshra.s32 v30, $0x10;
	v47 =	vshra.s32 v47, $0x10  }
0x2a3: {  	v6 =	vmul.f32 v6, v52;
	v4 =	vmul.f32 v4, v57;
	v57 =	vshll.u32 v38, $0x10  }
0x2a4: {  	v34 =	vld [tilespmem:s12+$0xFFFFFF50];
	v58 =	vshll.u32 v39, $0x10;
	v54 =	vshra.s32 v54, $0x10;
	v1 =	vshra.s32 v1, $0x10  }
0x2a5: {  	v35 =	vld [tilespmem:s20+$0xFFFFFF60];
	v38 =	vshra.s32 v38, $0x10;
	v39 =	vshra.s32 v39, $0x10;
	v28 =	vadd.s32 v29, v30  }
0x2a6: {  	v37 =	vld [tilespmem:s20+$0xFFFFFF70];
	v3 =	vmul.f32 v3, v55;
	v55 =	vshll.u32 v31, $0x10;
	v62 =	vadd.f32 v2, v5  }
0x2a7: {  	v52 =	vld [tilespmem:s20+$0xFFFFFF10];
	v5 =	vshll.u32 v33, $0x10;
	v2 =	vshll.u32 v41, $0x10;
	v57 =	vshra.s32 v57, $0x10  }
0x2a8: {  	v49 =	vld [tilespmem:s20+$0xFFFFFFC0];
	v58 =	vshra.s32 v58, $0x10;
	v31 =	vshra.s32 v31, $0x10;
	v33 =	vshra.s32 v33, $0x10  }
0x2a9: {  	v45 =	vld [tilespmem:s20+$0xFFFFFFB0];
	v41 =	vshra.s32 v41, $0x10;
	v4 =	vadd.f32 v4, v7;
	v3 =	vadd.f32 v3, v6  }
0x2aa: {  	v51 =	vld [tilespmem:s12+$0xFFFFFFC0];
	v54 =	vadd.s32 v53, v54;
	v7 =	vshll.u32 v35, $0x10;
	v6 =	vshll.u32 v34, $0x10  }
0x2ab: {  	v0 =	vadd.f32 v62, v0;
	v34 =	vshra.s32 v34, $0x10;
	v63 =	vadd.f32 v4, v3  }
0x2ac: {  	v21 =	vmovc v56;
	v30 =	vadd.s32 v33, v34;
	v56 =	vshll.u32 v52, $0x10;
	v4 =	vshll.u32 v37, $0x10  }
0x2ad: {  	v37 =	vshra.s32 v37, $0x10;
	vm0 =	vgt.s32 v30, $0x0;
	v0 =	vadd.f32 v63, v0  }
0x2ae: {  	s19 =	smov.u32 s18;
	s18 =	sadd.s32 $0x40, s18;
	v36 =	vld [tilespmem:s12+$0xFFFFFF60];
	v9 =	vshra.s32 v56, $0x10;
	v56 =	vshll.u32 v49, $0x10;
	v63 =	vshll.u32 v45, $0x10  }
0x2af: {  	v56 =	vshra.s32 v56, $0x10;
	v63 =	vshra.s32 v63, $0x10;
	[tilespmem:s18+$0x0] =	vst v0;
	v0 =	vshll.u32 v51, $0x10  }
0x2b0: {  	v1 =	vadd.s32 v63, v1;
	v63 =	vimm.s32 $0x0;
	v0 =	vshra.s32 v0, $0x10  }
0x2b1: {  	v44 =	vld [tilespmem:s12+$0xFFFFFFA0];
	v0 =	vadd.s32 v56, v0;
	v56 =	vadd.s32 v37, v38;
	v38 =	vsel vm0, $0xFFFFFFFF, v63  }
0x2b2: {  	v5 =	vshra.s32 v5, $0x10;
	v2 =	vshra.s32 v2, $0x10;
	v35 =	vshra.s32 v35, $0x10;
	[tilespmem:$0x1FC40] =	vst v38  }
0x2b3: {  	v3 =	vshll.u32 v36, $0x10;
	v36 =	vshra.s32 v36, $0x10;
	v4 =	vshra.s32 v4, $0x10;
	v27 =	vld [tilespmem:$0x1FC40]  }
0x2b4: {  	v29 =	vadd.s32 v31, v32;
	v31 =	vadd.s32 v35, v36;
	v4 =	vadd.s32 v4, v57  }
0x2b5: {  	v57 =	vadd.s32 v39, v40;
	v40 =	vimm.s32 $0x0;
	vm0 =	vgt.s32 v31, $0x0  }
0x2b6: {  	v62 =	vshll.u32 v44, $0x10;
	v2 =	vadd.s32 v2, v60;
	v38 =	vsel vm0, $0xFFFFFFFF, v40  }
0x2b7: {  	v7 =	vshra.s32 v7, $0x10;
	v6 =	vshra.s32 v6, $0x10;
	vm8 =	vgt.s32 v2, $0x0;
	[tilespmem:$0x1FC50] =	vst v38  }
0x2b8: {  	v62 =	vshra.s32 v62, $0x10;
	v2 =	vnsel vm8, $0x0, v2;
	vm8 =	vnez.u8 v27;
	v27 =	vld [tilespmem:$0x1FC50]  }
0x2b9: {  	v5 =	vadd.s32 v5, v6;
	v6 =	vadd.s32 v58, v59;
	v58 =	vadd.s32 v41, v42  }
0x2ba: {  	v41 =	vimm.s32 $0x0;
	v3 =	vshra.s32 v3, $0x10;
	vm0 =	vgt.s32 v56, $0x0  }
0x2bb: {  	v3 =	vadd.s32 v7, v3;
	v7 =	vadd.s32 v61, v62;
	v38 =	vsel vm0, $0xFFFFFFFF, v41  }
0x2bc: {  	vm14 =	vgt.s32 v28, $0x0;
	v55 =	vshra.s32 v55, $0x10;
	vm9 =	vgt.s32 v7, $0x0;
	[tilespmem:$0x1FC60] =	vst v38  }
0x2bd: {  	vm2 =	vgt.s32 v54, $0x0;
	v7 =	vnsel vm9, $0x0, v7;
	vm9 =	vnez.u8 v27;
	v27 =	vld [tilespmem:$0x1FC60]  }
0x2be: {  	v44 =	vshra.s32 v44, $0x10;
	v8 =	vadd.s32 v55, v8;
	v60 =	vimm.s32 $0x0  }
0x2bf: {  	v52 =	vshra.s32 v52, $0x10;
	v42 =	vimm.s32 $0x0;
	vm0 =	vgt.s32 v57, $0x0  }
0x2c0: {  	vm15 =	vgt.s32 v29, $0x0;
	v26 =	vadd.s32 v52, v26;
	v38 =	vsel vm0, $0xFFFFFFFF, v42  }
0x2c1: {  	v55 =	vadd.f32 v11, v23;
	vm3 =	vgt.s32 v8, $0x0;
	vm10 =	vgt.s32 v26, $0x0;
	[tilespmem:$0x1FC70] =	vst v38  }
0x2c2: {  	v29 =	vnsel vm15, $0x0, v29;
	v26 =	vnsel vm10, $0x0, v26;
	vm10 =	vnez.u8 v27;
	v27 =	vld [tilespmem:$0x1FC70]  }
0x2c3: {  	v59 =	vadd.s32 v43, v44;
	v43 =	vimm.s32 $0x0;
	v44 =	vimm.s32 $0x0  }
0x2c4: {  	v8 =	vnsel vm3, $0x0, v8;
	v9 =	vadd.s32 v9, v46;
	vm0 =	vgt.s32 v58, $0x0  }
0x2c5: {  	vm4 =	vgt.s32 v5, $0x0;
	vm7 =	vgt.s32 v9, $0x0;
	v38 =	vsel vm0, $0xFFFFFFFF, v43  }
0x2c6: {  	v52 =	vadd.f32 v12, v24;
	v36 =	vsel vm7, $0xFFFFFFFF, v60;
	vm11 =	vgt.s32 v1, $0x0;
	[tilespmem:$0x1FC80] =	vst v38  }
0x2c7: {  	v45 =	vshra.s32 v45, $0x10;
	[tilespmem:$0x1FC30] =	vst v36;
	v1 =	vnsel vm11, $0x0, v1;
	vm11 =	vnez.u8 v27;
	v27 =	vld [tilespmem:$0x1FC80]  }
0x2c8: {  	v53 =	vcvt.s32.f32 v8;
	v8 =	vadd.f32 v14, v25;
	v61 =	vadd.s32 v45, v47;
	v45 =	vld [tilespmem:$0x1FC30]  }
0x2c9: {  	v25 =	vcvt.s32.f32 v50;
	v46 =	vshra.s32 v49, $0x10;
	vm0 =	vgt.s32 v59, $0x0  }
0x2ca: {  	v49 =	vshra.s32 v51, $0x10;
	v5 =	vnsel vm4, $0x0, v5;
	v38 =	vsel vm0, $0xFFFFFFFF, v44  }
0x2cb: {  	v62 =	vadd.s32 v46, v49;
	vm5 =	vgt.s32 v3, $0x0;
	vm12 =	vgt.s32 v0, $0x0;
	[tilespmem:$0x1FC90] =	vst v38  }
0x2cc: {  	vm6 =	vgt.s32 v4, $0x0;
	v0 =	vnsel vm12, $0x0, v0;
	vm12 =	vnez.u8 v27;
	v27 =	vld [tilespmem:$0x1FC90]  }
0x2cd: {  	v46 =	vimm.s32 $0x0;
	v47 =	vimm.s32 $0x0;
	vm0 =	vnez.u8 v45  }
0x2ce: {  	v49 =	vnsel vm2, $0x0, v54;
	v9 =	vnsel vm0, $0x0, v9;
	vm0 =	vgt.s32 v61, $0x0  }
0x2cf: {  	v5 =	vcvt.s32.f32 v5;
	v54 =	vadd.f32 v10, v22;
	v38 =	vsel vm0, $0xFFFFFFFF, v46  }
0x2d0: {  	vm7 =	vgt.s32 v6, $0x0;
	v3 =	vnsel vm5, $0x0, v3;
	v4 =	vnsel vm6, $0x0, v4;
	[tilespmem:$0x1FCA0] =	vst v38  }
0x2d1: {  	v51 =	vnsel vm14, $0x0, v28;
	v39 =	vcvt.s32.f32 v49;
	vm13 =	vnez.u8 v27;
	v27 =	vld [tilespmem:$0x1FCA0]  }
0x2d2: {  	v23 =	vcvt.s32.f32 v26;
	v6 =	vnsel vm7, $0x0, v6;
	v12 =	vcvt.s32.f32 v3  }
0x2d3: {  	v14 =	vcvt.s32.f32 v4;
	v11 =	vcvt.s32.f32 v7;
	vm0 =	vgt.s32 v62, $0x0  }
0x2d4: {  	v26 =	vcvt.s32.f32 v51;
	v38 =	vsel vm0, $0xFFFFFFFF, v47;
	v32 =	vnsel vm10, $0x0, v56;
	v56 =	vld [tilespmem:$0x1FCC0]  }
0x2d5: {  	v7 =	vadd.f32 v19, v18;
	v10 =	vcvt.s32.f32 v6;
	[tilespmem:$0x1FCB0] =	vst v38;
	v33 =	vnsel vm11, $0x0, v57;
	v57 =	vld [tilespmem:$0x1FCD0]  }
0x2d6: {  	v6 =	vadd.f32 v17, v16;
	v28 =	vcvt.s32.f32 v1;
	vm14 =	vnez.u8 v27;
	v27 =	vld [tilespmem:$0x1FCB0]  }
0x2d7: {  	v24 =	vcvt.s32.f32 v0;
	v9 =	vcvt.s32.f32 v9;
	v31 =	vnsel vm9, $0x0, v31  }
0x2d8: {  	v38 =	vcvt.s32.f32 v48;
	v16 =	vcvt.s32.f32 v31;
	v34 =	vnsel vm12, $0x0, v58;
	v58 =	vld [tilespmem:$0x1FCE0]  }
0x2d9: {  	v63 =	vld [tilespmem:$0x1FFB0];
	v30 =	vnsel vm8, $0x0, v30;
	v22 =	vcvt.s32.f32 v32;
	v32 =	vmul.f32 v9, v21  }
0x2da: {  	v1 =	vadd.f32 v56, v20;
	v17 =	vcvt.s32.f32 v33;
	v0 =	vadd.f32 v57, v13  }
0x2db: {  	s21 =	sadd.s32 $0x4, s21;
	v60 =	vmovc v21;
	v13 =	vcvt.s32.f32 v29;
	v36 =	vnsel vm14, $0x0, v61;
	v61 =	vld [tilespmem:$0x1FF90];
	vm15 =	vnez.u8 v27  }
0x2dc: {  	p0 =	slt.u32 s21, $0x7C;
	v29 =	vmul.f32 v5, v60;
	v20 =	vcvt.s32.f32 v34;
	v37 =	vnsel vm15, $0x0, v62;
	v62 =	vld [tilespmem:$0x1FFA0]  }
.Ltmp1:
0x2dd: {  	v34 =	vadd.f32 v55, v54;
	v35 =	vnsel vm13, $0x0, v59;
	v4 =	vadd.f32 v15, v58;
	(pc) =	sbr.rel @p0 .LBB2_5-.Ltmp1, $4  }
0x2de: {  	v15 =	vcvt.s32.f32 v30;
	v59 =	vadd.f32 v8, v52;
	v30 =	vmul.f32 v53, v63  }
0x2df: {  	v19 =	vcvt.s32.f32 v35;
	v35 =	vadd.f32 v0, v1;
	v18 =	vcvt.s32.f32 v36  }
0x2e0: {  	v8 =	vadd.f32 v6, v4;
	v27 =	vcvt.s32.f32 v2;
	v33 =	vmul.f32 v38, v61  }
0x2e1: {  	s20 =	sadd.s32 $0x100, s20;
	v9 =	vadd.f32 v59, v7;
	v21 =	vcvt.s32.f32 v37;
	v31 =	vmul.f32 v39, v62  }
0x2e2: {  	v4 =	vld [tilespmem:$0x1FF90]  }
0x2e3: {  	v5 =	vld [tilespmem:$0x1FFA0]  }
0x2e4: {  	v7 =	vld [tilespmem:$0x1FFB0]  }
0x2e5: {  	v3 =	vld [tilespmem:$0x1FF80]  }
0x2e6: {  	v48 =	vld [tilespmem:$0x1FFC0]  }
0x2e7: {  	v50 =	vld [tilespmem:$0x1FFD0]  }
0x2e8: {  	v52 =	vld [tilespmem:$0x1FFE0]  }
0x2e9: {  	v54 =	vld [tilespmem:$0x1FFF0];
	v0 =	vmul.f32 v12, v4  }
0x2ea: {  	v1 =	vmul.f32 v14, v5;
	v2 =	vmul.f32 v10, v7  }
0x2eb: {  	v3 =	vmul.f32 v27, v3;
	v4 =	vmul.f32 v11, v4  }
0x2ec: {  	v5 =	vmul.f32 v28, v5;
	v6 =	vmul.f32 v23, v48  }
0x2ed: {  	v7 =	vmul.f32 v24, v7;
	v51 =	vmul.f32 v25, v50  }
0x2ee: {  	v53 =	vmul.f32 v26, v52;
	v13 =	vmul.f32 v13, v54  }
0x2ef: {  	v49 =	vadd.f32 v35, v34;
	v55 =	vmul.f32 v15, v48;
	v56 =	vmul.f32 v16, v50  }
0x2f0: {  	v57 =	vmul.f32 v22, v52;
	v17 =	vmul.f32 v17, v54;
	v6 =	vadd.f32 v32, v6  }
0x2f1: {  	v20 =	vmul.f32 v20, v48;
	v11 =	vadd.f32 v33, v51;
	v12 =	vadd.f32 v31, v53  }
0x2f2: {  	v19 =	vmul.f32 v19, v50;
	v13 =	vadd.f32 v30, v13;
	v14 =	vadd.f32 v29, v55  }
0x2f3: {  	v18 =	vmul.f32 v18, v52;
	v0 =	vadd.f32 v0, v56;
	v1 =	vadd.f32 v1, v57  }
0x2f4: {  	v58 =	vmul.f32 v21, v54;
	v2 =	vadd.f32 v2, v17;
	v3 =	vadd.f32 v3, v20  }
0x2f5: {  	v4 =	vadd.f32 v4, v19;
	v5 =	vadd.f32 v5, v18  }
0x2f6: {  	v7 =	vadd.f32 v7, v58;
	v6 =	vadd.f32 v11, v6  }
0x2f7: {  	v59 =	vadd.f32 v13, v12;
	v0 =	vadd.f32 v0, v14  }
0x2f8: {  	[tilespmem:s19+$0xFFFFFFD0] =	vst v8;
	s11 =	sadd.s32 $0x1, s11;
	v1 =	vadd.f32 v2, v1;
	v60 =	vadd.f32 v4, v3  }
0x2f9: {  	[tilespmem:s19+$0xFFFFFFE0] =	vst v9;
	p0 =	sne.s32 s11, $0x28;
	v61 =	vadd.f32 v7, v5;
	v62 =	vadd.f32 v59, v6  }
.Ltmp2:
0x2fa: {  	[tilespmem:s19+$0xFFFFFFF0] =	vst v49;
	v0 =	vadd.f32 v1, v0;
	(pc) =	sbr.rel @p0 .LBB2_2-.Ltmp2, $4  }
0x2fb: {  	v63 =	vadd.f32 v61, v60;
	[tilespmem:s18+$0xFFFFFFD0] =	vst v62  }
0x2fc: {  	[tilespmem:s18+$0xFFFFFFE0] =	vst v0  }
0x2fd: {  	s12 =	sadd.s32 s13, s17;
	[tilespmem:s18+$0xFFFFFFF0] =	vst v63  }
0x2fe: {  	[hbm4b:s12+s3] =	stream.linear.scatter [tilespmem:s2], [sflag:$0x6], $0x800, $0x38;
	[tilespmem:$0x9300] =	vst v63  }
0x2ff: {  	_ =	swait.ge [sflag:s30], $0x2000  }
0x300: {  	[sflag:s30] =	ssyncset.done $0x0  }
0x301: {  	[sflag:s30] =	ssyncadd.s32 $0xFFFFE000  }
0x302: {  	_ =	swait.ge [sflag:s30], $0x2000  }
0x303: {  	[sflag:s30] =	ssyncset.done $0x0  }
0x304: {  	[sflag:s30] =	ssyncadd.s32 $0xFFFFE000  }
0x305: {  	_ =	swait.ge [sflag:s29], $0x80  }
0x306: {  	[sflag:s29] =	ssyncset.done $0x0  }
0x307: {  	[sflag:s29] =	ssyncadd.s32 $0xFFFFFF80  }
0x308: {  	_ =	swait.ge [sflag:s29], $0x80  }
0x309: {  	[sflag:s29] =	ssyncset.done $0x0  }
0x30a: {  	s11 =	simm.s32 $0x5;
	[sflag:s29] =	ssyncadd.s32 $0xFFFFFF80  }
0x30b: {  	_ =	swait.ge [sflag:s11], $0x800  }
0x30c: {  	[sflag:s11] =	ssyncset.done $0x0  }
0x30d: {  	s12 =	simm.s32 $0x6;
	[sflag:s11] =	ssyncadd.s32 $0xFFFFF800  }
0x30e: {  	_ =	swait.ge [sflag:s12], $0x800  }
0x30f: {  	s10 =	sadd.s32 $0x1, s10;
	s21 =	rddreg [dreg:$0x8]  }
0x310: {  	p0 =	sne.s32 s10, s21  }
.Ltmp3:
0x311: {  	_ = 	snop;
	(pc) =	sbr.rel @p0 .LBB2_1-.Ltmp3, $3  }
0x312: {  	_ =	sdelay $0x1  }
0x313: {  	[sflag:s12] =	ssyncset.done $0x0  }
0x314: {  	[sflag:s12] =	ssyncadd.s32 $0xFFFFF800  }
0x315: {  	_ =	sfence.sel $0x180000  }
0x316: {  	[bflag:$0x0] =	sbarrier.arrive $0xFFFF  }
0x317: {  	_ =	strace $0x9000004A  }
0x318: {  	s0 =	stileid.u32;
	[bflag:$0x2] =	sbarrier.arrive $0xFFFF  }
0x319: {  	p0 =	sne.s32 s0, $0x0;
	s0 =	rddreg [dreg:$0x3]  }
0x31a: {  	s0 =	sadd.s32 @!p0 $0x100000, s0  }
0x31b: {  	[sflag:s0] =	ssyncadd.tile.s32 @!p0 $0x1;
	_ =	shalt  }
.Lfunc_end2:
_tile_overlayer_lowered:
.L_overlay_start_2:
0x31c: {  	(tag) =	ssettag $0x2  }
0x31d: {  	s0 =	rddreg [dreg:$0x0];
	s2 =	stileid.u32  }
0x31e: {  	s1 =	rddreg [dreg:$0x1];
	p0 =	sne.s32 s2, $0x0  }
0x31f: {  	s3 =	rddreg [dreg:$0x2];
	[bflag:$0x3] =	sbarrier.arrive $0xFFFF;
	s2 =	simm.s32 @!p0 $0x1C07  }
0x320: {  	[timem:s3], [sflag:s2] =	dma.local @!p0 [hbm:s0], s1  }
0x321: {  	s0 =	simm.s32 @!p0 $0x7  }
0x322: {  	_ =	swait.ge @!p0 [sflag:s0], s1  }
0x323: {  	s1 =	ssub.s32 @!p0 $0x0, s1;
	[sflag:s0] =	ssyncset.done @!p0 $0x0  }
0x324: {  	[sflag:s0] =	ssyncadd.s32 @!p0 s1  }
0x325: {  	[bflag:$0x3] =	sbarrier.arrive $0xFFFF  }
0x326: {  	_ =	shalt  }

</sc_bundles>
